<compile_context>
chip_gen: v7x
topology: tpu7x:2x2x1
jax: 0.10.2.dev20260603
libtpu: 0.0.44.dev20260713+nightly
codegen_flags: <defaults>
</compile_context>

<pallas_src>
import functools

import jax
import jax.numpy as jnp
from jax import lax
from jax.experimental import pallas as pl
from jax.experimental.pallas import tpu as pltpu
from jax.experimental.pallas import tpu_sc as plsc

N = 10000
E = 320000
D = 128
NC = 2
NS = 16
NW = NC * NS
EPW = E // NW
C = 80
NCH = -(-EPW // C)
PADW = (NCH + 1) * C - EPW
RB = 10
TCB = N // RB
ZR = 624
REM_OFF = NS * ZR
REM = N - REM_OFF


def _zst_body(h_ref, wfc_ref, wa_ref, z_ref, st_ref):
    h = h_ref[...]
    z = lax.dot_general(h, wfc_ref[...], (((1,), (1,)), ((), ())),
                        preferred_element_type=jnp.float32)
    z_ref[...] = z
    st_ref[...] = lax.dot_general(z, wa_ref[...], (((1,), (1,)), ((), ())),
                                  preferred_element_type=jnp.float32)


def _zst(h, wfc, wa2):
    return pl.pallas_call(
        _zst_body,
        grid=(RB,),
        in_specs=[
            pl.BlockSpec((TCB, D), lambda i: (i, 0)),
            pl.BlockSpec((D, D), lambda i: (0, 0)),
            pl.BlockSpec((2, D), lambda i: (0, 0)),
        ],
        out_specs=[
            pl.BlockSpec((TCB, D), lambda i: (i, 0)),
            pl.BlockSpec((TCB, 2), lambda i: (i, 0)),
        ],
        out_shape=[
            jax.ShapeDtypeStruct((N, D), jnp.float32),
            jax.ShapeDtypeStruct((N, 2), jnp.float32),
        ],
    )(h, wfc, wa2)


_SC_MESH = plsc.VectorSubcoreMesh(core_axis_name="c", subcore_axis_name="s")


@functools.partial(
    pl.kernel,
    mesh=_SC_MESH,
    out_type=(
        jax.ShapeDtypeStruct((NC, N, D), jnp.float32),
        jax.ShapeDtypeStruct((N,), jnp.float32),
        jax.ShapeDtypeStruct((N,), jnp.float32),
    ),
    scratch_types=[
        pltpu.VMEM(((NCH + 1) * C,), jnp.int32),
        pltpu.VMEM((NCH + 1, C), jnp.int32),
        pltpu.VMEM((C,), jnp.float32),
        pltpu.VMEM((C,), jnp.float32),
        pltpu.VMEM((C,), jnp.float32),
        pltpu.VMEM((C,), jnp.float32),
        pltpu.VMEM((C,), jnp.float32),
        pltpu.VMEM((C,), jnp.float32),
        pltpu.VMEM((C, D), jnp.float32),
        pltpu.VMEM((C, D), jnp.float32),
        pltpu.VMEM_SHARED((N, D), jnp.float32),
        pltpu.VMEM_SHARED((N,), jnp.float32),
        pltpu.SemaphoreType.DMA,
        pltpu.SemaphoreType.DMA,
        pltpu.SemaphoreType.DMA,
        pltpu.SemaphoreType.DMA,
        pltpu.SemaphoreType.DMA,
        pltpu.SemaphoreType.DMA,
        pltpu.SemaphoreType.DMA,
        pltpu.SemaphoreType.DMA,
    ],
    compiler_params=pltpu.CompilerParams(needs_layout_passes=False),
)
def _gat_sc(src_hbm, dst2_hbm, s_hbm, t_hbm, z_hbm, zrow_hbm, zden_hbm,
            pout_hbm, pden0_hbm, pden1_hbm,
            src_f, dst2_v, sA, sB, tA, tB, wA, wB, rowsA, rowsB,
            out_sh, den_sh,
            semzA, semzB, semstA, semstB, semrA, semrB, semdA, semdB):
    cid = lax.axis_index("c")
    sid = lax.axis_index("s")
    wid = cid * NS + sid

    pltpu.sync_copy(src_hbm.at[wid], src_f)
    pltpu.sync_copy(dst2_hbm.at[wid], dst2_v)

    pltpu.sync_copy(zrow_hbm.at[pl.ds(sid * ZR, ZR)],
                    out_sh.at[pl.ds(sid * ZR, ZR)])

    @pl.when(sid == NS - 1)
    def _():
        pltpu.sync_copy(zrow_hbm.at[pl.ds(REM_OFF, REM)],
                        out_sh.at[pl.ds(REM_OFF, REM)])

    @pl.when(sid == 0)
    def _():
        pltpu.sync_copy(zden_hbm, den_sh)

    plsc.subcore_barrier()

    zeros16 = jnp.zeros((16,), jnp.int32)

    bufs = (
        (sA, tA, wA, rowsA, semzA, semstA, semrA, semdA),
        (sB, tB, wB, rowsB, semzB, semstB, semrB, semdB),
    )

    def issue_st(c, bx):
        sb, tb, semst = bx[0], bx[1], bx[5]
        pltpu.async_copy(s_hbm.at[src_f.at[pl.ds(c * C, C)]], sb, semst)
        pltpu.async_copy(t_hbm.at[dst2_v.at[c]], tb, semst)

    def issue_z(c, bx):
        rows, semz = bx[3], bx[4]
        pltpu.async_copy(z_hbm.at[src_f.at[pl.ds(c * C, C)]], rows, semz)

    def issue_gathers(c, bx):
        issue_z(c, bx)
        issue_st(c, bx)

    def wait_st(bx):
        sb, tb, _, _, _, semst, _, _ = bx
        pltpu.make_async_copy(s_hbm.at[pl.ds(0, C)], sb, semst).wait()
        pltpu.make_async_copy(t_hbm.at[pl.ds(0, C)], tb, semst).wait()

    def wait_z(bx):
        rows, semz = bx[3], bx[4]
        pltpu.make_async_copy(z_hbm.at[pl.ds(0, C)], rows, semz).wait()

    iota16 = jnp.arange(16, dtype=jnp.int32)

    def compute_w(c, bx):
        sb, tb, wb = bx[0], bx[1], bx[2]
        ebase = c * C
        for g in range(C // 16):
            sl = pl.ds(g * 16, 16)
            e = sb[sl] + tb[sl]
            e = jnp.where(e > 0.0, e, e * 0.01)
            w = jnp.exp(e)
            eid = iota16 + (ebase + g * 16)
            wb[sl] = jnp.where(eid < EPW, w, 0.0)

    UNROLL = 8

    def scale_rows(bx):
        wb, rows = bx[2], bx[3]

        def scale(j, carry):
            j0 = j * UNROLL
            for u in range(UNROLL):
                r = j0 + u
                wsplat = plsc.load_gather(wb, [zeros16 + r])
                for kk in range(D // 16):
                    sl = pl.ds(kk * 16, 16)
                    rows[r, sl] = rows[r, sl] * wsplat
            return carry

        lax.fori_loop(0, C // UNROLL, scale, 0)

    def issue_scatters(c, bx):
        wb, rows, semr, semd = bx[2], bx[3], bx[6], bx[7]
        didx = dst2_v.at[c]
        pltpu.async_copy(rows, out_sh.at[didx], semr, add=True)
        pltpu.async_copy(wb, den_sh.at[didx], semd, add=True)

    def wait_scatters(bx):
        wb, rows, semr, semd = bx[2], bx[3], bx[6], bx[7]
        pltpu.make_async_copy(rows, z_hbm.at[pl.ds(0, C)], semr).wait()
        pltpu.make_async_copy(wb, s_hbm.at[pl.ds(0, C)], semd).wait()

    def step(c, bx, by):
        issue_st(c + 1, by)
        wait_st(bx)
        compute_w(c, bx)
        wait_z(bx)
        wait_scatters(by)
        issue_z(c + 1, by)
        scale_rows(bx)
        issue_scatters(c, bx)

    issue_gathers(0, bufs[0])
    wait_st(bufs[0])
    compute_w(0, bufs[0])
    wait_z(bufs[0])
    issue_gathers(1, bufs[1])
    scale_rows(bufs[0])
    issue_scatters(0, bufs[0])

    def pair(p, carry):
        step(2 * p + 1, bufs[1], bufs[0])
        step(2 * p + 2, bufs[0], bufs[1])
        return carry

    lax.fori_loop(0, (NCH - 1) // 2, pair, 0)

    wait_scatters(bufs[0])
    wait_st(bufs[1])
    wait_z(bufs[1])

    plsc.subcore_barrier()
    pltpu.sync_copy(out_sh.at[pl.ds(sid * ZR, ZR)],
                    pout_hbm.at[cid, pl.ds(sid * ZR, ZR)])

    @pl.when(sid == NS - 1)
    def _():
        pltpu.sync_copy(out_sh.at[pl.ds(REM_OFF, REM)],
                        pout_hbm.at[cid, pl.ds(REM_OFF, REM)])

    @pl.when(jnp.logical_and(sid == 0, cid == 0))
    def _():
        pltpu.sync_copy(den_sh, pden0_hbm)

    @pl.when(jnp.logical_and(sid == 0, cid == 1))
    def _():
        pltpu.sync_copy(den_sh, pden1_hbm)


def _fin_body(pout_ref, pd0_ref, pd1_ref, out_ref):
    p = pout_ref[0] + pout_ref[1]
    d = pd0_ref[...] + pd1_ref[...]
    out_ref[...] = p / jnp.maximum(d, 1e-16)


def _finish(pout, pd0, pd1):
    return pl.pallas_call(
        _fin_body,
        grid=(RB,),
        in_specs=[
            pl.BlockSpec((NC, TCB, D), lambda i: (0, i, 0)),
            pl.BlockSpec((TCB, 1), lambda i: (i, 0)),
            pl.BlockSpec((TCB, 1), lambda i: (i, 0)),
        ],
        out_specs=pl.BlockSpec((TCB, D), lambda i: (i, 0)),
        out_shape=jax.ShapeDtypeStruct((N, D), jnp.float32),
    )(pout, pd0, pd1)


def kernel(h, edge_index, W_fc, W_attn):
    z, st = _zst(h, W_fc, W_attn.reshape(2, D))
    pad = jnp.zeros((NW, PADW), jnp.int32)
    src = jnp.concatenate([edge_index[0].reshape(NW, EPW), pad], axis=1)
    dst2 = jnp.concatenate([edge_index[1].reshape(NW, EPW), pad],
                           axis=1).reshape(NW, NCH + 1, C)
    zrow = jnp.zeros((N, D), jnp.float32)
    zden = jnp.zeros((N,), jnp.float32)
    pout, pden0, pden1 = _gat_sc(src, dst2, st[:, 0], st[:, 1], z,
                                 zrow, zden)
    return _finish(pout, pden0.reshape(N, 1), pden1.reshape(N, 1))

# --- scband reference (transcript-rebuilt; emitter-appended) ---
"""Pipeline reference for scband-gatlayer-2001454760357 (READ-ONLY COPY).

The authoritative reference and input builder live on the scoring server;
editing this copy changes nothing except your own understanding.
"""

import jax, jax.numpy as jnp
import numpy as np

N_NODES = 10000
N_EDGES = 320000
IN_DIM = 128
OUT_DIM = 128


def setup_inputs(seed: int = 0) -> dict:
    key = jax.random.key(seed)
    k1, k2, k3, k4 = jax.random.split(key, 4)
    h = jax.random.normal(k1, (N_NODES, IN_DIM), dtype=jnp.float32)
    edge_index = jax.random.randint(k2, (2, N_EDGES), 0, N_NODES, dtype=jnp.int32)
    # Learned parameters (torch nn.Linear stores weight as [out_features, in_features])
    W_fc = jax.random.normal(k3, (OUT_DIM, IN_DIM), dtype=jnp.float32) * 0.05
    W_attn = jax.random.normal(k4, (1, 2 * OUT_DIM), dtype=jnp.float32) * 0.05
    return {"h": h, "edge_index": edge_index, "W_fc": W_fc, "W_attn": W_attn}


def reference(h, edge_index, W_fc, W_attn):
    n = h.shape[0]
    # z = self.fc(h)
    z = h @ W_fc.T
    src = edge_index[0]
    dst = edge_index[1]
    # edge_attention: e = leaky_relu(attn_fc(cat([z_src, z_dst])))
    z_src = jnp.take(z, src, axis=0)
    z_dst = jnp.take(z, dst, axis=0)
    z2 = jnp.concatenate([z_src, z_dst], axis=1)
    e = (z2 @ W_attn.T)[:, 0]
    e = jax.nn.leaky_relu(e, negative_slope=0.01)
    # reduce: per-destination softmax over incoming edges (numerically stable)
    e_max = jax.ops.segment_max(e, dst, num_segments=n)
    e_max = jnp.where(jnp.isfinite(e_max), e_max, 0.0)
    e_exp = jnp.exp(e - jnp.take(e_max, dst, axis=0))
    denom = jax.ops.segment_sum(e_exp, dst, num_segments=n)
    alpha = e_exp / jnp.maximum(jnp.take(denom, dst, axis=0), 1e-16)
    # h_out = sum_{edges into v} alpha * z_src
    out = jax.ops.segment_sum(alpha[:, None] * z_src, dst, num_segments=n)
    return out

if __name__ == "__main__":
    import jax
    _d = setup_inputs()
    print(jax.jit(kernel)(*tuple(_d.values())))

</pallas_src>

<mosaic_0001>
#map = affine_map<(d0, d1) -> (0, 0)>
#map1 = affine_map<(d0, d1) -> (0, 0, 0)>
#map2 = affine_map<(d0, d1) -> (0)>
module attributes {stable_mosaic.version = 14 : i64} {
  func.func @_gat_sc(%arg0: i32, %arg1: i32, %arg2: memref<32x10080xi32, #tpu.memory_space<hbm>>, %arg3: memref<32x126x80xi32, #tpu.memory_space<hbm>>, %arg4: memref<10000xf32, #tpu.memory_space<hbm>>, %arg5: memref<10000xf32, #tpu.memory_space<hbm>>, %arg6: memref<10000x128xf32, #tpu.memory_space<hbm>>, %arg7: memref<10000x128xf32, #tpu.memory_space<hbm>>, %arg8: memref<10000xf32, #tpu.memory_space<hbm>>, %arg9: memref<2x10000x128xf32, #tpu.memory_space<hbm>>, %arg10: memref<10000xf32, #tpu.memory_space<hbm>>, %arg11: memref<10000xf32, #tpu.memory_space<hbm>>, %arg12: memref<10080xi32, #tpu.memory_space<vmem>>, %arg13: memref<126x80xi32, #tpu.memory_space<vmem>>, %arg14: memref<80xf32, #tpu.memory_space<vmem>>, %arg15: memref<80xf32, #tpu.memory_space<vmem>>, %arg16: memref<80xf32, #tpu.memory_space<vmem>>, %arg17: memref<80xf32, #tpu.memory_space<vmem>>, %arg18: memref<80xf32, #tpu.memory_space<vmem>>, %arg19: memref<80xf32, #tpu.memory_space<vmem>>, %arg20: memref<80x128xf32, #tpu.memory_space<vmem>>, %arg21: memref<80x128xf32, #tpu.memory_space<vmem>>, %arg22: memref<10000x128xf32, #tpu.memory_space<vmem_shared>>, %arg23: memref<10000xf32, #tpu.memory_space<vmem_shared>>, %arg24: memref<!tpu.dma_semaphore, #tpu.memory_space<semaphore_mem>>, %arg25: memref<!tpu.dma_semaphore, #tpu.memory_space<semaphore_mem>>, %arg26: memref<!tpu.dma_semaphore, #tpu.memory_space<semaphore_mem>>, %arg27: memref<!tpu.dma_semaphore, #tpu.memory_space<semaphore_mem>>, %arg28: memref<!tpu.dma_semaphore, #tpu.memory_space<semaphore_mem>>, %arg29: memref<!tpu.dma_semaphore, #tpu.memory_space<semaphore_mem>>, %arg30: memref<!tpu.dma_semaphore, #tpu.memory_space<semaphore_mem>>, %arg31: memref<!tpu.dma_semaphore, #tpu.memory_space<semaphore_mem>>) attributes {dimension_semantics = [#tpu.dimension_semantics<core_parallel>, #tpu.dimension_semantics<subcore_parallel>], iteration_bounds = array<i64: 2, 16>, scalar_prefetch = 0 : i64, scratch_operands = 20 : i64, tpu.core_type = #tpu.core_type<sc_vector_subcore>, window_params = [{transform_indices = #map}, {transform_indices = #map1}, {transform_indices = #map2}, {transform_indices = #map2}, {transform_indices = #map}, {transform_indices = #map}, {transform_indices = #map2}, {transform_indices = #map1}, {transform_indices = #map2}, {transform_indices = #map2}]} {
    %mul3A = arith.constant 16 : i32
    %mul3A_0 = arith.muli %arg0, %mul3A : i32
    %add3A = arith.addi %mul3A_0, %arg1 : i32
    "tpu.region"() ({
      %run_scoped3A = tpu.sem_alloc : memref<!tpu.dma_semaphore, #tpu.memory_space<semaphore_mem>>
      %dma_start3A_241 = arith.constant 0 : i32
      %dma_start3A_242 = tpu.memref_slice %arg2[%add3A, %dma_start3A_241] : memref<32x10080xi32, #tpu.memory_space<hbm>> -> memref<1x10080xi32, #tpu.memory_space<hbm>>
      %dma_start3A_243 = tpu.memref_squeeze %dma_start3A_242 : memref<1x10080xi32, #tpu.memory_space<hbm>> -> memref<10080xi32, #tpu.memory_space<hbm>>
      %dma_start3A_244 = arith.constant 0 : i32
      %dma_start3A_245 = tpu.memref_slice %arg2[%add3A, %dma_start3A_244] : memref<32x10080xi32, #tpu.memory_space<hbm>> -> memref<1x10080xi32, #tpu.memory_space<hbm>>
      %dma_start3A_246 = tpu.memref_squeeze %dma_start3A_245 : memref<1x10080xi32, #tpu.memory_space<hbm>> -> memref<10080xi32, #tpu.memory_space<hbm>>
      tpu.enqueue_dma source(%dma_start3A_246 : memref<10080xi32, #tpu.memory_space<hbm>>) target(%arg12 : memref<10080xi32, #tpu.memory_space<vmem>>) target_semaphore(%run_scoped3A : memref<!tpu.dma_semaphore, #tpu.memory_space<semaphore_mem>>)
      %dma_wait3A_247 = arith.constant 0 : i32
      %dma_wait3A_248 = tpu.memref_slice %arg2[%add3A, %dma_wait3A_247] : memref<32x10080xi32, #tpu.memory_space<hbm>> -> memref<1x10080xi32, #tpu.memory_space<hbm>>
      %dma_wait3A_249 = tpu.memref_squeeze %dma_wait3A_248 : memref<1x10080xi32, #tpu.memory_space<hbm>> -> memref<10080xi32, #tpu.memory_space<hbm>>
      %dma_wait3A_250 = arith.constant 0 : i32
      %dma_wait3A_251 = tpu.memref_slice %arg2[%add3A, %dma_wait3A_250] : memref<32x10080xi32, #tpu.memory_space<hbm>> -> memref<1x10080xi32, #tpu.memory_space<hbm>>
      %dma_wait3A_252 = tpu.memref_squeeze %dma_wait3A_251 : memref<1x10080xi32, #tpu.memory_space<hbm>> -> memref<10080xi32, #tpu.memory_space<hbm>>
      tpu.wait_dma2 semaphore(%run_scoped3A : memref<!tpu.dma_semaphore, #tpu.memory_space<semaphore_mem>>) src(%dma_wait3A_252 : memref<10080xi32, #tpu.memory_space<hbm>>) dst(%arg12 : memref<10080xi32, #tpu.memory_space<vmem>>)
      tpu.yield
    }) : () -> ()
    "tpu.region"() ({
      %run_scoped3A = tpu.sem_alloc : memref<!tpu.dma_semaphore, #tpu.memory_space<semaphore_mem>>
      %dma_start3A_241 = arith.constant 0 : i32
      %dma_start3A_242 = arith.constant 0 : i32
      %dma_start3A_243 = tpu.memref_slice %arg3[%add3A, %dma_start3A_241, %dma_start3A_242] : memref<32x126x80xi32, #tpu.memory_space<hbm>> -> memref<1x126x80xi32, #tpu.memory_space<hbm>>
      %dma_start3A_244 = tpu.memref_squeeze %dma_start3A_243 : memref<1x126x80xi32, #tpu.memory_space<hbm>> -> memref<126x80xi32, #tpu.memory_space<hbm>>
      %dma_start3A_245 = arith.constant 0 : i32
      %dma_start3A_246 = arith.constant 0 : i32
      %dma_start3A_247 = tpu.memref_slice %arg3[%add3A, %dma_start3A_245, %dma_start3A_246] : memref<32x126x80xi32, #tpu.memory_space<hbm>> -> memref<1x126x80xi32, #tpu.memory_space<hbm>>
      %dma_start3A_248 = tpu.memref_squeeze %dma_start3A_247 : memref<1x126x80xi32, #tpu.memory_space<hbm>> -> memref<126x80xi32, #tpu.memory_space<hbm>>
      tpu.enqueue_dma source(%dma_start3A_248 : memref<126x80xi32, #tpu.memory_space<hbm>>) target(%arg13 : memref<126x80xi32, #tpu.memory_space<vmem>>) target_semaphore(%run_scoped3A : memref<!tpu.dma_semaphore, #tpu.memory_space<semaphore_mem>>)
      %dma_wait3A_249 = arith.constant 0 : i32
      %dma_wait3A_250 = arith.constant 0 : i32
      %dma_wait3A_251 = tpu.memref_slice %arg3[%add3A, %dma_wait3A_249, %dma_wait3A_250] : memref<32x126x80xi32, #tpu.memory_space<hbm>> -> memref<1x126x80xi32, #tpu.memory_space<hbm>>
      %dma_wait3A_252 = tpu.memref_squeeze %dma_wait3A_251 : memref<1x126x80xi32, #tpu.memory_space<hbm>> -> memref<126x80xi32, #tpu.memory_space<hbm>>
      %dma_wait3A_253 = arith.constant 0 : i32
      %dma_wait3A_254 = arith.constant 0 : i32
      %dma_wait3A_255 = tpu.memref_slice %arg3[%add3A, %dma_wait3A_253, %dma_wait3A_254] : memref<32x126x80xi32, #tpu.memory_space<hbm>> -> memref<1x126x80xi32, #tpu.memory_space<hbm>>
      %dma_wait3A_256 = tpu.memref_squeeze %dma_wait3A_255 : memref<1x126x80xi32, #tpu.memory_space<hbm>> -> memref<126x80xi32, #tpu.memory_space<hbm>>
      tpu.wait_dma2 semaphore(%run_scoped3A : memref<!tpu.dma_semaphore, #tpu.memory_space<semaphore_mem>>) src(%dma_wait3A_256 : memref<126x80xi32, #tpu.memory_space<hbm>>) dst(%arg13 : memref<126x80xi32, #tpu.memory_space<vmem>>)
      tpu.yield
    }) : () -> ()
    %mul3A_1 = arith.constant 624 : i32
    %mul3A_2 = arith.muli %arg1, %mul3A_1 : i32
    %mul3A_3 = arith.constant 624 : i32
    %mul3A_4 = arith.muli %arg1, %mul3A_3 : i32
    "tpu.region"() ({
      %run_scoped3A = tpu.sem_alloc : memref<!tpu.dma_semaphore, #tpu.memory_space<semaphore_mem>>
      %dma_start3A_241 = arith.constant 0 : i32
      %dma_start3A_242 = tpu.memref_slice %arg22[%mul3A_4, %dma_start3A_241] : memref<10000x128xf32, #tpu.memory_space<vmem_shared>> -> memref<624x128xf32, #tpu.memory_space<vmem_shared>>
      %dma_start3A_243 = arith.constant 0 : i32
      %dma_start3A_244 = tpu.memref_slice %arg7[%mul3A_2, %dma_start3A_243] : memref<10000x128xf32, #tpu.memory_space<hbm>> -> memref<624x128xf32, #tpu.memory_space<hbm>>
      tpu.enqueue_dma source(%dma_start3A_244 : memref<624x128xf32, #tpu.memory_space<hbm>>) target(%dma_start3A_242 : memref<624x128xf32, #tpu.memory_space<vmem_shared>>) target_semaphore(%run_scoped3A : memref<!tpu.dma_semaphore, #tpu.memory_space<semaphore_mem>>)
      %dma_wait3A_245 = arith.constant 0 : i32
      %dma_wait3A_246 = tpu.memref_slice %arg22[%mul3A_4, %dma_wait3A_245] : memref<10000x128xf32, #tpu.memory_space<vmem_shared>> -> memref<624x128xf32, #tpu.memory_space<vmem_shared>>
      %dma_wait3A_247 = arith.constant 0 : i32
      %dma_wait3A_248 = tpu.memref_slice %arg7[%mul3A_2, %dma_wait3A_247] : memref<10000x128xf32, #tpu.memory_space<hbm>> -> memref<624x128xf32, #tpu.memory_space<hbm>>
      tpu.wait_dma2 semaphore(%run_scoped3A : memref<!tpu.dma_semaphore, #tpu.memory_space<semaphore_mem>>) src(%dma_wait3A_248 : memref<624x128xf32, #tpu.memory_space<hbm>>) dst(%dma_wait3A_246 : memref<624x128xf32, #tpu.memory_space<vmem_shared>>)
      tpu.yield
    }) : () -> ()
    %eq3A = arith.constant 15 : i32
    %eq3A_5 = arith.cmpi eq, %arg1, %eq3A : i32
    %convert_element_type3A = arith.extui %eq3A_5 : i1 to i32
    %cond3A = arith.constant 0 : i32
    %cond3A_6 = arith.cmpi ne, %convert_element_type3A, %cond3A : i32
    scf.if %cond3A_6 {
      "tpu.region"() ({
        %run_scoped3A = tpu.sem_alloc : memref<!tpu.dma_semaphore, #tpu.memory_space<semaphore_mem>>
        %dma_start3A_241 = arith.constant 9984 : i32
        %dma_start3A_242 = arith.constant 0 : i32
        %dma_start3A_243 = tpu.memref_slice %arg22[%dma_start3A_241, %dma_start3A_242] : memref<10000x128xf32, #tpu.memory_space<vmem_shared>> -> memref<16x128xf32, #tpu.memory_space<vmem_shared>>
        %dma_start3A_244 = arith.constant 9984 : i32
        %dma_start3A_245 = arith.constant 0 : i32
        %dma_start3A_246 = tpu.memref_slice %arg7[%dma_start3A_244, %dma_start3A_245] : memref<10000x128xf32, #tpu.memory_space<hbm>> -> memref<16x128xf32, #tpu.memory_space<hbm>>
        tpu.enqueue_dma source(%dma_start3A_246 : memref<16x128xf32, #tpu.memory_space<hbm>>) target(%dma_start3A_243 : memref<16x128xf32, #tpu.memory_space<vmem_shared>>) target_semaphore(%run_scoped3A : memref<!tpu.dma_semaphore, #tpu.memory_space<semaphore_mem>>)
        %dma_wait3A_247 = arith.constant 9984 : i32
        %dma_wait3A_248 = arith.constant 0 : i32
        %dma_wait3A_249 = tpu.memref_slice %arg22[%dma_wait3A_247, %dma_wait3A_248] : memref<10000x128xf32, #tpu.memory_space<vmem_shared>> -> memref<16x128xf32, #tpu.memory_space<vmem_shared>>
        %dma_wait3A_250 = arith.constant 9984 : i32
        %dma_wait3A_251 = arith.constant 0 : i32
        %dma_wait3A_252 = tpu.memref_slice %arg7[%dma_wait3A_250, %dma_wait3A_251] : memref<10000x128xf32, #tpu.memory_space<hbm>> -> memref<16x128xf32, #tpu.memory_space<hbm>>
        tpu.wait_dma2 semaphore(%run_scoped3A : memref<!tpu.dma_semaphore, #tpu.memory_space<semaphore_mem>>) src(%dma_wait3A_252 : memref<16x128xf32, #tpu.memory_space<hbm>>) dst(%dma_wait3A_249 : memref<16x128xf32, #tpu.memory_space<vmem_shared>>)
        tpu.yield
      }) : () -> ()
    } else {
    }
    %eq3A_7 = arith.constant 0 : i32
    %eq3A_8 = arith.cmpi eq, %arg1, %eq3A_7 : i32
    %convert_element_type3A_9 = arith.extui %eq3A_8 : i1 to i32
    %cond3A_10 = arith.constant 0 : i32
    %cond3A_11 = arith.cmpi ne, %convert_element_type3A_9, %cond3A_10 : i32
    scf.if %cond3A_11 {
      "tpu.region"() ({
        %run_scoped3A = tpu.sem_alloc : memref<!tpu.dma_semaphore, #tpu.memory_space<semaphore_mem>>
        tpu.enqueue_dma source(%arg8 : memref<10000xf32, #tpu.memory_space<hbm>>) target(%arg23 : memref<10000xf32, #tpu.memory_space<vmem_shared>>) target_semaphore(%run_scoped3A : memref<!tpu.dma_semaphore, #tpu.memory_space<semaphore_mem>>)
        tpu.wait_dma2 semaphore(%run_scoped3A : memref<!tpu.dma_semaphore, #tpu.memory_space<semaphore_mem>>) src(%arg8 : memref<10000xf32, #tpu.memory_space<hbm>>) dst(%arg23 : memref<10000xf32, #tpu.memory_space<vmem_shared>>)
        tpu.yield
      }) : () -> ()
    } else {
    }
    %barrier3A = arith.constant 0 : index
    tpu.barrier barrier_id(%barrier3A)
    %broadcast_in_dim3A = arith.constant 0 : i32
    %broadcast_in_dim3A_12 = vector.broadcast %broadcast_in_dim3A : i32 to vector<16xi32>
    %iota3A = tpu.iota {dimensions = array<i32: 0>} : vector<16xi32>
    %dma_start3A = arith.constant 0 : i32
    %dma_start3A_13 = tpu.memref_slice %arg12[%dma_start3A] : memref<10080xi32, #tpu.memory_space<vmem>> -> memref<80xi32, #tpu.memory_space<vmem>>
    %dma_start3A_14 = arith.constant 0 : i32
    %dma_start3A_15 = arith.constant 0 : i32
    %dma_start3A_16 = tpu.memref_slice %arg6[%dma_start3A_14, %dma_start3A_15] : memref<10000x128xf32, #tpu.memory_space<hbm>> -> memref<10000x128xf32, #tpu.memory_space<hbm>>
    tpu.enqueue_indirect_dma source(%dma_start3A_16 : memref<10000x128xf32, #tpu.memory_space<hbm>>) target(%arg20 : memref<80x128xf32, #tpu.memory_space<vmem>>) offsets(%dma_start3A_13 : memref<80xi32, #tpu.memory_space<vmem>>) semaphore(%arg24 : memref<!tpu.dma_semaphore, #tpu.memory_space<semaphore_mem>>)
    %dma_start3A_17 = arith.constant 0 : i32
    %dma_start3A_18 = tpu.memref_slice %arg12[%dma_start3A_17] : memref<10080xi32, #tpu.memory_space<vmem>> -> memref<80xi32, #tpu.memory_space<vmem>>
    %dma_start3A_19 = arith.constant 0 : i32
    %dma_start3A_20 = tpu.memref_slice %arg4[%dma_start3A_19] : memref<10000xf32, #tpu.memory_space<hbm>> -> memref<10000xf32, #tpu.memory_space<hbm>>
    tpu.enqueue_indirect_dma source(%dma_start3A_20 : memref<10000xf32, #tpu.memory_space<hbm>>) target(%arg14 : memref<80xf32, #tpu.memory_space<vmem>>) offsets(%dma_start3A_18 : memref<80xi32, #tpu.memory_space<vmem>>) semaphore(%arg26 : memref<!tpu.dma_semaphore, #tpu.memory_space<semaphore_mem>>)
    %dma_start3A_21 = arith.constant 0 : i32
    %dma_start3A_22 = arith.constant 0 : i32
    %dma_start3A_23 = tpu.memref_slice %arg13[%dma_start3A_21, %dma_start3A_22] : memref<126x80xi32, #tpu.memory_space<vmem>> -> memref<1x80xi32, #tpu.memory_space<vmem>>
    %dma_start3A_24 = tpu.memref_squeeze %dma_start3A_23 : memref<1x80xi32, #tpu.memory_space<vmem>> -> memref<80xi32, #tpu.memory_space<vmem>>
    %dma_start3A_25 = arith.constant 0 : i32
    %dma_start3A_26 = tpu.memref_slice %arg5[%dma_start3A_25] : memref<10000xf32, #tpu.memory_space<hbm>> -> memref<10000xf32, #tpu.memory_space<hbm>>
    tpu.enqueue_indirect_dma source(%dma_start3A_26 : memref<10000xf32, #tpu.memory_space<hbm>>) target(%arg16 : memref<80xf32, #tpu.memory_space<vmem>>) offsets(%dma_start3A_24 : memref<80xi32, #tpu.memory_space<vmem>>) semaphore(%arg26 : memref<!tpu.dma_semaphore, #tpu.memory_space<semaphore_mem>>)
    %dma_wait3A = arith.constant 0 : i32
    %dma_wait3A_27 = tpu.memref_slice %arg4[%dma_wait3A] : memref<10000xf32, #tpu.memory_space<hbm>> -> memref<80xf32, #tpu.memory_space<hbm>>
    %dma_wait3A_28 = arith.constant 0 : i32
    %dma_wait3A_29 = tpu.memref_slice %arg4[%dma_wait3A_28] : memref<10000xf32, #tpu.memory_space<hbm>> -> memref<80xf32, #tpu.memory_space<hbm>>
    tpu.wait_dma2 semaphore(%arg26 : memref<!tpu.dma_semaphore, #tpu.memory_space<semaphore_mem>>) src(%dma_wait3A_29 : memref<80xf32, #tpu.memory_space<hbm>>) dst(%arg14 : memref<80xf32, #tpu.memory_space<vmem>>)
    %dma_wait3A_30 = arith.constant 0 : i32
    %dma_wait3A_31 = tpu.memref_slice %arg5[%dma_wait3A_30] : memref<10000xf32, #tpu.memory_space<hbm>> -> memref<80xf32, #tpu.memory_space<hbm>>
    %dma_wait3A_32 = arith.constant 0 : i32
    %dma_wait3A_33 = tpu.memref_slice %arg5[%dma_wait3A_32] : memref<10000xf32, #tpu.memory_space<hbm>> -> memref<80xf32, #tpu.memory_space<hbm>>
    tpu.wait_dma2 semaphore(%arg26 : memref<!tpu.dma_semaphore, #tpu.memory_space<semaphore_mem>>) src(%dma_wait3A_33 : memref<80xf32, #tpu.memory_space<hbm>>) dst(%arg16 : memref<80xf32, #tpu.memory_space<vmem>>)
    %get3A = arith.constant 0 : index
    %get3A_34 = tpu.vector_load %arg14[%get3A] {strides = array<i32>} : memref<80xf32, #tpu.memory_space<vmem>>, vector<16xf32>,
    %get3A_35 = arith.constant 0 : index
    %get3A_36 = tpu.vector_load %arg16[%get3A_35] {strides = array<i32>} : memref<80xf32, #tpu.memory_space<vmem>>, vector<16xf32>,
    %add3A_37 = arith.addf %get3A_34, %get3A_36 : vector<16xf32>
    %gt3A = arith.constant 0.000000e+00 : f32
    %gt3A_38 = vector.broadcast %gt3A : f32 to vector<16xf32>
    %gt3A_39 = arith.cmpf ogt, %add3A_37, %gt3A_38 : vector<16xf32>
    %mul3A_40 = arith.constant 0.00999999977 : f32
    %mul3A_41 = vector.broadcast %mul3A_40 : f32 to vector<16xf32>
    %mul3A_42 = arith.mulf %add3A_37, %mul3A_41 : vector<16xf32>
    %select_n3A = arith.select %gt3A_39, %add3A_37, %mul3A_42 : vector<16xi1>, vector<16xf32>
    %exp3A = math.exp %select_n3A : vector<16xf32>
    %add3A_43 = arith.constant 0 : i32
    %add3A_44 = vector.broadcast %add3A_43 : i32 to vector<16xi32>
    %add3A_45 = arith.addi %iota3A, %add3A_44 : vector<16xi32>
    %lt3A = arith.constant 10000 : i32
    %lt3A_46 = vector.broadcast %lt3A : i32 to vector<16xi32>
    %lt3A_47 = arith.cmpi slt, %add3A_45, %lt3A_46 : vector<16xi32>
    %jit3A = arith.constant 0.000000e+00 : f32
    %broadcast_in_dim3A_48 = vector.broadcast %jit3A : f32 to vector<16xf32>
    %select_n3A_49 = arith.select %lt3A_47, %exp3A, %broadcast_in_dim3A_48 : vector<16xi1>, vector<16xf32>
    %swap3A = arith.constant 0 : index
    %swap3A_50 = tpu.vector_load %arg18[%swap3A] {strides = array<i32>} : memref<80xf32, #tpu.memory_space<vmem>>, vector<16xf32>,
    tpu.vector_store %arg18[%swap3A], %select_n3A_49 {strides = array<i32>} : memref<80xf32, #tpu.memory_space<vmem>>, vector<16xf32>,
    %get3A_51 = arith.constant 16 : index
    %get3A_52 = tpu.vector_load %arg14[%get3A_51] {strides = array<i32>} : memref<80xf32, #tpu.memory_space<vmem>>, vector<16xf32>,
    %get3A_53 = arith.constant 16 : index
    %get3A_54 = tpu.vector_load %arg16[%get3A_53] {strides = array<i32>} : memref<80xf32, #tpu.memory_space<vmem>>, vector<16xf32>,
    %add3A_55 = arith.addf %get3A_52, %get3A_54 : vector<16xf32>
    %gt3A_56 = arith.constant 0.000000e+00 : f32
    %gt3A_57 = vector.broadcast %gt3A_56 : f32 to vector<16xf32>
    %gt3A_58 = arith.cmpf ogt, %add3A_55, %gt3A_57 : vector<16xf32>
    %mul3A_59 = arith.constant 0.00999999977 : f32
    %mul3A_60 = vector.broadcast %mul3A_59 : f32 to vector<16xf32>
    %mul3A_61 = arith.mulf %add3A_55, %mul3A_60 : vector<16xf32>
    %select_n3A_62 = arith.select %gt3A_58, %add3A_55, %mul3A_61 : vector<16xi1>, vector<16xf32>
    %exp3A_63 = math.exp %select_n3A_62 : vector<16xf32>
    %add3A_64 = arith.constant 16 : i32
    %add3A_65 = vector.broadcast %add3A_64 : i32 to vector<16xi32>
    %add3A_66 = arith.addi %iota3A, %add3A_65 : vector<16xi32>
    %lt3A_67 = arith.constant 10000 : i32
    %lt3A_68 = vector.broadcast %lt3A_67 : i32 to vector<16xi32>
    %lt3A_69 = arith.cmpi slt, %add3A_66, %lt3A_68 : vector<16xi32>
    %jit3A_70 = arith.constant 0.000000e+00 : f32
    %broadcast_in_dim3A_71 = vector.broadcast %jit3A_70 : f32 to vector<16xf32>
    %select_n3A_72 = arith.select %lt3A_69, %exp3A_63, %broadcast_in_dim3A_71 : vector<16xi1>, vector<16xf32>
    %swap3A_73 = arith.constant 16 : index
    %swap3A_74 = tpu.vector_load %arg18[%swap3A_73] {strides = array<i32>} : memref<80xf32, #tpu.memory_space<vmem>>, vector<16xf32>,
    tpu.vector_store %arg18[%swap3A_73], %select_n3A_72 {strides = array<i32>} : memref<80xf32, #tpu.memory_space<vmem>>, vector<16xf32>,
    %get3A_75 = arith.constant 32 : index
    %get3A_76 = tpu.vector_load %arg14[%get3A_75] {strides = array<i32>} : memref<80xf32, #tpu.memory_space<vmem>>, vector<16xf32>,
    %get3A_77 = arith.constant 32 : index
    %get3A_78 = tpu.vector_load %arg16[%get3A_77] {strides = array<i32>} : memref<80xf32, #tpu.memory_space<vmem>>, vector<16xf32>,
    %add3A_79 = arith.addf %get3A_76, %get3A_78 : vector<16xf32>
    %gt3A_80 = arith.constant 0.000000e+00 : f32
    %gt3A_81 = vector.broadcast %gt3A_80 : f32 to vector<16xf32>
    %gt3A_82 = arith.cmpf ogt, %add3A_79, %gt3A_81 : vector<16xf32>
    %mul3A_83 = arith.constant 0.00999999977 : f32
    %mul3A_84 = vector.broadcast %mul3A_83 : f32 to vector<16xf32>
    %mul3A_85 = arith.mulf %add3A_79, %mul3A_84 : vector<16xf32>
    %select_n3A_86 = arith.select %gt3A_82, %add3A_79, %mul3A_85 : vector<16xi1>, vector<16xf32>
    %exp3A_87 = math.exp %select_n3A_86 : vector<16xf32>
    %add3A_88 = arith.constant 32 : i32
    %add3A_89 = vector.broadcast %add3A_88 : i32 to vector<16xi32>
    %add3A_90 = arith.addi %iota3A, %add3A_89 : vector<16xi32>
    %lt3A_91 = arith.constant 10000 : i32
    %lt3A_92 = vector.broadcast %lt3A_91 : i32 to vector<16xi32>
    %lt3A_93 = arith.cmpi slt, %add3A_90, %lt3A_92 : vector<16xi32>
    %jit3A_94 = arith.constant 0.000000e+00 : f32
    %broadcast_in_dim3A_95 = vector.broadcast %jit3A_94 : f32 to vector<16xf32>
    %select_n3A_96 = arith.select %lt3A_93, %exp3A_87, %broadcast_in_dim3A_95 : vector<16xi1>, vector<16xf32>
    %swap3A_97 = arith.constant 32 : index
    %swap3A_98 = tpu.vector_load %arg18[%swap3A_97] {strides = array<i32>} : memref<80xf32, #tpu.memory_space<vmem>>, vector<16xf32>,
    tpu.vector_store %arg18[%swap3A_97], %select_n3A_96 {strides = array<i32>} : memref<80xf32, #tpu.memory_space<vmem>>, vector<16xf32>,
    %get3A_99 = arith.constant 48 : index
    %get3A_100 = tpu.vector_load %arg14[%get3A_99] {strides = array<i32>} : memref<80xf32, #tpu.memory_space<vmem>>, vector<16xf32>,
    %get3A_101 = arith.constant 48 : index
    %get3A_102 = tpu.vector_load %arg16[%get3A_101] {strides = array<i32>} : memref<80xf32, #tpu.memory_space<vmem>>, vector<16xf32>,
    %add3A_103 = arith.addf %get3A_100, %get3A_102 : vector<16xf32>
    %gt3A_104 = arith.constant 0.000000e+00 : f32
    %gt3A_105 = vector.broadcast %gt3A_104 : f32 to vector<16xf32>
    %gt3A_106 = arith.cmpf ogt, %add3A_103, %gt3A_105 : vector<16xf32>
    %mul3A_107 = arith.constant 0.00999999977 : f32
    %mul3A_108 = vector.broadcast %mul3A_107 : f32 to vector<16xf32>
    %mul3A_109 = arith.mulf %add3A_103, %mul3A_108 : vector<16xf32>
    %select_n3A_110 = arith.select %gt3A_106, %add3A_103, %mul3A_109 : vector<16xi1>, vector<16xf32>
    %exp3A_111 = math.exp %select_n3A_110 : vector<16xf32>
    %add3A_112 = arith.constant 48 : i32
    %add3A_113 = vector.broadcast %add3A_112 : i32 to vector<16xi32>
    %add3A_114 = arith.addi %iota3A, %add3A_113 : vector<16xi32>
    %lt3A_115 = arith.constant 10000 : i32
    %lt3A_116 = vector.broadcast %lt3A_115 : i32 to vector<16xi32>
    %lt3A_117 = arith.cmpi slt, %add3A_114, %lt3A_116 : vector<16xi32>
    %jit3A_118 = arith.constant 0.000000e+00 : f32
    %broadcast_in_dim3A_119 = vector.broadcast %jit3A_118 : f32 to vector<16xf32>
    %select_n3A_120 = arith.select %lt3A_117, %exp3A_111, %broadcast_in_dim3A_119 : vector<16xi1>, vector<16xf32>
    %swap3A_121 = arith.constant 48 : index
    %swap3A_122 = tpu.vector_load %arg18[%swap3A_121] {strides = array<i32>} : memref<80xf32, #tpu.memory_space<vmem>>, vector<16xf32>,
    tpu.vector_store %arg18[%swap3A_121], %select_n3A_120 {strides = array<i32>} : memref<80xf32, #tpu.memory_space<vmem>>, vector<16xf32>,
    %get3A_123 = arith.constant 64 : index
    %get3A_124 = tpu.vector_load %arg14[%get3A_123] {strides = array<i32>} : memref<80xf32, #tpu.memory_space<vmem>>, vector<16xf32>,
    %get3A_125 = arith.constant 64 : index
    %get3A_126 = tpu.vector_load %arg16[%get3A_125] {strides = array<i32>} : memref<80xf32, #tpu.memory_space<vmem>>, vector<16xf32>,
    %add3A_127 = arith.addf %get3A_124, %get3A_126 : vector<16xf32>
    %gt3A_128 = arith.constant 0.000000e+00 : f32
    %gt3A_129 = vector.broadcast %gt3A_128 : f32 to vector<16xf32>
    %gt3A_130 = arith.cmpf ogt, %add3A_127, %gt3A_129 : vector<16xf32>
    %mul3A_131 = arith.constant 0.00999999977 : f32
    %mul3A_132 = vector.broadcast %mul3A_131 : f32 to vector<16xf32>
    %mul3A_133 = arith.mulf %add3A_127, %mul3A_132 : vector<16xf32>
    %select_n3A_134 = arith.select %gt3A_130, %add3A_127, %mul3A_133 : vector<16xi1>, vector<16xf32>
    %exp3A_135 = math.exp %select_n3A_134 : vector<16xf32>
    %add3A_136 = arith.constant 64 : i32
    %add3A_137 = vector.broadcast %add3A_136 : i32 to vector<16xi32>
    %add3A_138 = arith.addi %iota3A, %add3A_137 : vector<16xi32>
    %lt3A_139 = arith.constant 10000 : i32
    %lt3A_140 = vector.broadcast %lt3A_139 : i32 to vector<16xi32>
    %lt3A_141 = arith.cmpi slt, %add3A_138, %lt3A_140 : vector<16xi32>
    %jit3A_142 = arith.constant 0.000000e+00 : f32
    %broadcast_in_dim3A_143 = vector.broadcast %jit3A_142 : f32 to vector<16xf32>
    %select_n3A_144 = arith.select %lt3A_141, %exp3A_135, %broadcast_in_dim3A_143 : vector<16xi1>, vector<16xf32>
    %swap3A_145 = arith.constant 64 : index
    %swap3A_146 = tpu.vector_load %arg18[%swap3A_145] {strides = array<i32>} : memref<80xf32, #tpu.memory_space<vmem>>, vector<16xf32>,
    tpu.vector_store %arg18[%swap3A_145], %select_n3A_144 {strides = array<i32>} : memref<80xf32, #tpu.memory_space<vmem>>, vector<16xf32>,
    %dma_wait3A_147 = arith.constant 0 : i32
    %dma_wait3A_148 = arith.constant 0 : i32
    %dma_wait3A_149 = tpu.memref_slice %arg6[%dma_wait3A_147, %dma_wait3A_148] : memref<10000x128xf32, #tpu.memory_space<hbm>> -> memref<80x128xf32, #tpu.memory_space<hbm>>
    %dma_wait3A_150 = arith.constant 0 : i32
    %dma_wait3A_151 = arith.constant 0 : i32
    %dma_wait3A_152 = tpu.memref_slice %arg6[%dma_wait3A_150, %dma_wait3A_151] : memref<10000x128xf32, #tpu.memory_space<hbm>> -> memref<80x128xf32, #tpu.memory_space<hbm>>
    tpu.wait_dma2 semaphore(%arg24 : memref<!tpu.dma_semaphore, #tpu.memory_space<semaphore_mem>>) src(%dma_wait3A_152 : memref<80x128xf32, #tpu.memory_space<hbm>>) dst(%arg20 : memref<80x128xf32, #tpu.memory_space<vmem>>)
    %dma_start3A_153 = arith.constant 80 : i32
    %dma_start3A_154 = tpu.memref_slice %arg12[%dma_start3A_153] : memref<10080xi32, #tpu.memory_space<vmem>> -> memref<80xi32, #tpu.memory_space<vmem>>
    %dma_start3A_155 = arith.constant 0 : i32
    %dma_start3A_156 = arith.constant 0 : i32
    %dma_start3A_157 = tpu.memref_slice %arg6[%dma_start3A_155, %dma_start3A_156] : memref<10000x128xf32, #tpu.memory_space<hbm>> -> memref<10000x128xf32, #tpu.memory_space<hbm>>
    tpu.enqueue_indirect_dma source(%dma_start3A_157 : memref<10000x128xf32, #tpu.memory_space<hbm>>) target(%arg21 : memref<80x128xf32, #tpu.memory_space<vmem>>) offsets(%dma_start3A_154 : memref<80xi32, #tpu.memory_space<vmem>>) semaphore(%arg25 : memref<!tpu.dma_semaphore, #tpu.memory_space<semaphore_mem>>)
    %dma_start3A_158 = arith.constant 80 : i32
    %dma_start3A_159 = tpu.memref_slice %arg12[%dma_start3A_158] : memref<10080xi32, #tpu.memory_space<vmem>> -> memref<80xi32, #tpu.memory_space<vmem>>
    %dma_start3A_160 = arith.constant 0 : i32
    %dma_start3A_161 = tpu.memref_slice %arg4[%dma_start3A_160] : memref<10000xf32, #tpu.memory_space<hbm>> -> memref<10000xf32, #tpu.memory_space<hbm>>
    tpu.enqueue_indirect_dma source(%dma_start3A_161 : memref<10000xf32, #tpu.memory_space<hbm>>) target(%arg15 : memref<80xf32, #tpu.memory_space<vmem>>) offsets(%dma_start3A_159 : memref<80xi32, #tpu.memory_space<vmem>>) semaphore(%arg27 : memref<!tpu.dma_semaphore, #tpu.memory_space<semaphore_mem>>)
    %dma_start3A_162 = arith.constant 1 : i32
    %dma_start3A_163 = arith.constant 0 : i32
    %dma_start3A_164 = tpu.memref_slice %arg13[%dma_start3A_162, %dma_start3A_163] : memref<126x80xi32, #tpu.memory_space<vmem>> -> memref<1x80xi32, #tpu.memory_space<vmem>>
    %dma_start3A_165 = tpu.memref_squeeze %dma_start3A_164 : memref<1x80xi32, #tpu.memory_space<vmem>> -> memref<80xi32, #tpu.memory_space<vmem>>
    %dma_start3A_166 = arith.constant 0 : i32
    %dma_start3A_167 = tpu.memref_slice %arg5[%dma_start3A_166] : memref<10000xf32, #tpu.memory_space<hbm>> -> memref<10000xf32, #tpu.memory_space<hbm>>
    tpu.enqueue_indirect_dma source(%dma_start3A_167 : memref<10000xf32, #tpu.memory_space<hbm>>) target(%arg17 : memref<80xf32, #tpu.memory_space<vmem>>) offsets(%dma_start3A_165 : memref<80xi32, #tpu.memory_space<vmem>>) semaphore(%arg27 : memref<!tpu.dma_semaphore, #tpu.memory_space<semaphore_mem>>)
    %scan3A = arith.constant 0 : i32
    %scan3A_168 = arith.constant 0 : i32
    %scan3A_169 = arith.constant 10 : i32
    %scan3A_170 = arith.addi %scan3A_168, %scan3A_169 : i32
    %scan3A_171 = arith.constant 1 : i32
    scf.for %scan3A_241 = %scan3A_168 to %scan3A_170 step %scan3A_171  : i32 {
      %mul3A_242 = arith.constant 8 : i32
      %mul3A_243 = arith.muli %scan3A_241, %mul3A_242 : i32
      %add3A_244 = arith.constant 0 : i32
      %add3A_245 = arith.addi %mul3A_243, %add3A_244 : i32
      %add3A_246 = vector.broadcast %add3A_245 : i32 to vector<16xi32>
      %add3A_247 = arith.addi %broadcast_in_dim3A_12, %add3A_246 : vector<16xi32>
      %gather3A = tpu.vector_load_idx %arg18[%add3A_247] : memref<80xf32, #tpu.memory_space<vmem>>[vector<16xi32>], vector<16xf32>,
      %get3A_248 = arith.index_cast %add3A_245 : i32 to index
      %get3A_249 = arith.constant 0 : index
      %get3A_250 = tpu.vector_load %arg20[%get3A_248, %get3A_249] {strides = array<i32>} : memref<80x128xf32, #tpu.memory_space<vmem>>, vector<16xf32>,
      %mul3A_251 = arith.mulf %get3A_250, %gather3A : vector<16xf32>
      %swap3A_252 = arith.index_cast %add3A_245 : i32 to index
      %swap3A_253 = arith.constant 0 : index
      %swap3A_254 = tpu.vector_load %arg20[%swap3A_252, %swap3A_253] {strides = array<i32>} : memref<80x128xf32, #tpu.memory_space<vmem>>, vector<16xf32>,
      tpu.vector_store %arg20[%swap3A_252, %swap3A_253], %mul3A_251 {strides = array<i32>} : memref<80x128xf32, #tpu.memory_space<vmem>>, vector<16xf32>,
      %get3A_255 = arith.index_cast %add3A_245 : i32 to index
      %get3A_256 = arith.constant 16 : index
      %get3A_257 = tpu.vector_load %arg20[%get3A_255, %get3A_256] {strides = array<i32>} : memref<80x128xf32, #tpu.memory_space<vmem>>, vector<16xf32>,
      %mul3A_258 = arith.mulf %get3A_257, %gather3A : vector<16xf32>
      %swap3A_259 = arith.index_cast %add3A_245 : i32 to index
      %swap3A_260 = arith.constant 16 : index
      %swap3A_261 = tpu.vector_load %arg20[%swap3A_259, %swap3A_260] {strides = array<i32>} : memref<80x128xf32, #tpu.memory_space<vmem>>, vector<16xf32>,
      tpu.vector_store %arg20[%swap3A_259, %swap3A_260], %mul3A_258 {strides = array<i32>} : memref<80x128xf32, #tpu.memory_space<vmem>>, vector<16xf32>,
      %get3A_262 = arith.index_cast %add3A_245 : i32 to index
      %get3A_263 = arith.constant 32 : index
      %get3A_264 = tpu.vector_load %arg20[%get3A_262, %get3A_263] {strides = array<i32>} : memref<80x128xf32, #tpu.memory_space<vmem>>, vector<16xf32>,
      %mul3A_265 = arith.mulf %get3A_264, %gather3A : vector<16xf32>
      %swap3A_266 = arith.index_cast %add3A_245 : i32 to index
      %swap3A_267 = arith.constant 32 : index
      %swap3A_268 = tpu.vector_load %arg20[%swap3A_266, %swap3A_267] {strides = array<i32>} : memref<80x128xf32, #tpu.memory_space<vmem>>, vector<16xf32>,
      tpu.vector_store %arg20[%swap3A_266, %swap3A_267], %mul3A_265 {strides = array<i32>} : memref<80x128xf32, #tpu.memory_space<vmem>>, vector<16xf32>,
      %get3A_269 = arith.index_cast %add3A_245 : i32 to index
      %get3A_270 = arith.constant 48 : index
      %get3A_271 = tpu.vector_load %arg20[%get3A_269, %get3A_270] {strides = array<i32>} : memref<80x128xf32, #tpu.memory_space<vmem>>, vector<16xf32>,
      %mul3A_272 = arith.mulf %get3A_271, %gather3A : vector<16xf32>
      %swap3A_273 = arith.index_cast %add3A_245 : i32 to index
      %swap3A_274 = arith.constant 48 : index
      %swap3A_275 = tpu.vector_load %arg20[%swap3A_273, %swap3A_274] {strides = array<i32>} : memref<80x128xf32, #tpu.memory_space<vmem>>, vector<16xf32>,
      tpu.vector_store %arg20[%swap3A_273, %swap3A_274], %mul3A_272 {strides = array<i32>} : memref<80x128xf32, #tpu.memory_space<vmem>>, vector<16xf32>,
      %get3A_276 = arith.index_cast %add3A_245 : i32 to index
      %get3A_277 = arith.constant 64 : index
      %get3A_278 = tpu.vector_load %arg20[%get3A_276, %get3A_277] {strides = array<i32>} : memref<80x128xf32, #tpu.memory_space<vmem>>, vector<16xf32>,
      %mul3A_279 = arith.mulf %get3A_278, %gather3A : vector<16xf32>
      %swap3A_280 = arith.index_cast %add3A_245 : i32 to index
      %swap3A_281 = arith.constant 64 : index
      %swap3A_282 = tpu.vector_load %arg20[%swap3A_280, %swap3A_281] {strides = array<i32>} : memref<80x128xf32, #tpu.memory_space<vmem>>, vector<16xf32>,
      tpu.vector_store %arg20[%swap3A_280, %swap3A_281], %mul3A_279 {strides = array<i32>} : memref<80x128xf32, #tpu.memory_space<vmem>>, vector<16xf32>,
      %get3A_283 = arith.index_cast %add3A_245 : i32 to index
      %get3A_284 = arith.constant 80 : index
      %get3A_285 = tpu.vector_load %arg20[%get3A_283, %get3A_284] {strides = array<i32>} : memref<80x128xf32, #tpu.memory_space<vmem>>, vector<16xf32>,
      %mul3A_286 = arith.mulf %get3A_285, %gather3A : vector<16xf32>
      %swap3A_287 = arith.index_cast %add3A_245 : i32 to index
      %swap3A_288 = arith.constant 80 : index
      %swap3A_289 = tpu.vector_load %arg20[%swap3A_287, %swap3A_288] {strides = array<i32>} : memref<80x128xf32, #tpu.memory_space<vmem>>, vector<16xf32>,
      tpu.vector_store %arg20[%swap3A_287, %swap3A_288], %mul3A_286 {strides = array<i32>} : memref<80x128xf32, #tpu.memory_space<vmem>>, vector<16xf32>,
      %get3A_290 = arith.index_cast %add3A_245 : i32 to index
      %get3A_291 = arith.constant 96 : index
      %get3A_292 = tpu.vector_load %arg20[%get3A_290, %get3A_291] {strides = array<i32>} : memref<80x128xf32, #tpu.memory_space<vmem>>, vector<16xf32>,
      %mul3A_293 = arith.mulf %get3A_292, %gather3A : vector<16xf32>
      %swap3A_294 = arith.index_cast %add3A_245 : i32 to index
      %swap3A_295 = arith.constant 96 : index
      %swap3A_296 = tpu.vector_load %arg20[%swap3A_294, %swap3A_295] {strides = array<i32>} : memref<80x128xf32, #tpu.memory_space<vmem>>, vector<16xf32>,
      tpu.vector_store %arg20[%swap3A_294, %swap3A_295], %mul3A_293 {strides = array<i32>} : memref<80x128xf32, #tpu.memory_space<vmem>>, vector<16xf32>,
      %get3A_297 = arith.index_cast %add3A_245 : i32 to index
      %get3A_298 = arith.constant 112 : index
      %get3A_299 = tpu.vector_load %arg20[%get3A_297, %get3A_298] {strides = array<i32>} : memref<80x128xf32, #tpu.memory_space<vmem>>, vector<16xf32>,
      %mul3A_300 = arith.mulf %get3A_299, %gather3A : vector<16xf32>
      %swap3A_301 = arith.index_cast %add3A_245 : i32 to index
      %swap3A_302 = arith.constant 112 : index
      %swap3A_303 = tpu.vector_load %arg20[%swap3A_301, %swap3A_302] {strides = array<i32>} : memref<80x128xf32, #tpu.memory_space<vmem>>, vector<16xf32>,
      tpu.vector_store %arg20[%swap3A_301, %swap3A_302], %mul3A_300 {strides = array<i32>} : memref<80x128xf32, #tpu.memory_space<vmem>>, vector<16xf32>,
      %add3A_304 = arith.constant 1 : i32
      %add3A_305 = arith.addi %mul3A_243, %add3A_304 : i32
      %add3A_306 = vector.broadcast %add3A_305 : i32 to vector<16xi32>
      %add3A_307 = arith.addi %broadcast_in_dim3A_12, %add3A_306 : vector<16xi32>
      %gather3A_308 = tpu.vector_load_idx %arg18[%add3A_307] : memref<80xf32, #tpu.memory_space<vmem>>[vector<16xi32>], vector<16xf32>,
      %get3A_309 = arith.index_cast %add3A_305 : i32 to index
      %get3A_310 = arith.constant 0 : index
      %get3A_311 = tpu.vector_load %arg20[%get3A_309, %get3A_310] {strides = array<i32>} : memref<80x128xf32, #tpu.memory_space<vmem>>, vector<16xf32>,
      %mul3A_312 = arith.mulf %get3A_311, %gather3A_308 : vector<16xf32>
      %swap3A_313 = arith.index_cast %add3A_305 : i32 to index
      %swap3A_314 = arith.constant 0 : index
      %swap3A_315 = tpu.vector_load %arg20[%swap3A_313, %swap3A_314] {strides = array<i32>} : memref<80x128xf32, #tpu.memory_space<vmem>>, vector<16xf32>,
      tpu.vector_store %arg20[%swap3A_313, %swap3A_314], %mul3A_312 {strides = array<i32>} : memref<80x128xf32, #tpu.memory_space<vmem>>, vector<16xf32>,
      %get3A_316 = arith.index_cast %add3A_305 : i32 to index
      %get3A_317 = arith.constant 16 : index
      %get3A_318 = tpu.vector_load %arg20[%get3A_316, %get3A_317] {strides = array<i32>} : memref<80x128xf32, #tpu.memory_space<vmem>>, vector<16xf32>,
      %mul3A_319 = arith.mulf %get3A_318, %gather3A_308 : vector<16xf32>
      %swap3A_320 = arith.index_cast %add3A_305 : i32 to index
      %swap3A_321 = arith.constant 16 : index
      %swap3A_322 = tpu.vector_load %arg20[%swap3A_320, %swap3A_321] {strides = array<i32>} : memref<80x128xf32, #tpu.memory_space<vmem>>, vector<16xf32>,
      tpu.vector_store %arg20[%swap3A_320, %swap3A_321], %mul3A_319 {strides = array<i32>} : memref<80x128xf32, #tpu.memory_space<vmem>>, vector<16xf32>,
      %get3A_323 = arith.index_cast %add3A_305 : i32 to index
      %get3A_324 = arith.constant 32 : index
      %get3A_325 = tpu.vector_load %arg20[%get3A_323, %get3A_324] {strides = array<i32>} : memref<80x128xf32, #tpu.memory_space<vmem>>, vector<16xf32>,
      %mul3A_326 = arith.mulf %get3A_325, %gather3A_308 : vector<16xf32>
      %swap3A_327 = arith.index_cast %add3A_305 : i32 to index
      %swap3A_328 = arith.constant 32 : index
      %swap3A_329 = tpu.vector_load %arg20[%swap3A_327, %swap3A_328] {strides = array<i32>} : memref<80x128xf32, #tpu.memory_space<vmem>>, vector<16xf32>,
      tpu.vector_store %arg20[%swap3A_327, %swap3A_328], %mul3A_326 {strides = array<i32>} : memref<80x128xf32, #tpu.memory_space<vmem>>, vector<16xf32>,
      %get3A_330 = arith.index_cast %add3A_305 : i32 to index
      %get3A_331 = arith.constant 48 : index
      %get3A_332 = tpu.vector_load %arg20[%get3A_330, %get3A_331] {strides = array<i32>} : memref<80x128xf32, #tpu.memory_space<vmem>>, vector<16xf32>,
      %mul3A_333 = arith.mulf %get3A_332, %gather3A_308 : vector<16xf32>
      %swap3A_334 = arith.index_cast %add3A_305 : i32 to index
      %swap3A_335 = arith.constant 48 : index
      %swap3A_336 = tpu.vector_load %arg20[%swap3A_334, %swap3A_335] {strides = array<i32>} : memref<80x128xf32, #tpu.memory_space<vmem>>, vector<16xf32>,
      tpu.vector_store %arg20[%swap3A_334, %swap3A_335], %mul3A_333 {strides = array<i32>} : memref<80x128xf32, #tpu.memory_space<vmem>>, vector<16xf32>,
      %get3A_337 = arith.index_cast %add3A_305 : i32 to index
      %get3A_338 = arith.constant 64 : index
      %get3A_339 = tpu.vector_load %arg20[%get3A_337, %get3A_338] {strides = array<i32>} : memref<80x128xf32, #tpu.memory_space<vmem>>, vector<16xf32>,
      %mul3A_340 = arith.mulf %get3A_339, %gather3A_308 : vector<16xf32>
      %swap3A_341 = arith.index_cast %add3A_305 : i32 to index
      %swap3A_342 = arith.constant 64 : index
      %swap3A_343 = tpu.vector_load %arg20[%swap3A_341, %swap3A_342] {strides = array<i32>} : memref<80x128xf32, #tpu.memory_space<vmem>>, vector<16xf32>,
      tpu.vector_store %arg20[%swap3A_341, %swap3A_342], %mul3A_340 {strides = array<i32>} : memref<80x128xf32, #tpu.memory_space<vmem>>, vector<16xf32>,
      %get3A_344 = arith.index_cast %add3A_305 : i32 to index
      %get3A_345 = arith.constant 80 : index
      %get3A_346 = tpu.vector_load %arg20[%get3A_344, %get3A_345] {strides = array<i32>} : memref<80x128xf32, #tpu.memory_space<vmem>>, vector<16xf32>,
      %mul3A_347 = arith.mulf %get3A_346, %gather3A_308 : vector<16xf32>
      %swap3A_348 = arith.index_cast %add3A_305 : i32 to index
      %swap3A_349 = arith.constant 80 : index
      %swap3A_350 = tpu.vector_load %arg20[%swap3A_348, %swap3A_349] {strides = array<i32>} : memref<80x128xf32, #tpu.memory_space<vmem>>, vector<16xf32>,
      tpu.vector_store %arg20[%swap3A_348, %swap3A_349], %mul3A_347 {strides = array<i32>} : memref<80x128xf32, #tpu.memory_space<vmem>>, vector<16xf32>,
      %get3A_351 = arith.index_cast %add3A_305 : i32 to index
      %get3A_352 = arith.constant 96 : index
      %get3A_353 = tpu.vector_load %arg20[%get3A_351, %get3A_352] {strides = array<i32>} : memref<80x128xf32, #tpu.memory_space<vmem>>, vector<16xf32>,
      %mul3A_354 = arith.mulf %get3A_353, %gather3A_308 : vector<16xf32>
      %swap3A_355 = arith.index_cast %add3A_305 : i32 to index
      %swap3A_356 = arith.constant 96 : index
      %swap3A_357 = tpu.vector_load %arg20[%swap3A_355, %swap3A_356] {strides = array<i32>} : memref<80x128xf32, #tpu.memory_space<vmem>>, vector<16xf32>,
      tpu.vector_store %arg20[%swap3A_355, %swap3A_356], %mul3A_354 {strides = array<i32>} : memref<80x128xf32, #tpu.memory_space<vmem>>, vector<16xf32>,
      %get3A_358 = arith.index_cast %add3A_305 : i32 to index
      %get3A_359 = arith.constant 112 : index
      %get3A_360 = tpu.vector_load %arg20[%get3A_358, %get3A_359] {strides = array<i32>} : memref<80x128xf32, #tpu.memory_space<vmem>>, vector<16xf32>,
      %mul3A_361 = arith.mulf %get3A_360, %gather3A_308 : vector<16xf32>
      %swap3A_362 = arith.index_cast %add3A_305 : i32 to index
      %swap3A_363 = arith.constant 112 : index
      %swap3A_364 = tpu.vector_load %arg20[%swap3A_362, %swap3A_363] {strides = array<i32>} : memref<80x128xf32, #tpu.memory_space<vmem>>, vector<16xf32>,
      tpu.vector_store %arg20[%swap3A_362, %swap3A_363], %mul3A_361 {strides = array<i32>} : memref<80x128xf32, #tpu.memory_space<vmem>>, vector<16xf32>,
      %add3A_365 = arith.constant 2 : i32
      %add3A_366 = arith.addi %mul3A_243, %add3A_365 : i32
      %add3A_367 = vector.broadcast %add3A_366 : i32 to vector<16xi32>
      %add3A_368 = arith.addi %broadcast_in_dim3A_12, %add3A_367 : vector<16xi32>
      %gather3A_369 = tpu.vector_load_idx %arg18[%add3A_368] : memref<80xf32, #tpu.memory_space<vmem>>[vector<16xi32>], vector<16xf32>,
      %get3A_370 = arith.index_cast %add3A_366 : i32 to index
      %get3A_371 = arith.constant 0 : index
      %get3A_372 = tpu.vector_load %arg20[%get3A_370, %get3A_371] {strides = array<i32>} : memref<80x128xf32, #tpu.memory_space<vmem>>, vector<16xf32>,
      %mul3A_373 = arith.mulf %get3A_372, %gather3A_369 : vector<16xf32>
      %swap3A_374 = arith.index_cast %add3A_366 : i32 to index
      %swap3A_375 = arith.constant 0 : index
      %swap3A_376 = tpu.vector_load %arg20[%swap3A_374, %swap3A_375] {strides = array<i32>} : memref<80x128xf32, #tpu.memory_space<vmem>>, vector<16xf32>,
      tpu.vector_store %arg20[%swap3A_374, %swap3A_375], %mul3A_373 {strides = array<i32>} : memref<80x128xf32, #tpu.memory_space<vmem>>, vector<16xf32>,
      %get3A_377 = arith.index_cast %add3A_366 : i32 to index
      %get3A_378 = arith.constant 16 : index
      %get3A_379 = tpu.vector_load %arg20[%get3A_377, %get3A_378] {strides = array<i32>} : memref<80x128xf32, #tpu.memory_space<vmem>>, vector<16xf32>,
      %mul3A_380 = arith.mulf %get3A_379, %gather3A_369 : vector<16xf32>
      %swap3A_381 = arith.index_cast %add3A_366 : i32 to index
      %swap3A_382 = arith.constant 16 : index
      %swap3A_383 = tpu.vector_load %arg20[%swap3A_381, %swap3A_382] {strides = array<i32>} : memref<80x128xf32, #tpu.memory_space<vmem>>, vector<16xf32>,
      tpu.vector_store %arg20[%swap3A_381, %swap3A_382], %mul3A_380 {strides = array<i32>} : memref<80x128xf32, #tpu.memory_space<vmem>>, vector<16xf32>,
      %get3A_384 = arith.index_cast %add3A_366 : i32 to index
      %get3A_385 = arith.constant 32 : index
      %get3A_386 = tpu.vector_load %arg20[%get3A_384, %get3A_385] {strides = array<i32>} : memref<80x128xf32, #tpu.memory_space<vmem>>, vector<16xf32>,
      %mul3A_387 = arith.mulf %get3A_386, %gather3A_369 : vector<16xf32>
      %swap3A_388 = arith.index_cast %add3A_366 : i32 to index
      %swap3A_389 = arith.constant 32 : index
      %swap3A_390 = tpu.vector_load %arg20[%swap3A_388, %swap3A_389] {strides = array<i32>} : memref<80x128xf32, #tpu.memory_space<vmem>>, vector<16xf32>,
      tpu.vector_store %arg20[%swap3A_388, %swap3A_389], %mul3A_387 {strides = array<i32>} : memref<80x128xf32, #tpu.memory_space<vmem>>, vector<16xf32>,
      %get3A_391 = arith.index_cast %add3A_366 : i32 to index
      %get3A_392 = arith.constant 48 : index
      %get3A_393 = tpu.vector_load %arg20[%get3A_391, %get3A_392] {strides = array<i32>} : memref<80x128xf32, #tpu.memory_space<vmem>>, vector<16xf32>,
      %mul3A_394 = arith.mulf %get3A_393, %gather3A_369 : vector<16xf32>
      %swap3A_395 = arith.index_cast %add3A_366 : i32 to index
      %swap3A_396 = arith.constant 48 : index
      %swap3A_397 = tpu.vector_load %arg20[%swap3A_395, %swap3A_396] {strides = array<i32>} : memref<80x128xf32, #tpu.memory_space<vmem>>, vector<16xf32>,
      tpu.vector_store %arg20[%swap3A_395, %swap3A_396], %mul3A_394 {strides = array<i32>} : memref<80x128xf32, #tpu.memory_space<vmem>>, vector<16xf32>,
      %get3A_398 = arith.index_cast %add3A_366 : i32 to index
      %get3A_399 = arith.constant 64 : index
      %get3A_400 = tpu.vector_load %arg20[%get3A_398, %get3A_399] {strides = array<i32>} : memref<80x128xf32, #tpu.memory_space<vmem>>, vector<16xf32>,
      %mul3A_401 = arith.mulf %get3A_400, %gather3A_369 : vector<16xf32>
      %swap3A_402 = arith.index_cast %add3A_366 : i32 to index
      %swap3A_403 = arith.constant 64 : index
      %swap3A_404 = tpu.vector_load %arg20[%swap3A_402, %swap3A_403] {strides = array<i32>} : memref<80x128xf32, #tpu.memory_space<vmem>>, vector<16xf32>,
      tpu.vector_store %arg20[%swap3A_402, %swap3A_403], %mul3A_401 {strides = array<i32>} : memref<80x128xf32, #tpu.memory_space<vmem>>, vector<16xf32>,
      %get3A_405 = arith.index_cast %add3A_366 : i32 to index
      %get3A_406 = arith.constant 80 : index
      %get3A_407 = tpu.vector_load %arg20[%get3A_405, %get3A_406] {strides = array<i32>} : memref<80x128xf32, #tpu.memory_space<vmem>>, vector<16xf32>,
      %mul3A_408 = arith.mulf %get3A_407, %gather3A_369 : vector<16xf32>
      %swap3A_409 = arith.index_cast %add3A_366 : i32 to index
      %swap3A_410 = arith.constant 80 : index
      %swap3A_411 = tpu.vector_load %arg20[%swap3A_409, %swap3A_410] {strides = array<i32>} : memref<80x128xf32, #tpu.memory_space<vmem>>, vector<16xf32>,
      tpu.vector_store %arg20[%swap3A_409, %swap3A_410], %mul3A_408 {strides = array<i32>} : memref<80x128xf32, #tpu.memory_space<vmem>>, vector<16xf32>,
      %get3A_412 = arith.index_cast %add3A_366 : i32 to index
      %get3A_413 = arith.constant 96 : index
      %get3A_414 = tpu.vector_load %arg20[%get3A_412, %get3A_413] {strides = array<i32>} : memref<80x128xf32, #tpu.memory_space<vmem>>, vector<16xf32>,
      %mul3A_415 = arith.mulf %get3A_414, %gather3A_369 : vector<16xf32>
      %swap3A_416 = arith.index_cast %add3A_366 : i32 to index
      %swap3A_417 = arith.constant 96 : index
      %swap3A_418 = tpu.vector_load %arg20[%swap3A_416, %swap3A_417] {strides = array<i32>} : memref<80x128xf32, #tpu.memory_space<vmem>>, vector<16xf32>,
      tpu.vector_store %arg20[%swap3A_416, %swap3A_417], %mul3A_415 {strides = array<i32>} : memref<80x128xf32, #tpu.memory_space<vmem>>, vector<16xf32>,
      %get3A_419 = arith.index_cast %add3A_366 : i32 to index
      %get3A_420 = arith.constant 112 : index
      %get3A_421 = tpu.vector_load %arg20[%get3A_419, %get3A_420] {strides = array<i32>} : memref<80x128xf32, #tpu.memory_space<vmem>>, vector<16xf32>,
      %mul3A_422 = arith.mulf %get3A_421, %gather3A_369 : vector<16xf32>
      %swap3A_423 = arith.index_cast %add3A_366 : i32 to index
      %swap3A_424 = arith.constant 112 : index
      %swap3A_425 = tpu.vector_load %arg20[%swap3A_423, %swap3A_424] {strides = array<i32>} : memref<80x128xf32, #tpu.memory_space<vmem>>, vector<16xf32>,
      tpu.vector_store %arg20[%swap3A_423, %swap3A_424], %mul3A_422 {strides = array<i32>} : memref<80x128xf32, #tpu.memory_space<vmem>>, vector<16xf32>,
      %add3A_426 = arith.constant 3 : i32
      %add3A_427 = arith.addi %mul3A_243, %add3A_426 : i32
      %add3A_428 = vector.broadcast %add3A_427 : i32 to vector<16xi32>
      %add3A_429 = arith.addi %broadcast_in_dim3A_12, %add3A_428 : vector<16xi32>
      %gather3A_430 = tpu.vector_load_idx %arg18[%add3A_429] : memref<80xf32, #tpu.memory_space<vmem>>[vector<16xi32>], vector<16xf32>,
      %get3A_431 = arith.index_cast %add3A_427 : i32 to index
      %get3A_432 = arith.constant 0 : index
      %get3A_433 = tpu.vector_load %arg20[%get3A_431, %get3A_432] {strides = array<i32>} : memref<80x128xf32, #tpu.memory_space<vmem>>, vector<16xf32>,
      %mul3A_434 = arith.mulf %get3A_433, %gather3A_430 : vector<16xf32>
      %swap3A_435 = arith.index_cast %add3A_427 : i32 to index
      %swap3A_436 = arith.constant 0 : index
      %swap3A_437 = tpu.vector_load %arg20[%swap3A_435, %swap3A_436] {strides = array<i32>} : memref<80x128xf32, #tpu.memory_space<vmem>>, vector<16xf32>,
      tpu.vector_store %arg20[%swap3A_435, %swap3A_436], %mul3A_434 {strides = array<i32>} : memref<80x128xf32, #tpu.memory_space<vmem>>, vector<16xf32>,
      %get3A_438 = arith.index_cast %add3A_427 : i32 to index
      %get3A_439 = arith.constant 16 : index
      %get3A_440 = tpu.vector_load %arg20[%get3A_438, %get3A_439] {strides = array<i32>} : memref<80x128xf32, #tpu.memory_space<vmem>>, vector<16xf32>,
      %mul3A_441 = arith.mulf %get3A_440, %gather3A_430 : vector<16xf32>
      %swap3A_442 = arith.index_cast %add3A_427 : i32 to index
      %swap3A_443 = arith.constant 16 : index
      %swap3A_444 = tpu.vector_load %arg20[%swap3A_442, %swap3A_443] {strides = array<i32>} : memref<80x128xf32, #tpu.memory_space<vmem>>, vector<16xf32>,
      tpu.vector_store %arg20[%swap3A_442, %swap3A_443], %mul3A_441 {strides = array<i32>} : memref<80x128xf32, #tpu.memory_space<vmem>>, vector<16xf32>,
      %get3A_445 = arith.index_cast %add3A_427 : i32 to index
      %get3A_446 = arith.constant 32 : index
      %get3A_447 = tpu.vector_load %arg20[%get3A_445, %get3A_446] {strides = array<i32>} : memref<80x128xf32, #tpu.memory_space<vmem>>, vector<16xf32>,
      %mul3A_448 = arith.mulf %get3A_447, %gather3A_430 : vector<16xf32>
      %swap3A_449 = arith.index_cast %add3A_427 : i32 to index
      %swap3A_450 = arith.constant 32 : index
      %swap3A_451 = tpu.vector_load %arg20[%swap3A_449, %swap3A_450] {strides = array<i32>} : memref<80x128xf32, #tpu.memory_space<vmem>>, vector<16xf32>,
      tpu.vector_store %arg20[%swap3A_449, %swap3A_450], %mul3A_448 {strides = array<i32>} : memref<80x128xf32, #tpu.memory_space<vmem>>, vector<16xf32>,
      %get3A_452 = arith.index_cast %add3A_427 : i32 to index
      %get3A_453 = arith.constant 48 : index
      %get3A_454 = tpu.vector_load %arg20[%get3A_452, %get3A_453] {strides = array<i32>} : memref<80x128xf32, #tpu.memory_space<vmem>>, vector<16xf32>,
      %mul3A_455 = arith.mulf %get3A_454, %gather3A_430 : vector<16xf32>
      %swap3A_456 = arith.index_cast %add3A_427 : i32 to index
      %swap3A_457 = arith.constant 48 : index
      %swap3A_458 = tpu.vector_load %arg20[%swap3A_456, %swap3A_457] {strides = array<i32>} : memref<80x128xf32, #tpu.memory_space<vmem>>, vector<16xf32>,
      tpu.vector_store %arg20[%swap3A_456, %swap3A_457], %mul3A_455 {strides = array<i32>} : memref<80x128xf32, #tpu.memory_space<vmem>>, vector<16xf32>,
      %get3A_459 = arith.index_cast %add3A_427 : i32 to index
      %get3A_460 = arith.constant 64 : index
      %get3A_461 = tpu.vector_load %arg20[%get3A_459, %get3A_460] {strides = array<i32>} : memref<80x128xf32, #tpu.memory_space<vmem>>, vector<16xf32>,
      %mul3A_462 = arith.mulf %get3A_461, %gather3A_430 : vector<16xf32>
      %swap3A_463 = arith.index_cast %add3A_427 : i32 to index
      %swap3A_464 = arith.constant 64 : index
      %swap3A_465 = tpu.vector_load %arg20[%swap3A_463, %swap3A_464] {strides = array<i32>} : memref<80x128xf32, #tpu.memory_space<vmem>>, vector<16xf32>,
      tpu.vector_store %arg20[%swap3A_463, %swap3A_464], %mul3A_462 {strides = array<i32>} : memref<80x128xf32, #tpu.memory_space<vmem>>, vector<16xf32>,
      %get3A_466 = arith.index_cast %add3A_427 : i32 to index
      %get3A_467 = arith.constant 80 : index
      %get3A_468 = tpu.vector_load %arg20[%get3A_466, %get3A_467] {strides = array<i32>} : memref<80x128xf32, #tpu.memory_space<vmem>>, vector<16xf32>,
      %mul3A_469 = arith.mulf %get3A_468, %gather3A_430 : vector<16xf32>
      %swap3A_470 = arith.index_cast %add3A_427 : i32 to index
      %swap3A_471 = arith.constant 80 : index
      %swap3A_472 = tpu.vector_load %arg20[%swap3A_470, %swap3A_471] {strides = array<i32>} : memref<80x128xf32, #tpu.memory_space<vmem>>, vector<16xf32>,
      tpu.vector_store %arg20[%swap3A_470, %swap3A_471], %mul3A_469 {strides = array<i32>} : memref<80x128xf32, #tpu.memory_space<vmem>>, vector<16xf32>,
      %get3A_473 = arith.index_cast %add3A_427 : i32 to index
      %get3A_474 = arith.constant 96 : index
      %get3A_475 = tpu.vector_load %arg20[%get3A_473, %get3A_474] {strides = array<i32>} : memref<80x128xf32, #tpu.memory_space<vmem>>, vector<16xf32>,
      %mul3A_476 = arith.mulf %get3A_475, %gather3A_430 : vector<16xf32>
      %swap3A_477 = arith.index_cast %add3A_427 : i32 to index
      %swap3A_478 = arith.constant 96 : index
      %swap3A_479 = tpu.vector_load %arg20[%swap3A_477, %swap3A_478] {strides = array<i32>} : memref<80x128xf32, #tpu.memory_space<vmem>>, vector<16xf32>,
      tpu.vector_store %arg20[%swap3A_477, %swap3A_478], %mul3A_476 {strides = array<i32>} : memref<80x128xf32, #tpu.memory_space<vmem>>, vector<16xf32>,
      %get3A_480 = arith.index_cast %add3A_427 : i32 to index
      %get3A_481 = arith.constant 112 : index
      %get3A_482 = tpu.vector_load %arg20[%get3A_480, %get3A_481] {strides = array<i32>} : memref<80x128xf32, #tpu.memory_space<vmem>>, vector<16xf32>,
      %mul3A_483 = arith.mulf %get3A_482, %gather3A_430 : vector<16xf32>
      %swap3A_484 = arith.index_cast %add3A_427 : i32 to index
      %swap3A_485 = arith.constant 112 : index
      %swap3A_486 = tpu.vector_load %arg20[%swap3A_484, %swap3A_485] {strides = array<i32>} : memref<80x128xf32, #tpu.memory_space<vmem>>, vector<16xf32>,
      tpu.vector_store %arg20[%swap3A_484, %swap3A_485], %mul3A_483 {strides = array<i32>} : memref<80x128xf32, #tpu.memory_space<vmem>>, vector<16xf32>,
      %add3A_487 = arith.constant 4 : i32
      %add3A_488 = arith.addi %mul3A_243, %add3A_487 : i32
      %add3A_489 = vector.broadcast %add3A_488 : i32 to vector<16xi32>
      %add3A_490 = arith.addi %broadcast_in_dim3A_12, %add3A_489 : vector<16xi32>
      %gather3A_491 = tpu.vector_load_idx %arg18[%add3A_490] : memref<80xf32, #tpu.memory_space<vmem>>[vector<16xi32>], vector<16xf32>,
      %get3A_492 = arith.index_cast %add3A_488 : i32 to index
      %get3A_493 = arith.constant 0 : index
      %get3A_494 = tpu.vector_load %arg20[%get3A_492, %get3A_493] {strides = array<i32>} : memref<80x128xf32, #tpu.memory_space<vmem>>, vector<16xf32>,
      %mul3A_495 = arith.mulf %get3A_494, %gather3A_491 : vector<16xf32>
      %swap3A_496 = arith.index_cast %add3A_488 : i32 to index
      %swap3A_497 = arith.constant 0 : index
      %swap3A_498 = tpu.vector_load %arg20[%swap3A_496, %swap3A_497] {strides = array<i32>} : memref<80x128xf32, #tpu.memory_space<vmem>>, vector<16xf32>,
      tpu.vector_store %arg20[%swap3A_496, %swap3A_497], %mul3A_495 {strides = array<i32>} : memref<80x128xf32, #tpu.memory_space<vmem>>, vector<16xf32>,
      %get3A_499 = arith.index_cast %add3A_488 : i32 to index
      %get3A_500 = arith.constant 16 : index
      %get3A_501 = tpu.vector_load %arg20[%get3A_499, %get3A_500] {strides = array<i32>} : memref<80x128xf32, #tpu.memory_space<vmem>>, vector<16xf32>,
      %mul3A_502 = arith.mulf %get3A_501, %gather3A_491 : vector<16xf32>
      %swap3A_503 = arith.index_cast %add3A_488 : i32 to index
      %swap3A_504 = arith.constant 16 : index
      %swap3A_505 = tpu.vector_load %arg20[%swap3A_503, %swap3A_504] {strides = array<i32>} : memref<80x128xf32, #tpu.memory_space<vmem>>, vector<16xf32>,
      tpu.vector_store %arg20[%swap3A_503, %swap3A_504], %mul3A_502 {strides = array<i32>} : memref<80x128xf32, #tpu.memory_space<vmem>>, vector<16xf32>,
      %get3A_506 = arith.index_cast %add3A_488 : i32 to index
      %get3A_507 = arith.constant 32 : index
      %get3A_508 = tpu.vector_load %arg20[%get3A_506, %get3A_507] {strides = array<i32>} : memref<80x128xf32, #tpu.memory_space<vmem>>, vector<16xf32>,
      %mul3A_509 = arith.mulf %get3A_508, %gather3A_491 : vector<16xf32>
      %swap3A_510 = arith.index_cast %add3A_488 : i32 to index
      %swap3A_511 = arith.constant 32 : index
      %swap3A_512 = tpu.vector_load %arg20[%swap3A_510, %swap3A_511] {strides = array<i32>} : memref<80x128xf32, #tpu.memory_space<vmem>>, vector<16xf32>,
      tpu.vector_store %arg20[%swap3A_510, %swap3A_511], %mul3A_509 {strides = array<i32>} : memref<80x128xf32, #tpu.memory_space<vmem>>, vector<16xf32>,
      %get3A_513 = arith.index_cast %add3A_488 : i32 to index
      %get3A_514 = arith.constant 48 : index
      %get3A_515 = tpu.vector_load %arg20[%get3A_513, %get3A_514] {strides = array<i32>} : memref<80x128xf32, #tpu.memory_space<vmem>>, vector<16xf32>,
      %mul3A_516 = arith.mulf %get3A_515, %gather3A_491 : vector<16xf32>
      %swap3A_517 = arith.index_cast %add3A_488 : i32 to index
      %swap3A_518 = arith.constant 48 : index
      %swap3A_519 = tpu.vector_load %arg20[%swap3A_517, %swap3A_518] {strides = array<i32>} : memref<80x128xf32, #tpu.memory_space<vmem>>, vector<16xf32>,
      tpu.vector_store %arg20[%swap3A_517, %swap3A_518], %mul3A_516 {strides = array<i32>} : memref<80x128xf32, #tpu.memory_space<vmem>>, vector<16xf32>,
      %get3A_520 = arith.index_cast %add3A_488 : i32 to index
      %get3A_521 = arith.constant 64 : index
      %get3A_522 = tpu.vector_load %arg20[%get3A_520, %get3A_521] {strides = array<i32>} : memref<80x128xf32, #tpu.memory_space<vmem>>, vector<16xf32>,
      %mul3A_523 = arith.mulf %get3A_522, %gather3A_491 : vector<16xf32>
      %swap3A_524 = arith.index_cast %add3A_488 : i32 to index
      %swap3A_525 = arith.constant 64 : index
      %swap3A_526 = tpu.vector_load %arg20[%swap3A_524, %swap3A_525] {strides = array<i32>} : memref<80x128xf32, #tpu.memory_space<vmem>>, vector<16xf32>,
      tpu.vector_store %arg20[%swap3A_524, %swap3A_525], %mul3A_523 {strides = array<i32>} : memref<80x128xf32, #tpu.memory_space<vmem>>, vector<16xf32>,
      %get3A_527 = arith.index_cast %add3A_488 : i32 to index
      %get3A_528 = arith.constant 80 : index
      %get3A_529 = tpu.vector_load %arg20[%get3A_527, %get3A_528] {strides = array<i32>} : memref<80x128xf32, #tpu.memory_space<vmem>>, vector<16xf32>,
      %mul3A_530 = arith.mulf %get3A_529, %gather3A_491 : vector<16xf32>
      %swap3A_531 = arith.index_cast %add3A_488 : i32 to index
      %swap3A_532 = arith.constant 80 : index
      %swap3A_533 = tpu.vector_load %arg20[%swap3A_531, %swap3A_532] {strides = array<i32>} : memref<80x128xf32, #tpu.memory_space<vmem>>, vector<16xf32>,
      tpu.vector_store %arg20[%swap3A_531, %swap3A_532], %mul3A_530 {strides = array<i32>} : memref<80x128xf32, #tpu.memory_space<vmem>>, vector<16xf32>,
      %get3A_534 = arith.index_cast %add3A_488 : i32 to index
      %get3A_535 = arith.constant 96 : index
      %get3A_536 = tpu.vector_load %arg20[%get3A_534, %get3A_535] {strides = array<i32>} : memref<80x128xf32, #tpu.memory_space<vmem>>, vector<16xf32>,
      %mul3A_537 = arith.mulf %get3A_536, %gather3A_491 : vector<16xf32>
      %swap3A_538 = arith.index_cast %add3A_488 : i32 to index
      %swap3A_539 = arith.constant 96 : index
      %swap3A_540 = tpu.vector_load %arg20[%swap3A_538, %swap3A_539] {strides = array<i32>} : memref<80x128xf32, #tpu.memory_space<vmem>>, vector<16xf32>,
      tpu.vector_store %arg20[%swap3A_538, %swap3A_539], %mul3A_537 {strides = array<i32>} : memref<80x128xf32, #tpu.memory_space<vmem>>, vector<16xf32>,
      %get3A_541 = arith.index_cast %add3A_488 : i32 to index
      %get3A_542 = arith.constant 112 : index
      %get3A_543 = tpu.vector_load %arg20[%get3A_541, %get3A_542] {strides = array<i32>} : memref<80x128xf32, #tpu.memory_space<vmem>>, vector<16xf32>,
      %mul3A_544 = arith.mulf %get3A_543, %gather3A_491 : vector<16xf32>
      %swap3A_545 = arith.index_cast %add3A_488 : i32 to index
      %swap3A_546 = arith.constant 112 : index
      %swap3A_547 = tpu.vector_load %arg20[%swap3A_545, %swap3A_546] {strides = array<i32>} : memref<80x128xf32, #tpu.memory_space<vmem>>, vector<16xf32>,
      tpu.vector_store %arg20[%swap3A_545, %swap3A_546], %mul3A_544 {strides = array<i32>} : memref<80x128xf32, #tpu.memory_space<vmem>>, vector<16xf32>,
      %add3A_548 = arith.constant 5 : i32
      %add3A_549 = arith.addi %mul3A_243, %add3A_548 : i32
      %add3A_550 = vector.broadcast %add3A_549 : i32 to vector<16xi32>
      %add3A_551 = arith.addi %broadcast_in_dim3A_12, %add3A_550 : vector<16xi32>
      %gather3A_552 = tpu.vector_load_idx %arg18[%add3A_551] : memref<80xf32, #tpu.memory_space<vmem>>[vector<16xi32>], vector<16xf32>,
      %get3A_553 = arith.index_cast %add3A_549 : i32 to index
      %get3A_554 = arith.constant 0 : index
      %get3A_555 = tpu.vector_load %arg20[%get3A_553, %get3A_554] {strides = array<i32>} : memref<80x128xf32, #tpu.memory_space<vmem>>, vector<16xf32>,
      %mul3A_556 = arith.mulf %get3A_555, %gather3A_552 : vector<16xf32>
      %swap3A_557 = arith.index_cast %add3A_549 : i32 to index
      %swap3A_558 = arith.constant 0 : index
      %swap3A_559 = tpu.vector_load %arg20[%swap3A_557, %swap3A_558] {strides = array<i32>} : memref<80x128xf32, #tpu.memory_space<vmem>>, vector<16xf32>,
      tpu.vector_store %arg20[%swap3A_557, %swap3A_558], %mul3A_556 {strides = array<i32>} : memref<80x128xf32, #tpu.memory_space<vmem>>, vector<16xf32>,
      %get3A_560 = arith.index_cast %add3A_549 : i32 to index
      %get3A_561 = arith.constant 16 : index
      %get3A_562 = tpu.vector_load %arg20[%get3A_560, %get3A_561] {strides = array<i32>} : memref<80x128xf32, #tpu.memory_space<vmem>>, vector<16xf32>,
      %mul3A_563 = arith.mulf %get3A_562, %gather3A_552 : vector<16xf32>
      %swap3A_564 = arith.index_cast %add3A_549 : i32 to index
      %swap3A_565 = arith.constant 16 : index
      %swap3A_566 = tpu.vector_load %arg20[%swap3A_564, %swap3A_565] {strides = array<i32>} : memref<80x128xf32, #tpu.memory_space<vmem>>, vector<16xf32>,
      tpu.vector_store %arg20[%swap3A_564, %swap3A_565], %mul3A_563 {strides = array<i32>} : memref<80x128xf32, #tpu.memory_space<vmem>>, vector<16xf32>,
      %get3A_567 = arith.index_cast %add3A_549 : i32 to index
      %get3A_568 = arith.constant 32 : index
      %get3A_569 = tpu.vector_load %arg20[%get3A_567, %get3A_568] {strides = array<i32>} : memref<80x128xf32, #tpu.memory_space<vmem>>, vector<16xf32>,
      %mul3A_570 = arith.mulf %get3A_569, %gather3A_552 : vector<16xf32>
      %swap3A_571 = arith.index_cast %add3A_549 : i32 to index
      %swap3A_572 = arith.constant 32 : index
      %swap3A_573 = tpu.vector_load %arg20[%swap3A_571, %swap3A_572] {strides = array<i32>} : memref<80x128xf32, #tpu.memory_space<vmem>>, vector<16xf32>,
      tpu.vector_store %arg20[%swap3A_571, %swap3A_572], %mul3A_570 {strides = array<i32>} : memref<80x128xf32, #tpu.memory_space<vmem>>, vector<16xf32>,
      %get3A_574 = arith.index_cast %add3A_549 : i32 to index
      %get3A_575 = arith.constant 48 : index
      %get3A_576 = tpu.vector_load %arg20[%get3A_574, %get3A_575] {strides = array<i32>} : memref<80x128xf32, #tpu.memory_space<vmem>>, vector<16xf32>,
      %mul3A_577 = arith.mulf %get3A_576, %gather3A_552 : vector<16xf32>
      %swap3A_578 = arith.index_cast %add3A_549 : i32 to index
      %swap3A_579 = arith.constant 48 : index
      %swap3A_580 = tpu.vector_load %arg20[%swap3A_578, %swap3A_579] {strides = array<i32>} : memref<80x128xf32, #tpu.memory_space<vmem>>, vector<16xf32>,
      tpu.vector_store %arg20[%swap3A_578, %swap3A_579], %mul3A_577 {strides = array<i32>} : memref<80x128xf32, #tpu.memory_space<vmem>>, vector<16xf32>,
      %get3A_581 = arith.index_cast %add3A_549 : i32 to index
      %get3A_582 = arith.constant 64 : index
      %get3A_583 = tpu.vector_load %arg20[%get3A_581, %get3A_582] {strides = array<i32>} : memref<80x128xf32, #tpu.memory_space<vmem>>, vector<16xf32>,
      %mul3A_584 = arith.mulf %get3A_583, %gather3A_552 : vector<16xf32>
      %swap3A_585 = arith.index_cast %add3A_549 : i32 to index
      %swap3A_586 = arith.constant 64 : index
      %swap3A_587 = tpu.vector_load %arg20[%swap3A_585, %swap3A_586] {strides = array<i32>} : memref<80x128xf32, #tpu.memory_space<vmem>>, vector<16xf32>,
      tpu.vector_store %arg20[%swap3A_585, %swap3A_586], %mul3A_584 {strides = array<i32>} : memref<80x128xf32, #tpu.memory_space<vmem>>, vector<16xf32>,
      %get3A_588 = arith.index_cast %add3A_549 : i32 to index
      %get3A_589 = arith.constant 80 : index
      %get3A_590 = tpu.vector_load %arg20[%get3A_588, %get3A_589] {strides = array<i32>} : memref<80x128xf32, #tpu.memory_space<vmem>>, vector<16xf32>,
      %mul3A_591 = arith.mulf %get3A_590, %gather3A_552 : vector<16xf32>
      %swap3A_592 = arith.index_cast %add3A_549 : i32 to index
      %swap3A_593 = arith.constant 80 : index
      %swap3A_594 = tpu.vector_load %arg20[%swap3A_592, %swap3A_593] {strides = array<i32>} : memref<80x128xf32, #tpu.memory_space<vmem>>, vector<16xf32>,
      tpu.vector_store %arg20[%swap3A_592, %swap3A_593], %mul3A_591 {strides = array<i32>} : memref<80x128xf32, #tpu.memory_space<vmem>>, vector<16xf32>,
      %get3A_595 = arith.index_cast %add3A_549 : i32 to index
      %get3A_596 = arith.constant 96 : index
      %get3A_597 = tpu.vector_load %arg20[%get3A_595, %get3A_596] {strides = array<i32>} : memref<80x128xf32, #tpu.memory_space<vmem>>, vector<16xf32>,
      %mul3A_598 = arith.mulf %get3A_597, %gather3A_552 : vector<16xf32>
      %swap3A_599 = arith.index_cast %add3A_549 : i32 to index
      %swap3A_600 = arith.constant 96 : index
      %swap3A_601 = tpu.vector_load %arg20[%swap3A_599, %swap3A_600] {strides = array<i32>} : memref<80x128xf32, #tpu.memory_space<vmem>>, vector<16xf32>,
      tpu.vector_store %arg20[%swap3A_599, %swap3A_600], %mul3A_598 {strides = array<i32>} : memref<80x128xf32, #tpu.memory_space<vmem>>, vector<16xf32>,
      %get3A_602 = arith.index_cast %add3A_549 : i32 to index
      %get3A_603 = arith.constant 112 : index
      %get3A_604 = tpu.vector_load %arg20[%get3A_602, %get3A_603] {strides = array<i32>} : memref<80x128xf32, #tpu.memory_space<vmem>>, vector<16xf32>,
      %mul3A_605 = arith.mulf %get3A_604, %gather3A_552 : vector<16xf32>
      %swap3A_606 = arith.index_cast %add3A_549 : i32 to index
      %swap3A_607 = arith.constant 112 : index
      %swap3A_608 = tpu.vector_load %arg20[%swap3A_606, %swap3A_607] {strides = array<i32>} : memref<80x128xf32, #tpu.memory_space<vmem>>, vector<16xf32>,
      tpu.vector_store %arg20[%swap3A_606, %swap3A_607], %mul3A_605 {strides = array<i32>} : memref<80x128xf32, #tpu.memory_space<vmem>>, vector<16xf32>,
      %add3A_609 = arith.constant 6 : i32
      %add3A_610 = arith.addi %mul3A_243, %add3A_609 : i32
      %add3A_611 = vector.broadcast %add3A_610 : i32 to vector<16xi32>
      %add3A_612 = arith.addi %broadcast_in_dim3A_12, %add3A_611 : vector<16xi32>
      %gather3A_613 = tpu.vector_load_idx %arg18[%add3A_612] : memref<80xf32, #tpu.memory_space<vmem>>[vector<16xi32>], vector<16xf32>,
      %get3A_614 = arith.index_cast %add3A_610 : i32 to index
      %get3A_615 = arith.constant 0 : index
      %get3A_616 = tpu.vector_load %arg20[%get3A_614, %get3A_615] {strides = array<i32>} : memref<80x128xf32, #tpu.memory_space<vmem>>, vector<16xf32>,
      %mul3A_617 = arith.mulf %get3A_616, %gather3A_613 : vector<16xf32>
      %swap3A_618 = arith.index_cast %add3A_610 : i32 to index
      %swap3A_619 = arith.constant 0 : index
      %swap3A_620 = tpu.vector_load %arg20[%swap3A_618, %swap3A_619] {strides = array<i32>} : memref<80x128xf32, #tpu.memory_space<vmem>>, vector<16xf32>,
      tpu.vector_store %arg20[%swap3A_618, %swap3A_619], %mul3A_617 {strides = array<i32>} : memref<80x128xf32, #tpu.memory_space<vmem>>, vector<16xf32>,
      %get3A_621 = arith.index_cast %add3A_610 : i32 to index
      %get3A_622 = arith.constant 16 : index
      %get3A_623 = tpu.vector_load %arg20[%get3A_621, %get3A_622] {strides = array<i32>} : memref<80x128xf32, #tpu.memory_space<vmem>>, vector<16xf32>,
      %mul3A_624 = arith.mulf %get3A_623, %gather3A_613 : vector<16xf32>
      %swap3A_625 = arith.index_cast %add3A_610 : i32 to index
      %swap3A_626 = arith.constant 16 : index
      %swap3A_627 = tpu.vector_load %arg20[%swap3A_625, %swap3A_626] {strides = array<i32>} : memref<80x128xf32, #tpu.memory_space<vmem>>, vector<16xf32>,
      tpu.vector_store %arg20[%swap3A_625, %swap3A_626], %mul3A_624 {strides = array<i32>} : memref<80x128xf32, #tpu.memory_space<vmem>>, vector<16xf32>,
      %get3A_628 = arith.index_cast %add3A_610 : i32 to index
      %get3A_629 = arith.constant 32 : index
      %get3A_630 = tpu.vector_load %arg20[%get3A_628, %get3A_629] {strides = array<i32>} : memref<80x128xf32, #tpu.memory_space<vmem>>, vector<16xf32>,
      %mul3A_631 = arith.mulf %get3A_630, %gather3A_613 : vector<16xf32>
      %swap3A_632 = arith.index_cast %add3A_610 : i32 to index
      %swap3A_633 = arith.constant 32 : index
      %swap3A_634 = tpu.vector_load %arg20[%swap3A_632, %swap3A_633] {strides = array<i32>} : memref<80x128xf32, #tpu.memory_space<vmem>>, vector<16xf32>,
      tpu.vector_store %arg20[%swap3A_632, %swap3A_633], %mul3A_631 {strides = array<i32>} : memref<80x128xf32, #tpu.memory_space<vmem>>, vector<16xf32>,
      %get3A_635 = arith.index_cast %add3A_610 : i32 to index
      %get3A_636 = arith.constant 48 : index
      %get3A_637 = tpu.vector_load %arg20[%get3A_635, %get3A_636] {strides = array<i32>} : memref<80x128xf32, #tpu.memory_space<vmem>>, vector<16xf32>,
      %mul3A_638 = arith.mulf %get3A_637, %gather3A_613 : vector<16xf32>
      %swap3A_639 = arith.index_cast %add3A_610 : i32 to index
      %swap3A_640 = arith.constant 48 : index
      %swap3A_641 = tpu.vector_load %arg20[%swap3A_639, %swap3A_640] {strides = array<i32>} : memref<80x128xf32, #tpu.memory_space<vmem>>, vector<16xf32>,
      tpu.vector_store %arg20[%swap3A_639, %swap3A_640], %mul3A_638 {strides = array<i32>} : memref<80x128xf32, #tpu.memory_space<vmem>>, vector<16xf32>,
      %get3A_642 = arith.index_cast %add3A_610 : i32 to index
      %get3A_643 = arith.constant 64 : index
      %get3A_644 = tpu.vector_load %arg20[%get3A_642, %get3A_643] {strides = array<i32>} : memref<80x128xf32, #tpu.memory_space<vmem>>, vector<16xf32>,
      %mul3A_645 = arith.mulf %get3A_644, %gather3A_613 : vector<16xf32>
      %swap3A_646 = arith.index_cast %add3A_610 : i32 to index
      %swap3A_647 = arith.constant 64 : index
      %swap3A_648 = tpu.vector_load %arg20[%swap3A_646, %swap3A_647] {strides = array<i32>} : memref<80x128xf32, #tpu.memory_space<vmem>>, vector<16xf32>,
      tpu.vector_store %arg20[%swap3A_646, %swap3A_647], %mul3A_645 {strides = array<i32>} : memref<80x128xf32, #tpu.memory_space<vmem>>, vector<16xf32>,
      %get3A_649 = arith.index_cast %add3A_610 : i32 to index
      %get3A_650 = arith.constant 80 : index
      %get3A_651 = tpu.vector_load %arg20[%get3A_649, %get3A_650] {strides = array<i32>} : memref<80x128xf32, #tpu.memory_space<vmem>>, vector<16xf32>,
      %mul3A_652 = arith.mulf %get3A_651, %gather3A_613 : vector<16xf32>
      %swap3A_653 = arith.index_cast %add3A_610 : i32 to index
      %swap3A_654 = arith.constant 80 : index
      %swap3A_655 = tpu.vector_load %arg20[%swap3A_653, %swap3A_654] {strides = array<i32>} : memref<80x128xf32, #tpu.memory_space<vmem>>, vector<16xf32>,
      tpu.vector_store %arg20[%swap3A_653, %swap3A_654], %mul3A_652 {strides = array<i32>} : memref<80x128xf32, #tpu.memory_space<vmem>>, vector<16xf32>,
      %get3A_656 = arith.index_cast %add3A_610 : i32 to index
      %get3A_657 = arith.constant 96 : index
      %get3A_658 = tpu.vector_load %arg20[%get3A_656, %get3A_657] {strides = array<i32>} : memref<80x128xf32, #tpu.memory_space<vmem>>, vector<16xf32>,
      %mul3A_659 = arith.mulf %get3A_658, %gather3A_613 : vector<16xf32>
      %swap3A_660 = arith.index_cast %add3A_610 : i32 to index
      %swap3A_661 = arith.constant 96 : index
      %swap3A_662 = tpu.vector_load %arg20[%swap3A_660, %swap3A_661] {strides = array<i32>} : memref<80x128xf32, #tpu.memory_space<vmem>>, vector<16xf32>,
      tpu.vector_store %arg20[%swap3A_660, %swap3A_661], %mul3A_659 {strides = array<i32>} : memref<80x128xf32, #tpu.memory_space<vmem>>, vector<16xf32>,
      %get3A_663 = arith.index_cast %add3A_610 : i32 to index
      %get3A_664 = arith.constant 112 : index
      %get3A_665 = tpu.vector_load %arg20[%get3A_663, %get3A_664] {strides = array<i32>} : memref<80x128xf32, #tpu.memory_space<vmem>>, vector<16xf32>,
      %mul3A_666 = arith.mulf %get3A_665, %gather3A_613 : vector<16xf32>
      %swap3A_667 = arith.index_cast %add3A_610 : i32 to index
      %swap3A_668 = arith.constant 112 : index
      %swap3A_669 = tpu.vector_load %arg20[%swap3A_667, %swap3A_668] {strides = array<i32>} : memref<80x128xf32, #tpu.memory_space<vmem>>, vector<16xf32>,
      tpu.vector_store %arg20[%swap3A_667, %swap3A_668], %mul3A_666 {strides = array<i32>} : memref<80x128xf32, #tpu.memory_space<vmem>>, vector<16xf32>,
      %add3A_670 = arith.constant 7 : i32
      %add3A_671 = arith.addi %mul3A_243, %add3A_670 : i32
      %add3A_672 = vector.broadcast %add3A_671 : i32 to vector<16xi32>
      %add3A_673 = arith.addi %broadcast_in_dim3A_12, %add3A_672 : vector<16xi32>
      %gather3A_674 = tpu.vector_load_idx %arg18[%add3A_673] : memref<80xf32, #tpu.memory_space<vmem>>[vector<16xi32>], vector<16xf32>,
      %get3A_675 = arith.index_cast %add3A_671 : i32 to index
      %get3A_676 = arith.constant 0 : index
      %get3A_677 = tpu.vector_load %arg20[%get3A_675, %get3A_676] {strides = array<i32>} : memref<80x128xf32, #tpu.memory_space<vmem>>, vector<16xf32>,
      %mul3A_678 = arith.mulf %get3A_677, %gather3A_674 : vector<16xf32>
      %swap3A_679 = arith.index_cast %add3A_671 : i32 to index
      %swap3A_680 = arith.constant 0 : index
      %swap3A_681 = tpu.vector_load %arg20[%swap3A_679, %swap3A_680] {strides = array<i32>} : memref<80x128xf32, #tpu.memory_space<vmem>>, vector<16xf32>,
      tpu.vector_store %arg20[%swap3A_679, %swap3A_680], %mul3A_678 {strides = array<i32>} : memref<80x128xf32, #tpu.memory_space<vmem>>, vector<16xf32>,
      %get3A_682 = arith.index_cast %add3A_671 : i32 to index
      %get3A_683 = arith.constant 16 : index
      %get3A_684 = tpu.vector_load %arg20[%get3A_682, %get3A_683] {strides = array<i32>} : memref<80x128xf32, #tpu.memory_space<vmem>>, vector<16xf32>,
      %mul3A_685 = arith.mulf %get3A_684, %gather3A_674 : vector<16xf32>
      %swap3A_686 = arith.index_cast %add3A_671 : i32 to index
      %swap3A_687 = arith.constant 16 : index
      %swap3A_688 = tpu.vector_load %arg20[%swap3A_686, %swap3A_687] {strides = array<i32>} : memref<80x128xf32, #tpu.memory_space<vmem>>, vector<16xf32>,
      tpu.vector_store %arg20[%swap3A_686, %swap3A_687], %mul3A_685 {strides = array<i32>} : memref<80x128xf32, #tpu.memory_space<vmem>>, vector<16xf32>,
      %get3A_689 = arith.index_cast %add3A_671 : i32 to index
      %get3A_690 = arith.constant 32 : index
      %get3A_691 = tpu.vector_load %arg20[%get3A_689, %get3A_690] {strides = array<i32>} : memref<80x128xf32, #tpu.memory_space<vmem>>, vector<16xf32>,
      %mul3A_692 = arith.mulf %get3A_691, %gather3A_674 : vector<16xf32>
      %swap3A_693 = arith.index_cast %add3A_671 : i32 to index
      %swap3A_694 = arith.constant 32 : index
      %swap3A_695 = tpu.vector_load %arg20[%swap3A_693, %swap3A_694] {strides = array<i32>} : memref<80x128xf32, #tpu.memory_space<vmem>>, vector<16xf32>,
      tpu.vector_store %arg20[%swap3A_693, %swap3A_694], %mul3A_692 {strides = array<i32>} : memref<80x128xf32, #tpu.memory_space<vmem>>, vector<16xf32>,
      %get3A_696 = arith.index_cast %add3A_671 : i32 to index
      %get3A_697 = arith.constant 48 : index
      %get3A_698 = tpu.vector_load %arg20[%get3A_696, %get3A_697] {strides = array<i32>} : memref<80x128xf32, #tpu.memory_space<vmem>>, vector<16xf32>,
      %mul3A_699 = arith.mulf %get3A_698, %gather3A_674 : vector<16xf32>
      %swap3A_700 = arith.index_cast %add3A_671 : i32 to index
      %swap3A_701 = arith.constant 48 : index
      %swap3A_702 = tpu.vector_load %arg20[%swap3A_700, %swap3A_701] {strides = array<i32>} : memref<80x128xf32, #tpu.memory_space<vmem>>, vector<16xf32>,
      tpu.vector_store %arg20[%swap3A_700, %swap3A_701], %mul3A_699 {strides = array<i32>} : memref<80x128xf32, #tpu.memory_space<vmem>>, vector<16xf32>,
      %get3A_703 = arith.index_cast %add3A_671 : i32 to index
      %get3A_704 = arith.constant 64 : index
      %get3A_705 = tpu.vector_load %arg20[%get3A_703, %get3A_704] {strides = array<i32>} : memref<80x128xf32, #tpu.memory_space<vmem>>, vector<16xf32>,
      %mul3A_706 = arith.mulf %get3A_705, %gather3A_674 : vector<16xf32>
      %swap3A_707 = arith.index_cast %add3A_671 : i32 to index
      %swap3A_708 = arith.constant 64 : index
      %swap3A_709 = tpu.vector_load %arg20[%swap3A_707, %swap3A_708] {strides = array<i32>} : memref<80x128xf32, #tpu.memory_space<vmem>>, vector<16xf32>,
      tpu.vector_store %arg20[%swap3A_707, %swap3A_708], %mul3A_706 {strides = array<i32>} : memref<80x128xf32, #tpu.memory_space<vmem>>, vector<16xf32>,
      %get3A_710 = arith.index_cast %add3A_671 : i32 to index
      %get3A_711 = arith.constant 80 : index
      %get3A_712 = tpu.vector_load %arg20[%get3A_710, %get3A_711] {strides = array<i32>} : memref<80x128xf32, #tpu.memory_space<vmem>>, vector<16xf32>,
      %mul3A_713 = arith.mulf %get3A_712, %gather3A_674 : vector<16xf32>
      %swap3A_714 = arith.index_cast %add3A_671 : i32 to index
      %swap3A_715 = arith.constant 80 : index
      %swap3A_716 = tpu.vector_load %arg20[%swap3A_714, %swap3A_715] {strides = array<i32>} : memref<80x128xf32, #tpu.memory_space<vmem>>, vector<16xf32>,
      tpu.vector_store %arg20[%swap3A_714, %swap3A_715], %mul3A_713 {strides = array<i32>} : memref<80x128xf32, #tpu.memory_space<vmem>>, vector<16xf32>,
      %get3A_717 = arith.index_cast %add3A_671 : i32 to index
      %get3A_718 = arith.constant 96 : index
      %get3A_719 = tpu.vector_load %arg20[%get3A_717, %get3A_718] {strides = array<i32>} : memref<80x128xf32, #tpu.memory_space<vmem>>, vector<16xf32>,
      %mul3A_720 = arith.mulf %get3A_719, %gather3A_674 : vector<16xf32>
      %swap3A_721 = arith.index_cast %add3A_671 : i32 to index
      %swap3A_722 = arith.constant 96 : index
      %swap3A_723 = tpu.vector_load %arg20[%swap3A_721, %swap3A_722] {strides = array<i32>} : memref<80x128xf32, #tpu.memory_space<vmem>>, vector<16xf32>,
      tpu.vector_store %arg20[%swap3A_721, %swap3A_722], %mul3A_720 {strides = array<i32>} : memref<80x128xf32, #tpu.memory_space<vmem>>, vector<16xf32>,
      %get3A_724 = arith.index_cast %add3A_671 : i32 to index
      %get3A_725 = arith.constant 112 : index
      %get3A_726 = tpu.vector_load %arg20[%get3A_724, %get3A_725] {strides = array<i32>} : memref<80x128xf32, #tpu.memory_space<vmem>>, vector<16xf32>,
      %mul3A_727 = arith.mulf %get3A_726, %gather3A_674 : vector<16xf32>
      %swap3A_728 = arith.index_cast %add3A_671 : i32 to index
      %swap3A_729 = arith.constant 112 : index
      %swap3A_730 = tpu.vector_load %arg20[%swap3A_728, %swap3A_729] {strides = array<i32>} : memref<80x128xf32, #tpu.memory_space<vmem>>, vector<16xf32>,
      tpu.vector_store %arg20[%swap3A_728, %swap3A_729], %mul3A_727 {strides = array<i32>} : memref<80x128xf32, #tpu.memory_space<vmem>>, vector<16xf32>,
    }
    %scan3A_172 = arith.constant 10 : i32
    %dma_start3A_173 = arith.constant 0 : i32
    %dma_start3A_174 = arith.constant 0 : i32
    %dma_start3A_175 = tpu.memref_slice %arg13[%dma_start3A_173, %dma_start3A_174] : memref<126x80xi32, #tpu.memory_space<vmem>> -> memref<1x80xi32, #tpu.memory_space<vmem>>
    %dma_start3A_176 = tpu.memref_squeeze %dma_start3A_175 : memref<1x80xi32, #tpu.memory_space<vmem>> -> memref<80xi32, #tpu.memory_space<vmem>>
    %dma_start3A_177 = arith.constant 0 : i32
    %dma_start3A_178 = arith.constant 0 : i32
    %dma_start3A_179 = tpu.memref_slice %arg22[%dma_start3A_177, %dma_start3A_178] : memref<10000x128xf32, #tpu.memory_space<vmem_shared>> -> memref<10000x128xf32, #tpu.memory_space<vmem_shared>>
    tpu.enqueue_indirect_dma source(%arg20 : memref<80x128xf32, #tpu.memory_space<vmem>>) target(%dma_start3A_179 : memref<10000x128xf32, #tpu.memory_space<vmem_shared>>) offsets(%dma_start3A_176 : memref<80xi32, #tpu.memory_space<vmem>>) semaphore(%arg28 : memref<!tpu.dma_semaphore, #tpu.memory_space<semaphore_mem>>) {add = true}
    %dma_start3A_180 = arith.constant 0 : i32
    %dma_start3A_181 = arith.constant 0 : i32
    %dma_start3A_182 = tpu.memref_slice %arg13[%dma_start3A_180, %dma_start3A_181] : memref<126x80xi32, #tpu.memory_space<vmem>> -> memref<1x80xi32, #tpu.memory_space<vmem>>
    %dma_start3A_183 = tpu.memref_squeeze %dma_start3A_182 : memref<1x80xi32, #tpu.memory_space<vmem>> -> memref<80xi32, #tpu.memory_space<vmem>>
    %dma_start3A_184 = arith.constant 0 : i32
    %dma_start3A_185 = tpu.memref_slice %arg23[%dma_start3A_184] : memref<10000xf32, #tpu.memory_space<vmem_shared>> -> memref<10000xf32, #tpu.memory_space<vmem_shared>>
    tpu.enqueue_indirect_dma source(%arg18 : memref<80xf32, #tpu.memory_space<vmem>>) target(%dma_start3A_185 : memref<10000xf32, #tpu.memory_space<vmem_shared>>) offsets(%dma_start3A_183 : memref<80xi32, #tpu.memory_space<vmem>>) semaphore(%arg30 : memref<!tpu.dma_semaphore, #tpu.memory_space<semaphore_mem>>) {add = true}
    %scan3A_186 = arith.constant 0 : i32
    %scan3A_187 = arith.constant 0 : i32
    %scan3A_188 = arith.constant 62 : i32
    %scan3A_189 = arith.addi %scan3A_187, %scan3A_188 : i32
    %scan3A_190 = arith.constant 1 : i32
    scf.for %scan3A_241 = %scan3A_187 to %scan3A_189 step %scan3A_190  : i32 {
      %mul3A_242 = arith.constant 2 : i32
      %mul3A_243 = arith.muli %mul3A_242, %scan3A_241 : i32
      %add3A_244 = arith.constant 1 : i32
      %add3A_245 = arith.addi %mul3A_243, %add3A_244 : i32
      %add3A_246 = arith.constant 1 : i32
      %add3A_247 = arith.addi %add3A_245, %add3A_246 : i32
      %mul3A_248 = arith.constant 80 : i32
      %mul3A_249 = arith.muli %add3A_247, %mul3A_248 : i32
      %dma_start3A_250 = tpu.memref_slice %arg12[%mul3A_249] : memref<10080xi32, #tpu.memory_space<vmem>> -> memref<80xi32, #tpu.memory_space<vmem>>
      %dma_start3A_251 = arith.constant 0 : i32
      %dma_start3A_252 = tpu.memref_slice %arg4[%dma_start3A_251] : memref<10000xf32, #tpu.memory_space<hbm>> -> memref<10000xf32, #tpu.memory_space<hbm>>
      tpu.enqueue_indirect_dma source(%dma_start3A_252 : memref<10000xf32, #tpu.memory_space<hbm>>) target(%arg14 : memref<80xf32, #tpu.memory_space<vmem>>) offsets(%dma_start3A_250 : memref<80xi32, #tpu.memory_space<vmem>>) semaphore(%arg26 : memref<!tpu.dma_semaphore, #tpu.memory_space<semaphore_mem>>)
      %dma_start3A_253 = arith.constant 0 : i32
      %dma_start3A_254 = tpu.memref_slice %arg13[%add3A_247, %dma_start3A_253] : memref<126x80xi32, #tpu.memory_space<vmem>> -> memref<1x80xi32, #tpu.memory_space<vmem>>
      %dma_start3A_255 = tpu.memref_squeeze %dma_start3A_254 : memref<1x80xi32, #tpu.memory_space<vmem>> -> memref<80xi32, #tpu.memory_space<vmem>>
      %dma_start3A_256 = arith.constant 0 : i32
      %dma_start3A_257 = tpu.memref_slice %arg5[%dma_start3A_256] : memref<10000xf32, #tpu.memory_space<hbm>> -> memref<10000xf32, #tpu.memory_space<hbm>>
      tpu.enqueue_indirect_dma source(%dma_start3A_257 : memref<10000xf32, #tpu.memory_space<hbm>>) target(%arg16 : memref<80xf32, #tpu.memory_space<vmem>>) offsets(%dma_start3A_255 : memref<80xi32, #tpu.memory_space<vmem>>) semaphore(%arg26 : memref<!tpu.dma_semaphore, #tpu.memory_space<semaphore_mem>>)
      %dma_wait3A_258 = arith.constant 0 : i32
      %dma_wait3A_259 = tpu.memref_slice %arg4[%dma_wait3A_258] : memref<10000xf32, #tpu.memory_space<hbm>> -> memref<80xf32, #tpu.memory_space<hbm>>
      %dma_wait3A_260 = arith.constant 0 : i32
      %dma_wait3A_261 = tpu.memref_slice %arg4[%dma_wait3A_260] : memref<10000xf32, #tpu.memory_space<hbm>> -> memref<80xf32, #tpu.memory_space<hbm>>
      tpu.wait_dma2 semaphore(%arg27 : memref<!tpu.dma_semaphore, #tpu.memory_space<semaphore_mem>>) src(%dma_wait3A_261 : memref<80xf32, #tpu.memory_space<hbm>>) dst(%arg15 : memref<80xf32, #tpu.memory_space<vmem>>)
      %dma_wait3A_262 = arith.constant 0 : i32
      %dma_wait3A_263 = tpu.memref_slice %arg5[%dma_wait3A_262] : memref<10000xf32, #tpu.memory_space<hbm>> -> memref<80xf32, #tpu.memory_space<hbm>>
      %dma_wait3A_264 = arith.constant 0 : i32
      %dma_wait3A_265 = tpu.memref_slice %arg5[%dma_wait3A_264] : memref<10000xf32, #tpu.memory_space<hbm>> -> memref<80xf32, #tpu.memory_space<hbm>>
      tpu.wait_dma2 semaphore(%arg27 : memref<!tpu.dma_semaphore, #tpu.memory_space<semaphore_mem>>) src(%dma_wait3A_265 : memref<80xf32, #tpu.memory_space<hbm>>) dst(%arg17 : memref<80xf32, #tpu.memory_space<vmem>>)
      %mul3A_266 = arith.constant 80 : i32
      %mul3A_267 = arith.muli %add3A_245, %mul3A_266 : i32
      %get3A_268 = arith.constant 0 : index
      %get3A_269 = tpu.vector_load %arg15[%get3A_268] {strides = array<i32>} : memref<80xf32, #tpu.memory_space<vmem>>, vector<16xf32>,
      %get3A_270 = arith.constant 0 : index
      %get3A_271 = tpu.vector_load %arg17[%get3A_270] {strides = array<i32>} : memref<80xf32, #tpu.memory_space<vmem>>, vector<16xf32>,
      %add3A_272 = arith.addf %get3A_269, %get3A_271 : vector<16xf32>
      %gt3A_273 = arith.constant 0.000000e+00 : f32
      %gt3A_274 = vector.broadcast %gt3A_273 : f32 to vector<16xf32>
      %gt3A_275 = arith.cmpf ogt, %add3A_272, %gt3A_274 : vector<16xf32>
      %mul3A_276 = arith.constant 0.00999999977 : f32
      %mul3A_277 = vector.broadcast %mul3A_276 : f32 to vector<16xf32>
      %mul3A_278 = arith.mulf %add3A_272, %mul3A_277 : vector<16xf32>
      %select_n3A_279 = arith.select %gt3A_275, %add3A_272, %mul3A_278 : vector<16xi1>, vector<16xf32>
      %exp3A_280 = math.exp %select_n3A_279 : vector<16xf32>
      %add3A_281 = arith.constant 0 : i32
      %add3A_282 = arith.addi %mul3A_267, %add3A_281 : i32
      %add3A_283 = vector.broadcast %add3A_282 : i32 to vector<16xi32>
      %add3A_284 = arith.addi %iota3A, %add3A_283 : vector<16xi32>
      %lt3A_285 = arith.constant 10000 : i32
      %lt3A_286 = vector.broadcast %lt3A_285 : i32 to vector<16xi32>
      %lt3A_287 = arith.cmpi slt, %add3A_284, %lt3A_286 : vector<16xi32>
      %jit3A_288 = arith.constant 0.000000e+00 : f32
      %broadcast_in_dim3A_289 = vector.broadcast %jit3A_288 : f32 to vector<16xf32>
      %select_n3A_290 = arith.select %lt3A_287, %exp3A_280, %broadcast_in_dim3A_289 : vector<16xi1>, vector<16xf32>
      %swap3A_291 = arith.constant 0 : index
      %swap3A_292 = tpu.vector_load %arg19[%swap3A_291] {strides = array<i32>} : memref<80xf32, #tpu.memory_space<vmem>>, vector<16xf32>,
      tpu.vector_store %arg19[%swap3A_291], %select_n3A_290 {strides = array<i32>} : memref<80xf32, #tpu.memory_space<vmem>>, vector<16xf32>,
      %get3A_293 = arith.constant 16 : index
      %get3A_294 = tpu.vector_load %arg15[%get3A_293] {strides = array<i32>} : memref<80xf32, #tpu.memory_space<vmem>>, vector<16xf32>,
      %get3A_295 = arith.constant 16 : index
      %get3A_296 = tpu.vector_load %arg17[%get3A_295] {strides = array<i32>} : memref<80xf32, #tpu.memory_space<vmem>>, vector<16xf32>,
      %add3A_297 = arith.addf %get3A_294, %get3A_296 : vector<16xf32>
      %gt3A_298 = arith.constant 0.000000e+00 : f32
      %gt3A_299 = vector.broadcast %gt3A_298 : f32 to vector<16xf32>
      %gt3A_300 = arith.cmpf ogt, %add3A_297, %gt3A_299 : vector<16xf32>
      %mul3A_301 = arith.constant 0.00999999977 : f32
      %mul3A_302 = vector.broadcast %mul3A_301 : f32 to vector<16xf32>
      %mul3A_303 = arith.mulf %add3A_297, %mul3A_302 : vector<16xf32>
      %select_n3A_304 = arith.select %gt3A_300, %add3A_297, %mul3A_303 : vector<16xi1>, vector<16xf32>
      %exp3A_305 = math.exp %select_n3A_304 : vector<16xf32>
      %add3A_306 = arith.constant 16 : i32
      %add3A_307 = arith.addi %mul3A_267, %add3A_306 : i32
      %add3A_308 = vector.broadcast %add3A_307 : i32 to vector<16xi32>
      %add3A_309 = arith.addi %iota3A, %add3A_308 : vector<16xi32>
      %lt3A_310 = arith.constant 10000 : i32
      %lt3A_311 = vector.broadcast %lt3A_310 : i32 to vector<16xi32>
      %lt3A_312 = arith.cmpi slt, %add3A_309, %lt3A_311 : vector<16xi32>
      %jit3A_313 = arith.constant 0.000000e+00 : f32
      %broadcast_in_dim3A_314 = vector.broadcast %jit3A_313 : f32 to vector<16xf32>
      %select_n3A_315 = arith.select %lt3A_312, %exp3A_305, %broadcast_in_dim3A_314 : vector<16xi1>, vector<16xf32>
      %swap3A_316 = arith.constant 16 : index
      %swap3A_317 = tpu.vector_load %arg19[%swap3A_316] {strides = array<i32>} : memref<80xf32, #tpu.memory_space<vmem>>, vector<16xf32>,
      tpu.vector_store %arg19[%swap3A_316], %select_n3A_315 {strides = array<i32>} : memref<80xf32, #tpu.memory_space<vmem>>, vector<16xf32>,
      %get3A_318 = arith.constant 32 : index
      %get3A_319 = tpu.vector_load %arg15[%get3A_318] {strides = array<i32>} : memref<80xf32, #tpu.memory_space<vmem>>, vector<16xf32>,
      %get3A_320 = arith.constant 32 : index
      %get3A_321 = tpu.vector_load %arg17[%get3A_320] {strides = array<i32>} : memref<80xf32, #tpu.memory_space<vmem>>, vector<16xf32>,
      %add3A_322 = arith.addf %get3A_319, %get3A_321 : vector<16xf32>
      %gt3A_323 = arith.constant 0.000000e+00 : f32
      %gt3A_324 = vector.broadcast %gt3A_323 : f32 to vector<16xf32>
      %gt3A_325 = arith.cmpf ogt, %add3A_322, %gt3A_324 : vector<16xf32>
      %mul3A_326 = arith.constant 0.00999999977 : f32
      %mul3A_327 = vector.broadcast %mul3A_326 : f32 to vector<16xf32>
      %mul3A_328 = arith.mulf %add3A_322, %mul3A_327 : vector<16xf32>
      %select_n3A_329 = arith.select %gt3A_325, %add3A_322, %mul3A_328 : vector<16xi1>, vector<16xf32>
      %exp3A_330 = math.exp %select_n3A_329 : vector<16xf32>
      %add3A_331 = arith.constant 32 : i32
      %add3A_332 = arith.addi %mul3A_267, %add3A_331 : i32
      %add3A_333 = vector.broadcast %add3A_332 : i32 to vector<16xi32>
      %add3A_334 = arith.addi %iota3A, %add3A_333 : vector<16xi32>
      %lt3A_335 = arith.constant 10000 : i32
      %lt3A_336 = vector.broadcast %lt3A_335 : i32 to vector<16xi32>
      %lt3A_337 = arith.cmpi slt, %add3A_334, %lt3A_336 : vector<16xi32>
      %jit3A_338 = arith.constant 0.000000e+00 : f32
      %broadcast_in_dim3A_339 = vector.broadcast %jit3A_338 : f32 to vector<16xf32>
      %select_n3A_340 = arith.select %lt3A_337, %exp3A_330, %broadcast_in_dim3A_339 : vector<16xi1>, vector<16xf32>
      %swap3A_341 = arith.constant 32 : index
      %swap3A_342 = tpu.vector_load %arg19[%swap3A_341] {strides = array<i32>} : memref<80xf32, #tpu.memory_space<vmem>>, vector<16xf32>,
      tpu.vector_store %arg19[%swap3A_341], %select_n3A_340 {strides = array<i32>} : memref<80xf32, #tpu.memory_space<vmem>>, vector<16xf32>,
      %get3A_343 = arith.constant 48 : index
      %get3A_344 = tpu.vector_load %arg15[%get3A_343] {strides = array<i32>} : memref<80xf32, #tpu.memory_space<vmem>>, vector<16xf32>,
      %get3A_345 = arith.constant 48 : index
      %get3A_346 = tpu.vector_load %arg17[%get3A_345] {strides = array<i32>} : memref<80xf32, #tpu.memory_space<vmem>>, vector<16xf32>,
      %add3A_347 = arith.addf %get3A_344, %get3A_346 : vector<16xf32>
      %gt3A_348 = arith.constant 0.000000e+00 : f32
      %gt3A_349 = vector.broadcast %gt3A_348 : f32 to vector<16xf32>
      %gt3A_350 = arith.cmpf ogt, %add3A_347, %gt3A_349 : vector<16xf32>
      %mul3A_351 = arith.constant 0.00999999977 : f32
      %mul3A_352 = vector.broadcast %mul3A_351 : f32 to vector<16xf32>
      %mul3A_353 = arith.mulf %add3A_347, %mul3A_352 : vector<16xf32>
      %select_n3A_354 = arith.select %gt3A_350, %add3A_347, %mul3A_353 : vector<16xi1>, vector<16xf32>
      %exp3A_355 = math.exp %select_n3A_354 : vector<16xf32>
      %add3A_356 = arith.constant 48 : i32
      %add3A_357 = arith.addi %mul3A_267, %add3A_356 : i32
      %add3A_358 = vector.broadcast %add3A_357 : i32 to vector<16xi32>
      %add3A_359 = arith.addi %iota3A, %add3A_358 : vector<16xi32>
      %lt3A_360 = arith.constant 10000 : i32
      %lt3A_361 = vector.broadcast %lt3A_360 : i32 to vector<16xi32>
      %lt3A_362 = arith.cmpi slt, %add3A_359, %lt3A_361 : vector<16xi32>
      %jit3A_363 = arith.constant 0.000000e+00 : f32
      %broadcast_in_dim3A_364 = vector.broadcast %jit3A_363 : f32 to vector<16xf32>
      %select_n3A_365 = arith.select %lt3A_362, %exp3A_355, %broadcast_in_dim3A_364 : vector<16xi1>, vector<16xf32>
      %swap3A_366 = arith.constant 48 : index
      %swap3A_367 = tpu.vector_load %arg19[%swap3A_366] {strides = array<i32>} : memref<80xf32, #tpu.memory_space<vmem>>, vector<16xf32>,
      tpu.vector_store %arg19[%swap3A_366], %select_n3A_365 {strides = array<i32>} : memref<80xf32, #tpu.memory_space<vmem>>, vector<16xf32>,
      %get3A_368 = arith.constant 64 : index
      %get3A_369 = tpu.vector_load %arg15[%get3A_368] {strides = array<i32>} : memref<80xf32, #tpu.memory_space<vmem>>, vector<16xf32>,
      %get3A_370 = arith.constant 64 : index
      %get3A_371 = tpu.vector_load %arg17[%get3A_370] {strides = array<i32>} : memref<80xf32, #tpu.memory_space<vmem>>, vector<16xf32>,
      %add3A_372 = arith.addf %get3A_369, %get3A_371 : vector<16xf32>
      %gt3A_373 = arith.constant 0.000000e+00 : f32
      %gt3A_374 = vector.broadcast %gt3A_373 : f32 to vector<16xf32>
      %gt3A_375 = arith.cmpf ogt, %add3A_372, %gt3A_374 : vector<16xf32>
      %mul3A_376 = arith.constant 0.00999999977 : f32
      %mul3A_377 = vector.broadcast %mul3A_376 : f32 to vector<16xf32>
      %mul3A_378 = arith.mulf %add3A_372, %mul3A_377 : vector<16xf32>
      %select_n3A_379 = arith.select %gt3A_375, %add3A_372, %mul3A_378 : vector<16xi1>, vector<16xf32>
      %exp3A_380 = math.exp %select_n3A_379 : vector<16xf32>
      %add3A_381 = arith.constant 64 : i32
      %add3A_382 = arith.addi %mul3A_267, %add3A_381 : i32
      %add3A_383 = vector.broadcast %add3A_382 : i32 to vector<16xi32>
      %add3A_384 = arith.addi %iota3A, %add3A_383 : vector<16xi32>
      %lt3A_385 = arith.constant 10000 : i32
      %lt3A_386 = vector.broadcast %lt3A_385 : i32 to vector<16xi32>
      %lt3A_387 = arith.cmpi slt, %add3A_384, %lt3A_386 : vector<16xi32>
      %jit3A_388 = arith.constant 0.000000e+00 : f32
      %broadcast_in_dim3A_389 = vector.broadcast %jit3A_388 : f32 to vector<16xf32>
      %select_n3A_390 = arith.select %lt3A_387, %exp3A_380, %broadcast_in_dim3A_389 : vector<16xi1>, vector<16xf32>
      %swap3A_391 = arith.constant 64 : index
      %swap3A_392 = tpu.vector_load %arg19[%swap3A_391] {strides = array<i32>} : memref<80xf32, #tpu.memory_space<vmem>>, vector<16xf32>,
      tpu.vector_store %arg19[%swap3A_391], %select_n3A_390 {strides = array<i32>} : memref<80xf32, #tpu.memory_space<vmem>>, vector<16xf32>,
      %dma_wait3A_393 = arith.constant 0 : i32
      %dma_wait3A_394 = arith.constant 0 : i32
      %dma_wait3A_395 = tpu.memref_slice %arg6[%dma_wait3A_393, %dma_wait3A_394] : memref<10000x128xf32, #tpu.memory_space<hbm>> -> memref<80x128xf32, #tpu.memory_space<hbm>>
      %dma_wait3A_396 = arith.constant 0 : i32
      %dma_wait3A_397 = arith.constant 0 : i32
      %dma_wait3A_398 = tpu.memref_slice %arg6[%dma_wait3A_396, %dma_wait3A_397] : memref<10000x128xf32, #tpu.memory_space<hbm>> -> memref<80x128xf32, #tpu.memory_space<hbm>>
      tpu.wait_dma2 semaphore(%arg25 : memref<!tpu.dma_semaphore, #tpu.memory_space<semaphore_mem>>) src(%dma_wait3A_398 : memref<80x128xf32, #tpu.memory_space<hbm>>) dst(%arg21 : memref<80x128xf32, #tpu.memory_space<vmem>>)
      %dma_wait3A_399 = arith.constant 0 : i32
      %dma_wait3A_400 = arith.constant 0 : i32
      %dma_wait3A_401 = tpu.memref_slice %arg6[%dma_wait3A_399, %dma_wait3A_400] : memref<10000x128xf32, #tpu.memory_space<hbm>> -> memref<80x128xf32, #tpu.memory_space<hbm>>
      %dma_wait3A_402 = arith.constant 0 : i32
      %dma_wait3A_403 = arith.constant 0 : i32
      %dma_wait3A_404 = tpu.memref_slice %arg6[%dma_wait3A_402, %dma_wait3A_403] : memref<10000x128xf32, #tpu.memory_space<hbm>> -> memref<80x128xf32, #tpu.memory_space<hbm>>
      tpu.wait_dma2 semaphore(%arg28 : memref<!tpu.dma_semaphore, #tpu.memory_space<semaphore_mem>>) src(%arg20 : memref<80x128xf32, #tpu.memory_space<vmem>>) dst(%dma_wait3A_404 : memref<80x128xf32, #tpu.memory_space<hbm>>)
      %dma_wait3A_405 = arith.constant 0 : i32
      %dma_wait3A_406 = tpu.memref_slice %arg4[%dma_wait3A_405] : memref<10000xf32, #tpu.memory_space<hbm>> -> memref<80xf32, #tpu.memory_space<hbm>>
      %dma_wait3A_407 = arith.constant 0 : i32
      %dma_wait3A_408 = tpu.memref_slice %arg4[%dma_wait3A_407] : memref<10000xf32, #tpu.memory_space<hbm>> -> memref<80xf32, #tpu.memory_space<hbm>>
      tpu.wait_dma2 semaphore(%arg30 : memref<!tpu.dma_semaphore, #tpu.memory_space<semaphore_mem>>) src(%arg18 : memref<80xf32, #tpu.memory_space<vmem>>) dst(%dma_wait3A_408 : memref<80xf32, #tpu.memory_space<hbm>>)
      %add3A_409 = arith.constant 1 : i32
      %add3A_410 = arith.addi %add3A_245, %add3A_409 : i32
      %mul3A_411 = arith.constant 80 : i32
      %mul3A_412 = arith.muli %add3A_410, %mul3A_411 : i32
      %dma_start3A_413 = tpu.memref_slice %arg12[%mul3A_412] : memref<10080xi32, #tpu.memory_space<vmem>> -> memref<80xi32, #tpu.memory_space<vmem>>
      %dma_start3A_414 = arith.constant 0 : i32
      %dma_start3A_415 = arith.constant 0 : i32
      %dma_start3A_416 = tpu.memref_slice %arg6[%dma_start3A_414, %dma_start3A_415] : memref<10000x128xf32, #tpu.memory_space<hbm>> -> memref<10000x128xf32, #tpu.memory_space<hbm>>
      tpu.enqueue_indirect_dma source(%dma_start3A_416 : memref<10000x128xf32, #tpu.memory_space<hbm>>) target(%arg20 : memref<80x128xf32, #tpu.memory_space<vmem>>) offsets(%dma_start3A_413 : memref<80xi32, #tpu.memory_space<vmem>>) semaphore(%arg24 : memref<!tpu.dma_semaphore, #tpu.memory_space<semaphore_mem>>)
      %scan3A_417 = arith.constant 0 : i32
      %scan3A_418 = arith.constant 0 : i32
      %scan3A_419 = arith.constant 10 : i32
      %scan3A_420 = arith.addi %scan3A_418, %scan3A_419 : i32
      %scan3A_421 = arith.constant 1 : i32
      scf.for %scan3A_626 = %scan3A_418 to %scan3A_420 step %scan3A_421  : i32 {
        %mul3A_627 = arith.constant 8 : i32
        %mul3A_628 = arith.muli %scan3A_626, %mul3A_627 : i32
        %add3A_629 = arith.constant 0 : i32
        %add3A_630 = arith.addi %mul3A_628, %add3A_629 : i32
        %add3A_631 = vector.broadcast %add3A_630 : i32 to vector<16xi32>
        %add3A_632 = arith.addi %broadcast_in_dim3A_12, %add3A_631 : vector<16xi32>
        %gather3A = tpu.vector_load_idx %arg19[%add3A_632] : memref<80xf32, #tpu.memory_space<vmem>>[vector<16xi32>], vector<16xf32>,
        %get3A_633 = arith.index_cast %add3A_630 : i32 to index
        %get3A_634 = arith.constant 0 : index
        %get3A_635 = tpu.vector_load %arg21[%get3A_633, %get3A_634] {strides = array<i32>} : memref<80x128xf32, #tpu.memory_space<vmem>>, vector<16xf32>,
        %mul3A_636 = arith.mulf %get3A_635, %gather3A : vector<16xf32>
        %swap3A_637 = arith.index_cast %add3A_630 : i32 to index
        %swap3A_638 = arith.constant 0 : index
        %swap3A_639 = tpu.vector_load %arg21[%swap3A_637, %swap3A_638] {strides = array<i32>} : memref<80x128xf32, #tpu.memory_space<vmem>>, vector<16xf32>,
        tpu.vector_store %arg21[%swap3A_637, %swap3A_638], %mul3A_636 {strides = array<i32>} : memref<80x128xf32, #tpu.memory_space<vmem>>, vector<16xf32>,
        %get3A_640 = arith.index_cast %add3A_630 : i32 to index
        %get3A_641 = arith.constant 16 : index
        %get3A_642 = tpu.vector_load %arg21[%get3A_640, %get3A_641] {strides = array<i32>} : memref<80x128xf32, #tpu.memory_space<vmem>>, vector<16xf32>,
        %mul3A_643 = arith.mulf %get3A_642, %gather3A : vector<16xf32>
        %swap3A_644 = arith.index_cast %add3A_630 : i32 to index
        %swap3A_645 = arith.constant 16 : index
        %swap3A_646 = tpu.vector_load %arg21[%swap3A_644, %swap3A_645] {strides = array<i32>} : memref<80x128xf32, #tpu.memory_space<vmem>>, vector<16xf32>,
        tpu.vector_store %arg21[%swap3A_644, %swap3A_645], %mul3A_643 {strides = array<i32>} : memref<80x128xf32, #tpu.memory_space<vmem>>, vector<16xf32>,
        %get3A_647 = arith.index_cast %add3A_630 : i32 to index
        %get3A_648 = arith.constant 32 : index
        %get3A_649 = tpu.vector_load %arg21[%get3A_647, %get3A_648] {strides = array<i32>} : memref<80x128xf32, #tpu.memory_space<vmem>>, vector<16xf32>,
        %mul3A_650 = arith.mulf %get3A_649, %gather3A : vector<16xf32>
        %swap3A_651 = arith.index_cast %add3A_630 : i32 to index
        %swap3A_652 = arith.constant 32 : index
        %swap3A_653 = tpu.vector_load %arg21[%swap3A_651, %swap3A_652] {strides = array<i32>} : memref<80x128xf32, #tpu.memory_space<vmem>>, vector<16xf32>,
        tpu.vector_store %arg21[%swap3A_651, %swap3A_652], %mul3A_650 {strides = array<i32>} : memref<80x128xf32, #tpu.memory_space<vmem>>, vector<16xf32>,
        %get3A_654 = arith.index_cast %add3A_630 : i32 to index
        %get3A_655 = arith.constant 48 : index
        %get3A_656 = tpu.vector_load %arg21[%get3A_654, %get3A_655] {strides = array<i32>} : memref<80x128xf32, #tpu.memory_space<vmem>>, vector<16xf32>,
        %mul3A_657 = arith.mulf %get3A_656, %gather3A : vector<16xf32>
        %swap3A_658 = arith.index_cast %add3A_630 : i32 to index
        %swap3A_659 = arith.constant 48 : index
        %swap3A_660 = tpu.vector_load %arg21[%swap3A_658, %swap3A_659] {strides = array<i32>} : memref<80x128xf32, #tpu.memory_space<vmem>>, vector<16xf32>,
        tpu.vector_store %arg21[%swap3A_658, %swap3A_659], %mul3A_657 {strides = array<i32>} : memref<80x128xf32, #tpu.memory_space<vmem>>, vector<16xf32>,
        %get3A_661 = arith.index_cast %add3A_630 : i32 to index
        %get3A_662 = arith.constant 64 : index
        %get3A_663 = tpu.vector_load %arg21[%get3A_661, %get3A_662] {strides = array<i32>} : memref<80x128xf32, #tpu.memory_space<vmem>>, vector<16xf32>,
        %mul3A_664 = arith.mulf %get3A_663, %gather3A : vector<16xf32>
        %swap3A_665 = arith.index_cast %add3A_630 : i32 to index
        %swap3A_666 = arith.constant 64 : index
        %swap3A_667 = tpu.vector_load %arg21[%swap3A_665, %swap3A_666] {strides = array<i32>} : memref<80x128xf32, #tpu.memory_space<vmem>>, vector<16xf32>,
        tpu.vector_store %arg21[%swap3A_665, %swap3A_666], %mul3A_664 {strides = array<i32>} : memref<80x128xf32, #tpu.memory_space<vmem>>, vector<16xf32>,
        %get3A_668 = arith.index_cast %add3A_630 : i32 to index
        %get3A_669 = arith.constant 80 : index
        %get3A_670 = tpu.vector_load %arg21[%get3A_668, %get3A_669] {strides = array<i32>} : memref<80x128xf32, #tpu.memory_space<vmem>>, vector<16xf32>,
        %mul3A_671 = arith.mulf %get3A_670, %gather3A : vector<16xf32>
        %swap3A_672 = arith.index_cast %add3A_630 : i32 to index
        %swap3A_673 = arith.constant 80 : index
        %swap3A_674 = tpu.vector_load %arg21[%swap3A_672, %swap3A_673] {strides = array<i32>} : memref<80x128xf32, #tpu.memory_space<vmem>>, vector<16xf32>,
        tpu.vector_store %arg21[%swap3A_672, %swap3A_673], %mul3A_671 {strides = array<i32>} : memref<80x128xf32, #tpu.memory_space<vmem>>, vector<16xf32>,
        %get3A_675 = arith.index_cast %add3A_630 : i32 to index
        %get3A_676 = arith.constant 96 : index
        %get3A_677 = tpu.vector_load %arg21[%get3A_675, %get3A_676] {strides = array<i32>} : memref<80x128xf32, #tpu.memory_space<vmem>>, vector<16xf32>,
        %mul3A_678 = arith.mulf %get3A_677, %gather3A : vector<16xf32>
        %swap3A_679 = arith.index_cast %add3A_630 : i32 to index
        %swap3A_680 = arith.constant 96 : index
        %swap3A_681 = tpu.vector_load %arg21[%swap3A_679, %swap3A_680] {strides = array<i32>} : memref<80x128xf32, #tpu.memory_space<vmem>>, vector<16xf32>,
        tpu.vector_store %arg21[%swap3A_679, %swap3A_680], %mul3A_678 {strides = array<i32>} : memref<80x128xf32, #tpu.memory_space<vmem>>, vector<16xf32>,
        %get3A_682 = arith.index_cast %add3A_630 : i32 to index
        %get3A_683 = arith.constant 112 : index
        %get3A_684 = tpu.vector_load %arg21[%get3A_682, %get3A_683] {strides = array<i32>} : memref<80x128xf32, #tpu.memory_space<vmem>>, vector<16xf32>,
        %mul3A_685 = arith.mulf %get3A_684, %gather3A : vector<16xf32>
        %swap3A_686 = arith.index_cast %add3A_630 : i32 to index
        %swap3A_687 = arith.constant 112 : index
        %swap3A_688 = tpu.vector_load %arg21[%swap3A_686, %swap3A_687] {strides = array<i32>} : memref<80x128xf32, #tpu.memory_space<vmem>>, vector<16xf32>,
        tpu.vector_store %arg21[%swap3A_686, %swap3A_687], %mul3A_685 {strides = array<i32>} : memref<80x128xf32, #tpu.memory_space<vmem>>, vector<16xf32>,
        %add3A_689 = arith.constant 1 : i32
        %add3A_690 = arith.addi %mul3A_628, %add3A_689 : i32
        %add3A_691 = vector.broadcast %add3A_690 : i32 to vector<16xi32>
        %add3A_692 = arith.addi %broadcast_in_dim3A_12, %add3A_691 : vector<16xi32>
        %gather3A_693 = tpu.vector_load_idx %arg19[%add3A_692] : memref<80xf32, #tpu.memory_space<vmem>>[vector<16xi32>], vector<16xf32>,
        %get3A_694 = arith.index_cast %add3A_690 : i32 to index
        %get3A_695 = arith.constant 0 : index
        %get3A_696 = tpu.vector_load %arg21[%get3A_694, %get3A_695] {strides = array<i32>} : memref<80x128xf32, #tpu.memory_space<vmem>>, vector<16xf32>,
        %mul3A_697 = arith.mulf %get3A_696, %gather3A_693 : vector<16xf32>
        %swap3A_698 = arith.index_cast %add3A_690 : i32 to index
        %swap3A_699 = arith.constant 0 : index
        %swap3A_700 = tpu.vector_load %arg21[%swap3A_698, %swap3A_699] {strides = array<i32>} : memref<80x128xf32, #tpu.memory_space<vmem>>, vector<16xf32>,
        tpu.vector_store %arg21[%swap3A_698, %swap3A_699], %mul3A_697 {strides = array<i32>} : memref<80x128xf32, #tpu.memory_space<vmem>>, vector<16xf32>,
        %get3A_701 = arith.index_cast %add3A_690 : i32 to index
        %get3A_702 = arith.constant 16 : index
        %get3A_703 = tpu.vector_load %arg21[%get3A_701, %get3A_702] {strides = array<i32>} : memref<80x128xf32, #tpu.memory_space<vmem>>, vector<16xf32>,
        %mul3A_704 = arith.mulf %get3A_703, %gather3A_693 : vector<16xf32>
        %swap3A_705 = arith.index_cast %add3A_690 : i32 to index
        %swap3A_706 = arith.constant 16 : index
        %swap3A_707 = tpu.vector_load %arg21[%swap3A_705, %swap3A_706] {strides = array<i32>} : memref<80x128xf32, #tpu.memory_space<vmem>>, vector<16xf32>,
        tpu.vector_store %arg21[%swap3A_705, %swap3A_706], %mul3A_704 {strides = array<i32>} : memref<80x128xf32, #tpu.memory_space<vmem>>, vector<16xf32>,
        %get3A_708 = arith.index_cast %add3A_690 : i32 to index
        %get3A_709 = arith.constant 32 : index
        %get3A_710 = tpu.vector_load %arg21[%get3A_708, %get3A_709] {strides = array<i32>} : memref<80x128xf32, #tpu.memory_space<vmem>>, vector<16xf32>,
        %mul3A_711 = arith.mulf %get3A_710, %gather3A_693 : vector<16xf32>
        %swap3A_712 = arith.index_cast %add3A_690 : i32 to index
        %swap3A_713 = arith.constant 32 : index
        %swap3A_714 = tpu.vector_load %arg21[%swap3A_712, %swap3A_713] {strides = array<i32>} : memref<80x128xf32, #tpu.memory_space<vmem>>, vector<16xf32>,
        tpu.vector_store %arg21[%swap3A_712, %swap3A_713], %mul3A_711 {strides = array<i32>} : memref<80x128xf32, #tpu.memory_space<vmem>>, vector<16xf32>,
        %get3A_715 = arith.index_cast %add3A_690 : i32 to index
        %get3A_716 = arith.constant 48 : index
        %get3A_717 = tpu.vector_load %arg21[%get3A_715, %get3A_716] {strides = array<i32>} : memref<80x128xf32, #tpu.memory_space<vmem>>, vector<16xf32>,
        %mul3A_718 = arith.mulf %get3A_717, %gather3A_693 : vector<16xf32>
        %swap3A_719 = arith.index_cast %add3A_690 : i32 to index
        %swap3A_720 = arith.constant 48 : index
        %swap3A_721 = tpu.vector_load %arg21[%swap3A_719, %swap3A_720] {strides = array<i32>} : memref<80x128xf32, #tpu.memory_space<vmem>>, vector<16xf32>,
        tpu.vector_store %arg21[%swap3A_719, %swap3A_720], %mul3A_718 {strides = array<i32>} : memref<80x128xf32, #tpu.memory_space<vmem>>, vector<16xf32>,
        %get3A_722 = arith.index_cast %add3A_690 : i32 to index
        %get3A_723 = arith.constant 64 : index
        %get3A_724 = tpu.vector_load %arg21[%get3A_722, %get3A_723] {strides = array<i32>} : memref<80x128xf32, #tpu.memory_space<vmem>>, vector<16xf32>,
        %mul3A_725 = arith.mulf %get3A_724, %gather3A_693 : vector<16xf32>
        %swap3A_726 = arith.index_cast %add3A_690 : i32 to index
        %swap3A_727 = arith.constant 64 : index
        %swap3A_728 = tpu.vector_load %arg21[%swap3A_726, %swap3A_727] {strides = array<i32>} : memref<80x128xf32, #tpu.memory_space<vmem>>, vector<16xf32>,
        tpu.vector_store %arg21[%swap3A_726, %swap3A_727], %mul3A_725 {strides = array<i32>} : memref<80x128xf32, #tpu.memory_space<vmem>>, vector<16xf32>,
        %get3A_729 = arith.index_cast %add3A_690 : i32 to index
        %get3A_730 = arith.constant 80 : index
        %get3A_731 = tpu.vector_load %arg21[%get3A_729, %get3A_730] {strides = array<i32>} : memref<80x128xf32, #tpu.memory_space<vmem>>, vector<16xf32>,
        %mul3A_732 = arith.mulf %get3A_731, %gather3A_693 : vector<16xf32>
        %swap3A_733 = arith.index_cast %add3A_690 : i32 to index
        %swap3A_734 = arith.constant 80 : index
        %swap3A_735 = tpu.vector_load %arg21[%swap3A_733, %swap3A_734] {strides = array<i32>} : memref<80x128xf32, #tpu.memory_space<vmem>>, vector<16xf32>,
        tpu.vector_store %arg21[%swap3A_733, %swap3A_734], %mul3A_732 {strides = array<i32>} : memref<80x128xf32, #tpu.memory_space<vmem>>, vector<16xf32>,
        %get3A_736 = arith.index_cast %add3A_690 : i32 to index
        %get3A_737 = arith.constant 96 : index
        %get3A_738 = tpu.vector_load %arg21[%get3A_736, %get3A_737] {strides = array<i32>} : memref<80x128xf32, #tpu.memory_space<vmem>>, vector<16xf32>,
        %mul3A_739 = arith.mulf %get3A_738, %gather3A_693 : vector<16xf32>
        %swap3A_740 = arith.index_cast %add3A_690 : i32 to index
        %swap3A_741 = arith.constant 96 : index
        %swap3A_742 = tpu.vector_load %arg21[%swap3A_740, %swap3A_741] {strides = array<i32>} : memref<80x128xf32, #tpu.memory_space<vmem>>, vector<16xf32>,
        tpu.vector_store %arg21[%swap3A_740, %swap3A_741], %mul3A_739 {strides = array<i32>} : memref<80x128xf32, #tpu.memory_space<vmem>>, vector<16xf32>,
        %get3A_743 = arith.index_cast %add3A_690 : i32 to index
        %get3A_744 = arith.constant 112 : index
        %get3A_745 = tpu.vector_load %arg21[%get3A_743, %get3A_744] {strides = array<i32>} : memref<80x128xf32, #tpu.memory_space<vmem>>, vector<16xf32>,
        %mul3A_746 = arith.mulf %get3A_745, %gather3A_693 : vector<16xf32>
        %swap3A_747 = arith.index_cast %add3A_690 : i32 to index
        %swap3A_748 = arith.constant 112 : index
        %swap3A_749 = tpu.vector_load %arg21[%swap3A_747, %swap3A_748] {strides = array<i32>} : memref<80x128xf32, #tpu.memory_space<vmem>>, vector<16xf32>,
        tpu.vector_store %arg21[%swap3A_747, %swap3A_748], %mul3A_746 {strides = array<i32>} : memref<80x128xf32, #tpu.memory_space<vmem>>, vector<16xf32>,
        %add3A_750 = arith.constant 2 : i32
        %add3A_751 = arith.addi %mul3A_628, %add3A_750 : i32
        %add3A_752 = vector.broadcast %add3A_751 : i32 to vector<16xi32>
        %add3A_753 = arith.addi %broadcast_in_dim3A_12, %add3A_752 : vector<16xi32>
        %gather3A_754 = tpu.vector_load_idx %arg19[%add3A_753] : memref<80xf32, #tpu.memory_space<vmem>>[vector<16xi32>], vector<16xf32>,
        %get3A_755 = arith.index_cast %add3A_751 : i32 to index
        %get3A_756 = arith.constant 0 : index
        %get3A_757 = tpu.vector_load %arg21[%get3A_755, %get3A_756] {strides = array<i32>} : memref<80x128xf32, #tpu.memory_space<vmem>>, vector<16xf32>,
        %mul3A_758 = arith.mulf %get3A_757, %gather3A_754 : vector<16xf32>
        %swap3A_759 = arith.index_cast %add3A_751 : i32 to index
        %swap3A_760 = arith.constant 0 : index
        %swap3A_761 = tpu.vector_load %arg21[%swap3A_759, %swap3A_760] {strides = array<i32>} : memref<80x128xf32, #tpu.memory_space<vmem>>, vector<16xf32>,
        tpu.vector_store %arg21[%swap3A_759, %swap3A_760], %mul3A_758 {strides = array<i32>} : memref<80x128xf32, #tpu.memory_space<vmem>>, vector<16xf32>,
        %get3A_762 = arith.index_cast %add3A_751 : i32 to index
        %get3A_763 = arith.constant 16 : index
        %get3A_764 = tpu.vector_load %arg21[%get3A_762, %get3A_763] {strides = array<i32>} : memref<80x128xf32, #tpu.memory_space<vmem>>, vector<16xf32>,
        %mul3A_765 = arith.mulf %get3A_764, %gather3A_754 : vector<16xf32>
        %swap3A_766 = arith.index_cast %add3A_751 : i32 to index
        %swap3A_767 = arith.constant 16 : index
        %swap3A_768 = tpu.vector_load %arg21[%swap3A_766, %swap3A_767] {strides = array<i32>} : memref<80x128xf32, #tpu.memory_space<vmem>>, vector<16xf32>,
        tpu.vector_store %arg21[%swap3A_766, %swap3A_767], %mul3A_765 {strides = array<i32>} : memref<80x128xf32, #tpu.memory_space<vmem>>, vector<16xf32>,
        %get3A_769 = arith.index_cast %add3A_751 : i32 to index
        %get3A_770 = arith.constant 32 : index
        %get3A_771 = tpu.vector_load %arg21[%get3A_769, %get3A_770] {strides = array<i32>} : memref<80x128xf32, #tpu.memory_space<vmem>>, vector<16xf32>,
        %mul3A_772 = arith.mulf %get3A_771, %gather3A_754 : vector<16xf32>
        %swap3A_773 = arith.index_cast %add3A_751 : i32 to index
        %swap3A_774 = arith.constant 32 : index
        %swap3A_775 = tpu.vector_load %arg21[%swap3A_773, %swap3A_774] {strides = array<i32>} : memref<80x128xf32, #tpu.memory_space<vmem>>, vector<16xf32>,
        tpu.vector_store %arg21[%swap3A_773, %swap3A_774], %mul3A_772 {strides = array<i32>} : memref<80x128xf32, #tpu.memory_space<vmem>>, vector<16xf32>,
        %get3A_776 = arith.index_cast %add3A_751 : i32 to index
        %get3A_777 = arith.constant 48 : index
        %get3A_778 = tpu.vector_load %arg21[%get3A_776, %get3A_777] {strides = array<i32>} : memref<80x128xf32, #tpu.memory_space<vmem>>, vector<16xf32>,
        %mul3A_779 = arith.mulf %get3A_778, %gather3A_754 : vector<16xf32>
        %swap3A_780 = arith.index_cast %add3A_751 : i32 to index
        %swap3A_781 = arith.constant 48 : index
        %swap3A_782 = tpu.vector_load %arg21[%swap3A_780, %swap3A_781] {strides = array<i32>} : memref<80x128xf32, #tpu.memory_space<vmem>>, vector<16xf32>,
        tpu.vector_store %arg21[%swap3A_780, %swap3A_781], %mul3A_779 {strides = array<i32>} : memref<80x128xf32, #tpu.memory_space<vmem>>, vector<16xf32>,
        %get3A_783 = arith.index_cast %add3A_751 : i32 to index
        %get3A_784 = arith.constant 64 : index
        %get3A_785 = tpu.vector_load %arg21[%get3A_783, %get3A_784] {strides = array<i32>} : memref<80x128xf32, #tpu.memory_space<vmem>>, vector<16xf32>,
        %mul3A_786 = arith.mulf %get3A_785, %gather3A_754 : vector<16xf32>
        %swap3A_787 = arith.index_cast %add3A_751 : i32 to index
        %swap3A_788 = arith.constant 64 : index
        %swap3A_789 = tpu.vector_load %arg21[%swap3A_787, %swap3A_788] {strides = array<i32>} : memref<80x128xf32, #tpu.memory_space<vmem>>, vector<16xf32>,
        tpu.vector_store %arg21[%swap3A_787, %swap3A_788], %mul3A_786 {strides = array<i32>} : memref<80x128xf32, #tpu.memory_space<vmem>>, vector<16xf32>,
        %get3A_790 = arith.index_cast %add3A_751 : i32 to index
        %get3A_791 = arith.constant 80 : index
        %get3A_792 = tpu.vector_load %arg21[%get3A_790, %get3A_791] {strides = array<i32>} : memref<80x128xf32, #tpu.memory_space<vmem>>, vector<16xf32>,
        %mul3A_793 = arith.mulf %get3A_792, %gather3A_754 : vector<16xf32>
        %swap3A_794 = arith.index_cast %add3A_751 : i32 to index
        %swap3A_795 = arith.constant 80 : index
        %swap3A_796 = tpu.vector_load %arg21[%swap3A_794, %swap3A_795] {strides = array<i32>} : memref<80x128xf32, #tpu.memory_space<vmem>>, vector<16xf32>,
        tpu.vector_store %arg21[%swap3A_794, %swap3A_795], %mul3A_793 {strides = array<i32>} : memref<80x128xf32, #tpu.memory_space<vmem>>, vector<16xf32>,
        %get3A_797 = arith.index_cast %add3A_751 : i32 to index
        %get3A_798 = arith.constant 96 : index
        %get3A_799 = tpu.vector_load %arg21[%get3A_797, %get3A_798] {strides = array<i32>} : memref<80x128xf32, #tpu.memory_space<vmem>>, vector<16xf32>,
        %mul3A_800 = arith.mulf %get3A_799, %gather3A_754 : vector<16xf32>
        %swap3A_801 = arith.index_cast %add3A_751 : i32 to index
        %swap3A_802 = arith.constant 96 : index
        %swap3A_803 = tpu.vector_load %arg21[%swap3A_801, %swap3A_802] {strides = array<i32>} : memref<80x128xf32, #tpu.memory_space<vmem>>, vector<16xf32>,
        tpu.vector_store %arg21[%swap3A_801, %swap3A_802], %mul3A_800 {strides = array<i32>} : memref<80x128xf32, #tpu.memory_space<vmem>>, vector<16xf32>,
        %get3A_804 = arith.index_cast %add3A_751 : i32 to index
        %get3A_805 = arith.constant 112 : index
        %get3A_806 = tpu.vector_load %arg21[%get3A_804, %get3A_805] {strides = array<i32>} : memref<80x128xf32, #tpu.memory_space<vmem>>, vector<16xf32>,
        %mul3A_807 = arith.mulf %get3A_806, %gather3A_754 : vector<16xf32>
        %swap3A_808 = arith.index_cast %add3A_751 : i32 to index
        %swap3A_809 = arith.constant 112 : index
        %swap3A_810 = tpu.vector_load %arg21[%swap3A_808, %swap3A_809] {strides = array<i32>} : memref<80x128xf32, #tpu.memory_space<vmem>>, vector<16xf32>,
        tpu.vector_store %arg21[%swap3A_808, %swap3A_809], %mul3A_807 {strides = array<i32>} : memref<80x128xf32, #tpu.memory_space<vmem>>, vector<16xf32>,
        %add3A_811 = arith.constant 3 : i32
        %add3A_812 = arith.addi %mul3A_628, %add3A_811 : i32
        %add3A_813 = vector.broadcast %add3A_812 : i32 to vector<16xi32>
        %add3A_814 = arith.addi %broadcast_in_dim3A_12, %add3A_813 : vector<16xi32>
        %gather3A_815 = tpu.vector_load_idx %arg19[%add3A_814] : memref<80xf32, #tpu.memory_space<vmem>>[vector<16xi32>], vector<16xf32>,
        %get3A_816 = arith.index_cast %add3A_812 : i32 to index
        %get3A_817 = arith.constant 0 : index
        %get3A_818 = tpu.vector_load %arg21[%get3A_816, %get3A_817] {strides = array<i32>} : memref<80x128xf32, #tpu.memory_space<vmem>>, vector<16xf32>,
        %mul3A_819 = arith.mulf %get3A_818, %gather3A_815 : vector<16xf32>
        %swap3A_820 = arith.index_cast %add3A_812 : i32 to index
        %swap3A_821 = arith.constant 0 : index
        %swap3A_822 = tpu.vector_load %arg21[%swap3A_820, %swap3A_821] {strides = array<i32>} : memref<80x128xf32, #tpu.memory_space<vmem>>, vector<16xf32>,
        tpu.vector_store %arg21[%swap3A_820, %swap3A_821], %mul3A_819 {strides = array<i32>} : memref<80x128xf32, #tpu.memory_space<vmem>>, vector<16xf32>,
        %get3A_823 = arith.index_cast %add3A_812 : i32 to index
        %get3A_824 = arith.constant 16 : index
        %get3A_825 = tpu.vector_load %arg21[%get3A_823, %get3A_824] {strides = array<i32>} : memref<80x128xf32, #tpu.memory_space<vmem>>, vector<16xf32>,
        %mul3A_826 = arith.mulf %get3A_825, %gather3A_815 : vector<16xf32>
        %swap3A_827 = arith.index_cast %add3A_812 : i32 to index
        %swap3A_828 = arith.constant 16 : index
        %swap3A_829 = tpu.vector_load %arg21[%swap3A_827, %swap3A_828] {strides = array<i32>} : memref<80x128xf32, #tpu.memory_space<vmem>>, vector<16xf32>,
        tpu.vector_store %arg21[%swap3A_827, %swap3A_828], %mul3A_826 {strides = array<i32>} : memref<80x128xf32, #tpu.memory_space<vmem>>, vector<16xf32>,
        %get3A_830 = arith.index_cast %add3A_812 : i32 to index
        %get3A_831 = arith.constant 32 : index
        %get3A_832 = tpu.vector_load %arg21[%get3A_830, %get3A_831] {strides = array<i32>} : memref<80x128xf32, #tpu.memory_space<vmem>>, vector<16xf32>,
        %mul3A_833 = arith.mulf %get3A_832, %gather3A_815 : vector<16xf32>
        %swap3A_834 = arith.index_cast %add3A_812 : i32 to index
        %swap3A_835 = arith.constant 32 : index
        %swap3A_836 = tpu.vector_load %arg21[%swap3A_834, %swap3A_835] {strides = array<i32>} : memref<80x128xf32, #tpu.memory_space<vmem>>, vector<16xf32>,
        tpu.vector_store %arg21[%swap3A_834, %swap3A_835], %mul3A_833 {strides = array<i32>} : memref<80x128xf32, #tpu.memory_space<vmem>>, vector<16xf32>,
        %get3A_837 = arith.index_cast %add3A_812 : i32 to index
        %get3A_838 = arith.constant 48 : index
        %get3A_839 = tpu.vector_load %arg21[%get3A_837, %get3A_838] {strides = array<i32>} : memref<80x128xf32, #tpu.memory_space<vmem>>, vector<16xf32>,
        %mul3A_840 = arith.mulf %get3A_839, %gather3A_815 : vector<16xf32>
        %swap3A_841 = arith.index_cast %add3A_812 : i32 to index
        %swap3A_842 = arith.constant 48 : index
        %swap3A_843 = tpu.vector_load %arg21[%swap3A_841, %swap3A_842] {strides = array<i32>} : memref<80x128xf32, #tpu.memory_space<vmem>>, vector<16xf32>,
        tpu.vector_store %arg21[%swap3A_841, %swap3A_842], %mul3A_840 {strides = array<i32>} : memref<80x128xf32, #tpu.memory_space<vmem>>, vector<16xf32>,
        %get3A_844 = arith.index_cast %add3A_812 : i32 to index
        %get3A_845 = arith.constant 64 : index
        %get3A_846 = tpu.vector_load %arg21[%get3A_844, %get3A_845] {strides = array<i32>} : memref<80x128xf32, #tpu.memory_space<vmem>>, vector<16xf32>,
        %mul3A_847 = arith.mulf %get3A_846, %gather3A_815 : vector<16xf32>
        %swap3A_848 = arith.index_cast %add3A_812 : i32 to index
        %swap3A_849 = arith.constant 64 : index
        %swap3A_850 = tpu.vector_load %arg21[%swap3A_848, %swap3A_849] {strides = array<i32>} : memref<80x128xf32, #tpu.memory_space<vmem>>, vector<16xf32>,
        tpu.vector_store %arg21[%swap3A_848, %swap3A_849], %mul3A_847 {strides = array<i32>} : memref<80x128xf32, #tpu.memory_space<vmem>>, vector<16xf32>,
        %get3A_851 = arith.index_cast %add3A_812 : i32 to index
        %get3A_852 = arith.constant 80 : index
        %get3A_853 = tpu.vector_load %arg21[%get3A_851, %get3A_852] {strides = array<i32>} : memref<80x128xf32, #tpu.memory_space<vmem>>, vector<16xf32>,
        %mul3A_854 = arith.mulf %get3A_853, %gather3A_815 : vector<16xf32>
        %swap3A_855 = arith.index_cast %add3A_812 : i32 to index
        %swap3A_856 = arith.constant 80 : index
        %swap3A_857 = tpu.vector_load %arg21[%swap3A_855, %swap3A_856] {strides = array<i32>} : memref<80x128xf32, #tpu.memory_space<vmem>>, vector<16xf32>,
        tpu.vector_store %arg21[%swap3A_855, %swap3A_856], %mul3A_854 {strides = array<i32>} : memref<80x128xf32, #tpu.memory_space<vmem>>, vector<16xf32>,
        %get3A_858 = arith.index_cast %add3A_812 : i32 to index
        %get3A_859 = arith.constant 96 : index
        %get3A_860 = tpu.vector_load %arg21[%get3A_858, %get3A_859] {strides = array<i32>} : memref<80x128xf32, #tpu.memory_space<vmem>>, vector<16xf32>,
        %mul3A_861 = arith.mulf %get3A_860, %gather3A_815 : vector<16xf32>
        %swap3A_862 = arith.index_cast %add3A_812 : i32 to index
        %swap3A_863 = arith.constant 96 : index
        %swap3A_864 = tpu.vector_load %arg21[%swap3A_862, %swap3A_863] {strides = array<i32>} : memref<80x128xf32, #tpu.memory_space<vmem>>, vector<16xf32>,
        tpu.vector_store %arg21[%swap3A_862, %swap3A_863], %mul3A_861 {strides = array<i32>} : memref<80x128xf32, #tpu.memory_space<vmem>>, vector<16xf32>,
        %get3A_865 = arith.index_cast %add3A_812 : i32 to index
        %get3A_866 = arith.constant 112 : index
        %get3A_867 = tpu.vector_load %arg21[%get3A_865, %get3A_866] {strides = array<i32>} : memref<80x128xf32, #tpu.memory_space<vmem>>, vector<16xf32>,
        %mul3A_868 = arith.mulf %get3A_867, %gather3A_815 : vector<16xf32>
        %swap3A_869 = arith.index_cast %add3A_812 : i32 to index
        %swap3A_870 = arith.constant 112 : index
        %swap3A_871 = tpu.vector_load %arg21[%swap3A_869, %swap3A_870] {strides = array<i32>} : memref<80x128xf32, #tpu.memory_space<vmem>>, vector<16xf32>,
        tpu.vector_store %arg21[%swap3A_869, %swap3A_870], %mul3A_868 {strides = array<i32>} : memref<80x128xf32, #tpu.memory_space<vmem>>, vector<16xf32>,
        %add3A_872 = arith.constant 4 : i32
        %add3A_873 = arith.addi %mul3A_628, %add3A_872 : i32
        %add3A_874 = vector.broadcast %add3A_873 : i32 to vector<16xi32>
        %add3A_875 = arith.addi %broadcast_in_dim3A_12, %add3A_874 : vector<16xi32>
        %gather3A_876 = tpu.vector_load_idx %arg19[%add3A_875] : memref<80xf32, #tpu.memory_space<vmem>>[vector<16xi32>], vector<16xf32>,
        %get3A_877 = arith.index_cast %add3A_873 : i32 to index
        %get3A_878 = arith.constant 0 : index
        %get3A_879 = tpu.vector_load %arg21[%get3A_877, %get3A_878] {strides = array<i32>} : memref<80x128xf32, #tpu.memory_space<vmem>>, vector<16xf32>,
        %mul3A_880 = arith.mulf %get3A_879, %gather3A_876 : vector<16xf32>
        %swap3A_881 = arith.index_cast %add3A_873 : i32 to index
        %swap3A_882 = arith.constant 0 : index
        %swap3A_883 = tpu.vector_load %arg21[%swap3A_881, %swap3A_882] {strides = array<i32>} : memref<80x128xf32, #tpu.memory_space<vmem>>, vector<16xf32>,
        tpu.vector_store %arg21[%swap3A_881, %swap3A_882], %mul3A_880 {strides = array<i32>} : memref<80x128xf32, #tpu.memory_space<vmem>>, vector<16xf32>,
        %get3A_884 = arith.index_cast %add3A_873 : i32 to index
        %get3A_885 = arith.constant 16 : index
        %get3A_886 = tpu.vector_load %arg21[%get3A_884, %get3A_885] {strides = array<i32>} : memref<80x128xf32, #tpu.memory_space<vmem>>, vector<16xf32>,
        %mul3A_887 = arith.mulf %get3A_886, %gather3A_876 : vector<16xf32>
        %swap3A_888 = arith.index_cast %add3A_873 : i32 to index
        %swap3A_889 = arith.constant 16 : index
        %swap3A_890 = tpu.vector_load %arg21[%swap3A_888, %swap3A_889] {strides = array<i32>} : memref<80x128xf32, #tpu.memory_space<vmem>>, vector<16xf32>,
        tpu.vector_store %arg21[%swap3A_888, %swap3A_889], %mul3A_887 {strides = array<i32>} : memref<80x128xf32, #tpu.memory_space<vmem>>, vector<16xf32>,
        %get3A_891 = arith.index_cast %add3A_873 : i32 to index
        %get3A_892 = arith.constant 32 : index
        %get3A_893 = tpu.vector_load %arg21[%get3A_891, %get3A_892] {strides = array<i32>} : memref<80x128xf32, #tpu.memory_space<vmem>>, vector<16xf32>,
        %mul3A_894 = arith.mulf %get3A_893, %gather3A_876 : vector<16xf32>
        %swap3A_895 = arith.index_cast %add3A_873 : i32 to index
        %swap3A_896 = arith.constant 32 : index
        %swap3A_897 = tpu.vector_load %arg21[%swap3A_895, %swap3A_896] {strides = array<i32>} : memref<80x128xf32, #tpu.memory_space<vmem>>, vector<16xf32>,
        tpu.vector_store %arg21[%swap3A_895, %swap3A_896], %mul3A_894 {strides = array<i32>} : memref<80x128xf32, #tpu.memory_space<vmem>>, vector<16xf32>,
        %get3A_898 = arith.index_cast %add3A_873 : i32 to index
        %get3A_899 = arith.constant 48 : index
        %get3A_900 = tpu.vector_load %arg21[%get3A_898, %get3A_899] {strides = array<i32>} : memref<80x128xf32, #tpu.memory_space<vmem>>, vector<16xf32>,
        %mul3A_901 = arith.mulf %get3A_900, %gather3A_876 : vector<16xf32>
        %swap3A_902 = arith.index_cast %add3A_873 : i32 to index
        %swap3A_903 = arith.constant 48 : index
        %swap3A_904 = tpu.vector_load %arg21[%swap3A_902, %swap3A_903] {strides = array<i32>} : memref<80x128xf32, #tpu.memory_space<vmem>>, vector<16xf32>,
        tpu.vector_store %arg21[%swap3A_902, %swap3A_903], %mul3A_901 {strides = array<i32>} : memref<80x128xf32, #tpu.memory_space<vmem>>, vector<16xf32>,
        %get3A_905 = arith.index_cast %add3A_873 : i32 to index
        %get3A_906 = arith.constant 64 : index
        %get3A_907 = tpu.vector_load %arg21[%get3A_905, %get3A_906] {strides = array<i32>} : memref<80x128xf32, #tpu.memory_space<vmem>>, vector<16xf32>,
        %mul3A_908 = arith.mulf %get3A_907, %gather3A_876 : vector<16xf32>
        %swap3A_909 = arith.index_cast %add3A_873 : i32 to index
        %swap3A_910 = arith.constant 64 : index
        %swap3A_911 = tpu.vector_load %arg21[%swap3A_909, %swap3A_910] {strides = array<i32>} : memref<80x128xf32, #tpu.memory_space<vmem>>, vector<16xf32>,
        tpu.vector_store %arg21[%swap3A_909, %swap3A_910], %mul3A_908 {strides = array<i32>} : memref<80x128xf32, #tpu.memory_space<vmem>>, vector<16xf32>,
        %get3A_912 = arith.index_cast %add3A_873 : i32 to index
        %get3A_913 = arith.constant 80 : index
        %get3A_914 = tpu.vector_load %arg21[%get3A_912, %get3A_913] {strides = array<i32>} : memref<80x128xf32, #tpu.memory_space<vmem>>, vector<16xf32>,
        %mul3A_915 = arith.mulf %get3A_914, %gather3A_876 : vector<16xf32>
        %swap3A_916 = arith.index_cast %add3A_873 : i32 to index
        %swap3A_917 = arith.constant 80 : index
        %swap3A_918 = tpu.vector_load %arg21[%swap3A_916, %swap3A_917] {strides = array<i32>} : memref<80x128xf32, #tpu.memory_space<vmem>>, vector<16xf32>,
        tpu.vector_store %arg21[%swap3A_916, %swap3A_917], %mul3A_915 {strides = array<i32>} : memref<80x128xf32, #tpu.memory_space<vmem>>, vector<16xf32>,
        %get3A_919 = arith.index_cast %add3A_873 : i32 to index
        %get3A_920 = arith.constant 96 : index
        %get3A_921 = tpu.vector_load %arg21[%get3A_919, %get3A_920] {strides = array<i32>} : memref<80x128xf32, #tpu.memory_space<vmem>>, vector<16xf32>,
        %mul3A_922 = arith.mulf %get3A_921, %gather3A_876 : vector<16xf32>
        %swap3A_923 = arith.index_cast %add3A_873 : i32 to index
        %swap3A_924 = arith.constant 96 : index
        %swap3A_925 = tpu.vector_load %arg21[%swap3A_923, %swap3A_924] {strides = array<i32>} : memref<80x128xf32, #tpu.memory_space<vmem>>, vector<16xf32>,
        tpu.vector_store %arg21[%swap3A_923, %swap3A_924], %mul3A_922 {strides = array<i32>} : memref<80x128xf32, #tpu.memory_space<vmem>>, vector<16xf32>,
        %get3A_926 = arith.index_cast %add3A_873 : i32 to index
        %get3A_927 = arith.constant 112 : index
        %get3A_928 = tpu.vector_load %arg21[%get3A_926, %get3A_927] {strides = array<i32>} : memref<80x128xf32, #tpu.memory_space<vmem>>, vector<16xf32>,
        %mul3A_929 = arith.mulf %get3A_928, %gather3A_876 : vector<16xf32>
        %swap3A_930 = arith.index_cast %add3A_873 : i32 to index
        %swap3A_931 = arith.constant 112 : index
        %swap3A_932 = tpu.vector_load %arg21[%swap3A_930, %swap3A_931] {strides = array<i32>} : memref<80x128xf32, #tpu.memory_space<vmem>>, vector<16xf32>,
        tpu.vector_store %arg21[%swap3A_930, %swap3A_931], %mul3A_929 {strides = array<i32>} : memref<80x128xf32, #tpu.memory_space<vmem>>, vector<16xf32>,
        %add3A_933 = arith.constant 5 : i32
        %add3A_934 = arith.addi %mul3A_628, %add3A_933 : i32
        %add3A_935 = vector.broadcast %add3A_934 : i32 to vector<16xi32>
        %add3A_936 = arith.addi %broadcast_in_dim3A_12, %add3A_935 : vector<16xi32>
        %gather3A_937 = tpu.vector_load_idx %arg19[%add3A_936] : memref<80xf32, #tpu.memory_space<vmem>>[vector<16xi32>], vector<16xf32>,
        %get3A_938 = arith.index_cast %add3A_934 : i32 to index
        %get3A_939 = arith.constant 0 : index
        %get3A_940 = tpu.vector_load %arg21[%get3A_938, %get3A_939] {strides = array<i32>} : memref<80x128xf32, #tpu.memory_space<vmem>>, vector<16xf32>,
        %mul3A_941 = arith.mulf %get3A_940, %gather3A_937 : vector<16xf32>
        %swap3A_942 = arith.index_cast %add3A_934 : i32 to index
        %swap3A_943 = arith.constant 0 : index
        %swap3A_944 = tpu.vector_load %arg21[%swap3A_942, %swap3A_943] {strides = array<i32>} : memref<80x128xf32, #tpu.memory_space<vmem>>, vector<16xf32>,
        tpu.vector_store %arg21[%swap3A_942, %swap3A_943], %mul3A_941 {strides = array<i32>} : memref<80x128xf32, #tpu.memory_space<vmem>>, vector<16xf32>,
        %get3A_945 = arith.index_cast %add3A_934 : i32 to index
        %get3A_946 = arith.constant 16 : index
        %get3A_947 = tpu.vector_load %arg21[%get3A_945, %get3A_946] {strides = array<i32>} : memref<80x128xf32, #tpu.memory_space<vmem>>, vector<16xf32>,
        %mul3A_948 = arith.mulf %get3A_947, %gather3A_937 : vector<16xf32>
        %swap3A_949 = arith.index_cast %add3A_934 : i32 to index
        %swap3A_950 = arith.constant 16 : index
        %swap3A_951 = tpu.vector_load %arg21[%swap3A_949, %swap3A_950] {strides = array<i32>} : memref<80x128xf32, #tpu.memory_space<vmem>>, vector<16xf32>,
        tpu.vector_store %arg21[%swap3A_949, %swap3A_950], %mul3A_948 {strides = array<i32>} : memref<80x128xf32, #tpu.memory_space<vmem>>, vector<16xf32>,
        %get3A_952 = arith.index_cast %add3A_934 : i32 to index
        %get3A_953 = arith.constant 32 : index
        %get3A_954 = tpu.vector_load %arg21[%get3A_952, %get3A_953] {strides = array<i32>} : memref<80x128xf32, #tpu.memory_space<vmem>>, vector<16xf32>,
        %mul3A_955 = arith.mulf %get3A_954, %gather3A_937 : vector<16xf32>
        %swap3A_956 = arith.index_cast %add3A_934 : i32 to index
        %swap3A_957 = arith.constant 32 : index
        %swap3A_958 = tpu.vector_load %arg21[%swap3A_956, %swap3A_957] {strides = array<i32>} : memref<80x128xf32, #tpu.memory_space<vmem>>, vector<16xf32>,
        tpu.vector_store %arg21[%swap3A_956, %swap3A_957], %mul3A_955 {strides = array<i32>} : memref<80x128xf32, #tpu.memory_space<vmem>>, vector<16xf32>,
        %get3A_959 = arith.index_cast %add3A_934 : i32 to index
        %get3A_960 = arith.constant 48 : index
        %get3A_961 = tpu.vector_load %arg21[%get3A_959, %get3A_960] {strides = array<i32>} : memref<80x128xf32, #tpu.memory_space<vmem>>, vector<16xf32>,
        %mul3A_962 = arith.mulf %get3A_961, %gather3A_937 : vector<16xf32>
        %swap3A_963 = arith.index_cast %add3A_934 : i32 to index
        %swap3A_964 = arith.constant 48 : index
        %swap3A_965 = tpu.vector_load %arg21[%swap3A_963, %swap3A_964] {strides = array<i32>} : memref<80x128xf32, #tpu.memory_space<vmem>>, vector<16xf32>,
        tpu.vector_store %arg21[%swap3A_963, %swap3A_964], %mul3A_962 {strides = array<i32>} : memref<80x128xf32, #tpu.memory_space<vmem>>, vector<16xf32>,
        %get3A_966 = arith.index_cast %add3A_934 : i32 to index
        %get3A_967 = arith.constant 64 : index
        %get3A_968 = tpu.vector_load %arg21[%get3A_966, %get3A_967] {strides = array<i32>} : memref<80x128xf32, #tpu.memory_space<vmem>>, vector<16xf32>,
        %mul3A_969 = arith.mulf %get3A_968, %gather3A_937 : vector<16xf32>
        %swap3A_970 = arith.index_cast %add3A_934 : i32 to index
        %swap3A_971 = arith.constant 64 : index
        %swap3A_972 = tpu.vector_load %arg21[%swap3A_970, %swap3A_971] {strides = array<i32>} : memref<80x128xf32, #tpu.memory_space<vmem>>, vector<16xf32>,
        tpu.vector_store %arg21[%swap3A_970, %swap3A_971], %mul3A_969 {strides = array<i32>} : memref<80x128xf32, #tpu.memory_space<vmem>>, vector<16xf32>,
        %get3A_973 = arith.index_cast %add3A_934 : i32 to index
        %get3A_974 = arith.constant 80 : index
        %get3A_975 = tpu.vector_load %arg21[%get3A_973, %get3A_974] {strides = array<i32>} : memref<80x128xf32, #tpu.memory_space<vmem>>, vector<16xf32>,
        %mul3A_976 = arith.mulf %get3A_975, %gather3A_937 : vector<16xf32>
        %swap3A_977 = arith.index_cast %add3A_934 : i32 to index
        %swap3A_978 = arith.constant 80 : index
        %swap3A_979 = tpu.vector_load %arg21[%swap3A_977, %swap3A_978] {strides = array<i32>} : memref<80x128xf32, #tpu.memory_space<vmem>>, vector<16xf32>,
        tpu.vector_store %arg21[%swap3A_977, %swap3A_978], %mul3A_976 {strides = array<i32>} : memref<80x128xf32, #tpu.memory_space<vmem>>, vector<16xf32>,
        %get3A_980 = arith.index_cast %add3A_934 : i32 to index
        %get3A_981 = arith.constant 96 : index
        %get3A_982 = tpu.vector_load %arg21[%get3A_980, %get3A_981] {strides = array<i32>} : memref<80x128xf32, #tpu.memory_space<vmem>>, vector<16xf32>,
        %mul3A_983 = arith.mulf %get3A_982, %gather3A_937 : vector<16xf32>
        %swap3A_984 = arith.index_cast %add3A_934 : i32 to index
        %swap3A_985 = arith.constant 96 : index
        %swap3A_986 = tpu.vector_load %arg21[%swap3A_984, %swap3A_985] {strides = array<i32>} : memref<80x128xf32, #tpu.memory_space<vmem>>, vector<16xf32>,
        tpu.vector_store %arg21[%swap3A_984, %swap3A_985], %mul3A_983 {strides = array<i32>} : memref<80x128xf32, #tpu.memory_space<vmem>>, vector<16xf32>,
        %get3A_987 = arith.index_cast %add3A_934 : i32 to index
        %get3A_988 = arith.constant 112 : index
        %get3A_989 = tpu.vector_load %arg21[%get3A_987, %get3A_988] {strides = array<i32>} : memref<80x128xf32, #tpu.memory_space<vmem>>, vector<16xf32>,
        %mul3A_990 = arith.mulf %get3A_989, %gather3A_937 : vector<16xf32>
        %swap3A_991 = arith.index_cast %add3A_934 : i32 to index
        %swap3A_992 = arith.constant 112 : index
        %swap3A_993 = tpu.vector_load %arg21[%swap3A_991, %swap3A_992] {strides = array<i32>} : memref<80x128xf32, #tpu.memory_space<vmem>>, vector<16xf32>,
        tpu.vector_store %arg21[%swap3A_991, %swap3A_992], %mul3A_990 {strides = array<i32>} : memref<80x128xf32, #tpu.memory_space<vmem>>, vector<16xf32>,
        %add3A_994 = arith.constant 6 : i32
        %add3A_995 = arith.addi %mul3A_628, %add3A_994 : i32
        %add3A_996 = vector.broadcast %add3A_995 : i32 to vector<16xi32>
        %add3A_997 = arith.addi %broadcast_in_dim3A_12, %add3A_996 : vector<16xi32>
        %gather3A_998 = tpu.vector_load_idx %arg19[%add3A_997] : memref<80xf32, #tpu.memory_space<vmem>>[vector<16xi32>], vector<16xf32>,
        %get3A_999 = arith.index_cast %add3A_995 : i32 to index
        %get3A_1000 = arith.constant 0 : index
        %get3A_1001 = tpu.vector_load %arg21[%get3A_999, %get3A_1000] {strides = array<i32>} : memref<80x128xf32, #tpu.memory_space<vmem>>, vector<16xf32>,
        %mul3A_1002 = arith.mulf %get3A_1001, %gather3A_998 : vector<16xf32>
        %swap3A_1003 = arith.index_cast %add3A_995 : i32 to index
        %swap3A_1004 = arith.constant 0 : index
        %swap3A_1005 = tpu.vector_load %arg21[%swap3A_1003, %swap3A_1004] {strides = array<i32>} : memref<80x128xf32, #tpu.memory_space<vmem>>, vector<16xf32>,
        tpu.vector_store %arg21[%swap3A_1003, %swap3A_1004], %mul3A_1002 {strides = array<i32>} : memref<80x128xf32, #tpu.memory_space<vmem>>, vector<16xf32>,
        %get3A_1006 = arith.index_cast %add3A_995 : i32 to index
        %get3A_1007 = arith.constant 16 : index
        %get3A_1008 = tpu.vector_load %arg21[%get3A_1006, %get3A_1007] {strides = array<i32>} : memref<80x128xf32, #tpu.memory_space<vmem>>, vector<16xf32>,
        %mul3A_1009 = arith.mulf %get3A_1008, %gather3A_998 : vector<16xf32>
        %swap3A_1010 = arith.index_cast %add3A_995 : i32 to index
        %swap3A_1011 = arith.constant 16 : index
        %swap3A_1012 = tpu.vector_load %arg21[%swap3A_1010, %swap3A_1011] {strides = array<i32>} : memref<80x128xf32, #tpu.memory_space<vmem>>, vector<16xf32>,
        tpu.vector_store %arg21[%swap3A_1010, %swap3A_1011], %mul3A_1009 {strides = array<i32>} : memref<80x128xf32, #tpu.memory_space<vmem>>, vector<16xf32>,
        %get3A_1013 = arith.index_cast %add3A_995 : i32 to index
        %get3A_1014 = arith.constant 32 : index
        %get3A_1015 = tpu.vector_load %arg21[%get3A_1013, %get3A_1014] {strides = array<i32>} : memref<80x128xf32, #tpu.memory_space<vmem>>, vector<16xf32>,
        %mul3A_1016 = arith.mulf %get3A_1015, %gather3A_998 : vector<16xf32>
        %swap3A_1017 = arith.index_cast %add3A_995 : i32 to index
        %swap3A_1018 = arith.constant 32 : index
        %swap3A_1019 = tpu.vector_load %arg21[%swap3A_1017, %swap3A_1018] {strides = array<i32>} : memref<80x128xf32, #tpu.memory_space<vmem>>, vector<16xf32>,
        tpu.vector_store %arg21[%swap3A_1017, %swap3A_1018], %mul3A_1016 {strides = array<i32>} : memref<80x128xf32, #tpu.memory_space<vmem>>, vector<16xf32>,
        %get3A_1020 = arith.index_cast %add3A_995 : i32 to index
        %get3A_1021 = arith.constant 48 : index
        %get3A_1022 = tpu.vector_load %arg21[%get3A_1020, %get3A_1021] {strides = array<i32>} : memref<80x128xf32, #tpu.memory_space<vmem>>, vector<16xf32>,
        %mul3A_1023 = arith.mulf %get3A_1022, %gather3A_998 : vector<16xf32>
        %swap3A_1024 = arith.index_cast %add3A_995 : i32 to index
        %swap3A_1025 = arith.constant 48 : index
        %swap3A_1026 = tpu.vector_load %arg21[%swap3A_1024, %swap3A_1025] {strides = array<i32>} : memref<80x128xf32, #tpu.memory_space<vmem>>, vector<16xf32>,
        tpu.vector_store %arg21[%swap3A_1024, %swap3A_1025], %mul3A_1023 {strides = array<i32>} : memref<80x128xf32, #tpu.memory_space<vmem>>, vector<16xf32>,
        %get3A_1027 = arith.index_cast %add3A_995 : i32 to index
        %get3A_1028 = arith.constant 64 : index
        %get3A_1029 = tpu.vector_load %arg21[%get3A_1027, %get3A_1028] {strides = array<i32>} : memref<80x128xf32, #tpu.memory_space<vmem>>, vector<16xf32>,
        %mul3A_1030 = arith.mulf %get3A_1029, %gather3A_998 : vector<16xf32>
        %swap3A_1031 = arith.index_cast %add3A_995 : i32 to index
        %swap3A_1032 = arith.constant 64 : index
        %swap3A_1033 = tpu.vector_load %arg21[%swap3A_1031, %swap3A_1032] {strides = array<i32>} : memref<80x128xf32, #tpu.memory_space<vmem>>, vector<16xf32>,
        tpu.vector_store %arg21[%swap3A_1031, %swap3A_1032], %mul3A_1030 {strides = array<i32>} : memref<80x128xf32, #tpu.memory_space<vmem>>, vector<16xf32>,
        %get3A_1034 = arith.index_cast %add3A_995 : i32 to index
        %get3A_1035 = arith.constant 80 : index
        %get3A_1036 = tpu.vector_load %arg21[%get3A_1034, %get3A_1035] {strides = array<i32>} : memref<80x128xf32, #tpu.memory_space<vmem>>, vector<16xf32>,
        %mul3A_1037 = arith.mulf %get3A_1036, %gather3A_998 : vector<16xf32>
        %swap3A_1038 = arith.index_cast %add3A_995 : i32 to index
        %swap3A_1039 = arith.constant 80 : index
        %swap3A_1040 = tpu.vector_load %arg21[%swap3A_1038, %swap3A_1039] {strides = array<i32>} : memref<80x128xf32, #tpu.memory_space<vmem>>, vector<16xf32>,
        tpu.vector_store %arg21[%swap3A_1038, %swap3A_1039], %mul3A_1037 {strides = array<i32>} : memref<80x128xf32, #tpu.memory_space<vmem>>, vector<16xf32>,
        %get3A_1041 = arith.index_cast %add3A_995 : i32 to index
        %get3A_1042 = arith.constant 96 : index
        %get3A_1043 = tpu.vector_load %arg21[%get3A_1041, %get3A_1042] {strides = array<i32>} : memref<80x128xf32, #tpu.memory_space<vmem>>, vector<16xf32>,
        %mul3A_1044 = arith.mulf %get3A_1043, %gather3A_998 : vector<16xf32>
        %swap3A_1045 = arith.index_cast %add3A_995 : i32 to index
        %swap3A_1046 = arith.constant 96 : index
        %swap3A_1047 = tpu.vector_load %arg21[%swap3A_1045, %swap3A_1046] {strides = array<i32>} : memref<80x128xf32, #tpu.memory_space<vmem>>, vector<16xf32>,
        tpu.vector_store %arg21[%swap3A_1045, %swap3A_1046], %mul3A_1044 {strides = array<i32>} : memref<80x128xf32, #tpu.memory_space<vmem>>, vector<16xf32>,
        %get3A_1048 = arith.index_cast %add3A_995 : i32 to index
        %get3A_1049 = arith.constant 112 : index
        %get3A_1050 = tpu.vector_load %arg21[%get3A_1048, %get3A_1049] {strides = array<i32>} : memref<80x128xf32, #tpu.memory_space<vmem>>, vector<16xf32>,
        %mul3A_1051 = arith.mulf %get3A_1050, %gather3A_998 : vector<16xf32>
        %swap3A_1052 = arith.index_cast %add3A_995 : i32 to index
        %swap3A_1053 = arith.constant 112 : index
        %swap3A_1054 = tpu.vector_load %arg21[%swap3A_1052, %swap3A_1053] {strides = array<i32>} : memref<80x128xf32, #tpu.memory_space<vmem>>, vector<16xf32>,
        tpu.vector_store %arg21[%swap3A_1052, %swap3A_1053], %mul3A_1051 {strides = array<i32>} : memref<80x128xf32, #tpu.memory_space<vmem>>, vector<16xf32>,
        %add3A_1055 = arith.constant 7 : i32
        %add3A_1056 = arith.addi %mul3A_628, %add3A_1055 : i32
        %add3A_1057 = vector.broadcast %add3A_1056 : i32 to vector<16xi32>
        %add3A_1058 = arith.addi %broadcast_in_dim3A_12, %add3A_1057 : vector<16xi32>
        %gather3A_1059 = tpu.vector_load_idx %arg19[%add3A_1058] : memref<80xf32, #tpu.memory_space<vmem>>[vector<16xi32>], vector<16xf32>,
        %get3A_1060 = arith.index_cast %add3A_1056 : i32 to index
        %get3A_1061 = arith.constant 0 : index
        %get3A_1062 = tpu.vector_load %arg21[%get3A_1060, %get3A_1061] {strides = array<i32>} : memref<80x128xf32, #tpu.memory_space<vmem>>, vector<16xf32>,
        %mul3A_1063 = arith.mulf %get3A_1062, %gather3A_1059 : vector<16xf32>
        %swap3A_1064 = arith.index_cast %add3A_1056 : i32 to index
        %swap3A_1065 = arith.constant 0 : index
        %swap3A_1066 = tpu.vector_load %arg21[%swap3A_1064, %swap3A_1065] {strides = array<i32>} : memref<80x128xf32, #tpu.memory_space<vmem>>, vector<16xf32>,
        tpu.vector_store %arg21[%swap3A_1064, %swap3A_1065], %mul3A_1063 {strides = array<i32>} : memref<80x128xf32, #tpu.memory_space<vmem>>, vector<16xf32>,
        %get3A_1067 = arith.index_cast %add3A_1056 : i32 to index
        %get3A_1068 = arith.constant 16 : index
        %get3A_1069 = tpu.vector_load %arg21[%get3A_1067, %get3A_1068] {strides = array<i32>} : memref<80x128xf32, #tpu.memory_space<vmem>>, vector<16xf32>,
        %mul3A_1070 = arith.mulf %get3A_1069, %gather3A_1059 : vector<16xf32>
        %swap3A_1071 = arith.index_cast %add3A_1056 : i32 to index
        %swap3A_1072 = arith.constant 16 : index
        %swap3A_1073 = tpu.vector_load %arg21[%swap3A_1071, %swap3A_1072] {strides = array<i32>} : memref<80x128xf32, #tpu.memory_space<vmem>>, vector<16xf32>,
        tpu.vector_store %arg21[%swap3A_1071, %swap3A_1072], %mul3A_1070 {strides = array<i32>} : memref<80x128xf32, #tpu.memory_space<vmem>>, vector<16xf32>,
        %get3A_1074 = arith.index_cast %add3A_1056 : i32 to index
        %get3A_1075 = arith.constant 32 : index
        %get3A_1076 = tpu.vector_load %arg21[%get3A_1074, %get3A_1075] {strides = array<i32>} : memref<80x128xf32, #tpu.memory_space<vmem>>, vector<16xf32>,
        %mul3A_1077 = arith.mulf %get3A_1076, %gather3A_1059 : vector<16xf32>
        %swap3A_1078 = arith.index_cast %add3A_1056 : i32 to index
        %swap3A_1079 = arith.constant 32 : index
        %swap3A_1080 = tpu.vector_load %arg21[%swap3A_1078, %swap3A_1079] {strides = array<i32>} : memref<80x128xf32, #tpu.memory_space<vmem>>, vector<16xf32>,
        tpu.vector_store %arg21[%swap3A_1078, %swap3A_1079], %mul3A_1077 {strides = array<i32>} : memref<80x128xf32, #tpu.memory_space<vmem>>, vector<16xf32>,
        %get3A_1081 = arith.index_cast %add3A_1056 : i32 to index
        %get3A_1082 = arith.constant 48 : index
        %get3A_1083 = tpu.vector_load %arg21[%get3A_1081, %get3A_1082] {strides = array<i32>} : memref<80x128xf32, #tpu.memory_space<vmem>>, vector<16xf32>,
        %mul3A_1084 = arith.mulf %get3A_1083, %gather3A_1059 : vector<16xf32>
        %swap3A_1085 = arith.index_cast %add3A_1056 : i32 to index
        %swap3A_1086 = arith.constant 48 : index
        %swap3A_1087 = tpu.vector_load %arg21[%swap3A_1085, %swap3A_1086] {strides = array<i32>} : memref<80x128xf32, #tpu.memory_space<vmem>>, vector<16xf32>,
        tpu.vector_store %arg21[%swap3A_1085, %swap3A_1086], %mul3A_1084 {strides = array<i32>} : memref<80x128xf32, #tpu.memory_space<vmem>>, vector<16xf32>,
        %get3A_1088 = arith.index_cast %add3A_1056 : i32 to index
        %get3A_1089 = arith.constant 64 : index
        %get3A_1090 = tpu.vector_load %arg21[%get3A_1088, %get3A_1089] {strides = array<i32>} : memref<80x128xf32, #tpu.memory_space<vmem>>, vector<16xf32>,
        %mul3A_1091 = arith.mulf %get3A_1090, %gather3A_1059 : vector<16xf32>
        %swap3A_1092 = arith.index_cast %add3A_1056 : i32 to index
        %swap3A_1093 = arith.constant 64 : index
        %swap3A_1094 = tpu.vector_load %arg21[%swap3A_1092, %swap3A_1093] {strides = array<i32>} : memref<80x128xf32, #tpu.memory_space<vmem>>, vector<16xf32>,
        tpu.vector_store %arg21[%swap3A_1092, %swap3A_1093], %mul3A_1091 {strides = array<i32>} : memref<80x128xf32, #tpu.memory_space<vmem>>, vector<16xf32>,
        %get3A_1095 = arith.index_cast %add3A_1056 : i32 to index
        %get3A_1096 = arith.constant 80 : index
        %get3A_1097 = tpu.vector_load %arg21[%get3A_1095, %get3A_1096] {strides = array<i32>} : memref<80x128xf32, #tpu.memory_space<vmem>>, vector<16xf32>,
        %mul3A_1098 = arith.mulf %get3A_1097, %gather3A_1059 : vector<16xf32>
        %swap3A_1099 = arith.index_cast %add3A_1056 : i32 to index
        %swap3A_1100 = arith.constant 80 : index
        %swap3A_1101 = tpu.vector_load %arg21[%swap3A_1099, %swap3A_1100] {strides = array<i32>} : memref<80x128xf32, #tpu.memory_space<vmem>>, vector<16xf32>,
        tpu.vector_store %arg21[%swap3A_1099, %swap3A_1100], %mul3A_1098 {strides = array<i32>} : memref<80x128xf32, #tpu.memory_space<vmem>>, vector<16xf32>,
        %get3A_1102 = arith.index_cast %add3A_1056 : i32 to index
        %get3A_1103 = arith.constant 96 : index
        %get3A_1104 = tpu.vector_load %arg21[%get3A_1102, %get3A_1103] {strides = array<i32>} : memref<80x128xf32, #tpu.memory_space<vmem>>, vector<16xf32>,
        %mul3A_1105 = arith.mulf %get3A_1104, %gather3A_1059 : vector<16xf32>
        %swap3A_1106 = arith.index_cast %add3A_1056 : i32 to index
        %swap3A_1107 = arith.constant 96 : index
        %swap3A_1108 = tpu.vector_load %arg21[%swap3A_1106, %swap3A_1107] {strides = array<i32>} : memref<80x128xf32, #tpu.memory_space<vmem>>, vector<16xf32>,
        tpu.vector_store %arg21[%swap3A_1106, %swap3A_1107], %mul3A_1105 {strides = array<i32>} : memref<80x128xf32, #tpu.memory_space<vmem>>, vector<16xf32>,
        %get3A_1109 = arith.index_cast %add3A_1056 : i32 to index
        %get3A_1110 = arith.constant 112 : index
        %get3A_1111 = tpu.vector_load %arg21[%get3A_1109, %get3A_1110] {strides = array<i32>} : memref<80x128xf32, #tpu.memory_space<vmem>>, vector<16xf32>,
        %mul3A_1112 = arith.mulf %get3A_1111, %gather3A_1059 : vector<16xf32>
        %swap3A_1113 = arith.index_cast %add3A_1056 : i32 to index
        %swap3A_1114 = arith.constant 112 : index
        %swap3A_1115 = tpu.vector_load %arg21[%swap3A_1113, %swap3A_1114] {strides = array<i32>} : memref<80x128xf32, #tpu.memory_space<vmem>>, vector<16xf32>,
        tpu.vector_store %arg21[%swap3A_1113, %swap3A_1114], %mul3A_1112 {strides = array<i32>} : memref<80x128xf32, #tpu.memory_space<vmem>>, vector<16xf32>,
      }
      %scan3A_422 = arith.constant 10 : i32
      %dma_start3A_423 = arith.constant 0 : i32
      %dma_start3A_424 = tpu.memref_slice %arg13[%add3A_245, %dma_start3A_423] : memref<126x80xi32, #tpu.memory_space<vmem>> -> memref<1x80xi32, #tpu.memory_space<vmem>>
      %dma_start3A_425 = tpu.memref_squeeze %dma_start3A_424 : memref<1x80xi32, #tpu.memory_space<vmem>> -> memref<80xi32, #tpu.memory_space<vmem>>
      %dma_start3A_426 = arith.constant 0 : i32
      %dma_start3A_427 = arith.constant 0 : i32
      %dma_start3A_428 = tpu.memref_slice %arg22[%dma_start3A_426, %dma_start3A_427] : memref<10000x128xf32, #tpu.memory_space<vmem_shared>> -> memref<10000x128xf32, #tpu.memory_space<vmem_shared>>
      tpu.enqueue_indirect_dma source(%arg21 : memref<80x128xf32, #tpu.memory_space<vmem>>) target(%dma_start3A_428 : memref<10000x128xf32, #tpu.memory_space<vmem_shared>>) offsets(%dma_start3A_425 : memref<80xi32, #tpu.memory_space<vmem>>) semaphore(%arg29 : memref<!tpu.dma_semaphore, #tpu.memory_space<semaphore_mem>>) {add = true}
      %dma_start3A_429 = arith.constant 0 : i32
      %dma_start3A_430 = tpu.memref_slice %arg13[%add3A_245, %dma_start3A_429] : memref<126x80xi32, #tpu.memory_space<vmem>> -> memref<1x80xi32, #tpu.memory_space<vmem>>
      %dma_start3A_431 = tpu.memref_squeeze %dma_start3A_430 : memref<1x80xi32, #tpu.memory_space<vmem>> -> memref<80xi32, #tpu.memory_space<vmem>>
      %dma_start3A_432 = arith.constant 0 : i32
      %dma_start3A_433 = tpu.memref_slice %arg23[%dma_start3A_432] : memref<10000xf32, #tpu.memory_space<vmem_shared>> -> memref<10000xf32, #tpu.memory_space<vmem_shared>>
      tpu.enqueue_indirect_dma source(%arg19 : memref<80xf32, #tpu.memory_space<vmem>>) target(%dma_start3A_433 : memref<10000xf32, #tpu.memory_space<vmem_shared>>) offsets(%dma_start3A_431 : memref<80xi32, #tpu.memory_space<vmem>>) semaphore(%arg31 : memref<!tpu.dma_semaphore, #tpu.memory_space<semaphore_mem>>) {add = true}
      %mul3A_434 = arith.constant 2 : i32
      %mul3A_435 = arith.muli %mul3A_434, %scan3A_241 : i32
      %add3A_436 = arith.constant 2 : i32
      %add3A_437 = arith.addi %mul3A_435, %add3A_436 : i32
      %add3A_438 = arith.constant 1 : i32
      %add3A_439 = arith.addi %add3A_437, %add3A_438 : i32
      %mul3A_440 = arith.constant 80 : i32
      %mul3A_441 = arith.muli %add3A_439, %mul3A_440 : i32
      %dma_start3A_442 = tpu.memref_slice %arg12[%mul3A_441] : memref<10080xi32, #tpu.memory_space<vmem>> -> memref<80xi32, #tpu.memory_space<vmem>>
      %dma_start3A_443 = arith.constant 0 : i32
      %dma_start3A_444 = tpu.memref_slice %arg4[%dma_start3A_443] : memref<10000xf32, #tpu.memory_space<hbm>> -> memref<10000xf32, #tpu.memory_space<hbm>>
      tpu.enqueue_indirect_dma source(%dma_start3A_444 : memref<10000xf32, #tpu.memory_space<hbm>>) target(%arg15 : memref<80xf32, #tpu.memory_space<vmem>>) offsets(%dma_start3A_442 : memref<80xi32, #tpu.memory_space<vmem>>) semaphore(%arg27 : memref<!tpu.dma_semaphore, #tpu.memory_space<semaphore_mem>>)
      %dma_start3A_445 = arith.constant 0 : i32
      %dma_start3A_446 = tpu.memref_slice %arg13[%add3A_439, %dma_start3A_445] : memref<126x80xi32, #tpu.memory_space<vmem>> -> memref<1x80xi32, #tpu.memory_space<vmem>>
      %dma_start3A_447 = tpu.memref_squeeze %dma_start3A_446 : memref<1x80xi32, #tpu.memory_space<vmem>> -> memref<80xi32, #tpu.memory_space<vmem>>
      %dma_start3A_448 = arith.constant 0 : i32
      %dma_start3A_449 = tpu.memref_slice %arg5[%dma_start3A_448] : memref<10000xf32, #tpu.memory_space<hbm>> -> memref<10000xf32, #tpu.memory_space<hbm>>
      tpu.enqueue_indirect_dma source(%dma_start3A_449 : memref<10000xf32, #tpu.memory_space<hbm>>) target(%arg17 : memref<80xf32, #tpu.memory_space<vmem>>) offsets(%dma_start3A_447 : memref<80xi32, #tpu.memory_space<vmem>>) semaphore(%arg27 : memref<!tpu.dma_semaphore, #tpu.memory_space<semaphore_mem>>)
      %dma_wait3A_450 = arith.constant 0 : i32
      %dma_wait3A_451 = tpu.memref_slice %arg4[%dma_wait3A_450] : memref<10000xf32, #tpu.memory_space<hbm>> -> memref<80xf32, #tpu.memory_space<hbm>>
      %dma_wait3A_452 = arith.constant 0 : i32
      %dma_wait3A_453 = tpu.memref_slice %arg4[%dma_wait3A_452] : memref<10000xf32, #tpu.memory_space<hbm>> -> memref<80xf32, #tpu.memory_space<hbm>>
      tpu.wait_dma2 semaphore(%arg26 : memref<!tpu.dma_semaphore, #tpu.memory_space<semaphore_mem>>) src(%dma_wait3A_453 : memref<80xf32, #tpu.memory_space<hbm>>) dst(%arg14 : memref<80xf32, #tpu.memory_space<vmem>>)
      %dma_wait3A_454 = arith.constant 0 : i32
      %dma_wait3A_455 = tpu.memref_slice %arg5[%dma_wait3A_454] : memref<10000xf32, #tpu.memory_space<hbm>> -> memref<80xf32, #tpu.memory_space<hbm>>
      %dma_wait3A_456 = arith.constant 0 : i32
      %dma_wait3A_457 = tpu.memref_slice %arg5[%dma_wait3A_456] : memref<10000xf32, #tpu.memory_space<hbm>> -> memref<80xf32, #tpu.memory_space<hbm>>
      tpu.wait_dma2 semaphore(%arg26 : memref<!tpu.dma_semaphore, #tpu.memory_space<semaphore_mem>>) src(%dma_wait3A_457 : memref<80xf32, #tpu.memory_space<hbm>>) dst(%arg16 : memref<80xf32, #tpu.memory_space<vmem>>)
      %mul3A_458 = arith.constant 80 : i32
      %mul3A_459 = arith.muli %add3A_437, %mul3A_458 : i32
      %get3A_460 = arith.constant 0 : index
      %get3A_461 = tpu.vector_load %arg14[%get3A_460] {strides = array<i32>} : memref<80xf32, #tpu.memory_space<vmem>>, vector<16xf32>,
      %get3A_462 = arith.constant 0 : index
      %get3A_463 = tpu.vector_load %arg16[%get3A_462] {strides = array<i32>} : memref<80xf32, #tpu.memory_space<vmem>>, vector<16xf32>,
      %add3A_464 = arith.addf %get3A_461, %get3A_463 : vector<16xf32>
      %gt3A_465 = arith.constant 0.000000e+00 : f32
      %gt3A_466 = vector.broadcast %gt3A_465 : f32 to vector<16xf32>
      %gt3A_467 = arith.cmpf ogt, %add3A_464, %gt3A_466 : vector<16xf32>
      %mul3A_468 = arith.constant 0.00999999977 : f32
      %mul3A_469 = vector.broadcast %mul3A_468 : f32 to vector<16xf32>
      %mul3A_470 = arith.mulf %add3A_464, %mul3A_469 : vector<16xf32>
      %select_n3A_471 = arith.select %gt3A_467, %add3A_464, %mul3A_470 : vector<16xi1>, vector<16xf32>
      %exp3A_472 = math.exp %select_n3A_471 : vector<16xf32>
      %add3A_473 = arith.constant 0 : i32
      %add3A_474 = arith.addi %mul3A_459, %add3A_473 : i32
      %add3A_475 = vector.broadcast %add3A_474 : i32 to vector<16xi32>
      %add3A_476 = arith.addi %iota3A, %add3A_475 : vector<16xi32>
      %lt3A_477 = arith.constant 10000 : i32
      %lt3A_478 = vector.broadcast %lt3A_477 : i32 to vector<16xi32>
      %lt3A_479 = arith.cmpi slt, %add3A_476, %lt3A_478 : vector<16xi32>
      %jit3A_480 = arith.constant 0.000000e+00 : f32
      %broadcast_in_dim3A_481 = vector.broadcast %jit3A_480 : f32 to vector<16xf32>
      %select_n3A_482 = arith.select %lt3A_479, %exp3A_472, %broadcast_in_dim3A_481 : vector<16xi1>, vector<16xf32>
      %swap3A_483 = arith.constant 0 : index
      %swap3A_484 = tpu.vector_load %arg18[%swap3A_483] {strides = array<i32>} : memref<80xf32, #tpu.memory_space<vmem>>, vector<16xf32>,
      tpu.vector_store %arg18[%swap3A_483], %select_n3A_482 {strides = array<i32>} : memref<80xf32, #tpu.memory_space<vmem>>, vector<16xf32>,
      %get3A_485 = arith.constant 16 : index
      %get3A_486 = tpu.vector_load %arg14[%get3A_485] {strides = array<i32>} : memref<80xf32, #tpu.memory_space<vmem>>, vector<16xf32>,
      %get3A_487 = arith.constant 16 : index
      %get3A_488 = tpu.vector_load %arg16[%get3A_487] {strides = array<i32>} : memref<80xf32, #tpu.memory_space<vmem>>, vector<16xf32>,
      %add3A_489 = arith.addf %get3A_486, %get3A_488 : vector<16xf32>
      %gt3A_490 = arith.constant 0.000000e+00 : f32
      %gt3A_491 = vector.broadcast %gt3A_490 : f32 to vector<16xf32>
      %gt3A_492 = arith.cmpf ogt, %add3A_489, %gt3A_491 : vector<16xf32>
      %mul3A_493 = arith.constant 0.00999999977 : f32
      %mul3A_494 = vector.broadcast %mul3A_493 : f32 to vector<16xf32>
      %mul3A_495 = arith.mulf %add3A_489, %mul3A_494 : vector<16xf32>
      %select_n3A_496 = arith.select %gt3A_492, %add3A_489, %mul3A_495 : vector<16xi1>, vector<16xf32>
      %exp3A_497 = math.exp %select_n3A_496 : vector<16xf32>
      %add3A_498 = arith.constant 16 : i32
      %add3A_499 = arith.addi %mul3A_459, %add3A_498 : i32
      %add3A_500 = vector.broadcast %add3A_499 : i32 to vector<16xi32>
      %add3A_501 = arith.addi %iota3A, %add3A_500 : vector<16xi32>
      %lt3A_502 = arith.constant 10000 : i32
      %lt3A_503 = vector.broadcast %lt3A_502 : i32 to vector<16xi32>
      %lt3A_504 = arith.cmpi slt, %add3A_501, %lt3A_503 : vector<16xi32>
      %jit3A_505 = arith.constant 0.000000e+00 : f32
      %broadcast_in_dim3A_506 = vector.broadcast %jit3A_505 : f32 to vector<16xf32>
      %select_n3A_507 = arith.select %lt3A_504, %exp3A_497, %broadcast_in_dim3A_506 : vector<16xi1>, vector<16xf32>
      %swap3A_508 = arith.constant 16 : index
      %swap3A_509 = tpu.vector_load %arg18[%swap3A_508] {strides = array<i32>} : memref<80xf32, #tpu.memory_space<vmem>>, vector<16xf32>,
      tpu.vector_store %arg18[%swap3A_508], %select_n3A_507 {strides = array<i32>} : memref<80xf32, #tpu.memory_space<vmem>>, vector<16xf32>,
      %get3A_510 = arith.constant 32 : index
      %get3A_511 = tpu.vector_load %arg14[%get3A_510] {strides = array<i32>} : memref<80xf32, #tpu.memory_space<vmem>>, vector<16xf32>,
      %get3A_512 = arith.constant 32 : index
      %get3A_513 = tpu.vector_load %arg16[%get3A_512] {strides = array<i32>} : memref<80xf32, #tpu.memory_space<vmem>>, vector<16xf32>,
      %add3A_514 = arith.addf %get3A_511, %get3A_513 : vector<16xf32>
      %gt3A_515 = arith.constant 0.000000e+00 : f32
      %gt3A_516 = vector.broadcast %gt3A_515 : f32 to vector<16xf32>
      %gt3A_517 = arith.cmpf ogt, %add3A_514, %gt3A_516 : vector<16xf32>
      %mul3A_518 = arith.constant 0.00999999977 : f32
      %mul3A_519 = vector.broadcast %mul3A_518 : f32 to vector<16xf32>
      %mul3A_520 = arith.mulf %add3A_514, %mul3A_519 : vector<16xf32>
      %select_n3A_521 = arith.select %gt3A_517, %add3A_514, %mul3A_520 : vector<16xi1>, vector<16xf32>
      %exp3A_522 = math.exp %select_n3A_521 : vector<16xf32>
      %add3A_523 = arith.constant 32 : i32
      %add3A_524 = arith.addi %mul3A_459, %add3A_523 : i32
      %add3A_525 = vector.broadcast %add3A_524 : i32 to vector<16xi32>
      %add3A_526 = arith.addi %iota3A, %add3A_525 : vector<16xi32>
      %lt3A_527 = arith.constant 10000 : i32
      %lt3A_528 = vector.broadcast %lt3A_527 : i32 to vector<16xi32>
      %lt3A_529 = arith.cmpi slt, %add3A_526, %lt3A_528 : vector<16xi32>
      %jit3A_530 = arith.constant 0.000000e+00 : f32
      %broadcast_in_dim3A_531 = vector.broadcast %jit3A_530 : f32 to vector<16xf32>
      %select_n3A_532 = arith.select %lt3A_529, %exp3A_522, %broadcast_in_dim3A_531 : vector<16xi1>, vector<16xf32>
      %swap3A_533 = arith.constant 32 : index
      %swap3A_534 = tpu.vector_load %arg18[%swap3A_533] {strides = array<i32>} : memref<80xf32, #tpu.memory_space<vmem>>, vector<16xf32>,
      tpu.vector_store %arg18[%swap3A_533], %select_n3A_532 {strides = array<i32>} : memref<80xf32, #tpu.memory_space<vmem>>, vector<16xf32>,
      %get3A_535 = arith.constant 48 : index
      %get3A_536 = tpu.vector_load %arg14[%get3A_535] {strides = array<i32>} : memref<80xf32, #tpu.memory_space<vmem>>, vector<16xf32>,
      %get3A_537 = arith.constant 48 : index
      %get3A_538 = tpu.vector_load %arg16[%get3A_537] {strides = array<i32>} : memref<80xf32, #tpu.memory_space<vmem>>, vector<16xf32>,
      %add3A_539 = arith.addf %get3A_536, %get3A_538 : vector<16xf32>
      %gt3A_540 = arith.constant 0.000000e+00 : f32
      %gt3A_541 = vector.broadcast %gt3A_540 : f32 to vector<16xf32>
      %gt3A_542 = arith.cmpf ogt, %add3A_539, %gt3A_541 : vector<16xf32>
      %mul3A_543 = arith.constant 0.00999999977 : f32
      %mul3A_544 = vector.broadcast %mul3A_543 : f32 to vector<16xf32>
      %mul3A_545 = arith.mulf %add3A_539, %mul3A_544 : vector<16xf32>
      %select_n3A_546 = arith.select %gt3A_542, %add3A_539, %mul3A_545 : vector<16xi1>, vector<16xf32>
      %exp3A_547 = math.exp %select_n3A_546 : vector<16xf32>
      %add3A_548 = arith.constant 48 : i32
      %add3A_549 = arith.addi %mul3A_459, %add3A_548 : i32
      %add3A_550 = vector.broadcast %add3A_549 : i32 to vector<16xi32>
      %add3A_551 = arith.addi %iota3A, %add3A_550 : vector<16xi32>
      %lt3A_552 = arith.constant 10000 : i32
      %lt3A_553 = vector.broadcast %lt3A_552 : i32 to vector<16xi32>
      %lt3A_554 = arith.cmpi slt, %add3A_551, %lt3A_553 : vector<16xi32>
      %jit3A_555 = arith.constant 0.000000e+00 : f32
      %broadcast_in_dim3A_556 = vector.broadcast %jit3A_555 : f32 to vector<16xf32>
      %select_n3A_557 = arith.select %lt3A_554, %exp3A_547, %broadcast_in_dim3A_556 : vector<16xi1>, vector<16xf32>
      %swap3A_558 = arith.constant 48 : index
      %swap3A_559 = tpu.vector_load %arg18[%swap3A_558] {strides = array<i32>} : memref<80xf32, #tpu.memory_space<vmem>>, vector<16xf32>,
      tpu.vector_store %arg18[%swap3A_558], %select_n3A_557 {strides = array<i32>} : memref<80xf32, #tpu.memory_space<vmem>>, vector<16xf32>,
      %get3A_560 = arith.constant 64 : index
      %get3A_561 = tpu.vector_load %arg14[%get3A_560] {strides = array<i32>} : memref<80xf32, #tpu.memory_space<vmem>>, vector<16xf32>,
      %get3A_562 = arith.constant 64 : index
      %get3A_563 = tpu.vector_load %arg16[%get3A_562] {strides = array<i32>} : memref<80xf32, #tpu.memory_space<vmem>>, vector<16xf32>,
      %add3A_564 = arith.addf %get3A_561, %get3A_563 : vector<16xf32>
      %gt3A_565 = arith.constant 0.000000e+00 : f32
      %gt3A_566 = vector.broadcast %gt3A_565 : f32 to vector<16xf32>
      %gt3A_567 = arith.cmpf ogt, %add3A_564, %gt3A_566 : vector<16xf32>
      %mul3A_568 = arith.constant 0.00999999977 : f32
      %mul3A_569 = vector.broadcast %mul3A_568 : f32 to vector<16xf32>
      %mul3A_570 = arith.mulf %add3A_564, %mul3A_569 : vector<16xf32>
      %select_n3A_571 = arith.select %gt3A_567, %add3A_564, %mul3A_570 : vector<16xi1>, vector<16xf32>
      %exp3A_572 = math.exp %select_n3A_571 : vector<16xf32>
      %add3A_573 = arith.constant 64 : i32
      %add3A_574 = arith.addi %mul3A_459, %add3A_573 : i32
      %add3A_575 = vector.broadcast %add3A_574 : i32 to vector<16xi32>
      %add3A_576 = arith.addi %iota3A, %add3A_575 : vector<16xi32>
      %lt3A_577 = arith.constant 10000 : i32
      %lt3A_578 = vector.broadcast %lt3A_577 : i32 to vector<16xi32>
      %lt3A_579 = arith.cmpi slt, %add3A_576, %lt3A_578 : vector<16xi32>
      %jit3A_580 = arith.constant 0.000000e+00 : f32
      %broadcast_in_dim3A_581 = vector.broadcast %jit3A_580 : f32 to vector<16xf32>
      %select_n3A_582 = arith.select %lt3A_579, %exp3A_572, %broadcast_in_dim3A_581 : vector<16xi1>, vector<16xf32>
      %swap3A_583 = arith.constant 64 : index
      %swap3A_584 = tpu.vector_load %arg18[%swap3A_583] {strides = array<i32>} : memref<80xf32, #tpu.memory_space<vmem>>, vector<16xf32>,
      tpu.vector_store %arg18[%swap3A_583], %select_n3A_582 {strides = array<i32>} : memref<80xf32, #tpu.memory_space<vmem>>, vector<16xf32>,
      %dma_wait3A_585 = arith.constant 0 : i32
      %dma_wait3A_586 = arith.constant 0 : i32
      %dma_wait3A_587 = tpu.memref_slice %arg6[%dma_wait3A_585, %dma_wait3A_586] : memref<10000x128xf32, #tpu.memory_space<hbm>> -> memref<80x128xf32, #tpu.memory_space<hbm>>
      %dma_wait3A_588 = arith.constant 0 : i32
      %dma_wait3A_589 = arith.constant 0 : i32
      %dma_wait3A_590 = tpu.memref_slice %arg6[%dma_wait3A_588, %dma_wait3A_589] : memref<10000x128xf32, #tpu.memory_space<hbm>> -> memref<80x128xf32, #tpu.memory_space<hbm>>
      tpu.wait_dma2 semaphore(%arg24 : memref<!tpu.dma_semaphore, #tpu.memory_space<semaphore_mem>>) src(%dma_wait3A_590 : memref<80x128xf32, #tpu.memory_space<hbm>>) dst(%arg20 : memref<80x128xf32, #tpu.memory_space<vmem>>)
      %dma_wait3A_591 = arith.constant 0 : i32
      %dma_wait3A_592 = arith.constant 0 : i32
      %dma_wait3A_593 = tpu.memref_slice %arg6[%dma_wait3A_591, %dma_wait3A_592] : memref<10000x128xf32, #tpu.memory_space<hbm>> -> memref<80x128xf32, #tpu.memory_space<hbm>>
      %dma_wait3A_594 = arith.constant 0 : i32
      %dma_wait3A_595 = arith.constant 0 : i32
      %dma_wait3A_596 = tpu.memref_slice %arg6[%dma_wait3A_594, %dma_wait3A_595] : memref<10000x128xf32, #tpu.memory_space<hbm>> -> memref<80x128xf32, #tpu.memory_space<hbm>>
      tpu.wait_dma2 semaphore(%arg29 : memref<!tpu.dma_semaphore, #tpu.memory_space<semaphore_mem>>) src(%arg21 : memref<80x128xf32, #tpu.memory_space<vmem>>) dst(%dma_wait3A_596 : memref<80x128xf32, #tpu.memory_space<hbm>>)
      %dma_wait3A_597 = arith.constant 0 : i32
      %dma_wait3A_598 = tpu.memref_slice %arg4[%dma_wait3A_597] : memref<10000xf32, #tpu.memory_space<hbm>> -> memref<80xf32, #tpu.memory_space<hbm>>
      %dma_wait3A_599 = arith.constant 0 : i32
      %dma_wait3A_600 = tpu.memref_slice %arg4[%dma_wait3A_599] : memref<10000xf32, #tpu.memory_space<hbm>> -> memref<80xf32, #tpu.memory_space<hbm>>
      tpu.wait_dma2 semaphore(%arg31 : memref<!tpu.dma_semaphore, #tpu.memory_space<semaphore_mem>>) src(%arg19 : memref<80xf32, #tpu.memory_space<vmem>>) dst(%dma_wait3A_600 : memref<80xf32, #tpu.memory_space<hbm>>)
      %add3A_601 = arith.constant 1 : i32
      %add3A_602 = arith.addi %add3A_437, %add3A_601 : i32
      %mul3A_603 = arith.constant 80 : i32
      %mul3A_604 = arith.muli %add3A_602, %mul3A_603 : i32
      %dma_start3A_605 = tpu.memref_slice %arg12[%mul3A_604] : memref<10080xi32, #tpu.memory_space<vmem>> -> memref<80xi32, #tpu.memory_space<vmem>>
      %dma_start3A_606 = arith.constant 0 : i32
      %dma_start3A_607 = arith.constant 0 : i32
      %dma_start3A_608 = tpu.memref_slice %arg6[%dma_start3A_606, %dma_start3A_607] : memref<10000x128xf32, #tpu.memory_space<hbm>> -> memref<10000x128xf32, #tpu.memory_space<hbm>>
      tpu.enqueue_indirect_dma source(%dma_start3A_608 : memref<10000x128xf32, #tpu.memory_space<hbm>>) target(%arg21 : memref<80x128xf32, #tpu.memory_space<vmem>>) offsets(%dma_start3A_605 : memref<80xi32, #tpu.memory_space<vmem>>) semaphore(%arg25 : memref<!tpu.dma_semaphore, #tpu.memory_space<semaphore_mem>>)
      %scan3A_609 = arith.constant 0 : i32
      %scan3A_610 = arith.constant 0 : i32
      %scan3A_611 = arith.constant 10 : i32
      %scan3A_612 = arith.addi %scan3A_610, %scan3A_611 : i32
      %scan3A_613 = arith.constant 1 : i32
      scf.for %scan3A_626 = %scan3A_610 to %scan3A_612 step %scan3A_613  : i32 {
        %mul3A_627 = arith.constant 8 : i32
        %mul3A_628 = arith.muli %scan3A_626, %mul3A_627 : i32
        %add3A_629 = arith.constant 0 : i32
        %add3A_630 = arith.addi %mul3A_628, %add3A_629 : i32
        %add3A_631 = vector.broadcast %add3A_630 : i32 to vector<16xi32>
        %add3A_632 = arith.addi %broadcast_in_dim3A_12, %add3A_631 : vector<16xi32>
        %gather3A = tpu.vector_load_idx %arg18[%add3A_632] : memref<80xf32, #tpu.memory_space<vmem>>[vector<16xi32>], vector<16xf32>,
        %get3A_633 = arith.index_cast %add3A_630 : i32 to index
        %get3A_634 = arith.constant 0 : index
        %get3A_635 = tpu.vector_load %arg20[%get3A_633, %get3A_634] {strides = array<i32>} : memref<80x128xf32, #tpu.memory_space<vmem>>, vector<16xf32>,
        %mul3A_636 = arith.mulf %get3A_635, %gather3A : vector<16xf32>
        %swap3A_637 = arith.index_cast %add3A_630 : i32 to index
        %swap3A_638 = arith.constant 0 : index
        %swap3A_639 = tpu.vector_load %arg20[%swap3A_637, %swap3A_638] {strides = array<i32>} : memref<80x128xf32, #tpu.memory_space<vmem>>, vector<16xf32>,
        tpu.vector_store %arg20[%swap3A_637, %swap3A_638], %mul3A_636 {strides = array<i32>} : memref<80x128xf32, #tpu.memory_space<vmem>>, vector<16xf32>,
        %get3A_640 = arith.index_cast %add3A_630 : i32 to index
        %get3A_641 = arith.constant 16 : index
        %get3A_642 = tpu.vector_load %arg20[%get3A_640, %get3A_641] {strides = array<i32>} : memref<80x128xf32, #tpu.memory_space<vmem>>, vector<16xf32>,
        %mul3A_643 = arith.mulf %get3A_642, %gather3A : vector<16xf32>
        %swap3A_644 = arith.index_cast %add3A_630 : i32 to index
        %swap3A_645 = arith.constant 16 : index
        %swap3A_646 = tpu.vector_load %arg20[%swap3A_644, %swap3A_645] {strides = array<i32>} : memref<80x128xf32, #tpu.memory_space<vmem>>, vector<16xf32>,
        tpu.vector_store %arg20[%swap3A_644, %swap3A_645], %mul3A_643 {strides = array<i32>} : memref<80x128xf32, #tpu.memory_space<vmem>>, vector<16xf32>,
        %get3A_647 = arith.index_cast %add3A_630 : i32 to index
        %get3A_648 = arith.constant 32 : index
        %get3A_649 = tpu.vector_load %arg20[%get3A_647, %get3A_648] {strides = array<i32>} : memref<80x128xf32, #tpu.memory_space<vmem>>, vector<16xf32>,
        %mul3A_650 = arith.mulf %get3A_649, %gather3A : vector<16xf32>
        %swap3A_651 = arith.index_cast %add3A_630 : i32 to index
        %swap3A_652 = arith.constant 32 : index
        %swap3A_653 = tpu.vector_load %arg20[%swap3A_651, %swap3A_652] {strides = array<i32>} : memref<80x128xf32, #tpu.memory_space<vmem>>, vector<16xf32>,
        tpu.vector_store %arg20[%swap3A_651, %swap3A_652], %mul3A_650 {strides = array<i32>} : memref<80x128xf32, #tpu.memory_space<vmem>>, vector<16xf32>,
        %get3A_654 = arith.index_cast %add3A_630 : i32 to index
        %get3A_655 = arith.constant 48 : index
        %get3A_656 = tpu.vector_load %arg20[%get3A_654, %get3A_655] {strides = array<i32>} : memref<80x128xf32, #tpu.memory_space<vmem>>, vector<16xf32>,
        %mul3A_657 = arith.mulf %get3A_656, %gather3A : vector<16xf32>
        %swap3A_658 = arith.index_cast %add3A_630 : i32 to index
        %swap3A_659 = arith.constant 48 : index
        %swap3A_660 = tpu.vector_load %arg20[%swap3A_658, %swap3A_659] {strides = array<i32>} : memref<80x128xf32, #tpu.memory_space<vmem>>, vector<16xf32>,
        tpu.vector_store %arg20[%swap3A_658, %swap3A_659], %mul3A_657 {strides = array<i32>} : memref<80x128xf32, #tpu.memory_space<vmem>>, vector<16xf32>,
        %get3A_661 = arith.index_cast %add3A_630 : i32 to index
        %get3A_662 = arith.constant 64 : index
        %get3A_663 = tpu.vector_load %arg20[%get3A_661, %get3A_662] {strides = array<i32>} : memref<80x128xf32, #tpu.memory_space<vmem>>, vector<16xf32>,
        %mul3A_664 = arith.mulf %get3A_663, %gather3A : vector<16xf32>
        %swap3A_665 = arith.index_cast %add3A_630 : i32 to index
        %swap3A_666 = arith.constant 64 : index
        %swap3A_667 = tpu.vector_load %arg20[%swap3A_665, %swap3A_666] {strides = array<i32>} : memref<80x128xf32, #tpu.memory_space<vmem>>, vector<16xf32>,
        tpu.vector_store %arg20[%swap3A_665, %swap3A_666], %mul3A_664 {strides = array<i32>} : memref<80x128xf32, #tpu.memory_space<vmem>>, vector<16xf32>,
        %get3A_668 = arith.index_cast %add3A_630 : i32 to index
        %get3A_669 = arith.constant 80 : index
        %get3A_670 = tpu.vector_load %arg20[%get3A_668, %get3A_669] {strides = array<i32>} : memref<80x128xf32, #tpu.memory_space<vmem>>, vector<16xf32>,
        %mul3A_671 = arith.mulf %get3A_670, %gather3A : vector<16xf32>
        %swap3A_672 = arith.index_cast %add3A_630 : i32 to index
        %swap3A_673 = arith.constant 80 : index
        %swap3A_674 = tpu.vector_load %arg20[%swap3A_672, %swap3A_673] {strides = array<i32>} : memref<80x128xf32, #tpu.memory_space<vmem>>, vector<16xf32>,
        tpu.vector_store %arg20[%swap3A_672, %swap3A_673], %mul3A_671 {strides = array<i32>} : memref<80x128xf32, #tpu.memory_space<vmem>>, vector<16xf32>,
        %get3A_675 = arith.index_cast %add3A_630 : i32 to index
        %get3A_676 = arith.constant 96 : index
        %get3A_677 = tpu.vector_load %arg20[%get3A_675, %get3A_676] {strides = array<i32>} : memref<80x128xf32, #tpu.memory_space<vmem>>, vector<16xf32>,
        %mul3A_678 = arith.mulf %get3A_677, %gather3A : vector<16xf32>
        %swap3A_679 = arith.index_cast %add3A_630 : i32 to index
        %swap3A_680 = arith.constant 96 : index
        %swap3A_681 = tpu.vector_load %arg20[%swap3A_679, %swap3A_680] {strides = array<i32>} : memref<80x128xf32, #tpu.memory_space<vmem>>, vector<16xf32>,
        tpu.vector_store %arg20[%swap3A_679, %swap3A_680], %mul3A_678 {strides = array<i32>} : memref<80x128xf32, #tpu.memory_space<vmem>>, vector<16xf32>,
        %get3A_682 = arith.index_cast %add3A_630 : i32 to index
        %get3A_683 = arith.constant 112 : index
        %get3A_684 = tpu.vector_load %arg20[%get3A_682, %get3A_683] {strides = array<i32>} : memref<80x128xf32, #tpu.memory_space<vmem>>, vector<16xf32>,
        %mul3A_685 = arith.mulf %get3A_684, %gather3A : vector<16xf32>
        %swap3A_686 = arith.index_cast %add3A_630 : i32 to index
        %swap3A_687 = arith.constant 112 : index
        %swap3A_688 = tpu.vector_load %arg20[%swap3A_686, %swap3A_687] {strides = array<i32>} : memref<80x128xf32, #tpu.memory_space<vmem>>, vector<16xf32>,
        tpu.vector_store %arg20[%swap3A_686, %swap3A_687], %mul3A_685 {strides = array<i32>} : memref<80x128xf32, #tpu.memory_space<vmem>>, vector<16xf32>,
        %add3A_689 = arith.constant 1 : i32
        %add3A_690 = arith.addi %mul3A_628, %add3A_689 : i32
        %add3A_691 = vector.broadcast %add3A_690 : i32 to vector<16xi32>
        %add3A_692 = arith.addi %broadcast_in_dim3A_12, %add3A_691 : vector<16xi32>
        %gather3A_693 = tpu.vector_load_idx %arg18[%add3A_692] : memref<80xf32, #tpu.memory_space<vmem>>[vector<16xi32>], vector<16xf32>,
        %get3A_694 = arith.index_cast %add3A_690 : i32 to index
        %get3A_695 = arith.constant 0 : index
        %get3A_696 = tpu.vector_load %arg20[%get3A_694, %get3A_695] {strides = array<i32>} : memref<80x128xf32, #tpu.memory_space<vmem>>, vector<16xf32>,
        %mul3A_697 = arith.mulf %get3A_696, %gather3A_693 : vector<16xf32>
        %swap3A_698 = arith.index_cast %add3A_690 : i32 to index
        %swap3A_699 = arith.constant 0 : index
        %swap3A_700 = tpu.vector_load %arg20[%swap3A_698, %swap3A_699] {strides = array<i32>} : memref<80x128xf32, #tpu.memory_space<vmem>>, vector<16xf32>,
        tpu.vector_store %arg20[%swap3A_698, %swap3A_699], %mul3A_697 {strides = array<i32>} : memref<80x128xf32, #tpu.memory_space<vmem>>, vector<16xf32>,
        %get3A_701 = arith.index_cast %add3A_690 : i32 to index
        %get3A_702 = arith.constant 16 : index
        %get3A_703 = tpu.vector_load %arg20[%get3A_701, %get3A_702] {strides = array<i32>} : memref<80x128xf32, #tpu.memory_space<vmem>>, vector<16xf32>,
        %mul3A_704 = arith.mulf %get3A_703, %gather3A_693 : vector<16xf32>
        %swap3A_705 = arith.index_cast %add3A_690 : i32 to index
        %swap3A_706 = arith.constant 16 : index
        %swap3A_707 = tpu.vector_load %arg20[%swap3A_705, %swap3A_706] {strides = array<i32>} : memref<80x128xf32, #tpu.memory_space<vmem>>, vector<16xf32>,
        tpu.vector_store %arg20[%swap3A_705, %swap3A_706], %mul3A_704 {strides = array<i32>} : memref<80x128xf32, #tpu.memory_space<vmem>>, vector<16xf32>,
        %get3A_708 = arith.index_cast %add3A_690 : i32 to index
        %get3A_709 = arith.constant 32 : index
        %get3A_710 = tpu.vector_load %arg20[%get3A_708, %get3A_709] {strides = array<i32>} : memref<80x128xf32, #tpu.memory_space<vmem>>, vector<16xf32>,
        %mul3A_711 = arith.mulf %get3A_710, %gather3A_693 : vector<16xf32>
        %swap3A_712 = arith.index_cast %add3A_690 : i32 to index
        %swap3A_713 = arith.constant 32 : index
        %swap3A_714 = tpu.vector_load %arg20[%swap3A_712, %swap3A_713] {strides = array<i32>} : memref<80x128xf32, #tpu.memory_space<vmem>>, vector<16xf32>,
        tpu.vector_store %arg20[%swap3A_712, %swap3A_713], %mul3A_711 {strides = array<i32>} : memref<80x128xf32, #tpu.memory_space<vmem>>, vector<16xf32>,
        %get3A_715 = arith.index_cast %add3A_690 : i32 to index
        %get3A_716 = arith.constant 48 : index
        %get3A_717 = tpu.vector_load %arg20[%get3A_715, %get3A_716] {strides = array<i32>} : memref<80x128xf32, #tpu.memory_space<vmem>>, vector<16xf32>,
        %mul3A_718 = arith.mulf %get3A_717, %gather3A_693 : vector<16xf32>
        %swap3A_719 = arith.index_cast %add3A_690 : i32 to index
        %swap3A_720 = arith.constant 48 : index
        %swap3A_721 = tpu.vector_load %arg20[%swap3A_719, %swap3A_720] {strides = array<i32>} : memref<80x128xf32, #tpu.memory_space<vmem>>, vector<16xf32>,
        tpu.vector_store %arg20[%swap3A_719, %swap3A_720], %mul3A_718 {strides = array<i32>} : memref<80x128xf32, #tpu.memory_space<vmem>>, vector<16xf32>,
        %get3A_722 = arith.index_cast %add3A_690 : i32 to index
        %get3A_723 = arith.constant 64 : index
        %get3A_724 = tpu.vector_load %arg20[%get3A_722, %get3A_723] {strides = array<i32>} : memref<80x128xf32, #tpu.memory_space<vmem>>, vector<16xf32>,
        %mul3A_725 = arith.mulf %get3A_724, %gather3A_693 : vector<16xf32>
        %swap3A_726 = arith.index_cast %add3A_690 : i32 to index
        %swap3A_727 = arith.constant 64 : index
        %swap3A_728 = tpu.vector_load %arg20[%swap3A_726, %swap3A_727] {strides = array<i32>} : memref<80x128xf32, #tpu.memory_space<vmem>>, vector<16xf32>,
        tpu.vector_store %arg20[%swap3A_726, %swap3A_727], %mul3A_725 {strides = array<i32>} : memref<80x128xf32, #tpu.memory_space<vmem>>, vector<16xf32>,
        %get3A_729 = arith.index_cast %add3A_690 : i32 to index
        %get3A_730 = arith.constant 80 : index
        %get3A_731 = tpu.vector_load %arg20[%get3A_729, %get3A_730] {strides = array<i32>} : memref<80x128xf32, #tpu.memory_space<vmem>>, vector<16xf32>,
        %mul3A_732 = arith.mulf %get3A_731, %gather3A_693 : vector<16xf32>
        %swap3A_733 = arith.index_cast %add3A_690 : i32 to index
        %swap3A_734 = arith.constant 80 : index
        %swap3A_735 = tpu.vector_load %arg20[%swap3A_733, %swap3A_734] {strides = array<i32>} : memref<80x128xf32, #tpu.memory_space<vmem>>, vector<16xf32>,
        tpu.vector_store %arg20[%swap3A_733, %swap3A_734], %mul3A_732 {strides = array<i32>} : memref<80x128xf32, #tpu.memory_space<vmem>>, vector<16xf32>,
        %get3A_736 = arith.index_cast %add3A_690 : i32 to index
        %get3A_737 = arith.constant 96 : index
        %get3A_738 = tpu.vector_load %arg20[%get3A_736, %get3A_737] {strides = array<i32>} : memref<80x128xf32, #tpu.memory_space<vmem>>, vector<16xf32>,
        %mul3A_739 = arith.mulf %get3A_738, %gather3A_693 : vector<16xf32>
        %swap3A_740 = arith.index_cast %add3A_690 : i32 to index
        %swap3A_741 = arith.constant 96 : index
        %swap3A_742 = tpu.vector_load %arg20[%swap3A_740, %swap3A_741] {strides = array<i32>} : memref<80x128xf32, #tpu.memory_space<vmem>>, vector<16xf32>,
        tpu.vector_store %arg20[%swap3A_740, %swap3A_741], %mul3A_739 {strides = array<i32>} : memref<80x128xf32, #tpu.memory_space<vmem>>, vector<16xf32>,
        %get3A_743 = arith.index_cast %add3A_690 : i32 to index
        %get3A_744 = arith.constant 112 : index
        %get3A_745 = tpu.vector_load %arg20[%get3A_743, %get3A_744] {strides = array<i32>} : memref<80x128xf32, #tpu.memory_space<vmem>>, vector<16xf32>,
        %mul3A_746 = arith.mulf %get3A_745, %gather3A_693 : vector<16xf32>
        %swap3A_747 = arith.index_cast %add3A_690 : i32 to index
        %swap3A_748 = arith.constant 112 : index
        %swap3A_749 = tpu.vector_load %arg20[%swap3A_747, %swap3A_748] {strides = array<i32>} : memref<80x128xf32, #tpu.memory_space<vmem>>, vector<16xf32>,
        tpu.vector_store %arg20[%swap3A_747, %swap3A_748], %mul3A_746 {strides = array<i32>} : memref<80x128xf32, #tpu.memory_space<vmem>>, vector<16xf32>,
        %add3A_750 = arith.constant 2 : i32
        %add3A_751 = arith.addi %mul3A_628, %add3A_750 : i32
        %add3A_752 = vector.broadcast %add3A_751 : i32 to vector<16xi32>
        %add3A_753 = arith.addi %broadcast_in_dim3A_12, %add3A_752 : vector<16xi32>
        %gather3A_754 = tpu.vector_load_idx %arg18[%add3A_753] : memref<80xf32, #tpu.memory_space<vmem>>[vector<16xi32>], vector<16xf32>,
        %get3A_755 = arith.index_cast %add3A_751 : i32 to index
        %get3A_756 = arith.constant 0 : index
        %get3A_757 = tpu.vector_load %arg20[%get3A_755, %get3A_756] {strides = array<i32>} : memref<80x128xf32, #tpu.memory_space<vmem>>, vector<16xf32>,
        %mul3A_758 = arith.mulf %get3A_757, %gather3A_754 : vector<16xf32>
        %swap3A_759 = arith.index_cast %add3A_751 : i32 to index
        %swap3A_760 = arith.constant 0 : index
        %swap3A_761 = tpu.vector_load %arg20[%swap3A_759, %swap3A_760] {strides = array<i32>} : memref<80x128xf32, #tpu.memory_space<vmem>>, vector<16xf32>,
        tpu.vector_store %arg20[%swap3A_759, %swap3A_760], %mul3A_758 {strides = array<i32>} : memref<80x128xf32, #tpu.memory_space<vmem>>, vector<16xf32>,
        %get3A_762 = arith.index_cast %add3A_751 : i32 to index
        %get3A_763 = arith.constant 16 : index
        %get3A_764 = tpu.vector_load %arg20[%get3A_762, %get3A_763] {strides = array<i32>} : memref<80x128xf32, #tpu.memory_space<vmem>>, vector<16xf32>,
        %mul3A_765 = arith.mulf %get3A_764, %gather3A_754 : vector<16xf32>
        %swap3A_766 = arith.index_cast %add3A_751 : i32 to index
        %swap3A_767 = arith.constant 16 : index
        %swap3A_768 = tpu.vector_load %arg20[%swap3A_766, %swap3A_767] {strides = array<i32>} : memref<80x128xf32, #tpu.memory_space<vmem>>, vector<16xf32>,
        tpu.vector_store %arg20[%swap3A_766, %swap3A_767], %mul3A_765 {strides = array<i32>} : memref<80x128xf32, #tpu.memory_space<vmem>>, vector<16xf32>,
        %get3A_769 = arith.index_cast %add3A_751 : i32 to index
        %get3A_770 = arith.constant 32 : index
        %get3A_771 = tpu.vector_load %arg20[%get3A_769, %get3A_770] {strides = array<i32>} : memref<80x128xf32, #tpu.memory_space<vmem>>, vector<16xf32>,
        %mul3A_772 = arith.mulf %get3A_771, %gather3A_754 : vector<16xf32>
        %swap3A_773 = arith.index_cast %add3A_751 : i32 to index
        %swap3A_774 = arith.constant 32 : index
        %swap3A_775 = tpu.vector_load %arg20[%swap3A_773, %swap3A_774] {strides = array<i32>} : memref<80x128xf32, #tpu.memory_space<vmem>>, vector<16xf32>,
        tpu.vector_store %arg20[%swap3A_773, %swap3A_774], %mul3A_772 {strides = array<i32>} : memref<80x128xf32, #tpu.memory_space<vmem>>, vector<16xf32>,
        %get3A_776 = arith.index_cast %add3A_751 : i32 to index
        %get3A_777 = arith.constant 48 : index
        %get3A_778 = tpu.vector_load %arg20[%get3A_776, %get3A_777] {strides = array<i32>} : memref<80x128xf32, #tpu.memory_space<vmem>>, vector<16xf32>,
        %mul3A_779 = arith.mulf %get3A_778, %gather3A_754 : vector<16xf32>
        %swap3A_780 = arith.index_cast %add3A_751 : i32 to index
        %swap3A_781 = arith.constant 48 : index
        %swap3A_782 = tpu.vector_load %arg20[%swap3A_780, %swap3A_781] {strides = array<i32>} : memref<80x128xf32, #tpu.memory_space<vmem>>, vector<16xf32>,
        tpu.vector_store %arg20[%swap3A_780, %swap3A_781], %mul3A_779 {strides = array<i32>} : memref<80x128xf32, #tpu.memory_space<vmem>>, vector<16xf32>,
        %get3A_783 = arith.index_cast %add3A_751 : i32 to index
        %get3A_784 = arith.constant 64 : index
        %get3A_785 = tpu.vector_load %arg20[%get3A_783, %get3A_784] {strides = array<i32>} : memref<80x128xf32, #tpu.memory_space<vmem>>, vector<16xf32>,
        %mul3A_786 = arith.mulf %get3A_785, %gather3A_754 : vector<16xf32>
        %swap3A_787 = arith.index_cast %add3A_751 : i32 to index
        %swap3A_788 = arith.constant 64 : index
        %swap3A_789 = tpu.vector_load %arg20[%swap3A_787, %swap3A_788] {strides = array<i32>} : memref<80x128xf32, #tpu.memory_space<vmem>>, vector<16xf32>,
        tpu.vector_store %arg20[%swap3A_787, %swap3A_788], %mul3A_786 {strides = array<i32>} : memref<80x128xf32, #tpu.memory_space<vmem>>, vector<16xf32>,
        %get3A_790 = arith.index_cast %add3A_751 : i32 to index
        %get3A_791 = arith.constant 80 : index
        %get3A_792 = tpu.vector_load %arg20[%get3A_790, %get3A_791] {strides = array<i32>} : memref<80x128xf32, #tpu.memory_space<vmem>>, vector<16xf32>,
        %mul3A_793 = arith.mulf %get3A_792, %gather3A_754 : vector<16xf32>
        %swap3A_794 = arith.index_cast %add3A_751 : i32 to index
        %swap3A_795 = arith.constant 80 : index
        %swap3A_796 = tpu.vector_load %arg20[%swap3A_794, %swap3A_795] {strides = array<i32>} : memref<80x128xf32, #tpu.memory_space<vmem>>, vector<16xf32>,
        tpu.vector_store %arg20[%swap3A_794, %swap3A_795], %mul3A_793 {strides = array<i32>} : memref<80x128xf32, #tpu.memory_space<vmem>>, vector<16xf32>,
        %get3A_797 = arith.index_cast %add3A_751 : i32 to index
        %get3A_798 = arith.constant 96 : index
        %get3A_799 = tpu.vector_load %arg20[%get3A_797, %get3A_798] {strides = array<i32>} : memref<80x128xf32, #tpu.memory_space<vmem>>, vector<16xf32>,
        %mul3A_800 = arith.mulf %get3A_799, %gather3A_754 : vector<16xf32>
        %swap3A_801 = arith.index_cast %add3A_751 : i32 to index
        %swap3A_802 = arith.constant 96 : index
        %swap3A_803 = tpu.vector_load %arg20[%swap3A_801, %swap3A_802] {strides = array<i32>} : memref<80x128xf32, #tpu.memory_space<vmem>>, vector<16xf32>,
        tpu.vector_store %arg20[%swap3A_801, %swap3A_802], %mul3A_800 {strides = array<i32>} : memref<80x128xf32, #tpu.memory_space<vmem>>, vector<16xf32>,
        %get3A_804 = arith.index_cast %add3A_751 : i32 to index
        %get3A_805 = arith.constant 112 : index
        %get3A_806 = tpu.vector_load %arg20[%get3A_804, %get3A_805] {strides = array<i32>} : memref<80x128xf32, #tpu.memory_space<vmem>>, vector<16xf32>,
        %mul3A_807 = arith.mulf %get3A_806, %gather3A_754 : vector<16xf32>
        %swap3A_808 = arith.index_cast %add3A_751 : i32 to index
        %swap3A_809 = arith.constant 112 : index
        %swap3A_810 = tpu.vector_load %arg20[%swap3A_808, %swap3A_809] {strides = array<i32>} : memref<80x128xf32, #tpu.memory_space<vmem>>, vector<16xf32>,
        tpu.vector_store %arg20[%swap3A_808, %swap3A_809], %mul3A_807 {strides = array<i32>} : memref<80x128xf32, #tpu.memory_space<vmem>>, vector<16xf32>,
        %add3A_811 = arith.constant 3 : i32
        %add3A_812 = arith.addi %mul3A_628, %add3A_811 : i32
        %add3A_813 = vector.broadcast %add3A_812 : i32 to vector<16xi32>
        %add3A_814 = arith.addi %broadcast_in_dim3A_12, %add3A_813 : vector<16xi32>
        %gather3A_815 = tpu.vector_load_idx %arg18[%add3A_814] : memref<80xf32, #tpu.memory_space<vmem>>[vector<16xi32>], vector<16xf32>,
        %get3A_816 = arith.index_cast %add3A_812 : i32 to index
        %get3A_817 = arith.constant 0 : index
        %get3A_818 = tpu.vector_load %arg20[%get3A_816, %get3A_817] {strides = array<i32>} : memref<80x128xf32, #tpu.memory_space<vmem>>, vector<16xf32>,
        %mul3A_819 = arith.mulf %get3A_818, %gather3A_815 : vector<16xf32>
        %swap3A_820 = arith.index_cast %add3A_812 : i32 to index
        %swap3A_821 = arith.constant 0 : index
        %swap3A_822 = tpu.vector_load %arg20[%swap3A_820, %swap3A_821] {strides = array<i32>} : memref<80x128xf32, #tpu.memory_space<vmem>>, vector<16xf32>,
        tpu.vector_store %arg20[%swap3A_820, %swap3A_821], %mul3A_819 {strides = array<i32>} : memref<80x128xf32, #tpu.memory_space<vmem>>, vector<16xf32>,
        %get3A_823 = arith.index_cast %add3A_812 : i32 to index
        %get3A_824 = arith.constant 16 : index
        %get3A_825 = tpu.vector_load %arg20[%get3A_823, %get3A_824] {strides = array<i32>} : memref<80x128xf32, #tpu.memory_space<vmem>>, vector<16xf32>,
        %mul3A_826 = arith.mulf %get3A_825, %gather3A_815 : vector<16xf32>
        %swap3A_827 = arith.index_cast %add3A_812 : i32 to index
        %swap3A_828 = arith.constant 16 : index
        %swap3A_829 = tpu.vector_load %arg20[%swap3A_827, %swap3A_828] {strides = array<i32>} : memref<80x128xf32, #tpu.memory_space<vmem>>, vector<16xf32>,
        tpu.vector_store %arg20[%swap3A_827, %swap3A_828], %mul3A_826 {strides = array<i32>} : memref<80x128xf32, #tpu.memory_space<vmem>>, vector<16xf32>,
        %get3A_830 = arith.index_cast %add3A_812 : i32 to index
        %get3A_831 = arith.constant 32 : index
        %get3A_832 = tpu.vector_load %arg20[%get3A_830, %get3A_831] {strides = array<i32>} : memref<80x128xf32, #tpu.memory_space<vmem>>, vector<16xf32>,
        %mul3A_833 = arith.mulf %get3A_832, %gather3A_815 : vector<16xf32>
        %swap3A_834 = arith.index_cast %add3A_812 : i32 to index
        %swap3A_835 = arith.constant 32 : index
        %swap3A_836 = tpu.vector_load %arg20[%swap3A_834, %swap3A_835] {strides = array<i32>} : memref<80x128xf32, #tpu.memory_space<vmem>>, vector<16xf32>,
        tpu.vector_store %arg20[%swap3A_834, %swap3A_835], %mul3A_833 {strides = array<i32>} : memref<80x128xf32, #tpu.memory_space<vmem>>, vector<16xf32>,
        %get3A_837 = arith.index_cast %add3A_812 : i32 to index
        %get3A_838 = arith.constant 48 : index
        %get3A_839 = tpu.vector_load %arg20[%get3A_837, %get3A_838] {strides = array<i32>} : memref<80x128xf32, #tpu.memory_space<vmem>>, vector<16xf32>,
        %mul3A_840 = arith.mulf %get3A_839, %gather3A_815 : vector<16xf32>
        %swap3A_841 = arith.index_cast %add3A_812 : i32 to index
        %swap3A_842 = arith.constant 48 : index
        %swap3A_843 = tpu.vector_load %arg20[%swap3A_841, %swap3A_842] {strides = array<i32>} : memref<80x128xf32, #tpu.memory_space<vmem>>, vector<16xf32>,
        tpu.vector_store %arg20[%swap3A_841, %swap3A_842], %mul3A_840 {strides = array<i32>} : memref<80x128xf32, #tpu.memory_space<vmem>>, vector<16xf32>,
        %get3A_844 = arith.index_cast %add3A_812 : i32 to index
        %get3A_845 = arith.constant 64 : index
        %get3A_846 = tpu.vector_load %arg20[%get3A_844, %get3A_845] {strides = array<i32>} : memref<80x128xf32, #tpu.memory_space<vmem>>, vector<16xf32>,
        %mul3A_847 = arith.mulf %get3A_846, %gather3A_815 : vector<16xf32>
        %swap3A_848 = arith.index_cast %add3A_812 : i32 to index
        %swap3A_849 = arith.constant 64 : index
        %swap3A_850 = tpu.vector_load %arg20[%swap3A_848, %swap3A_849] {strides = array<i32>} : memref<80x128xf32, #tpu.memory_space<vmem>>, vector<16xf32>,
        tpu.vector_store %arg20[%swap3A_848, %swap3A_849], %mul3A_847 {strides = array<i32>} : memref<80x128xf32, #tpu.memory_space<vmem>>, vector<16xf32>,
        %get3A_851 = arith.index_cast %add3A_812 : i32 to index
        %get3A_852 = arith.constant 80 : index
        %get3A_853 = tpu.vector_load %arg20[%get3A_851, %get3A_852] {strides = array<i32>} : memref<80x128xf32, #tpu.memory_space<vmem>>, vector<16xf32>,
        %mul3A_854 = arith.mulf %get3A_853, %gather3A_815 : vector<16xf32>
        %swap3A_855 = arith.index_cast %add3A_812 : i32 to index
        %swap3A_856 = arith.constant 80 : index
        %swap3A_857 = tpu.vector_load %arg20[%swap3A_855, %swap3A_856] {strides = array<i32>} : memref<80x128xf32, #tpu.memory_space<vmem>>, vector<16xf32>,
        tpu.vector_store %arg20[%swap3A_855, %swap3A_856], %mul3A_854 {strides = array<i32>} : memref<80x128xf32, #tpu.memory_space<vmem>>, vector<16xf32>,
        %get3A_858 = arith.index_cast %add3A_812 : i32 to index
        %get3A_859 = arith.constant 96 : index
        %get3A_860 = tpu.vector_load %arg20[%get3A_858, %get3A_859] {strides = array<i32>} : memref<80x128xf32, #tpu.memory_space<vmem>>, vector<16xf32>,
        %mul3A_861 = arith.mulf %get3A_860, %gather3A_815 : vector<16xf32>
        %swap3A_862 = arith.index_cast %add3A_812 : i32 to index
        %swap3A_863 = arith.constant 96 : index
        %swap3A_864 = tpu.vector_load %arg20[%swap3A_862, %swap3A_863] {strides = array<i32>} : memref<80x128xf32, #tpu.memory_space<vmem>>, vector<16xf32>,
        tpu.vector_store %arg20[%swap3A_862, %swap3A_863], %mul3A_861 {strides = array<i32>} : memref<80x128xf32, #tpu.memory_space<vmem>>, vector<16xf32>,
        %get3A_865 = arith.index_cast %add3A_812 : i32 to index
        %get3A_866 = arith.constant 112 : index
        %get3A_867 = tpu.vector_load %arg20[%get3A_865, %get3A_866] {strides = array<i32>} : memref<80x128xf32, #tpu.memory_space<vmem>>, vector<16xf32>,
        %mul3A_868 = arith.mulf %get3A_867, %gather3A_815 : vector<16xf32>
        %swap3A_869 = arith.index_cast %add3A_812 : i32 to index
        %swap3A_870 = arith.constant 112 : index
        %swap3A_871 = tpu.vector_load %arg20[%swap3A_869, %swap3A_870] {strides = array<i32>} : memref<80x128xf32, #tpu.memory_space<vmem>>, vector<16xf32>,
        tpu.vector_store %arg20[%swap3A_869, %swap3A_870], %mul3A_868 {strides = array<i32>} : memref<80x128xf32, #tpu.memory_space<vmem>>, vector<16xf32>,
        %add3A_872 = arith.constant 4 : i32
        %add3A_873 = arith.addi %mul3A_628, %add3A_872 : i32
        %add3A_874 = vector.broadcast %add3A_873 : i32 to vector<16xi32>
        %add3A_875 = arith.addi %broadcast_in_dim3A_12, %add3A_874 : vector<16xi32>
        %gather3A_876 = tpu.vector_load_idx %arg18[%add3A_875] : memref<80xf32, #tpu.memory_space<vmem>>[vector<16xi32>], vector<16xf32>,
        %get3A_877 = arith.index_cast %add3A_873 : i32 to index
        %get3A_878 = arith.constant 0 : index
        %get3A_879 = tpu.vector_load %arg20[%get3A_877, %get3A_878] {strides = array<i32>} : memref<80x128xf32, #tpu.memory_space<vmem>>, vector<16xf32>,
        %mul3A_880 = arith.mulf %get3A_879, %gather3A_876 : vector<16xf32>
        %swap3A_881 = arith.index_cast %add3A_873 : i32 to index
        %swap3A_882 = arith.constant 0 : index
        %swap3A_883 = tpu.vector_load %arg20[%swap3A_881, %swap3A_882] {strides = array<i32>} : memref<80x128xf32, #tpu.memory_space<vmem>>, vector<16xf32>,
        tpu.vector_store %arg20[%swap3A_881, %swap3A_882], %mul3A_880 {strides = array<i32>} : memref<80x128xf32, #tpu.memory_space<vmem>>, vector<16xf32>,
        %get3A_884 = arith.index_cast %add3A_873 : i32 to index
        %get3A_885 = arith.constant 16 : index
        %get3A_886 = tpu.vector_load %arg20[%get3A_884, %get3A_885] {strides = array<i32>} : memref<80x128xf32, #tpu.memory_space<vmem>>, vector<16xf32>,
        %mul3A_887 = arith.mulf %get3A_886, %gather3A_876 : vector<16xf32>
        %swap3A_888 = arith.index_cast %add3A_873 : i32 to index
        %swap3A_889 = arith.constant 16 : index
        %swap3A_890 = tpu.vector_load %arg20[%swap3A_888, %swap3A_889] {strides = array<i32>} : memref<80x128xf32, #tpu.memory_space<vmem>>, vector<16xf32>,
        tpu.vector_store %arg20[%swap3A_888, %swap3A_889], %mul3A_887 {strides = array<i32>} : memref<80x128xf32, #tpu.memory_space<vmem>>, vector<16xf32>,
        %get3A_891 = arith.index_cast %add3A_873 : i32 to index
        %get3A_892 = arith.constant 32 : index
        %get3A_893 = tpu.vector_load %arg20[%get3A_891, %get3A_892] {strides = array<i32>} : memref<80x128xf32, #tpu.memory_space<vmem>>, vector<16xf32>,
        %mul3A_894 = arith.mulf %get3A_893, %gather3A_876 : vector<16xf32>
        %swap3A_895 = arith.index_cast %add3A_873 : i32 to index
        %swap3A_896 = arith.constant 32 : index
        %swap3A_897 = tpu.vector_load %arg20[%swap3A_895, %swap3A_896] {strides = array<i32>} : memref<80x128xf32, #tpu.memory_space<vmem>>, vector<16xf32>,
        tpu.vector_store %arg20[%swap3A_895, %swap3A_896], %mul3A_894 {strides = array<i32>} : memref<80x128xf32, #tpu.memory_space<vmem>>, vector<16xf32>,
        %get3A_898 = arith.index_cast %add3A_873 : i32 to index
        %get3A_899 = arith.constant 48 : index
        %get3A_900 = tpu.vector_load %arg20[%get3A_898, %get3A_899] {strides = array<i32>} : memref<80x128xf32, #tpu.memory_space<vmem>>, vector<16xf32>,
        %mul3A_901 = arith.mulf %get3A_900, %gather3A_876 : vector<16xf32>
        %swap3A_902 = arith.index_cast %add3A_873 : i32 to index
        %swap3A_903 = arith.constant 48 : index
        %swap3A_904 = tpu.vector_load %arg20[%swap3A_902, %swap3A_903] {strides = array<i32>} : memref<80x128xf32, #tpu.memory_space<vmem>>, vector<16xf32>,
        tpu.vector_store %arg20[%swap3A_902, %swap3A_903], %mul3A_901 {strides = array<i32>} : memref<80x128xf32, #tpu.memory_space<vmem>>, vector<16xf32>,
        %get3A_905 = arith.index_cast %add3A_873 : i32 to index
        %get3A_906 = arith.constant 64 : index
        %get3A_907 = tpu.vector_load %arg20[%get3A_905, %get3A_906] {strides = array<i32>} : memref<80x128xf32, #tpu.memory_space<vmem>>, vector<16xf32>,
        %mul3A_908 = arith.mulf %get3A_907, %gather3A_876 : vector<16xf32>
        %swap3A_909 = arith.index_cast %add3A_873 : i32 to index
        %swap3A_910 = arith.constant 64 : index
        %swap3A_911 = tpu.vector_load %arg20[%swap3A_909, %swap3A_910] {strides = array<i32>} : memref<80x128xf32, #tpu.memory_space<vmem>>, vector<16xf32>,
        tpu.vector_store %arg20[%swap3A_909, %swap3A_910], %mul3A_908 {strides = array<i32>} : memref<80x128xf32, #tpu.memory_space<vmem>>, vector<16xf32>,
        %get3A_912 = arith.index_cast %add3A_873 : i32 to index
        %get3A_913 = arith.constant 80 : index
        %get3A_914 = tpu.vector_load %arg20[%get3A_912, %get3A_913] {strides = array<i32>} : memref<80x128xf32, #tpu.memory_space<vmem>>, vector<16xf32>,
        %mul3A_915 = arith.mulf %get3A_914, %gather3A_876 : vector<16xf32>
        %swap3A_916 = arith.index_cast %add3A_873 : i32 to index
        %swap3A_917 = arith.constant 80 : index
        %swap3A_918 = tpu.vector_load %arg20[%swap3A_916, %swap3A_917] {strides = array<i32>} : memref<80x128xf32, #tpu.memory_space<vmem>>, vector<16xf32>,
        tpu.vector_store %arg20[%swap3A_916, %swap3A_917], %mul3A_915 {strides = array<i32>} : memref<80x128xf32, #tpu.memory_space<vmem>>, vector<16xf32>,
        %get3A_919 = arith.index_cast %add3A_873 : i32 to index
        %get3A_920 = arith.constant 96 : index
        %get3A_921 = tpu.vector_load %arg20[%get3A_919, %get3A_920] {strides = array<i32>} : memref<80x128xf32, #tpu.memory_space<vmem>>, vector<16xf32>,
        %mul3A_922 = arith.mulf %get3A_921, %gather3A_876 : vector<16xf32>
        %swap3A_923 = arith.index_cast %add3A_873 : i32 to index
        %swap3A_924 = arith.constant 96 : index
        %swap3A_925 = tpu.vector_load %arg20[%swap3A_923, %swap3A_924] {strides = array<i32>} : memref<80x128xf32, #tpu.memory_space<vmem>>, vector<16xf32>,
        tpu.vector_store %arg20[%swap3A_923, %swap3A_924], %mul3A_922 {strides = array<i32>} : memref<80x128xf32, #tpu.memory_space<vmem>>, vector<16xf32>,
        %get3A_926 = arith.index_cast %add3A_873 : i32 to index
        %get3A_927 = arith.constant 112 : index
        %get3A_928 = tpu.vector_load %arg20[%get3A_926, %get3A_927] {strides = array<i32>} : memref<80x128xf32, #tpu.memory_space<vmem>>, vector<16xf32>,
        %mul3A_929 = arith.mulf %get3A_928, %gather3A_876 : vector<16xf32>
        %swap3A_930 = arith.index_cast %add3A_873 : i32 to index
        %swap3A_931 = arith.constant 112 : index
        %swap3A_932 = tpu.vector_load %arg20[%swap3A_930, %swap3A_931] {strides = array<i32>} : memref<80x128xf32, #tpu.memory_space<vmem>>, vector<16xf32>,
        tpu.vector_store %arg20[%swap3A_930, %swap3A_931], %mul3A_929 {strides = array<i32>} : memref<80x128xf32, #tpu.memory_space<vmem>>, vector<16xf32>,
        %add3A_933 = arith.constant 5 : i32
        %add3A_934 = arith.addi %mul3A_628, %add3A_933 : i32
        %add3A_935 = vector.broadcast %add3A_934 : i32 to vector<16xi32>
        %add3A_936 = arith.addi %broadcast_in_dim3A_12, %add3A_935 : vector<16xi32>
        %gather3A_937 = tpu.vector_load_idx %arg18[%add3A_936] : memref<80xf32, #tpu.memory_space<vmem>>[vector<16xi32>], vector<16xf32>,
        %get3A_938 = arith.index_cast %add3A_934 : i32 to index
        %get3A_939 = arith.constant 0 : index
        %get3A_940 = tpu.vector_load %arg20[%get3A_938, %get3A_939] {strides = array<i32>} : memref<80x128xf32, #tpu.memory_space<vmem>>, vector<16xf32>,
        %mul3A_941 = arith.mulf %get3A_940, %gather3A_937 : vector<16xf32>
        %swap3A_942 = arith.index_cast %add3A_934 : i32 to index
        %swap3A_943 = arith.constant 0 : index
        %swap3A_944 = tpu.vector_load %arg20[%swap3A_942, %swap3A_943] {strides = array<i32>} : memref<80x128xf32, #tpu.memory_space<vmem>>, vector<16xf32>,
        tpu.vector_store %arg20[%swap3A_942, %swap3A_943], %mul3A_941 {strides = array<i32>} : memref<80x128xf32, #tpu.memory_space<vmem>>, vector<16xf32>,
        %get3A_945 = arith.index_cast %add3A_934 : i32 to index
        %get3A_946 = arith.constant 16 : index
        %get3A_947 = tpu.vector_load %arg20[%get3A_945, %get3A_946] {strides = array<i32>} : memref<80x128xf32, #tpu.memory_space<vmem>>, vector<16xf32>,
        %mul3A_948 = arith.mulf %get3A_947, %gather3A_937 : vector<16xf32>
        %swap3A_949 = arith.index_cast %add3A_934 : i32 to index
        %swap3A_950 = arith.constant 16 : index
        %swap3A_951 = tpu.vector_load %arg20[%swap3A_949, %swap3A_950] {strides = array<i32>} : memref<80x128xf32, #tpu.memory_space<vmem>>, vector<16xf32>,
        tpu.vector_store %arg20[%swap3A_949, %swap3A_950], %mul3A_948 {strides = array<i32>} : memref<80x128xf32, #tpu.memory_space<vmem>>, vector<16xf32>,
        %get3A_952 = arith.index_cast %add3A_934 : i32 to index
        %get3A_953 = arith.constant 32 : index
        %get3A_954 = tpu.vector_load %arg20[%get3A_952, %get3A_953] {strides = array<i32>} : memref<80x128xf32, #tpu.memory_space<vmem>>, vector<16xf32>,
        %mul3A_955 = arith.mulf %get3A_954, %gather3A_937 : vector<16xf32>
        %swap3A_956 = arith.index_cast %add3A_934 : i32 to index
        %swap3A_957 = arith.constant 32 : index
        %swap3A_958 = tpu.vector_load %arg20[%swap3A_956, %swap3A_957] {strides = array<i32>} : memref<80x128xf32, #tpu.memory_space<vmem>>, vector<16xf32>,
        tpu.vector_store %arg20[%swap3A_956, %swap3A_957], %mul3A_955 {strides = array<i32>} : memref<80x128xf32, #tpu.memory_space<vmem>>, vector<16xf32>,
        %get3A_959 = arith.index_cast %add3A_934 : i32 to index
        %get3A_960 = arith.constant 48 : index
        %get3A_961 = tpu.vector_load %arg20[%get3A_959, %get3A_960] {strides = array<i32>} : memref<80x128xf32, #tpu.memory_space<vmem>>, vector<16xf32>,
        %mul3A_962 = arith.mulf %get3A_961, %gather3A_937 : vector<16xf32>
        %swap3A_963 = arith.index_cast %add3A_934 : i32 to index
        %swap3A_964 = arith.constant 48 : index
        %swap3A_965 = tpu.vector_load %arg20[%swap3A_963, %swap3A_964] {strides = array<i32>} : memref<80x128xf32, #tpu.memory_space<vmem>>, vector<16xf32>,
        tpu.vector_store %arg20[%swap3A_963, %swap3A_964], %mul3A_962 {strides = array<i32>} : memref<80x128xf32, #tpu.memory_space<vmem>>, vector<16xf32>,
        %get3A_966 = arith.index_cast %add3A_934 : i32 to index
        %get3A_967 = arith.constant 64 : index
        %get3A_968 = tpu.vector_load %arg20[%get3A_966, %get3A_967] {strides = array<i32>} : memref<80x128xf32, #tpu.memory_space<vmem>>, vector<16xf32>,
        %mul3A_969 = arith.mulf %get3A_968, %gather3A_937 : vector<16xf32>
        %swap3A_970 = arith.index_cast %add3A_934 : i32 to index
        %swap3A_971 = arith.constant 64 : index
        %swap3A_972 = tpu.vector_load %arg20[%swap3A_970, %swap3A_971] {strides = array<i32>} : memref<80x128xf32, #tpu.memory_space<vmem>>, vector<16xf32>,
        tpu.vector_store %arg20[%swap3A_970, %swap3A_971], %mul3A_969 {strides = array<i32>} : memref<80x128xf32, #tpu.memory_space<vmem>>, vector<16xf32>,
        %get3A_973 = arith.index_cast %add3A_934 : i32 to index
        %get3A_974 = arith.constant 80 : index
        %get3A_975 = tpu.vector_load %arg20[%get3A_973, %get3A_974] {strides = array<i32>} : memref<80x128xf32, #tpu.memory_space<vmem>>, vector<16xf32>,
        %mul3A_976 = arith.mulf %get3A_975, %gather3A_937 : vector<16xf32>
        %swap3A_977 = arith.index_cast %add3A_934 : i32 to index
        %swap3A_978 = arith.constant 80 : index
        %swap3A_979 = tpu.vector_load %arg20[%swap3A_977, %swap3A_978] {strides = array<i32>} : memref<80x128xf32, #tpu.memory_space<vmem>>, vector<16xf32>,
        tpu.vector_store %arg20[%swap3A_977, %swap3A_978], %mul3A_976 {strides = array<i32>} : memref<80x128xf32, #tpu.memory_space<vmem>>, vector<16xf32>,
        %get3A_980 = arith.index_cast %add3A_934 : i32 to index
        %get3A_981 = arith.constant 96 : index
        %get3A_982 = tpu.vector_load %arg20[%get3A_980, %get3A_981] {strides = array<i32>} : memref<80x128xf32, #tpu.memory_space<vmem>>, vector<16xf32>,
        %mul3A_983 = arith.mulf %get3A_982, %gather3A_937 : vector<16xf32>
        %swap3A_984 = arith.index_cast %add3A_934 : i32 to index
        %swap3A_985 = arith.constant 96 : index
        %swap3A_986 = tpu.vector_load %arg20[%swap3A_984, %swap3A_985] {strides = array<i32>} : memref<80x128xf32, #tpu.memory_space<vmem>>, vector<16xf32>,
        tpu.vector_store %arg20[%swap3A_984, %swap3A_985], %mul3A_983 {strides = array<i32>} : memref<80x128xf32, #tpu.memory_space<vmem>>, vector<16xf32>,
        %get3A_987 = arith.index_cast %add3A_934 : i32 to index
        %get3A_988 = arith.constant 112 : index
        %get3A_989 = tpu.vector_load %arg20[%get3A_987, %get3A_988] {strides = array<i32>} : memref<80x128xf32, #tpu.memory_space<vmem>>, vector<16xf32>,
        %mul3A_990 = arith.mulf %get3A_989, %gather3A_937 : vector<16xf32>
        %swap3A_991 = arith.index_cast %add3A_934 : i32 to index
        %swap3A_992 = arith.constant 112 : index
        %swap3A_993 = tpu.vector_load %arg20[%swap3A_991, %swap3A_992] {strides = array<i32>} : memref<80x128xf32, #tpu.memory_space<vmem>>, vector<16xf32>,
        tpu.vector_store %arg20[%swap3A_991, %swap3A_992], %mul3A_990 {strides = array<i32>} : memref<80x128xf32, #tpu.memory_space<vmem>>, vector<16xf32>,
        %add3A_994 = arith.constant 6 : i32
        %add3A_995 = arith.addi %mul3A_628, %add3A_994 : i32
        %add3A_996 = vector.broadcast %add3A_995 : i32 to vector<16xi32>
        %add3A_997 = arith.addi %broadcast_in_dim3A_12, %add3A_996 : vector<16xi32>
        %gather3A_998 = tpu.vector_load_idx %arg18[%add3A_997] : memref<80xf32, #tpu.memory_space<vmem>>[vector<16xi32>], vector<16xf32>,
        %get3A_999 = arith.index_cast %add3A_995 : i32 to index
        %get3A_1000 = arith.constant 0 : index
        %get3A_1001 = tpu.vector_load %arg20[%get3A_999, %get3A_1000] {strides = array<i32>} : memref<80x128xf32, #tpu.memory_space<vmem>>, vector<16xf32>,
        %mul3A_1002 = arith.mulf %get3A_1001, %gather3A_998 : vector<16xf32>
        %swap3A_1003 = arith.index_cast %add3A_995 : i32 to index
        %swap3A_1004 = arith.constant 0 : index
        %swap3A_1005 = tpu.vector_load %arg20[%swap3A_1003, %swap3A_1004] {strides = array<i32>} : memref<80x128xf32, #tpu.memory_space<vmem>>, vector<16xf32>,
        tpu.vector_store %arg20[%swap3A_1003, %swap3A_1004], %mul3A_1002 {strides = array<i32>} : memref<80x128xf32, #tpu.memory_space<vmem>>, vector<16xf32>,
        %get3A_1006 = arith.index_cast %add3A_995 : i32 to index
        %get3A_1007 = arith.constant 16 : index
        %get3A_1008 = tpu.vector_load %arg20[%get3A_1006, %get3A_1007] {strides = array<i32>} : memref<80x128xf32, #tpu.memory_space<vmem>>, vector<16xf32>,
        %mul3A_1009 = arith.mulf %get3A_1008, %gather3A_998 : vector<16xf32>
        %swap3A_1010 = arith.index_cast %add3A_995 : i32 to index
        %swap3A_1011 = arith.constant 16 : index
        %swap3A_1012 = tpu.vector_load %arg20[%swap3A_1010, %swap3A_1011] {strides = array<i32>} : memref<80x128xf32, #tpu.memory_space<vmem>>, vector<16xf32>,
        tpu.vector_store %arg20[%swap3A_1010, %swap3A_1011], %mul3A_1009 {strides = array<i32>} : memref<80x128xf32, #tpu.memory_space<vmem>>, vector<16xf32>,
        %get3A_1013 = arith.index_cast %add3A_995 : i32 to index
        %get3A_1014 = arith.constant 32 : index
        %get3A_1015 = tpu.vector_load %arg20[%get3A_1013, %get3A_1014] {strides = array<i32>} : memref<80x128xf32, #tpu.memory_space<vmem>>, vector<16xf32>,
        %mul3A_1016 = arith.mulf %get3A_1015, %gather3A_998 : vector<16xf32>
        %swap3A_1017 = arith.index_cast %add3A_995 : i32 to index
        %swap3A_1018 = arith.constant 32 : index
        %swap3A_1019 = tpu.vector_load %arg20[%swap3A_1017, %swap3A_1018] {strides = array<i32>} : memref<80x128xf32, #tpu.memory_space<vmem>>, vector<16xf32>,
        tpu.vector_store %arg20[%swap3A_1017, %swap3A_1018], %mul3A_1016 {strides = array<i32>} : memref<80x128xf32, #tpu.memory_space<vmem>>, vector<16xf32>,
        %get3A_1020 = arith.index_cast %add3A_995 : i32 to index
        %get3A_1021 = arith.constant 48 : index
        %get3A_1022 = tpu.vector_load %arg20[%get3A_1020, %get3A_1021] {strides = array<i32>} : memref<80x128xf32, #tpu.memory_space<vmem>>, vector<16xf32>,
        %mul3A_1023 = arith.mulf %get3A_1022, %gather3A_998 : vector<16xf32>
        %swap3A_1024 = arith.index_cast %add3A_995 : i32 to index
        %swap3A_1025 = arith.constant 48 : index
        %swap3A_1026 = tpu.vector_load %arg20[%swap3A_1024, %swap3A_1025] {strides = array<i32>} : memref<80x128xf32, #tpu.memory_space<vmem>>, vector<16xf32>,
        tpu.vector_store %arg20[%swap3A_1024, %swap3A_1025], %mul3A_1023 {strides = array<i32>} : memref<80x128xf32, #tpu.memory_space<vmem>>, vector<16xf32>,
        %get3A_1027 = arith.index_cast %add3A_995 : i32 to index
        %get3A_1028 = arith.constant 64 : index
        %get3A_1029 = tpu.vector_load %arg20[%get3A_1027, %get3A_1028] {strides = array<i32>} : memref<80x128xf32, #tpu.memory_space<vmem>>, vector<16xf32>,
        %mul3A_1030 = arith.mulf %get3A_1029, %gather3A_998 : vector<16xf32>
        %swap3A_1031 = arith.index_cast %add3A_995 : i32 to index
        %swap3A_1032 = arith.constant 64 : index
        %swap3A_1033 = tpu.vector_load %arg20[%swap3A_1031, %swap3A_1032] {strides = array<i32>} : memref<80x128xf32, #tpu.memory_space<vmem>>, vector<16xf32>,
        tpu.vector_store %arg20[%swap3A_1031, %swap3A_1032], %mul3A_1030 {strides = array<i32>} : memref<80x128xf32, #tpu.memory_space<vmem>>, vector<16xf32>,
        %get3A_1034 = arith.index_cast %add3A_995 : i32 to index
        %get3A_1035 = arith.constant 80 : index
        %get3A_1036 = tpu.vector_load %arg20[%get3A_1034, %get3A_1035] {strides = array<i32>} : memref<80x128xf32, #tpu.memory_space<vmem>>, vector<16xf32>,
        %mul3A_1037 = arith.mulf %get3A_1036, %gather3A_998 : vector<16xf32>
        %swap3A_1038 = arith.index_cast %add3A_995 : i32 to index
        %swap3A_1039 = arith.constant 80 : index
        %swap3A_1040 = tpu.vector_load %arg20[%swap3A_1038, %swap3A_1039] {strides = array<i32>} : memref<80x128xf32, #tpu.memory_space<vmem>>, vector<16xf32>,
        tpu.vector_store %arg20[%swap3A_1038, %swap3A_1039], %mul3A_1037 {strides = array<i32>} : memref<80x128xf32, #tpu.memory_space<vmem>>, vector<16xf32>,
        %get3A_1041 = arith.index_cast %add3A_995 : i32 to index
        %get3A_1042 = arith.constant 96 : index
        %get3A_1043 = tpu.vector_load %arg20[%get3A_1041, %get3A_1042] {strides = array<i32>} : memref<80x128xf32, #tpu.memory_space<vmem>>, vector<16xf32>,
        %mul3A_1044 = arith.mulf %get3A_1043, %gather3A_998 : vector<16xf32>
        %swap3A_1045 = arith.index_cast %add3A_995 : i32 to index
        %swap3A_1046 = arith.constant 96 : index
        %swap3A_1047 = tpu.vector_load %arg20[%swap3A_1045, %swap3A_1046] {strides = array<i32>} : memref<80x128xf32, #tpu.memory_space<vmem>>, vector<16xf32>,
        tpu.vector_store %arg20[%swap3A_1045, %swap3A_1046], %mul3A_1044 {strides = array<i32>} : memref<80x128xf32, #tpu.memory_space<vmem>>, vector<16xf32>,
        %get3A_1048 = arith.index_cast %add3A_995 : i32 to index
        %get3A_1049 = arith.constant 112 : index
        %get3A_1050 = tpu.vector_load %arg20[%get3A_1048, %get3A_1049] {strides = array<i32>} : memref<80x128xf32, #tpu.memory_space<vmem>>, vector<16xf32>,
        %mul3A_1051 = arith.mulf %get3A_1050, %gather3A_998 : vector<16xf32>
        %swap3A_1052 = arith.index_cast %add3A_995 : i32 to index
        %swap3A_1053 = arith.constant 112 : index
        %swap3A_1054 = tpu.vector_load %arg20[%swap3A_1052, %swap3A_1053] {strides = array<i32>} : memref<80x128xf32, #tpu.memory_space<vmem>>, vector<16xf32>,
        tpu.vector_store %arg20[%swap3A_1052, %swap3A_1053], %mul3A_1051 {strides = array<i32>} : memref<80x128xf32, #tpu.memory_space<vmem>>, vector<16xf32>,
        %add3A_1055 = arith.constant 7 : i32
        %add3A_1056 = arith.addi %mul3A_628, %add3A_1055 : i32
        %add3A_1057 = vector.broadcast %add3A_1056 : i32 to vector<16xi32>
        %add3A_1058 = arith.addi %broadcast_in_dim3A_12, %add3A_1057 : vector<16xi32>
        %gather3A_1059 = tpu.vector_load_idx %arg18[%add3A_1058] : memref<80xf32, #tpu.memory_space<vmem>>[vector<16xi32>], vector<16xf32>,
        %get3A_1060 = arith.index_cast %add3A_1056 : i32 to index
        %get3A_1061 = arith.constant 0 : index
        %get3A_1062 = tpu.vector_load %arg20[%get3A_1060, %get3A_1061] {strides = array<i32>} : memref<80x128xf32, #tpu.memory_space<vmem>>, vector<16xf32>,
        %mul3A_1063 = arith.mulf %get3A_1062, %gather3A_1059 : vector<16xf32>
        %swap3A_1064 = arith.index_cast %add3A_1056 : i32 to index
        %swap3A_1065 = arith.constant 0 : index
        %swap3A_1066 = tpu.vector_load %arg20[%swap3A_1064, %swap3A_1065] {strides = array<i32>} : memref<80x128xf32, #tpu.memory_space<vmem>>, vector<16xf32>,
        tpu.vector_store %arg20[%swap3A_1064, %swap3A_1065], %mul3A_1063 {strides = array<i32>} : memref<80x128xf32, #tpu.memory_space<vmem>>, vector<16xf32>,
        %get3A_1067 = arith.index_cast %add3A_1056 : i32 to index
        %get3A_1068 = arith.constant 16 : index
        %get3A_1069 = tpu.vector_load %arg20[%get3A_1067, %get3A_1068] {strides = array<i32>} : memref<80x128xf32, #tpu.memory_space<vmem>>, vector<16xf32>,
        %mul3A_1070 = arith.mulf %get3A_1069, %gather3A_1059 : vector<16xf32>
        %swap3A_1071 = arith.index_cast %add3A_1056 : i32 to index
        %swap3A_1072 = arith.constant 16 : index
        %swap3A_1073 = tpu.vector_load %arg20[%swap3A_1071, %swap3A_1072] {strides = array<i32>} : memref<80x128xf32, #tpu.memory_space<vmem>>, vector<16xf32>,
        tpu.vector_store %arg20[%swap3A_1071, %swap3A_1072], %mul3A_1070 {strides = array<i32>} : memref<80x128xf32, #tpu.memory_space<vmem>>, vector<16xf32>,
        %get3A_1074 = arith.index_cast %add3A_1056 : i32 to index
        %get3A_1075 = arith.constant 32 : index
        %get3A_1076 = tpu.vector_load %arg20[%get3A_1074, %get3A_1075] {strides = array<i32>} : memref<80x128xf32, #tpu.memory_space<vmem>>, vector<16xf32>,
        %mul3A_1077 = arith.mulf %get3A_1076, %gather3A_1059 : vector<16xf32>
        %swap3A_1078 = arith.index_cast %add3A_1056 : i32 to index
        %swap3A_1079 = arith.constant 32 : index
        %swap3A_1080 = tpu.vector_load %arg20[%swap3A_1078, %swap3A_1079] {strides = array<i32>} : memref<80x128xf32, #tpu.memory_space<vmem>>, vector<16xf32>,
        tpu.vector_store %arg20[%swap3A_1078, %swap3A_1079], %mul3A_1077 {strides = array<i32>} : memref<80x128xf32, #tpu.memory_space<vmem>>, vector<16xf32>,
        %get3A_1081 = arith.index_cast %add3A_1056 : i32 to index
        %get3A_1082 = arith.constant 48 : index
        %get3A_1083 = tpu.vector_load %arg20[%get3A_1081, %get3A_1082] {strides = array<i32>} : memref<80x128xf32, #tpu.memory_space<vmem>>, vector<16xf32>,
        %mul3A_1084 = arith.mulf %get3A_1083, %gather3A_1059 : vector<16xf32>
        %swap3A_1085 = arith.index_cast %add3A_1056 : i32 to index
        %swap3A_1086 = arith.constant 48 : index
        %swap3A_1087 = tpu.vector_load %arg20[%swap3A_1085, %swap3A_1086] {strides = array<i32>} : memref<80x128xf32, #tpu.memory_space<vmem>>, vector<16xf32>,
        tpu.vector_store %arg20[%swap3A_1085, %swap3A_1086], %mul3A_1084 {strides = array<i32>} : memref<80x128xf32, #tpu.memory_space<vmem>>, vector<16xf32>,
        %get3A_1088 = arith.index_cast %add3A_1056 : i32 to index
        %get3A_1089 = arith.constant 64 : index
        %get3A_1090 = tpu.vector_load %arg20[%get3A_1088, %get3A_1089] {strides = array<i32>} : memref<80x128xf32, #tpu.memory_space<vmem>>, vector<16xf32>,
        %mul3A_1091 = arith.mulf %get3A_1090, %gather3A_1059 : vector<16xf32>
        %swap3A_1092 = arith.index_cast %add3A_1056 : i32 to index
        %swap3A_1093 = arith.constant 64 : index
        %swap3A_1094 = tpu.vector_load %arg20[%swap3A_1092, %swap3A_1093] {strides = array<i32>} : memref<80x128xf32, #tpu.memory_space<vmem>>, vector<16xf32>,
        tpu.vector_store %arg20[%swap3A_1092, %swap3A_1093], %mul3A_1091 {strides = array<i32>} : memref<80x128xf32, #tpu.memory_space<vmem>>, vector<16xf32>,
        %get3A_1095 = arith.index_cast %add3A_1056 : i32 to index
        %get3A_1096 = arith.constant 80 : index
        %get3A_1097 = tpu.vector_load %arg20[%get3A_1095, %get3A_1096] {strides = array<i32>} : memref<80x128xf32, #tpu.memory_space<vmem>>, vector<16xf32>,
        %mul3A_1098 = arith.mulf %get3A_1097, %gather3A_1059 : vector<16xf32>
        %swap3A_1099 = arith.index_cast %add3A_1056 : i32 to index
        %swap3A_1100 = arith.constant 80 : index
        %swap3A_1101 = tpu.vector_load %arg20[%swap3A_1099, %swap3A_1100] {strides = array<i32>} : memref<80x128xf32, #tpu.memory_space<vmem>>, vector<16xf32>,
        tpu.vector_store %arg20[%swap3A_1099, %swap3A_1100], %mul3A_1098 {strides = array<i32>} : memref<80x128xf32, #tpu.memory_space<vmem>>, vector<16xf32>,
        %get3A_1102 = arith.index_cast %add3A_1056 : i32 to index
        %get3A_1103 = arith.constant 96 : index
        %get3A_1104 = tpu.vector_load %arg20[%get3A_1102, %get3A_1103] {strides = array<i32>} : memref<80x128xf32, #tpu.memory_space<vmem>>, vector<16xf32>,
        %mul3A_1105 = arith.mulf %get3A_1104, %gather3A_1059 : vector<16xf32>
        %swap3A_1106 = arith.index_cast %add3A_1056 : i32 to index
        %swap3A_1107 = arith.constant 96 : index
        %swap3A_1108 = tpu.vector_load %arg20[%swap3A_1106, %swap3A_1107] {strides = array<i32>} : memref<80x128xf32, #tpu.memory_space<vmem>>, vector<16xf32>,
        tpu.vector_store %arg20[%swap3A_1106, %swap3A_1107], %mul3A_1105 {strides = array<i32>} : memref<80x128xf32, #tpu.memory_space<vmem>>, vector<16xf32>,
        %get3A_1109 = arith.index_cast %add3A_1056 : i32 to index
        %get3A_1110 = arith.constant 112 : index
        %get3A_1111 = tpu.vector_load %arg20[%get3A_1109, %get3A_1110] {strides = array<i32>} : memref<80x128xf32, #tpu.memory_space<vmem>>, vector<16xf32>,
        %mul3A_1112 = arith.mulf %get3A_1111, %gather3A_1059 : vector<16xf32>
        %swap3A_1113 = arith.index_cast %add3A_1056 : i32 to index
        %swap3A_1114 = arith.constant 112 : index
        %swap3A_1115 = tpu.vector_load %arg20[%swap3A_1113, %swap3A_1114] {strides = array<i32>} : memref<80x128xf32, #tpu.memory_space<vmem>>, vector<16xf32>,
        tpu.vector_store %arg20[%swap3A_1113, %swap3A_1114], %mul3A_1112 {strides = array<i32>} : memref<80x128xf32, #tpu.memory_space<vmem>>, vector<16xf32>,
      }
      %scan3A_614 = arith.constant 10 : i32
      %dma_start3A_615 = arith.constant 0 : i32
      %dma_start3A_616 = tpu.memref_slice %arg13[%add3A_437, %dma_start3A_615] : memref<126x80xi32, #tpu.memory_space<vmem>> -> memref<1x80xi32, #tpu.memory_space<vmem>>
      %dma_start3A_617 = tpu.memref_squeeze %dma_start3A_616 : memref<1x80xi32, #tpu.memory_space<vmem>> -> memref<80xi32, #tpu.memory_space<vmem>>
      %dma_start3A_618 = arith.constant 0 : i32
      %dma_start3A_619 = arith.constant 0 : i32
      %dma_start3A_620 = tpu.memref_slice %arg22[%dma_start3A_618, %dma_start3A_619] : memref<10000x128xf32, #tpu.memory_space<vmem_shared>> -> memref<10000x128xf32, #tpu.memory_space<vmem_shared>>
      tpu.enqueue_indirect_dma source(%arg20 : memref<80x128xf32, #tpu.memory_space<vmem>>) target(%dma_start3A_620 : memref<10000x128xf32, #tpu.memory_space<vmem_shared>>) offsets(%dma_start3A_617 : memref<80xi32, #tpu.memory_space<vmem>>) semaphore(%arg28 : memref<!tpu.dma_semaphore, #tpu.memory_space<semaphore_mem>>) {add = true}
      %dma_start3A_621 = arith.constant 0 : i32
      %dma_start3A_622 = tpu.memref_slice %arg13[%add3A_437, %dma_start3A_621] : memref<126x80xi32, #tpu.memory_space<vmem>> -> memref<1x80xi32, #tpu.memory_space<vmem>>
      %dma_start3A_623 = tpu.memref_squeeze %dma_start3A_622 : memref<1x80xi32, #tpu.memory_space<vmem>> -> memref<80xi32, #tpu.memory_space<vmem>>
      %dma_start3A_624 = arith.constant 0 : i32
      %dma_start3A_625 = tpu.memref_slice %arg23[%dma_start3A_624] : memref<10000xf32, #tpu.memory_space<vmem_shared>> -> memref<10000xf32, #tpu.memory_space<vmem_shared>>
      tpu.enqueue_indirect_dma source(%arg18 : memref<80xf32, #tpu.memory_space<vmem>>) target(%dma_start3A_625 : memref<10000xf32, #tpu.memory_space<vmem_shared>>) offsets(%dma_start3A_623 : memref<80xi32, #tpu.memory_space<vmem>>) semaphore(%arg30 : memref<!tpu.dma_semaphore, #tpu.memory_space<semaphore_mem>>) {add = true}
    }
    %scan3A_191 = arith.constant 62 : i32
    %dma_wait3A_192 = arith.constant 0 : i32
    %dma_wait3A_193 = arith.constant 0 : i32
    %dma_wait3A_194 = tpu.memref_slice %arg6[%dma_wait3A_192, %dma_wait3A_193] : memref<10000x128xf32, #tpu.memory_space<hbm>> -> memref<80x128xf32, #tpu.memory_space<hbm>>
    %dma_wait3A_195 = arith.constant 0 : i32
    %dma_wait3A_196 = arith.constant 0 : i32
    %dma_wait3A_197 = tpu.memref_slice %arg6[%dma_wait3A_195, %dma_wait3A_196] : memref<10000x128xf32, #tpu.memory_space<hbm>> -> memref<80x128xf32, #tpu.memory_space<hbm>>
    tpu.wait_dma2 semaphore(%arg28 : memref<!tpu.dma_semaphore, #tpu.memory_space<semaphore_mem>>) src(%arg20 : memref<80x128xf32, #tpu.memory_space<vmem>>) dst(%dma_wait3A_197 : memref<80x128xf32, #tpu.memory_space<hbm>>)
    %dma_wait3A_198 = arith.constant 0 : i32
    %dma_wait3A_199 = tpu.memref_slice %arg4[%dma_wait3A_198] : memref<10000xf32, #tpu.memory_space<hbm>> -> memref<80xf32, #tpu.memory_space<hbm>>
    %dma_wait3A_200 = arith.constant 0 : i32
    %dma_wait3A_201 = tpu.memref_slice %arg4[%dma_wait3A_200] : memref<10000xf32, #tpu.memory_space<hbm>> -> memref<80xf32, #tpu.memory_space<hbm>>
    tpu.wait_dma2 semaphore(%arg30 : memref<!tpu.dma_semaphore, #tpu.memory_space<semaphore_mem>>) src(%arg18 : memref<80xf32, #tpu.memory_space<vmem>>) dst(%dma_wait3A_201 : memref<80xf32, #tpu.memory_space<hbm>>)
    %dma_wait3A_202 = arith.constant 0 : i32
    %dma_wait3A_203 = tpu.memref_slice %arg4[%dma_wait3A_202] : memref<10000xf32, #tpu.memory_space<hbm>> -> memref<80xf32, #tpu.memory_space<hbm>>
    %dma_wait3A_204 = arith.constant 0 : i32
    %dma_wait3A_205 = tpu.memref_slice %arg4[%dma_wait3A_204] : memref<10000xf32, #tpu.memory_space<hbm>> -> memref<80xf32, #tpu.memory_space<hbm>>
    tpu.wait_dma2 semaphore(%arg27 : memref<!tpu.dma_semaphore, #tpu.memory_space<semaphore_mem>>) src(%dma_wait3A_205 : memref<80xf32, #tpu.memory_space<hbm>>) dst(%arg15 : memref<80xf32, #tpu.memory_space<vmem>>)
    %dma_wait3A_206 = arith.constant 0 : i32
    %dma_wait3A_207 = tpu.memref_slice %arg5[%dma_wait3A_206] : memref<10000xf32, #tpu.memory_space<hbm>> -> memref<80xf32, #tpu.memory_space<hbm>>
    %dma_wait3A_208 = arith.constant 0 : i32
    %dma_wait3A_209 = tpu.memref_slice %arg5[%dma_wait3A_208] : memref<10000xf32, #tpu.memory_space<hbm>> -> memref<80xf32, #tpu.memory_space<hbm>>
    tpu.wait_dma2 semaphore(%arg27 : memref<!tpu.dma_semaphore, #tpu.memory_space<semaphore_mem>>) src(%dma_wait3A_209 : memref<80xf32, #tpu.memory_space<hbm>>) dst(%arg17 : memref<80xf32, #tpu.memory_space<vmem>>)
    %dma_wait3A_210 = arith.constant 0 : i32
    %dma_wait3A_211 = arith.constant 0 : i32
    %dma_wait3A_212 = tpu.memref_slice %arg6[%dma_wait3A_210, %dma_wait3A_211] : memref<10000x128xf32, #tpu.memory_space<hbm>> -> memref<80x128xf32, #tpu.memory_space<hbm>>
    %dma_wait3A_213 = arith.constant 0 : i32
    %dma_wait3A_214 = arith.constant 0 : i32
    %dma_wait3A_215 = tpu.memref_slice %arg6[%dma_wait3A_213, %dma_wait3A_214] : memref<10000x128xf32, #tpu.memory_space<hbm>> -> memref<80x128xf32, #tpu.memory_space<hbm>>
    tpu.wait_dma2 semaphore(%arg25 : memref<!tpu.dma_semaphore, #tpu.memory_space<semaphore_mem>>) src(%dma_wait3A_215 : memref<80x128xf32, #tpu.memory_space<hbm>>) dst(%arg21 : memref<80x128xf32, #tpu.memory_space<vmem>>)
    %barrier3A_216 = arith.constant 0 : index
    tpu.barrier barrier_id(%barrier3A_216)
    %mul3A_217 = arith.constant 624 : i32
    %mul3A_218 = arith.muli %arg1, %mul3A_217 : i32
    %mul3A_219 = arith.constant 624 : i32
    %mul3A_220 = arith.muli %arg1, %mul3A_219 : i32
    "tpu.region"() ({
      %run_scoped3A = tpu.sem_alloc : memref<!tpu.dma_semaphore, #tpu.memory_space<semaphore_mem>>
      %dma_start3A_241 = arith.constant 0 : i32
      %dma_start3A_242 = tpu.memref_slice %arg9[%arg0, %mul3A_220, %dma_start3A_241] : memref<2x10000x128xf32, #tpu.memory_space<hbm>> -> memref<1x624x128xf32, #tpu.memory_space<hbm>>
      %dma_start3A_243 = tpu.memref_squeeze %dma_start3A_242 : memref<1x624x128xf32, #tpu.memory_space<hbm>> -> memref<624x128xf32, #tpu.memory_space<hbm>>
      %dma_start3A_244 = arith.constant 0 : i32
      %dma_start3A_245 = tpu.memref_slice %arg22[%mul3A_218, %dma_start3A_244] : memref<10000x128xf32, #tpu.memory_space<vmem_shared>> -> memref<624x128xf32, #tpu.memory_space<vmem_shared>>
      tpu.enqueue_dma source(%dma_start3A_245 : memref<624x128xf32, #tpu.memory_space<vmem_shared>>) target(%dma_start3A_243 : memref<624x128xf32, #tpu.memory_space<hbm>>) target_semaphore(%run_scoped3A : memref<!tpu.dma_semaphore, #tpu.memory_space<semaphore_mem>>)
      %dma_wait3A_246 = arith.constant 0 : i32
      %dma_wait3A_247 = tpu.memref_slice %arg9[%arg0, %mul3A_220, %dma_wait3A_246] : memref<2x10000x128xf32, #tpu.memory_space<hbm>> -> memref<1x624x128xf32, #tpu.memory_space<hbm>>
      %dma_wait3A_248 = tpu.memref_squeeze %dma_wait3A_247 : memref<1x624x128xf32, #tpu.memory_space<hbm>> -> memref<624x128xf32, #tpu.memory_space<hbm>>
      %dma_wait3A_249 = arith.constant 0 : i32
      %dma_wait3A_250 = tpu.memref_slice %arg22[%mul3A_218, %dma_wait3A_249] : memref<10000x128xf32, #tpu.memory_space<vmem_shared>> -> memref<624x128xf32, #tpu.memory_space<vmem_shared>>
      tpu.wait_dma2 semaphore(%run_scoped3A : memref<!tpu.dma_semaphore, #tpu.memory_space<semaphore_mem>>) src(%dma_wait3A_250 : memref<624x128xf32, #tpu.memory_space<vmem_shared>>) dst(%dma_wait3A_248 : memref<624x128xf32, #tpu.memory_space<hbm>>)
      tpu.yield
    }) : () -> ()
    %eq3A_221 = arith.constant 15 : i32
    %eq3A_222 = arith.cmpi eq, %arg1, %eq3A_221 : i32
    %convert_element_type3A_223 = arith.extui %eq3A_222 : i1 to i32
    %cond3A_224 = arith.constant 0 : i32
    %cond3A_225 = arith.cmpi ne, %convert_element_type3A_223, %cond3A_224 : i32
    scf.if %cond3A_225 {
      "tpu.region"() ({
        %run_scoped3A = tpu.sem_alloc : memref<!tpu.dma_semaphore, #tpu.memory_space<semaphore_mem>>
        %dma_start3A_241 = arith.constant 9984 : i32
        %dma_start3A_242 = arith.constant 0 : i32
        %dma_start3A_243 = tpu.memref_slice %arg9[%arg0, %dma_start3A_241, %dma_start3A_242] : memref<2x10000x128xf32, #tpu.memory_space<hbm>> -> memref<1x16x128xf32, #tpu.memory_space<hbm>>
        %dma_start3A_244 = tpu.memref_squeeze %dma_start3A_243 : memref<1x16x128xf32, #tpu.memory_space<hbm>> -> memref<16x128xf32, #tpu.memory_space<hbm>>
        %dma_start3A_245 = arith.constant 9984 : i32
        %dma_start3A_246 = arith.constant 0 : i32
        %dma_start3A_247 = tpu.memref_slice %arg22[%dma_start3A_245, %dma_start3A_246] : memref<10000x128xf32, #tpu.memory_space<vmem_shared>> -> memref<16x128xf32, #tpu.memory_space<vmem_shared>>
        tpu.enqueue_dma source(%dma_start3A_247 : memref<16x128xf32, #tpu.memory_space<vmem_shared>>) target(%dma_start3A_244 : memref<16x128xf32, #tpu.memory_space<hbm>>) target_semaphore(%run_scoped3A : memref<!tpu.dma_semaphore, #tpu.memory_space<semaphore_mem>>)
        %dma_wait3A_248 = arith.constant 9984 : i32
        %dma_wait3A_249 = arith.constant 0 : i32
        %dma_wait3A_250 = tpu.memref_slice %arg9[%arg0, %dma_wait3A_248, %dma_wait3A_249] : memref<2x10000x128xf32, #tpu.memory_space<hbm>> -> memref<1x16x128xf32, #tpu.memory_space<hbm>>
        %dma_wait3A_251 = tpu.memref_squeeze %dma_wait3A_250 : memref<1x16x128xf32, #tpu.memory_space<hbm>> -> memref<16x128xf32, #tpu.memory_space<hbm>>
        %dma_wait3A_252 = arith.constant 9984 : i32
        %dma_wait3A_253 = arith.constant 0 : i32
        %dma_wait3A_254 = tpu.memref_slice %arg22[%dma_wait3A_252, %dma_wait3A_253] : memref<10000x128xf32, #tpu.memory_space<vmem_shared>> -> memref<16x128xf32, #tpu.memory_space<vmem_shared>>
        tpu.wait_dma2 semaphore(%run_scoped3A : memref<!tpu.dma_semaphore, #tpu.memory_space<semaphore_mem>>) src(%dma_wait3A_254 : memref<16x128xf32, #tpu.memory_space<vmem_shared>>) dst(%dma_wait3A_251 : memref<16x128xf32, #tpu.memory_space<hbm>>)
        tpu.yield
      }) : () -> ()
    } else {
    }
    %eq3A_226 = arith.constant 0 : i32
    %eq3A_227 = arith.cmpi eq, %arg1, %eq3A_226 : i32
    %eq3A_228 = arith.constant 0 : i32
    %eq3A_229 = arith.cmpi eq, %arg0, %eq3A_228 : i32
    %and3A = arith.andi %eq3A_227, %eq3A_229 : i1
    %convert_element_type3A_230 = arith.extui %and3A : i1 to i32
    %cond3A_231 = arith.constant 0 : i32
    %cond3A_232 = arith.cmpi ne, %convert_element_type3A_230, %cond3A_231 : i32
    scf.if %cond3A_232 {
      "tpu.region"() ({
        %run_scoped3A = tpu.sem_alloc : memref<!tpu.dma_semaphore, #tpu.memory_space<semaphore_mem>>
        tpu.enqueue_dma source(%arg23 : memref<10000xf32, #tpu.memory_space<vmem_shared>>) target(%arg10 : memref<10000xf32, #tpu.memory_space<hbm>>) target_semaphore(%run_scoped3A : memref<!tpu.dma_semaphore, #tpu.memory_space<semaphore_mem>>)
        tpu.wait_dma2 semaphore(%run_scoped3A : memref<!tpu.dma_semaphore, #tpu.memory_space<semaphore_mem>>) src(%arg23 : memref<10000xf32, #tpu.memory_space<vmem_shared>>) dst(%arg10 : memref<10000xf32, #tpu.memory_space<hbm>>)
        tpu.yield
      }) : () -> ()
    } else {
    }
    %eq3A_233 = arith.constant 0 : i32
    %eq3A_234 = arith.cmpi eq, %arg1, %eq3A_233 : i32
    %eq3A_235 = arith.constant 1 : i32
    %eq3A_236 = arith.cmpi eq, %arg0, %eq3A_235 : i32
    %and3A_237 = arith.andi %eq3A_234, %eq3A_236 : i1
    %convert_element_type3A_238 = arith.extui %and3A_237 : i1 to i32
    %cond3A_239 = arith.constant 0 : i32
    %cond3A_240 = arith.cmpi ne, %convert_element_type3A_238, %cond3A_239 : i32
    scf.if %cond3A_240 {
      "tpu.region"() ({
        %run_scoped3A = tpu.sem_alloc : memref<!tpu.dma_semaphore, #tpu.memory_space<semaphore_mem>>
        tpu.enqueue_dma source(%arg23 : memref<10000xf32, #tpu.memory_space<vmem_shared>>) target(%arg11 : memref<10000xf32, #tpu.memory_space<hbm>>) target_semaphore(%run_scoped3A : memref<!tpu.dma_semaphore, #tpu.memory_space<semaphore_mem>>)
        tpu.wait_dma2 semaphore(%run_scoped3A : memref<!tpu.dma_semaphore, #tpu.memory_space<semaphore_mem>>) src(%arg23 : memref<10000xf32, #tpu.memory_space<vmem_shared>>) dst(%arg11 : memref<10000xf32, #tpu.memory_space<hbm>>)
        tpu.yield
      }) : () -> ()
    } else {
    }
    return
  }
}

module attributes {stable_mosaic.version = 14 : i64} {
  func.func @_zst_body(%arg0: i32, %arg1: memref<1000x128xf32, #tpu.memory_space<vmem>>, %arg2: memref<128x128xf32, #tpu.memory_space<vmem>>, %arg3: memref<2x128xf32, #tpu.memory_space<vmem>>, %arg4: memref<1000x128xf32, #tpu.memory_space<vmem>>, %arg5: memref<1000x2xf32, #tpu.memory_space<vmem>>) attributes {dimension_semantics = [#tpu.dimension_semantics<arbitrary>], iteration_bounds = array<i64: 10>, scalar_prefetch = 0 : i64, scratch_operands = 0 : i64, tpu.core_type = #tpu.core_type<tc>, window_params = [{transform_indices = @transform_0, window_bounds = array<i64: 1000, 128>}, {pipeline_mode = #tpu.pipeline_mode<synchronous>, transform_indices = @transform_1, window_bounds = array<i64: 128, 128>}, {pipeline_mode = #tpu.pipeline_mode<synchronous>, transform_indices = @transform_2, window_bounds = array<i64: 2, 128>}, {transform_indices = @transform_3, window_bounds = array<i64: 1000, 128>}, {transform_indices = @transform_4, window_bounds = array<i64: 1000, 2>}]} {
    %get3A = arith.constant 0 : index
    %get3A_0 = arith.constant 0 : index
    %get3A_1 = vector.load %arg1[%get3A, %get3A_0] : memref<1000x128xf32, #tpu.memory_space<vmem>>, vector<1000x128xf32>
    %get3A_2 = arith.constant 0 : index
    %get3A_3 = arith.constant 0 : index
    %get3A_4 = vector.load %arg2[%get3A_2, %get3A_3] : memref<128x128xf32, #tpu.memory_space<vmem>>, vector<128x128xf32>
    %dot_general3A = arith.constant dense<0.000000e+00> : vector<1000x128xf32>
    %dot_general3A_5 = tpu.matmul %get3A_1, %get3A_4, %dot_general3A {dimension_numbers = #tpu.dot_dimension_numbers<[1], [1], [0], [0], [0, 0, 1, 0], [], []>, transpose_lhs_hint = false} : vector<1000x128xf32>, vector<128x128xf32>, vector<1000x128xf32> -> vector<1000x128xf32>
    %swap3A = arith.constant 0 : index
    %swap3A_6 = arith.constant 0 : index
    %swap3A_7 = vector.load %arg4[%swap3A, %swap3A_6] : memref<1000x128xf32, #tpu.memory_space<vmem>>, vector<1000x128xf32>
    tpu.vector_store %arg4[%swap3A, %swap3A_6], %dot_general3A_5 {strides = array<i32>} : memref<1000x128xf32, #tpu.memory_space<vmem>>, vector<1000x128xf32>,
    %get3A_8 = arith.constant 0 : index
    %get3A_9 = arith.constant 0 : index
    %get3A_10 = vector.load %arg3[%get3A_8, %get3A_9] : memref<2x128xf32, #tpu.memory_space<vmem>>, vector<2x128xf32>
    %dot_general3A_11 = arith.constant dense<0.000000e+00> : vector<1000x2xf32>
    %dot_general3A_12 = tpu.matmul %dot_general3A_5, %get3A_10, %dot_general3A_11 {dimension_numbers = #tpu.dot_dimension_numbers<[1], [1], [0], [0], [0, 0, 1, 0], [], []>, transpose_lhs_hint = false} : vector<1000x128xf32>, vector<2x128xf32>, vector<1000x2xf32> -> vector<1000x2xf32>
    %swap3A_13 = arith.constant 0 : index
    %swap3A_14 = arith.constant 0 : index
    %swap3A_15 = vector.load %arg5[%swap3A_13, %swap3A_14] : memref<1000x2xf32, #tpu.memory_space<vmem>>, vector<1000x2xf32>
    tpu.vector_store %arg5[%swap3A_13, %swap3A_14], %dot_general3A_12 {strides = array<i32>} : memref<1000x2xf32, #tpu.memory_space<vmem>>, vector<1000x2xf32>,
    return
  }
  func.func @transform_0(%arg0: i32) -> (i32, i32) {
    %c0_i32 = arith.constant 0 : i32
    %c0_i32_0 = arith.constant 0 : i32
    return %arg0, %c0_i32 : i32, i32
  }
  func.func @transform_1(%arg0: i32) -> (i32, i32) {
    %c0_i32 = arith.constant 0 : i32
    %c0_i32_0 = arith.constant 0 : i32
    %c0_i32_1 = arith.constant 0 : i32
    return %c0_i32, %c0_i32_0 : i32, i32
  }
  func.func @transform_2(%arg0: i32) -> (i32, i32) {
    %c0_i32 = arith.constant 0 : i32
    %c0_i32_0 = arith.constant 0 : i32
    %c0_i32_1 = arith.constant 0 : i32
    return %c0_i32, %c0_i32_0 : i32, i32
  }
  func.func @transform_3(%arg0: i32) -> (i32, i32) {
    %c0_i32 = arith.constant 0 : i32
    %c0_i32_0 = arith.constant 0 : i32
    return %arg0, %c0_i32 : i32, i32
  }
  func.func @transform_4(%arg0: i32) -> (i32, i32) {
    %c0_i32 = arith.constant 0 : i32
    %c0_i32_0 = arith.constant 0 : i32
    return %arg0, %c0_i32 : i32, i32
  }
}

module attributes {stable_mosaic.version = 14 : i64} {
  func.func @_fin_body(%arg0: i32, %arg1: memref<2x1000x128xf32, #tpu.memory_space<vmem>>, %arg2: memref<1000x1xf32, #tpu.memory_space<vmem>>, %arg3: memref<1000x1xf32, #tpu.memory_space<vmem>>, %arg4: memref<1000x128xf32, #tpu.memory_space<vmem>>) attributes {dimension_semantics = [#tpu.dimension_semantics<arbitrary>], iteration_bounds = array<i64: 10>, scalar_prefetch = 0 : i64, scratch_operands = 0 : i64, tpu.core_type = #tpu.core_type<tc>, window_params = [{transform_indices = @transform_0, window_bounds = array<i64: 2, 1000, 128>}, {transform_indices = @transform_1, window_bounds = array<i64: 1000, 1>}, {transform_indices = @transform_2, window_bounds = array<i64: 1000, 1>}, {transform_indices = @transform_3, window_bounds = array<i64: 1000, 128>}]} {
    %get3A = arith.constant 0 : index
    %get3A_0 = arith.constant 0 : index
    %get3A_1 = arith.constant 0 : index
    %get3A_2 = vector.load %arg1[%get3A, %get3A_0, %get3A_1] : memref<2x1000x128xf32, #tpu.memory_space<vmem>>, vector<1x1000x128xf32>
    %get3A_3 = vector.shape_cast %get3A_2 : vector<1x1000x128xf32> to vector<1000x128xf32>
    %get3A_4 = arith.constant 1 : index
    %get3A_5 = arith.constant 0 : index
    %get3A_6 = arith.constant 0 : index
    %get3A_7 = vector.load %arg1[%get3A_4, %get3A_5, %get3A_6] : memref<2x1000x128xf32, #tpu.memory_space<vmem>>, vector<1x1000x128xf32>
    %get3A_8 = vector.shape_cast %get3A_7 : vector<1x1000x128xf32> to vector<1000x128xf32>
    %add3A = arith.addf %get3A_3, %get3A_8 : vector<1000x128xf32>
    %get3A_9 = arith.constant 0 : index
    %get3A_10 = arith.constant 0 : index
    %get3A_11 = vector.load %arg2[%get3A_9, %get3A_10] : memref<1000x1xf32, #tpu.memory_space<vmem>>, vector<1000x1xf32>
    %get3A_12 = arith.constant 0 : index
    %get3A_13 = arith.constant 0 : index
    %get3A_14 = vector.load %arg3[%get3A_12, %get3A_13] : memref<1000x1xf32, #tpu.memory_space<vmem>>, vector<1000x1xf32>
    %add3A_15 = arith.addf %get3A_11, %get3A_14 : vector<1000x1xf32>
    %max3A = arith.constant 1.000000e-16 : f32
    %max3A_16 = vector.broadcast %max3A : f32 to vector<1000x1xf32>
    %max3A_17 = arith.maximumf %add3A_15, %max3A_16 : vector<1000x1xf32>
    %div3A = vector.broadcast %max3A_17 : vector<1000x1xf32> to vector<1000x128xf32>
    %div3A_18 = arith.divf %add3A, %div3A : vector<1000x128xf32>
    %swap3A = arith.constant 0 : index
    %swap3A_19 = arith.constant 0 : index
    %swap3A_20 = vector.load %arg4[%swap3A, %swap3A_19] : memref<1000x128xf32, #tpu.memory_space<vmem>>, vector<1000x128xf32>
    tpu.vector_store %arg4[%swap3A, %swap3A_19], %div3A_18 {strides = array<i32>} : memref<1000x128xf32, #tpu.memory_space<vmem>>, vector<1000x128xf32>,
    return
  }
  func.func @transform_0(%arg0: i32) -> (i32, i32, i32) {
    %c0_i32 = arith.constant 0 : i32
    %c0_i32_0 = arith.constant 0 : i32
    %c0_i32_1 = arith.constant 0 : i32
    return %c0_i32, %arg0, %c0_i32_0 : i32, i32, i32
  }
  func.func @transform_1(%arg0: i32) -> (i32, i32) {
    %c0_i32 = arith.constant 0 : i32
    %c0_i32_0 = arith.constant 0 : i32
    return %arg0, %c0_i32 : i32, i32
  }
  func.func @transform_2(%arg0: i32) -> (i32, i32) {
    %c0_i32 = arith.constant 0 : i32
    %c0_i32_0 = arith.constant 0 : i32
    return %arg0, %c0_i32 : i32, i32
  }
  func.func @transform_3(%arg0: i32) -> (i32, i32) {
    %c0_i32 = arith.constant 0 : i32
    %c0_i32_0 = arith.constant 0 : i32
    return %arg0, %c0_i32 : i32, i32
  }
}

</mosaic_0001>

<sc_bundles>
// kernel: kernel.5.cloned.1.call-start
scs
__scs_entry_jumppad:
0x0: {  	(pc) =	sbr.rel $0x88, $3  }
0x1: {  	(tag) =	ssettag $0x0;
	lr =	simm.s32 $0x1  }
0x2: {  	[smem:$0x3F9D] =	sst lr;
	_ =	strace $0xD0000000  }
0x3: {  	_ = 	snop  }
0x4: {  	_ = 	snop  }
0x5: {  	_ = 	snop  }
0x6: {  	_ = 	snop  }
0x7: {  	_ = 	snop  }
__scs_overlays_trampoline_lowered:
0x8: {  	[smem:$0x3FAC] =	sst s0  }
0x9: {  	[smem:$0x3FAD] =	sst s1  }
0xa: {  	[smem:$0x3FAE] =	sst s2  }
0xb: {  	[smem:$0x3FAF] =	sst s3  }
0xc: {  	[smem:$0x3FB0] =	sst s4  }
0xd: {  	[smem:$0x3FB1] =	sst s5  }
0xe: {  	[smem:$0x3FB2] =	sst s6  }
0xf: {  	[smem:$0x3FB3] =	sst s7  }
0x10: {  	[smem:$0x3FB4] =	sst s8  }
0x11: {  	[smem:$0x3FB5] =	sst s9;
	s0 =	simm.s32 @!p0 $0x0  }
0x12: {  	s1 =	sld [smem:$0x3F9B];
	s0 =	simm.s32 @p0 $0x1  }
0x13: {  	[smem:$0x3FB6] =	sst s0;
	s0 =	simm.s32 @!p1 $0x0  }
0x14: {  	s2 =	sld [smem:$0x3F9A];
	s0 =	simm.s32 @p1 $0x1  }
0x15: {  	[smem:$0x3FB7] =	sst s0;
	s0 =	simm.s32 @!p2 $0x0  }
0x16: {  	s3 =	sld [smem:$0x3FDB];
	s0 =	simm.s32 @p2 $0x1  }
0x17: {  	s4 =	simm.s32 $0x1BF5;
	[smem:$0x3FB9] =	sst s0  }
0x18: {  	s0 =	sld [smem:$0x3F9C];
	_ =	swait.ge [sflag:s4], $0x0  }
0x19: {  	s7 =	sld [smem:$0x3F9D]  }
0x1a: {  	s8 =	sadd.s32 $0xFFFFE003, lr  }
0x1b: {  	s9 =	sadd.s32 $0xFFFFFEF7, lr;
	s5 =	simm.s32 $0xFFFFFFFF;
	p2 =	slt.u32 s8, $0xFFFFF086  }
0x1c: {  	p1 =	slt.u32 s9, $0xF7A;
	s5 =	simm.s32 @!p2 $0x0  }
0x1d: {  	s5 =	simm.s32 @p1 $0x1;
	p0 =	seq.s32 s7, s2  }
0x1e: {  	s7 =	smul.u32 @!p0 $0xF7A, s2;
	p2 =	seq.s32 @!p0 s5, $0x0  }
0x1f: {  	s9 =	smul.u32 $0xF7A, s1;
	s8 =	simm.s32 @!p0 $0x1BF5;
	p2 =	por !p2, p0  }
0x20: {  	[sflag:s8] =	ssyncset.s32 @!p0 $0xFFFFF086;
	s6 =	sadd.s32 @!p0 s3, s7;
	s7 =	simm.s32 @!p0 $0x108  }
0x21: {  	s3 =	sadd.s32 s3, s9;
	s6 =	sadd.s32 @!p0 $0x88, s6;
	s7 =	simm.s32 @p2 $0x1082  }
0x22: {  	[simem:s7], [sflag:s8] =	dma.local @!p0 [hbm:s6], $0xF7A  }
0x23: {  	s9 =	sor.u32 $0xD0000000, s2;
	s6 =	simm.s32 $0x108;
	_ =	swait.ge @!p0 [sflag:s8], $0x0  }
0x24: {  	s3 =	sadd.s32 $0x88, s3;
	s6 =	simm.s32 @!p1 $0x1082;
	[sflag:s4] =	ssyncset.s32 $0xFFFFF086  }
0x25: {  	[simem:s6], [sflag:s4] =	dma.local [hbm:s3], $0xF7A  }
0x26: {  	[smem:$0x3F9D] =	sst s1;
	(tag) =	ssettag s2;
	_ =	strace s9  }
0x27: {  	s1 =	sld [smem:$0x3FAD]  }
0x28: {  	s2 =	sld [smem:$0x3FAE]  }
0x29: {  	s4 =	sld [smem:$0x3FB0]  }
0x2a: {  	p0 =	seq.s32 s5, $0x0;
	s5 =	sld [smem:$0x3FB1]  }
0x2b: {  	s6 =	sld [smem:$0x3FB2]  }
0x2c: {  	s7 =	sld [smem:$0x3FB3]  }
0x2d: {  	s3 =	simm.s32 $0x108;
	s8 =	sld [smem:$0x3FB4]  }
0x2e: {  	s3 =	simm.s32 @!p0 $0x1082;
	s9 =	sld [smem:$0x3FB5]  }
0x2f: {  	lr =	sadd.s32 s0, s3;
	s0 =	sld [smem:$0x3FAC]  }
0x30: {  	s3 =	sld [smem:$0x3FAF]  }
0x31: {  	[smem:$0x3FB8] =	sst s10  }
0x32: {  	s10 =	sld [smem:$0x3FB6];
	_ =	sdelay $0x3  }
0x33: {  	p0 =	seq.s32 s10, $0x1;
	s10 =	sld [smem:$0x3FB8];
	_ =	sdelay $0x3  }
0x34: {  	[smem:$0x3FB8] =	sst s10  }
0x35: {  	s10 =	sld [smem:$0x3FB7];
	_ =	sdelay $0x3  }
0x36: {  	p1 =	seq.s32 s10, $0x1;
	s10 =	sld [smem:$0x3FB8];
	_ =	sdelay $0x3  }
0x37: {  	[smem:$0x3FB8] =	sst s10  }
0x38: {  	s10 =	sld [smem:$0x3FB9]  }
0x39: {  	_ = 	snop;
	(pc) =	sbr.ind lr, $3  }
0x3a: {  	_ = 	snop  }
0x3b: {  	_ = 	snop  }
0x3c: {  	p2 =	seq.s32 s10, $0x1;
	s10 =	sld [smem:$0x3FB8]  }
0x3d: {  	_ =	shalt  }
0x3e: {  	_ =	shalt  }
0x3f: {  	_ =	shalt  }
0x40: {  	_ =	shalt  }
0x41: {  	_ =	shalt  }
0x42: {  	_ =	shalt  }
0x43: {  	_ =	shalt  }
0x44: {  	_ =	shalt  }
0x45: {  	_ =	shalt  }
0x46: {  	_ =	shalt  }
0x47: {  	_ =	shalt  }
0x48: {  	_ =	shalt  }
0x49: {  	_ =	shalt  }
0x4a: {  	_ =	shalt  }
0x4b: {  	_ =	shalt  }
0x4c: {  	_ =	shalt  }
0x4d: {  	_ =	shalt  }
0x4e: {  	_ =	shalt  }
0x4f: {  	_ =	shalt  }
0x50: {  	_ =	shalt  }
0x51: {  	_ =	shalt  }
0x52: {  	_ =	shalt  }
0x53: {  	_ =	shalt  }
0x54: {  	_ =	shalt  }
0x55: {  	_ =	shalt  }
0x56: {  	_ =	shalt  }
0x57: {  	_ =	shalt  }
0x58: {  	_ =	shalt  }
0x59: {  	_ =	shalt  }
0x5a: {  	_ =	shalt  }
0x5b: {  	_ =	shalt  }
0x5c: {  	_ =	shalt  }
0x5d: {  	_ =	shalt  }
0x5e: {  	_ =	shalt  }
0x5f: {  	_ =	shalt  }
0x60: {  	_ =	shalt  }
0x61: {  	_ =	shalt  }
0x62: {  	_ =	shalt  }
0x63: {  	_ =	shalt  }
0x64: {  	_ =	shalt  }
0x65: {  	_ =	shalt  }
0x66: {  	_ =	shalt  }
0x67: {  	_ =	shalt  }
0x68: {  	_ =	shalt  }
0x69: {  	_ =	shalt  }
0x6a: {  	_ =	shalt  }
0x6b: {  	_ =	shalt  }
0x6c: {  	_ =	shalt  }
0x6d: {  	_ =	shalt  }
0x6e: {  	_ =	shalt  }
0x6f: {  	_ =	shalt  }
0x70: {  	_ =	shalt  }
0x71: {  	_ =	shalt  }
0x72: {  	_ =	shalt  }
0x73: {  	_ =	shalt  }
0x74: {  	_ =	shalt  }
0x75: {  	_ =	shalt  }
0x76: {  	_ =	shalt  }
0x77: {  	_ =	shalt  }
0x78: {  	_ =	shalt  }
0x79: {  	_ =	shalt  }
0x7a: {  	_ =	shalt  }
0x7b: {  	_ =	shalt  }
0x7c: {  	_ =	shalt  }
0x7d: {  	_ =	shalt  }
0x7e: {  	_ =	shalt  }
0x7f: {  	_ =	shalt  }
0x80: {  	_ =	shalt  }
0x81: {  	_ =	shalt  }
0x82: {  	_ =	shalt  }
0x83: {  	_ =	shalt  }
0x84: {  	_ =	shalt  }
0x85: {  	_ =	shalt  }
0x86: {  	_ =	shalt  }
0x87: {  	_ =	shalt  }
.Lfunc_end0:
.L_simem_size_0:
called_computation_lowered:
.L_overlay_start_0:
0x88: {  	s2 =	sld [smem:$0x3FD9]  }
0x89: {  	s3 =	sld [smem:$0x3FFE];
	_ =	sdelay $0x1  }
0x8a: {  	s1 =	srdreg.scid  }
0x8b: {  	s0 =	sand.u32 $0x1, s1  }
0x8c: {  	s17 =	sshll.u32 s0, $0xA;
	s2 =	sadd.s32 s3, s2  }
0x8d: {  	s2 =	sadd.s32 s2, s17  }
0x8e: {  	[smem:$0x3FC4] =	sst s2  }
0x8f: {  	_ = 	snop  }
0x90: {  	s2 =	sld [smem:$0x3FD0];
	(tm) =	ssettm $0x1  }
0x91: {  	s18 =	sld [smem:$0x3FFB];
	_ =	sdelay $0x3  }
0x92: {  	_ =	strace s18  }
0x93: {  	s3 =	sld [smem:$0x3FFC];
	_ =	sdelay $0x3  }
0x94: {  	_ =	strace s3  }
0x95: {  	s3 =	sld [smem:$0x3FFD];
	_ =	sdelay $0x3  }
0x96: {  	_ =	strace s3  }
0x97: {  	_ =	strace $0x8FFFFFFF  }
0x98: {  	s19 =	sld [smem:$0x3FDB];
	_ =	sdelay $0x1  }
0x99: {  	s4 =	simm.s32 $_scs_section_size  }
0x9a: {  	s5 =	simm.s32 $_size__tile_overlayer_lowered;
	s6 =	simm.s32 $_tile_overlayer_lowered  }
0x9b: {  	s22 =	simm.s32 $0x1BFF;
	s21 =	sshll.u32 s6, $0x1;
	s3 =	sadd.s32 s4, s19  }
0x9c: {  	s7 =	simm.s32 $0x0;
	s20 =	sshll.u32 s5, $0x1;
	s5 =	sadd.s32 s21, s3  }
0x9d: {  	[timem:s7], [sflag:s22] =	dma.local [hbm:s5], s20  }
0x9e: {  	_ =	swait.ge [sflag:s22], s20  }
0x9f: {  	s4 =	ssub.s32 $0x0, s20;
	[sflag:s22] =	ssyncset.done $0x0  }
0xa0: {  	[sflag:s22] =	ssyncadd.s32 s4;
	_ =	sdelay $0x1  }
0xa1: {  	s23 =	simm.s32 $0x1B8B  }
0xa2: {  	_ =	swait.ge [sflag:s23], $0x1  }
0xa3: {  	[sflag:s23] =	ssyncset.done $0x0  }
0xa4: {  	s25 =	simm.s32 $0x1B8E;
	s24 =	sld [smem:$0x3FFE];
	[sflag:s23] =	ssyncadd.s32 $0xFFFFFFFF  }
0xa5: {  	s26 =	simm.s32 $execute0_lowered;
	[smem:$0x3FD2] =	sst s25  }
0xa6: {  	s5 =	sshll.u32 s26, $0x1;
	_ =	strace $0x80000046;
	[dreg:$0x1] =	wrdreg $0xFFFFFFFF  }
0xa7: {  	s28 =	simm.s32 $_size_execute0_lowered;
	s3 =	sadd.s32 s3, s5;
	[dreg:$0x0] =	wrdreg $0x0  }
0xa8: {  	s5 =	sshll.u32 s28, $0x1;
	[dreg:$0x2] =	wrdreg s3  }
0xa9: {  	[dreg:$0x3] =	wrdreg s5  }
0xaa: {  	[dreg:$0x4] =	wrdreg $0xC0  }
0xab: {  	_ =	task [dreg:s7], $0x5FFFF  }
0xac: {  	[dreg:$0x1] =	wrdreg $0xFFFFFFFF  }
0xad: {  	[dreg:$0x0] =	wrdreg $0x60  }
0xae: {  	[dreg:$0x2] =	wrdreg s24  }
0xaf: {  	[dreg:$0x3] =	wrdreg s2  }
0xb0: {  	[dreg:$0x4] =	wrdreg $0xBA800  }
0xb1: {  	[dreg:$0x5] =	wrdreg $0x1F3000  }
0xb2: {  	[dreg:$0x6] =	wrdreg $0x9  }
0xb3: {  	_ =	task.clear_ibuf [dreg:s7], $0x7FFFF;
	_ =	strace $0x90000046  }
0xb4: {  	s29 =	simm.s32 $0x9;
	_ =	strace $0x80000048  }
0xb5: {  	_ =	swait.ge [sflag:s29], $0x1  }
0xb6: {  	[sflag:s29] =	ssyncadd.s32 $0xFFFFFFFF  }
0xb7: {  	_ =	strace $0x90000048  }
0xb8: {  	_ =	sfence  }
0xb9: {  	s30 =	sld [smem:$0x0];
	_ =	sdelay $0x2  }
0xba: {  	s31 =	sshll.u32 s1, $0xD;
	s1 =	sshrl.u32 s1, $0x2  }
0xbb: {  	s3 =	sand.u32 $0x4000, s31;
	s1 =	sadd.s32 s1, s30  }
0xbc: {  	s0 =	sor.u32 s3, s0;
	s1 =	sshll.u32 s1, $0x11  }
0xbd: {  	s0 =	sor.u32 s1, s0  }
0xbe: {  	s0 =	sadd.s32 $0x8F2B, s0  }
0xbf: {  	[sflag:s0] =	ssyncadd.remote.s32 $0x1  }
0xc0: {  	_ =	sfence.sel $0xFFFF  }
0xc1: {  	[dreg:$0x0] =	wrdreg $0xFFFFFFFF;
	(pc) =	sbr.abs _section_cstart, $3  }
0xc2: {  	[dreg:$0x1] =	wrdreg $0xFFFFFFFF  }
0xc3: {  	_ =	task.clear_ibuf [dreg:s7], $0x2FFFF;
	_ =	strace $0x9FFFFFFF  }
0xc4: {  	(tm) =	ssettm $0x7FFFFFFF  }
0xc5: {  	_ =	shalt  }
tec
execute0_lowered:
.L_overlay_start_1:
0x0: {  	(tag) =	ssettag $0x1  }
0x1: {  	s0 =	srdreg.scid;
	s2 =	rddreg [dreg:$0x0]  }
0x2: {  	s15 =	stileid.u32;
	s3 =	rddreg [dreg:$0x2]  }
0x3: {  	s8 =	simm.s32 $0x0;
	s28 =	simm.s32 $0x6880;
	s29 =	simm.s32 $0x3  }
0x4: {  	s30 =	simm.s32 $0x1;
	s31 =	simm.s32 $0x9280;
	s0 =	sand.u32 $0x1, s0  }
0x5: {  	s7 =	sshll.u32 s15, $0x7;
	[smem:$0x7FF] =	sst s8;
	s25 =	smul.u32 $0x13800, s15  }
0x6: {  	s11 =	sadd.s32 $0x1B200, s2;
	s26 =	sadd.s32 $0x43600, s2;
	s13 =	smul.u32 $0x4E000, s15  }
0x7: {  	s14 =	sadd.s32 $0x42A00, s2;
	s16 =	sadd.s32 $0x43000, s2;
	p1 =	seq.s32 s15, $0x0  }
0x8: {  	p6 =	sne.s32 s15, $0xF;
	s1 =	sshll.u32 s0, $0x4;
	s7 =	sand.u32 $0x380, s7  }
0x9: {  	s12 =	ssub.s32 $0x2, s0;
	s18 =	smul.u32 $0x138800, s0;
	p0 =	seq.s32 s0, $0x1  }
0xa: {  	s5 =	sor.u32 s15, s1;
	s1 =	rddreg [dreg:$0x1];
	s10 =	sshrl.u32 s25, $0x3  }
0xb: {  	s17 =	sshrl.u32 s12, $0x1;
	s13 =	sshrl.u32 s13, $0x2;
	s4 =	sshrl.u32 s5, $0x3  }
0xc: {  	s5 =	sshll.u32 s5, $0xB;
	s10 =	sadd.s32 s10, s2;
	s12 =	ssub.s32 s12, s17  }
0xd: {  	s19 =	sadd.s32 s13, s3;
	s6 =	smul.u32 $0x13C00, s4;
	s4 =	rddreg [dreg:$0x3]  }
0xe: {  	s21 =	sadd.s32 s25, s18;
	_ =	strace $0x80000047;
	[dreg:$0x5] =	wrdreg s11  }
0xf: {  	s22 =	sshrl.u32 s18, $0x3;
	s25 =	sor.u32 s0, s15;
	[dreg:$0x6] =	wrdreg s14  }
0x10: {  	s0 =	simm.s32 @!p0 $0x0;
	s17 =	simm.s32 $0x9;
	[dreg:$0x7] =	wrdreg s16  }
0x11: {  	s5 =	sadd.s32 s5, s2;
	[dreg:$0xa] =	wrdreg s19;
	s20 =	sadd.s32 $0x1B800, s10  }
0x12: {  	s16 =	sadd.s32 $0x138000, s3;
	s8 =	sadd.s32 s26, s22;
	s0 =	simm.s32 @p0 $0x1  }
0x13: {  	s19 =	simm.s32 $0x2780;
	p0 =	sne.s32 @!p1 s15, $0xF;
	p5 =	sne.s32 s25, $0x0  }
0x14: {  	s25 =	simm.s32 $0x6A80;
	s10 =	simm.s32 $0x6A00;
	s11 =	simm.s32 $0x6  }
0x15: {  	s14 =	simm.s32 $0x0;
	s5 =	sadd.s32 $0x800, s5;
	[dreg:$0xb] =	wrdreg s20  }
0x16: {  	s24 =	sadd.s32 $0x27000, s8;
	[smem:$0x7FC] =	sst s0;
	p3 =	por p0, p1  }
0x17: {  	p0 =	por !p0, p1;
	s20 =	simm.s32 $0x6980;
	[dreg:$0xc] =	wrdreg s16  }
0x18: {  	s8 =	simm.s32 $0x2;
	s6 =	sor.u32 s7, s6;
	[dreg:$0x9] =	wrdreg s5  }
0x19: {  	s7 =	sadd.s32 $0x1A600, s2;
	s5 =	sshrl.u32 s21, $0x3;
	[dreg:$0xf] =	wrdreg s24  }
0x1a: {  	s0 =	simm.s32 @!p0 $0x0;
	s24 =	simm.s32 $0x50;
	s21 =	simm.s32 $0x6900  }
0x1b: {  	s6 =	sshrl.u32 s6, $0x3;
	s23 =	sadd.s32 s26, s5;
	s26 =	smax.u32 s12, $0x1  }
0x1c: {  	s0 =	simm.s32 @p0 $0x1;
	s12 =	simm.s32 $0x8;
	[dreg:$0xe] =	wrdreg s23  }
0x1d: {  	s9 =	sadd.s32 s6, s2;
	s6 =	sadd.s32 $0x1AC00, s2;
	[dreg:$0x10] =	wrdreg s26  }
0x1e: {  	s2 =	sadd.s32 $0x42800, s2;
	[smem:$0x7FD] =	sst s0;
	s26 =	simm.s32 $0x6780  }
0x1f: {  	s0 =	simm.s32 $0x4;
	s9 =	sadd.s32 $0x10800, s9;
	[dreg:$0xd] =	wrdreg s2  }
0x20: {  	s2 =	simm.s32 $0x6800;
	[dreg:$0x8] =	wrdreg s9;
	s9 =	simm.s32 $0x5  }
.LBB2_1:
0x21: {  	[dreg:$0x11] =	wrdreg s14;
	s13 =	simm.s32 $0x0  }
0x22: {  	s5 =	rddreg [dreg:$0x8];
	s23 =	simm.s32 $0x80;
	s15 =	simm.s32 $0x400  }
0x23: {  	[tilespmem:s13], [sflag:$0x9] =	stream.strided.gather [hbm4b:s5+s23], $0x2780, s15, s23, $0x38;
	[tilespmem:$0x1F578] =	vst v63  }
0x24: {  	_ =	swait.ge [sflag:s17], $0x2780  }
0x25: {  	[sflag:s17] =	ssyncset.done $0x0  }
0x26: {  	s14 =	rddreg [dreg:$0x9];
	[sflag:s17] =	ssyncadd.s32 $0xFFFFD880  }
0x27: {  	[tilespmem:s19], [sflag:$0x9] =	stream.linear.gather [hbm4b:s14+s13], $0x3F00, $0x38;
	[tilespmem:$0x1F578] =	vst v63  }
0x28: {  	s15 =	stileid.u32;
	_ =	swait.ge [sflag:s17], $0x3F00  }
0x29: {  	s5 =	sshll.u32 s15, $0x6;
	s18 =	rddreg [dreg:$0xa]  }
0x2a: {  	[sflag:s17] =	ssyncset.done $0x0;
	s23 =	rddreg [dreg:$0xb];
	s22 =	sshrl.u32 s18, $0x3  }
0x2b: {  	s15 =	sor.u32 $0x1C09, s5;
	[sflag:s17] =	ssyncadd.s32 $0xFFFFC100;
	[dreg:$0x13] =	wrdreg s22  }
0x2c: {  	[spmem:s22], [sflag:s15] =	dma.local [hbm:s23], $0x2700  }
0x2d: {  	_ =	swait.ge [sflag:s17], $0x2700  }
0x2e: {  	[sflag:s17] =	ssyncset.done $0x0  }
0x2f: {  	s5 =	sshrl.u32 @p1 s4, $0x3;
	s14 =	rddreg [dreg:$0x5];
	[sflag:s17] =	ssyncadd.s32 $0xFFFFD900  }
0x30: {  	[spmem:s5], [sflag:s15] =	dma.local @p1 [hbm:s14], $0x4F0  }
0x31: {  	s5 =	simm.s32 @p1 $0x9  }
0x32: {  	_ =	swait.ge @p1 [sflag:s5], $0x4F0  }
0x33: {  	[dreg:$0x12] =	wrdreg s15;
	[sflag:s5] =	ssyncset.done @p1 $0x0  }
0x34: {  	s14 =	rddreg [dreg:$0xd];
	[sflag:s5] =	ssyncadd.s32 @p1 $0xFFFFFB10;
	s5 =	sshrl.u32 @!p3 s16, $0x3  }
0x35: {  	[spmem:s5], [sflag:s15] =	dma.local @!p3 [hbm:s14], $0x100  }
0x36: {  	s5 =	simm.s32 @!p3 $0x9  }
0x37: {  	_ =	swait.ge @!p3 [sflag:s5], $0x100  }
0x38: {  	[sflag:s5] =	ssyncset.done @!p3 $0x0  }
0x39: {  	[sflag:s5] =	ssyncadd.s32 @!p3 $0xFFFFFF00  }
0x3a: {  	[bflag:$0x0] =	sbarrier.arrive $0xFFFF  }
0x3b: {  	[tilespmem:s25], [sflag:$0x1] =	stream.indirect.gather [hbm4b:s1+s24], $0x80, s13, s24, $0xb8;
	[tilespmem:$0x1F578] =	vst v63  }
0x3c: {  	_ = 	snop  }
0x3d: {  	[tilespmem:s26], [sflag:$0x3] =	stream.indirect.gather [hbm4b:s6+s24], $0x1, s13, s24, $0xb8;
	[tilespmem:$0x1F578] =	vst v63  }
0x3e: {  	_ = 	snop  }
0x3f: {  	[tilespmem:s28], [sflag:$0x3] =	stream.indirect.gather [hbm4b:s7+s24], $0x1, s19, s24, $0xb8;
	[tilespmem:$0x1F578] =	vst v63  }
0x40: {  	_ =	swait.ge [sflag:s29], $0x50  }
0x41: {  	[sflag:s29] =	ssyncset.done $0x0  }
0x42: {  	[sflag:s29] =	ssyncadd.s32 $0xFFFFFFB0  }
0x43: {  	_ =	swait.ge [sflag:s29], $0x50  }
0x44: {  	[sflag:s29] =	ssyncset.done $0x0  }
0x45: {  	[sflag:s29] =	ssyncadd.s32 $0xFFFFFFB0  }
0x46: {  	v0 =	vld [tilespmem:$0x6780]  }
0x47: {  	v1 =	vld [tilespmem:$0x6880]  }
0x48: {  	v2 =	vld [tilespmem:$0x6790]  }
0x49: {  	v3 =	vld [tilespmem:$0x6890]  }
0x4a: {  	v4 =	vld [tilespmem:$0x67A0]  }
0x4b: {  	v5 =	vld [tilespmem:$0x68A0]  }
0x4c: {  	v6 =	vld [tilespmem:$0x68B0];
	v0 =	vadd.f32 v1, v0  }
0x4d: {  	v8 =	vld [tilespmem:$0x67C0]  }
0x4e: {  	v1 =	vld [tilespmem:$0x67B0];
	v7 =	vmul.f32 $9.999999770e-03, v0  }
0x4f: {  	v9 =	vld [tilespmem:$0x68C0];
	vm0 =	vgt.f32 v0, $0.0e+00  }
0x50: {  	v2 =	vadd.f32 v3, v2;
	v0 =	vsel vm0, v0, v7  }
0x51: {  	v0 =	vmul.f32 $1.442695020e+00, v0  }
0x52: {  	v4 =	vadd.f32 v5, v4;
	v3 =	vmul.f32 $9.999999770e-03, v2  }
0x53: {  	vm12 =	vgt.f32 v2, $0.0e+00;
	(erf) = vpow2.f32 v0;
	v0 =	vadd.f32 v6, v1  }
0x54: {  	v1 =	vsel vm12, v2, v3;
	v2 =	vmul.f32 $9.999999770e-03, v4;
	v3 =	vadd.f32 v9, v8  }
0x55: {  	vm13 =	vgt.f32 v4, $0.0e+00;
	v1 =	vmul.f32 $1.442695020e+00, v1;
	v5 =	vmul.f32 $9.999999770e-03, v0  }
0x56: {  	v2 =	vsel vm13, v4, v2;
	vm14 =	vgt.f32 v0, $0.0e+00;
	v4 =	vmul.f32 $9.999999770e-03, v3  }
0x57: {  	vm15 =	vgt.f32 v3, $0.0e+00;
	v2 =	vmul.f32 $1.442695020e+00, v2;
	v0 =	vsel vm14, v0, v5  }
0x58: {  	(erf) = vpow2.f32 v1;
	v1 =	vsel vm15, v3, v4;
	v0 =	vmul.f32 $1.442695020e+00, v0  }
0x59: {  	(erf) = vpow2.f32 v2;
	v1 =	vmul.f32 $1.442695020e+00, v1  }
0x5a: {  	(erf) = vpow2.f32 v0  }
0x5b: {  	(erf) = vpow2.f32 v1;
	_ =	sdelay $0x4  }
0x5c: {  	v0 =	vpop (erf)  }
0x5d: {  	[tilespmem:$0x6980] =	vst v0;
	v1 =	vpop (erf)  }
0x5e: {  	[tilespmem:$0x6990] =	vst v1;
	v0 =	vpop (erf)  }
0x5f: {  	[tilespmem:$0x69A0] =	vst v0;
	v1 =	vpop (erf)  }
0x60: {  	[tilespmem:$0x69B0] =	vst v1;
	v0 =	vpop (erf)  }
0x61: {  	[tilespmem:$0x69C0] =	vst v0  }
0x62: {  	s13 =	simm.s32 $0x0;
	_ =	swait.ge [sflag:s30], $0x2800  }
0x63: {  	v0 =	vmov s13;
	[sflag:s30] =	ssyncset.done $0x0  }
0x64: {  	v0 =	vand.u32 $0xFFFFFFF8, v0;
	[sflag:s30] =	ssyncadd.s32 $0xFFFFD800  }
0x65: {  	v0 =	vbroadcast v0, $0x0;
	[tilespmem:s31], [sflag:$0x2] =	stream.indirect.gather [hbm4b:s1+s24], $0x80, s24, s24, $0xb8;
	[tilespmem:$0x1F578] =	vst v63  }
0x66: {  	_ = 	snop  }
0x67: {  	[tilespmem:s2], [sflag:$0x4] =	stream.indirect.gather [hbm4b:s6+s24], $0x1, s24, s24, $0xb8;
	[tilespmem:$0x1F578] =	vst v63  }
0x68: {  	s14 =	simm.s32 $0x2800;
	s5 =	simm.s32 $0x6C80  }
0x69: {  	[tilespmem:s21], [sflag:$0x4] =	stream.indirect.gather [hbm4b:s7+s24], $0x1, s14, s24, $0xb8;
	[tilespmem:$0x1F578] =	vst v63  }
0x6a: {  	v2 =	vld [tilespmem:s5+$0xFFFFFE70]  }
0x6b: {  	v0 =	vld.idx.msk [tilespmem:v0+s20+$0x0], $0xffff  }
0x6c: {  	v3 =	vld [tilespmem:s5+$0xFFFFFE00]  }
0x6d: {  	v4 =	vld [tilespmem:s5+$0xFFFFFE20]  }
0x6e: {  	v5 =	vld [tilespmem:s5+$0xFFFFFE30]  }
0x6f: {  	v1 =	vld [tilespmem:s5+$0xFFFFFE50]  }
0x70: {  	v7 =	vld [tilespmem:s5+$0xFFFFFE10];
	v2 =	vmul.f32 v2, v0  }
0x71: {  	s15 =	simm.s32 $0x1;
	v6 =	vld [tilespmem:s5+$0xFFFFFE60];
	v3 =	vmul.f32 v3, v0  }
0x72: {  	v8 =	vld [tilespmem:s5+$0xFFFFFE40];
	v4 =	vmul.f32 v4, v0;
	[tilespmem:s5+$0xFFFFFE70] =	vst v2;
	v2 =	vmov s15  }
0x73: {  	v5 =	vmul.f32 v5, v0;
	[tilespmem:s5+$0xFFFFFE00] =	vst v3;
	v2 =	vand.u32 $0xFFFFFFF9, v2  }
0x74: {  	v1 =	vmul.f32 v1, v0;
	[tilespmem:s5+$0xFFFFFE20] =	vst v4;
	v2 =	vbroadcast v2, $0x0  }
0x75: {  	v3 =	vmul.f32 v7, v0;
	[tilespmem:s5+$0xFFFFFE30] =	vst v5  }
0x76: {  	v4 =	vmul.f32 v6, v0;
	[tilespmem:s5+$0xFFFFFE50] =	vst v1  }
0x77: {  	v0 =	vmul.f32 v8, v0;
	[tilespmem:s5+$0xFFFFFE10] =	vst v3  }
0x78: {  	[tilespmem:s5+$0xFFFFFE60] =	vst v4  }
0x79: {  	[tilespmem:s5+$0xFFFFFE40] =	vst v0  }
0x7a: {  	v0 =	vld.idx.msk [tilespmem:v2+s20+$0x0], $0xffff  }
0x7b: {  	v2 =	vld [tilespmem:s5+$0xFFFFFE90]  }
0x7c: {  	v3 =	vld [tilespmem:s5+$0xFFFFFEC0]  }
0x7d: {  	v4 =	vld [tilespmem:s5+$0xFFFFFE80]  }
0x7e: {  	v5 =	vld [tilespmem:s5+$0xFFFFFED0]  }
0x7f: {  	v1 =	vld [tilespmem:s5+$0xFFFFFEF0]  }
0x80: {  	v6 =	vld [tilespmem:s5+$0xFFFFFEE0];
	v2 =	vmul.f32 v2, v0  }
0x81: {  	s16 =	simm.s32 $0x2;
	v7 =	vld [tilespmem:s5+$0xFFFFFEB0];
	v3 =	vmul.f32 v3, v0  }
0x82: {  	v8 =	vld [tilespmem:s5+$0xFFFFFEA0];
	v4 =	vmul.f32 v4, v0;
	[tilespmem:s5+$0xFFFFFE90] =	vst v2;
	v2 =	vmov s16  }
0x83: {  	v5 =	vmul.f32 v5, v0;
	[tilespmem:s5+$0xFFFFFEC0] =	vst v3;
	v2 =	vand.u32 $0xFFFFFFFA, v2  }
0x84: {  	v1 =	vmul.f32 v1, v0;
	[tilespmem:s5+$0xFFFFFE80] =	vst v4;
	v2 =	vbroadcast v2, $0x0  }
0x85: {  	v3 =	vmul.f32 v6, v0;
	[tilespmem:s5+$0xFFFFFED0] =	vst v5  }
0x86: {  	v4 =	vmul.f32 v7, v0;
	[tilespmem:s5+$0xFFFFFEF0] =	vst v1  }
0x87: {  	v0 =	vmul.f32 v8, v0;
	[tilespmem:s5+$0xFFFFFEE0] =	vst v3  }
0x88: {  	[tilespmem:s5+$0xFFFFFEB0] =	vst v4  }
0x89: {  	v1 =	vld [tilespmem:s5+$0xFFFFFF00];
	[tilespmem:s5+$0xFFFFFEA0] =	vst v0  }
0x8a: {  	v0 =	vld.idx.msk [tilespmem:v2+s20+$0x0], $0xffff  }
0x8b: {  	v2 =	vld [tilespmem:s5+$0xFFFFFF60]  }
0x8c: {  	v3 =	vld [tilespmem:s5+$0xFFFFFF10]  }
0x8d: {  	v4 =	vld [tilespmem:s5+$0xFFFFFF50]  }
0x8e: {  	v5 =	vld [tilespmem:s5+$0xFFFFFF70]  }
0x8f: {  	v6 =	vld [tilespmem:s5+$0xFFFFFF20];
	v1 =	vmul.f32 v1, v0  }
0x90: {  	s17 =	simm.s32 $0x3;
	v7 =	vld [tilespmem:s5+$0xFFFFFF30];
	v2 =	vmul.f32 v2, v0  }
0x91: {  	v8 =	vld [tilespmem:s5+$0xFFFFFF40];
	v3 =	vmul.f32 v3, v0;
	[tilespmem:s5+$0xFFFFFF00] =	vst v1;
	v1 =	vmov s17  }
0x92: {  	v4 =	vmul.f32 v4, v0;
	[tilespmem:s5+$0xFFFFFF60] =	vst v2;
	v1 =	vand.u32 $0xFFFFFFFB, v1  }
0x93: {  	v2 =	vmul.f32 v5, v0;
	[tilespmem:s5+$0xFFFFFF10] =	vst v3;
	v1 =	vbroadcast v1, $0x0  }
0x94: {  	v3 =	vmul.f32 v6, v0;
	[tilespmem:s5+$0xFFFFFF50] =	vst v4  }
0x95: {  	v4 =	vmul.f32 v7, v0;
	[tilespmem:s5+$0xFFFFFF70] =	vst v2  }
0x96: {  	v0 =	vmul.f32 v8, v0;
	[tilespmem:s5+$0xFFFFFF20] =	vst v3  }
0x97: {  	[tilespmem:s5+$0xFFFFFF30] =	vst v4  }
0x98: {  	[tilespmem:s5+$0xFFFFFF40] =	vst v0  }
0x99: {  	v0 =	vld.idx.msk [tilespmem:v1+s20+$0x0], $0xffff  }
0x9a: {  	v1 =	vld [tilespmem:s5+$0xFFFFFFB0]  }
0x9b: {  	v3 =	vld [tilespmem:s5+$0xFFFFFFE0]  }
0x9c: {  	v4 =	vld [tilespmem:s5+$0xFFFFFF80]  }
0x9d: {  	v5 =	vld [tilespmem:s5+$0xFFFFFFD0]  }
0x9e: {  	v2 =	vld [tilespmem:s5+$0xFFFFFFF0]  }
0x9f: {  	v7 =	vld [tilespmem:s5+$0xFFFFFFA0];
	v1 =	vmul.f32 v1, v0  }
0xa0: {  	s18 =	simm.s32 $0x4;
	v6 =	vld [tilespmem:s5+$0xFFFFFF90];
	v3 =	vmul.f32 v3, v0  }
0xa1: {  	v8 =	vld [tilespmem:s5+$0xFFFFFFC0];
	v4 =	vmul.f32 v4, v0;
	[tilespmem:s5+$0xFFFFFFB0] =	vst v1;
	v1 =	vmov s18  }
0xa2: {  	v5 =	vmul.f32 v5, v0;
	[tilespmem:s5+$0xFFFFFFE0] =	vst v3;
	v1 =	vand.u32 $0xFFFFFFFC, v1  }
0xa3: {  	v2 =	vmul.f32 v2, v0;
	[tilespmem:s5+$0xFFFFFF80] =	vst v4;
	v1 =	vbroadcast v1, $0x0  }
0xa4: {  	v9 =	vld [tilespmem:s5+$0x40];
	v3 =	vmul.f32 v7, v0;
	[tilespmem:s5+$0xFFFFFFD0] =	vst v5  }
0xa5: {  	v4 =	vmul.f32 v6, v0;
	[tilespmem:s5+$0xFFFFFFF0] =	vst v2;
	v7 =	vld [tilespmem:s5+$0x0]  }
0xa6: {  	v2 =	vmul.f32 v8, v0;
	v0 =	vld [tilespmem:s5+$0x70];
	[tilespmem:s5+$0xFFFFFFA0] =	vst v3  }
0xa7: {  	v6 =	vld [tilespmem:s5+$0x20];
	[tilespmem:s5+$0xFFFFFF90] =	vst v4  }
0xa8: {  	v5 =	vld [tilespmem:s5+$0x30];
	[tilespmem:s5+$0xFFFFFFC0] =	vst v2  }
0xa9: {  	s22 =	sld [smem:$0x7FD];
	v1 =	vld.idx.msk [tilespmem:v1+s20+$0x0], $0xffff  }
0xaa: {  	s23 =	sld [smem:$0x7FC];
	v2 =	vld [tilespmem:s5+$0x50]  }
0xab: {  	v4 =	vld [tilespmem:s5+$0x10]  }
0xac: {  	p4 =	por @!p3 $0x0, $0x0;
	p0 =	por $0x0, $0x0;
	p2 =	seq.s32 s22, $0x1;
	v3 =	vld [tilespmem:s5+$0x60]  }
0xad: {  	s13 =	simm.s32 $0x6C80;
	p4 =	por @!p2 p0, p0;
	p0 =	seq.s32 s23, $0x1  }
0xae: {  	p0 =	por @!p1 p4, p4;
	s15 =	simm.s32 $0x7;
	s17 =	simm.s32 $0xF;
	v8 =	vmul.f32 v7, v1;
	v7 =	vmul.f32 v9, v1  }
.LBB2_2:
0xaf: {  	p4 =	sne.s32 s17, $0x4F;
	v6 =	vmul.f32 v6, v1;
	v5 =	vmul.f32 v5, v1;
	s14 =	sadd.s32 $0xFFFFFFFE, s15;
	s5 =	sadd.s32 $0x400, s5  }
0xb0: {  	v2 =	vmul.f32 v2, v1;
	s18 =	smov.u32 s17;
	s17 =	sadd.s32 $0x8, s17;
	[tilespmem:s13+$0x0] =	vst v8;
	v4 =	vmul.f32 v4, v1;
	v8 =	vmov s14  }
0xb1: {  	v0 =	vmul.f32 v0, v1;
	[tilespmem:s13+$0x40] =	vst v7;
	v3 =	vmul.f32 v3, v1;
	v1 =	vand.u32 $0xFFFFFFFD, v8  }
0xb2: {  	[tilespmem:s13+$0x20] =	vst v6;
	v1 =	vbroadcast v1, $0x0  }
0xb3: {  	[tilespmem:s13+$0x50] =	vst v2  }
0xb4: {  	[tilespmem:s13+$0x70] =	vst v0;
	v0 =	vld [tilespmem:s13+$0xA0]  }
0xb5: {  	[tilespmem:s13+$0x30] =	vst v5;
	v2 =	vld [tilespmem:s13+$0x80]  }
0xb6: {  	[tilespmem:s13+$0x60] =	vst v3;
	v3 =	vld [tilespmem:s13+$0xD0]  }
0xb7: {  	[tilespmem:s13+$0x10] =	vst v4;
	v4 =	vld [tilespmem:s13+$0xF0]  }
0xb8: {  	v1 =	vld.idx.msk [tilespmem:v1+s20+$0x0], $0xffff  }
0xb9: {  	v5 =	vld [tilespmem:s13+$0xC0]  }
0xba: {  	v6 =	vld [tilespmem:s13+$0xB0]  }
0xbb: {  	v7 =	vld [tilespmem:s13+$0x90]  }
0xbc: {  	v8 =	vld [tilespmem:s13+$0xE0];
	_ =	sdelay $0x1  }
0xbd: {  	v2 =	vmul.f32 v2, v1;
	v5 =	vmul.f32 v5, v1  }
0xbe: {  	s14 =	sadd.s32 $0xFFFFFFFF, s15;
	v0 =	vmul.f32 v0, v1;
	v6 =	vmul.f32 v6, v1  }
0xbf: {  	v3 =	vmul.f32 v3, v1;
	[tilespmem:s13+$0x80] =	vst v2;
	v2 =	vmul.f32 v7, v1;
	v7 =	vmov s14  }
0xc0: {  	[tilespmem:s13+$0xA0] =	vst v0;
	v0 =	vmul.f32 v8, v1;
	v1 =	vmul.f32 v4, v1;
	v4 =	vand.u32 $0xFFFFFFFE, v7  }
0xc1: {  	[tilespmem:s13+$0xD0] =	vst v3;
	v3 =	vbroadcast v4, $0x0  }
0xc2: {  	[tilespmem:s13+$0xC0] =	vst v5  }
0xc3: {  	[tilespmem:s13+$0xF0] =	vst v1;
	v1 =	vld [tilespmem:s13+$0x120]  }
0xc4: {  	[tilespmem:s13+$0xB0] =	vst v6;
	v4 =	vld [tilespmem:s13+$0x100]  }
0xc5: {  	[tilespmem:s13+$0x90] =	vst v2;
	v2 =	vld [tilespmem:s13+$0x140]  }
0xc6: {  	[tilespmem:s13+$0xE0] =	vst v0;
	v0 =	vld [tilespmem:s13+$0x130]  }
0xc7: {  	v3 =	vld.idx.msk [tilespmem:v3+s20+$0x0], $0xffff  }
0xc8: {  	v5 =	vld [tilespmem:s13+$0x110]  }
0xc9: {  	v6 =	vld [tilespmem:s13+$0x160]  }
0xca: {  	v7 =	vld [tilespmem:s13+$0x150]  }
0xcb: {  	v8 =	vld [tilespmem:s13+$0x170];
	_ =	sdelay $0x1  }
0xcc: {  	v4 =	vmul.f32 v4, v3;
	v5 =	vmul.f32 v5, v3  }
0xcd: {  	v1 =	vmul.f32 v1, v3;
	v0 =	vmul.f32 v0, v3  }
0xce: {  	v2 =	vmul.f32 v2, v3;
	[tilespmem:s13+$0x100] =	vst v4;
	v4 =	vmul.f32 v7, v3  }
0xcf: {  	[tilespmem:s13+$0x120] =	vst v1;
	v1 =	vmul.f32 v6, v3;
	v3 =	vmul.f32 v8, v3  }
0xd0: {  	[tilespmem:s13+$0x130] =	vst v0  }
0xd1: {  	v0 =	vmov s15;
	s15 =	smov.u32 s18;
	[tilespmem:s13+$0x140] =	vst v2  }
0xd2: {  	[tilespmem:s13+$0x160] =	vst v1;
	v1 =	vld [tilespmem:s13+$0x180]  }
0xd3: {  	[tilespmem:s13+$0x110] =	vst v5;
	v2 =	vld [tilespmem:s13+$0x1A0]  }
0xd4: {  	[tilespmem:s13+$0x150] =	vst v4;
	v4 =	vld [tilespmem:s13+$0x1F0]  }
0xd5: {  	[tilespmem:s13+$0x170] =	vst v3;
	v3 =	vld [tilespmem:s13+$0x1D0]  }
0xd6: {  	v0 =	vld.idx.msk [tilespmem:v0+s20+$0x0], $0xffff  }
0xd7: {  	v5 =	vld [tilespmem:s13+$0x190]  }
0xd8: {  	v6 =	vld [tilespmem:s13+$0x1B0]  }
0xd9: {  	v7 =	vld [tilespmem:s13+$0x1C0]  }
0xda: {  	v8 =	vld [tilespmem:s13+$0x1E0];
	_ =	sdelay $0x1  }
0xdb: {  	v1 =	vmul.f32 v1, v0;
	v5 =	vmul.f32 v5, v0  }
0xdc: {  	s14 =	sadd.s32 $0xFFFFFFF9, s15;
	v2 =	vmul.f32 v2, v0;
	v6 =	vmul.f32 v6, v0  }
0xdd: {  	v9 =	vmov s14;
	v3 =	vmul.f32 v3, v0;
	[tilespmem:s13+$0x180] =	vst v1;
	v1 =	vmul.f32 v7, v0  }
0xde: {  	v7 =	vand.u32 $0xFFFFFFF8, v9;
	[tilespmem:s13+$0x190] =	vst v5;
	v5 =	vmul.f32 v8, v0;
	v0 =	vmul.f32 v4, v0  }
0xdf: {  	v4 =	vbroadcast v7, $0x0;
	[tilespmem:s13+$0x1A0] =	vst v2  }
0xe0: {  	[tilespmem:s13+$0x1F0] =	vst v0  }
0xe1: {  	v0 =	vld [tilespmem:s5+$0xFFFFFE50];
	[tilespmem:s13+$0x1D0] =	vst v3  }
0xe2: {  	v2 =	vld [tilespmem:s5+$0xFFFFFE30];
	[tilespmem:s13+$0x1B0] =	vst v6  }
0xe3: {  	v3 =	vld [tilespmem:s5+$0xFFFFFE60];
	[tilespmem:s13+$0x1E0] =	vst v5  }
0xe4: {  	v5 =	vld [tilespmem:s5+$0xFFFFFE70];
	[tilespmem:s13+$0x1C0] =	vst v1;
	s13 =	smov.u32 s5  }
0xe5: {  	v1 =	vld.idx.msk [tilespmem:v4+s20+$0x0], $0xffff  }
0xe6: {  	v4 =	vld [tilespmem:s5+$0xFFFFFE00]  }
0xe7: {  	v6 =	vld [tilespmem:s5+$0xFFFFFE20]  }
0xe8: {  	v7 =	vld [tilespmem:s5+$0xFFFFFE10]  }
0xe9: {  	v8 =	vld [tilespmem:s5+$0xFFFFFE40];
	_ =	sdelay $0x1  }
0xea: {  	v5 =	vmul.f32 v5, v1;
	v4 =	vmul.f32 v4, v1  }
0xeb: {  	s14 =	sadd.s32 $0xFFFFFFFA, s15;
	v3 =	vmul.f32 v3, v1;
	v6 =	vmul.f32 v6, v1  }
0xec: {  	v2 =	vmul.f32 v2, v1;
	v7 =	vmul.f32 v7, v1;
	[tilespmem:s5+$0xFFFFFE70] =	vst v5;
	v5 =	vmov s14  }
0xed: {  	v0 =	vmul.f32 v0, v1;
	[tilespmem:s5+$0xFFFFFE00] =	vst v4;
	v4 =	vmul.f32 v8, v1;
	v1 =	vand.u32 $0xFFFFFFF9, v5  }
0xee: {  	[tilespmem:s5+$0xFFFFFE20] =	vst v6;
	v1 =	vbroadcast v1, $0x0  }
0xef: {  	[tilespmem:s5+$0xFFFFFE30] =	vst v2  }
0xf0: {  	[tilespmem:s5+$0xFFFFFE50] =	vst v0;
	v0 =	vld [tilespmem:s5+$0xFFFFFEF0]  }
0xf1: {  	[tilespmem:s5+$0xFFFFFE10] =	vst v7;
	v2 =	vld [tilespmem:s5+$0xFFFFFED0]  }
0xf2: {  	[tilespmem:s5+$0xFFFFFE60] =	vst v3;
	v3 =	vld [tilespmem:s5+$0xFFFFFEB0]  }
0xf3: {  	[tilespmem:s5+$0xFFFFFE40] =	vst v4;
	v4 =	vld [tilespmem:s5+$0xFFFFFEC0]  }
0xf4: {  	v1 =	vld.idx.msk [tilespmem:v1+s20+$0x0], $0xffff  }
0xf5: {  	v5 =	vld [tilespmem:s5+$0xFFFFFE90]  }
0xf6: {  	v6 =	vld [tilespmem:s5+$0xFFFFFE80]  }
0xf7: {  	v7 =	vld [tilespmem:s5+$0xFFFFFEA0]  }
0xf8: {  	v8 =	vld [tilespmem:s5+$0xFFFFFEE0];
	_ =	sdelay $0x1  }
0xf9: {  	v4 =	vmul.f32 v4, v1;
	v5 =	vmul.f32 v5, v1  }
0xfa: {  	s14 =	sadd.s32 $0xFFFFFFFB, s15;
	v3 =	vmul.f32 v3, v1;
	v6 =	vmul.f32 v6, v1  }
0xfb: {  	v2 =	vmul.f32 v2, v1;
	[tilespmem:s5+$0xFFFFFE90] =	vst v5;
	v5 =	vmul.f32 v7, v1;
	v7 =	vmov s14  }
0xfc: {  	v0 =	vmul.f32 v0, v1;
	[tilespmem:s5+$0xFFFFFEC0] =	vst v4;
	v4 =	vmul.f32 v8, v1;
	v1 =	vand.u32 $0xFFFFFFFA, v7  }
0xfd: {  	[tilespmem:s5+$0xFFFFFE80] =	vst v6;
	v1 =	vbroadcast v1, $0x0  }
0xfe: {  	[tilespmem:s5+$0xFFFFFED0] =	vst v2  }
0xff: {  	[tilespmem:s5+$0xFFFFFEE0] =	vst v4;
	v2 =	vld [tilespmem:s5+$0xFFFFFF70]  }
0x100: {  	[tilespmem:s5+$0xFFFFFEB0] =	vst v3;
	v3 =	vld [tilespmem:s5+$0xFFFFFF50]  }
0x101: {  	[tilespmem:s5+$0xFFFFFEF0] =	vst v0;
	v0 =	vld [tilespmem:s5+$0xFFFFFF20]  }
0x102: {  	[tilespmem:s5+$0xFFFFFEA0] =	vst v5;
	v4 =	vld [tilespmem:s5+$0xFFFFFF60]  }
0x103: {  	v1 =	vld.idx.msk [tilespmem:v1+s20+$0x0], $0xffff  }
0x104: {  	v5 =	vld [tilespmem:s5+$0xFFFFFF00]  }
0x105: {  	v6 =	vld [tilespmem:s5+$0xFFFFFF10]  }
0x106: {  	v7 =	vld [tilespmem:s5+$0xFFFFFF40]  }
0x107: {  	v8 =	vld [tilespmem:s5+$0xFFFFFF30];
	_ =	sdelay $0x1  }
0x108: {  	v4 =	vmul.f32 v4, v1;
	v5 =	vmul.f32 v5, v1  }
0x109: {  	s14 =	sadd.s32 $0xFFFFFFFC, s15;
	v0 =	vmul.f32 v0, v1;
	v6 =	vmul.f32 v6, v1  }
0x10a: {  	v3 =	vmul.f32 v3, v1;
	[tilespmem:s5+$0xFFFFFF00] =	vst v5;
	v5 =	vmul.f32 v7, v1;
	v7 =	vmov s14  }
0x10b: {  	v8 =	vmul.f32 v8, v1;
	[tilespmem:s5+$0xFFFFFF60] =	vst v4;
	v1 =	vmul.f32 v2, v1;
	v2 =	vand.u32 $0xFFFFFFFB, v7  }
0x10c: {  	[tilespmem:s5+$0xFFFFFF10] =	vst v6;
	v2 =	vbroadcast v2, $0x0  }
0x10d: {  	[tilespmem:s5+$0xFFFFFF50] =	vst v3  }
0x10e: {  	[tilespmem:s5+$0xFFFFFF70] =	vst v1;
	v1 =	vld [tilespmem:s5+$0xFFFFFFF0]  }
0x10f: {  	[tilespmem:s5+$0xFFFFFF20] =	vst v0;
	v0 =	vld [tilespmem:s5+$0xFFFFFFD0]  }
0x110: {  	[tilespmem:s5+$0xFFFFFF30] =	vst v8;
	v3 =	vld [tilespmem:s5+$0xFFFFFF90]  }
0x111: {  	[tilespmem:s5+$0xFFFFFF40] =	vst v5;
	v4 =	vld [tilespmem:s5+$0xFFFFFFE0]  }
0x112: {  	v2 =	vld.idx.msk [tilespmem:v2+s20+$0x0], $0xffff  }
0x113: {  	v5 =	vld [tilespmem:s5+$0xFFFFFFB0]  }
0x114: {  	v6 =	vld [tilespmem:s5+$0xFFFFFF80]  }
0x115: {  	v7 =	vld [tilespmem:s5+$0xFFFFFFC0]  }
0x116: {  	v8 =	vld [tilespmem:s5+$0xFFFFFFA0];
	_ =	sdelay $0x1  }
0x117: {  	v4 =	vmul.f32 v4, v2;
	v5 =	vmul.f32 v5, v2  }
0x118: {  	s14 =	sadd.s32 $0xFFFFFFFD, s15;
	v3 =	vmul.f32 v3, v2;
	v6 =	vmul.f32 v6, v2  }
0x119: {  	v0 =	vmul.f32 v0, v2;
	[tilespmem:s5+$0xFFFFFFB0] =	vst v5;
	v5 =	vmul.f32 v7, v2;
	v7 =	vmov s14  }
0x11a: {  	v1 =	vmul.f32 v1, v2;
	v8 =	vmul.f32 v8, v2;
	[tilespmem:s5+$0xFFFFFFE0] =	vst v4;
	v2 =	vand.u32 $0xFFFFFFFC, v7  }
0x11b: {  	[tilespmem:s5+$0xFFFFFF80] =	vst v6;
	v4 =	vbroadcast v2, $0x0  }
0x11c: {  	[tilespmem:s5+$0xFFFFFFD0] =	vst v0  }
0x11d: {  	[tilespmem:s5+$0xFFFFFFF0] =	vst v1;
	v7 =	vld [tilespmem:s5+$0x0]  }
0x11e: {  	[tilespmem:s5+$0xFFFFFFA0] =	vst v8;
	v0 =	vld [tilespmem:s5+$0x70]  }
0x11f: {  	[tilespmem:s5+$0xFFFFFF90] =	vst v3;
	v2 =	vld [tilespmem:s5+$0x50]  }
0x120: {  	[tilespmem:s5+$0xFFFFFFC0] =	vst v5;
	v6 =	vld [tilespmem:s5+$0x20]  }
0x121: {  	v1 =	vld.idx.msk [tilespmem:v4+s20+$0x0], $0xffff  }
0x122: {  	v9 =	vld [tilespmem:s5+$0x40]  }
.Ltmp0:
0x123: {  	v5 =	vld [tilespmem:s5+$0x30];
	(pc) =	sbr.rel @p4 .LBB2_2-.Ltmp0, $3  }
0x124: {  	v4 =	vld [tilespmem:s5+$0x10]  }
0x125: {  	v3 =	vld [tilespmem:s5+$0x60];
	_ =	sdelay $0x1  }
0x126: {  	v8 =	vmul.f32 v7, v1;
	v7 =	vmul.f32 v9, v1  }
0x127: {  	s5 =	sadd.s32 $0xFFFFFFFE, s15  }
0x128: {  	v6 =	vmul.f32 v6, v1;
	[tilespmem:s13+$0x0] =	vst v8;
	v19 =	vmov s5  }
0x129: {  	v2 =	vmul.f32 v2, v1;
	[tilespmem:s13+$0x40] =	vst v7;
	v20 =	vand.u32 $0xFFFFFFFD, v19  }
0x12a: {  	v0 =	vmul.f32 v0, v1;
	[tilespmem:s13+$0x20] =	vst v6;
	v21 =	vbroadcast v20, $0x0  }
0x12b: {  	v5 =	vmul.f32 v5, v1;
	[tilespmem:s13+$0x50] =	vst v2  }
0x12c: {  	v23 =	vmul.f32 v4, v1;
	[tilespmem:s13+$0x70] =	vst v0  }
0x12d: {  	v22 =	vmul.f32 v3, v1;
	[tilespmem:s13+$0x30] =	vst v5  }
0x12e: {  	[tilespmem:s13+$0x10] =	vst v23  }
0x12f: {  	v24 =	vld [tilespmem:s13+$0x80];
	[tilespmem:s13+$0x60] =	vst v22  }
0x130: {  	v0 =	vld.idx.msk [tilespmem:v21+s20+$0x0], $0xffff  }
0x131: {  	v25 =	vld [tilespmem:s13+$0xA0]  }
0x132: {  	v26 =	vld [tilespmem:s13+$0xD0]  }
0x133: {  	v27 =	vld [tilespmem:s13+$0xC0]  }
0x134: {  	v28 =	vld [tilespmem:s13+$0xF0]  }
0x135: {  	v29 =	vld [tilespmem:s13+$0xB0];
	v1 =	vmul.f32 v24, v0  }
0x136: {  	v30 =	vld [tilespmem:s13+$0x90];
	s23 =	sadd.s32 $0xFFFFFFFF, s15;
	v2 =	vmul.f32 v25, v0  }
0x137: {  	v31 =	vld [tilespmem:s13+$0xE0];
	v33 =	vmov s23;
	v32 =	vmul.f32 v26, v0;
	[tilespmem:s13+$0x80] =	vst v1  }
0x138: {  	v34 =	vand.u32 $0xFFFFFFFE, v33;
	v4 =	vmul.f32 v27, v0;
	[tilespmem:s13+$0xA0] =	vst v2  }
0x139: {  	v36 =	vbroadcast v34, $0x0;
	v35 =	vmul.f32 v28, v0;
	[tilespmem:s13+$0xD0] =	vst v32  }
0x13a: {  	v37 =	vmul.f32 v29, v0;
	[tilespmem:s13+$0xC0] =	vst v4  }
0x13b: {  	v38 =	vmul.f32 v30, v0;
	[tilespmem:s13+$0xF0] =	vst v35  }
0x13c: {  	v0 =	vmul.f32 v31, v0;
	[tilespmem:s13+$0xB0] =	vst v37  }
0x13d: {  	[tilespmem:s13+$0x90] =	vst v38  }
0x13e: {  	v39 =	vld [tilespmem:s13+$0x100];
	[tilespmem:s13+$0xE0] =	vst v0  }
0x13f: {  	v0 =	vld.idx.msk [tilespmem:v36+s20+$0x0], $0xffff  }
0x140: {  	v40 =	vld [tilespmem:s13+$0x120]  }
0x141: {  	v41 =	vld [tilespmem:s13+$0x130]  }
0x142: {  	v42 =	vld [tilespmem:s13+$0x140]  }
0x143: {  	v43 =	vld [tilespmem:s13+$0x160]  }
0x144: {  	v44 =	vld [tilespmem:s13+$0x110];
	v2 =	vmul.f32 v39, v0  }
0x145: {  	v45 =	vld [tilespmem:s13+$0x150];
	v1 =	vmul.f32 v40, v0  }
0x146: {  	v46 =	vld [tilespmem:s13+$0x170];
	v3 =	vmul.f32 v41, v0;
	[tilespmem:s13+$0x100] =	vst v2  }
0x147: {  	v47 =	vmul.f32 v42, v0;
	[tilespmem:s13+$0x120] =	vst v1  }
0x148: {  	v48 =	vmul.f32 v43, v0;
	[tilespmem:s13+$0x130] =	vst v3  }
0x149: {  	v50 =	vmov s15;
	v49 =	vmul.f32 v44, v0;
	[tilespmem:s13+$0x140] =	vst v47  }
0x14a: {  	v51 =	vmul.f32 v45, v0;
	[tilespmem:s13+$0x160] =	vst v48  }
0x14b: {  	v0 =	vmul.f32 v46, v0;
	[tilespmem:s13+$0x110] =	vst v49  }
0x14c: {  	[tilespmem:s13+$0x150] =	vst v51  }
0x14d: {  	v52 =	vld [tilespmem:s13+$0x180];
	[tilespmem:s13+$0x170] =	vst v0  }
0x14e: {  	v0 =	vld.idx.msk [tilespmem:v50+s20+$0x0], $0xffff  }
0x14f: {  	v54 =	vld [tilespmem:s13+$0x190]  }
0x150: {  	v53 =	vld [tilespmem:s13+$0x1A0]  }
0x151: {  	v55 =	vld [tilespmem:s13+$0x1F0]  }
0x152: {  	v56 =	vld [tilespmem:s13+$0x1D0]  }
0x153: {  	v57 =	vld [tilespmem:s13+$0x1B0];
	v1 =	vmul.f32 v52, v0  }
0x154: {  	v58 =	vld [tilespmem:s13+$0x1E0];
	v2 =	vmul.f32 v54, v0  }
0x155: {  	v59 =	vld [tilespmem:s13+$0x1C0];
	v3 =	vmul.f32 v53, v0;
	[tilespmem:s13+$0x180] =	vst v1  }
0x156: {  	v60 =	vmul.f32 v55, v0;
	[tilespmem:s13+$0x190] =	vst v2  }
0x157: {  	v61 =	vmul.f32 v56, v0;
	[tilespmem:s13+$0x1A0] =	vst v3  }
0x158: {  	v62 =	vmul.f32 v57, v0;
	[tilespmem:s13+$0x1F0] =	vst v60  }
0x159: {  	v63 =	vmul.f32 v58, v0;
	[tilespmem:s13+$0x1D0] =	vst v61  }
0x15a: {  	v0 =	vmul.f32 v59, v0;
	[tilespmem:s13+$0x1B0] =	vst v62  }
0x15b: {  	[tilespmem:s13+$0x1E0] =	vst v63  }
0x15c: {  	[tilespmem:s13+$0x1C0] =	vst v0  }
0x15d: {  	[spmem:s3] =	stream.indirect.scatter.add.f32 [tilespmem:s25], [sflag:$0x5], $0x80, s19, s24, $0xb8;
	[tilespmem:$0x1F578] =	vst v63  }
0x15e: {  	s18 =	simm.s32 $0x0  }
0x15f: {  	[spmem:s4] =	stream.indirect.scatter.add.f32 [tilespmem:s20], [sflag:$0x7], $0x1, s19, s24, $0xb8;
	[tilespmem:$0x1F578] =	vst v63  }
.LBB2_4:
0x160: {  	s5 =	sshll.u32 s18, $0x1  }
0x161: {  	s14 =	sadd.s32 $0x2, s5  }
0x162: {  	s13 =	smul.u32 $0x50, s14;
	s14 =	sshll.u32 s14, $0x7  }
0x163: {  	s14 =	sand.u32 $0x3FFFFF00, s14  }
0x164: {  	[tilespmem:s26], [sflag:$0x3] =	stream.indirect.gather [hbm4b:s6+s24], $0x1, s13, s24, $0xb8;
	[tilespmem:$0x1F578] =	vst v63  }
0x165: {  	s19 =	sadd.s32 $0x2780, s14  }
0x166: {  	[tilespmem:s28], [sflag:$0x3] =	stream.indirect.gather [hbm4b:s7+s24], $0x1, s19, s24, $0xb8;
	[tilespmem:$0x1F578] =	vst v63  }
0x167: {  	_ =	swait.ge [sflag:s0], $0x50  }
0x168: {  	[sflag:s0] =	ssyncset.done $0x0  }
0x169: {  	[sflag:s0] =	ssyncadd.s32 $0xFFFFFFB0  }
0x16a: {  	_ =	swait.ge [sflag:s0], $0x50  }
0x16b: {  	[sflag:s0] =	ssyncset.done $0x0  }
0x16c: {  	[sflag:s0] =	ssyncadd.s32 $0xFFFFFFB0  }
0x16d: {  	v0 =	vld [tilespmem:$0x6800]  }
0x16e: {  	v1 =	vld [tilespmem:$0x6900]  }
0x16f: {  	v2 =	vld [tilespmem:$0x6810]  }
0x170: {  	v3 =	vld [tilespmem:$0x6910]  }
0x171: {  	v4 =	vld [tilespmem:$0x6820]  }
0x172: {  	v5 =	vld [tilespmem:$0x6920]  }
0x173: {  	v6 =	vld [tilespmem:$0x6930];
	v0 =	vadd.f32 v1, v0  }
0x174: {  	v8 =	vld [tilespmem:$0x6840]  }
0x175: {  	v1 =	vld [tilespmem:$0x6830];
	v7 =	vmul.f32 $9.999999770e-03, v0  }
0x176: {  	v9 =	vld [tilespmem:$0x6940];
	vm0 =	vgt.f32 v0, $0.0e+00  }
0x177: {  	v2 =	vadd.f32 v3, v2;
	v0 =	vsel vm0, v0, v7  }
0x178: {  	v0 =	vmul.f32 $1.442695020e+00, v0  }
0x179: {  	v4 =	vadd.f32 v5, v4;
	v3 =	vmul.f32 $9.999999770e-03, v2  }
0x17a: {  	vm12 =	vgt.f32 v2, $0.0e+00;
	(erf) = vpow2.f32 v0;
	v0 =	vadd.f32 v6, v1  }
0x17b: {  	v1 =	vsel vm12, v2, v3;
	v2 =	vmul.f32 $9.999999770e-03, v4;
	v3 =	vadd.f32 v9, v8  }
0x17c: {  	vm13 =	vgt.f32 v4, $0.0e+00;
	v1 =	vmul.f32 $1.442695020e+00, v1;
	v5 =	vmul.f32 $9.999999770e-03, v0  }
0x17d: {  	v2 =	vsel vm13, v4, v2;
	vm14 =	vgt.f32 v0, $0.0e+00;
	v4 =	vmul.f32 $9.999999770e-03, v3  }
0x17e: {  	vm15 =	vgt.f32 v3, $0.0e+00;
	v2 =	vmul.f32 $1.442695020e+00, v2;
	v0 =	vsel vm14, v0, v5  }
0x17f: {  	(erf) = vpow2.f32 v1;
	v1 =	vsel vm15, v3, v4;
	v0 =	vmul.f32 $1.442695020e+00, v0  }
0x180: {  	(erf) = vpow2.f32 v2;
	v1 =	vmul.f32 $1.442695020e+00, v1  }
0x181: {  	(erf) = vpow2.f32 v0  }
0x182: {  	(erf) = vpow2.f32 v1;
	_ =	sdelay $0x4  }
0x183: {  	v0 =	vpop (erf)  }
0x184: {  	[tilespmem:$0x6A00] =	vst v0;
	v1 =	vpop (erf)  }
0x185: {  	[tilespmem:$0x6A10] =	vst v1;
	v0 =	vpop (erf)  }
0x186: {  	[tilespmem:$0x6A20] =	vst v0;
	v1 =	vpop (erf)  }
0x187: {  	[tilespmem:$0x6A30] =	vst v1;
	v0 =	vpop (erf)  }
0x188: {  	[tilespmem:$0x6A40] =	vst v0  }
0x189: {  	_ =	swait.ge [sflag:s8], $0x2800  }
0x18a: {  	[sflag:s8] =	ssyncset.done $0x0  }
0x18b: {  	s17 =	simm.s32 $0x0;
	[sflag:s8] =	ssyncadd.s32 $0xFFFFD800  }
0x18c: {  	v0 =	vmov s17;
	_ =	swait.ge [sflag:s9], $0x2800  }
0x18d: {  	v0 =	vand.u32 $0xFFFFFFF8, v0;
	[sflag:s9] =	ssyncset.done $0x0  }
0x18e: {  	s23 =	simm.s32 $0x7;
	v0 =	vbroadcast v0, $0x0;
	[sflag:s9] =	ssyncadd.s32 $0xFFFFD800  }
0x18f: {  	_ =	swait.ge [sflag:s23], $0x50  }
0x190: {  	[sflag:s23] =	ssyncset.done $0x0  }
0x191: {  	s15 =	simm.s32 $0x9480;
	[sflag:s23] =	ssyncadd.s32 $0xFFFFFFB0  }
0x192: {  	[tilespmem:s25], [sflag:$0x1] =	stream.indirect.gather [hbm4b:s1+s24], $0x80, s13, s24, $0xb8;
	[tilespmem:$0x1F578] =	vst v63  }
0x193: {  	v2 =	vld [tilespmem:s15+$0xFFFFFE70]  }
0x194: {  	v0 =	vld.idx.msk [tilespmem:v0+s10+$0x0], $0xffff  }
0x195: {  	v3 =	vld [tilespmem:s15+$0xFFFFFE00]  }
0x196: {  	v4 =	vld [tilespmem:s15+$0xFFFFFE20]  }
0x197: {  	v5 =	vld [tilespmem:s15+$0xFFFFFE30]  }
0x198: {  	v1 =	vld [tilespmem:s15+$0xFFFFFE50]  }
0x199: {  	v7 =	vld [tilespmem:s15+$0xFFFFFE10];
	v2 =	vmul.f32 v2, v0  }
0x19a: {  	s22 =	simm.s32 $0x1;
	v6 =	vld [tilespmem:s15+$0xFFFFFE60];
	v3 =	vmul.f32 v3, v0  }
0x19b: {  	v8 =	vld [tilespmem:s15+$0xFFFFFE40];
	v4 =	vmul.f32 v4, v0;
	[tilespmem:s15+$0xFFFFFE70] =	vst v2;
	v2 =	vmov s22  }
0x19c: {  	v5 =	vmul.f32 v5, v0;
	[tilespmem:s15+$0xFFFFFE00] =	vst v3;
	v2 =	vand.u32 $0xFFFFFFF9, v2  }
0x19d: {  	v1 =	vmul.f32 v1, v0;
	[tilespmem:s15+$0xFFFFFE20] =	vst v4;
	v2 =	vbroadcast v2, $0x0  }
0x19e: {  	v3 =	vmul.f32 v7, v0;
	[tilespmem:s15+$0xFFFFFE30] =	vst v5  }
0x19f: {  	v4 =	vmul.f32 v6, v0;
	[tilespmem:s15+$0xFFFFFE50] =	vst v1  }
0x1a0: {  	v0 =	vmul.f32 v8, v0;
	[tilespmem:s15+$0xFFFFFE10] =	vst v3  }
0x1a1: {  	[tilespmem:s15+$0xFFFFFE60] =	vst v4  }
0x1a2: {  	[tilespmem:s15+$0xFFFFFE40] =	vst v0  }
0x1a3: {  	v0 =	vld.idx.msk [tilespmem:v2+s10+$0x0], $0xffff  }
0x1a4: {  	v2 =	vld [tilespmem:s15+$0xFFFFFE90]  }
0x1a5: {  	v3 =	vld [tilespmem:s15+$0xFFFFFEC0]  }
0x1a6: {  	v4 =	vld [tilespmem:s15+$0xFFFFFE80]  }
0x1a7: {  	v5 =	vld [tilespmem:s15+$0xFFFFFED0]  }
0x1a8: {  	v1 =	vld [tilespmem:s15+$0xFFFFFEF0]  }
0x1a9: {  	v6 =	vld [tilespmem:s15+$0xFFFFFEE0];
	v2 =	vmul.f32 v2, v0  }
0x1aa: {  	s16 =	simm.s32 $0x2;
	v7 =	vld [tilespmem:s15+$0xFFFFFEB0];
	v3 =	vmul.f32 v3, v0  }
0x1ab: {  	v8 =	vld [tilespmem:s15+$0xFFFFFEA0];
	v4 =	vmul.f32 v4, v0;
	[tilespmem:s15+$0xFFFFFE90] =	vst v2;
	v2 =	vmov s16  }
0x1ac: {  	v5 =	vmul.f32 v5, v0;
	[tilespmem:s15+$0xFFFFFEC0] =	vst v3;
	v2 =	vand.u32 $0xFFFFFFFA, v2  }
0x1ad: {  	v1 =	vmul.f32 v1, v0;
	[tilespmem:s15+$0xFFFFFE80] =	vst v4;
	v2 =	vbroadcast v2, $0x0  }
0x1ae: {  	v3 =	vmul.f32 v6, v0;
	[tilespmem:s15+$0xFFFFFED0] =	vst v5  }
0x1af: {  	v4 =	vmul.f32 v7, v0;
	[tilespmem:s15+$0xFFFFFEF0] =	vst v1  }
0x1b0: {  	v0 =	vmul.f32 v8, v0;
	[tilespmem:s15+$0xFFFFFEE0] =	vst v3  }
0x1b1: {  	[tilespmem:s15+$0xFFFFFEB0] =	vst v4  }
0x1b2: {  	v1 =	vld [tilespmem:s15+$0xFFFFFF00];
	[tilespmem:s15+$0xFFFFFEA0] =	vst v0  }
0x1b3: {  	v0 =	vld.idx.msk [tilespmem:v2+s10+$0x0], $0xffff  }
0x1b4: {  	v2 =	vld [tilespmem:s15+$0xFFFFFF60]  }
0x1b5: {  	v3 =	vld [tilespmem:s15+$0xFFFFFF10]  }
0x1b6: {  	v4 =	vld [tilespmem:s15+$0xFFFFFF50]  }
0x1b7: {  	v5 =	vld [tilespmem:s15+$0xFFFFFF70]  }
0x1b8: {  	v6 =	vld [tilespmem:s15+$0xFFFFFF20];
	v1 =	vmul.f32 v1, v0  }
0x1b9: {  	s17 =	simm.s32 $0x3;
	v7 =	vld [tilespmem:s15+$0xFFFFFF30];
	v2 =	vmul.f32 v2, v0  }
0x1ba: {  	v8 =	vld [tilespmem:s15+$0xFFFFFF40];
	v3 =	vmul.f32 v3, v0;
	[tilespmem:s15+$0xFFFFFF00] =	vst v1;
	v1 =	vmov s17  }
0x1bb: {  	v4 =	vmul.f32 v4, v0;
	[tilespmem:s15+$0xFFFFFF60] =	vst v2;
	v1 =	vand.u32 $0xFFFFFFFB, v1  }
0x1bc: {  	v2 =	vmul.f32 v5, v0;
	[tilespmem:s15+$0xFFFFFF10] =	vst v3;
	v1 =	vbroadcast v1, $0x0  }
0x1bd: {  	v3 =	vmul.f32 v6, v0;
	[tilespmem:s15+$0xFFFFFF50] =	vst v4  }
0x1be: {  	v4 =	vmul.f32 v7, v0;
	[tilespmem:s15+$0xFFFFFF70] =	vst v2  }
0x1bf: {  	v0 =	vmul.f32 v8, v0;
	[tilespmem:s15+$0xFFFFFF20] =	vst v3  }
0x1c0: {  	[tilespmem:s15+$0xFFFFFF30] =	vst v4  }
0x1c1: {  	[tilespmem:s15+$0xFFFFFF40] =	vst v0  }
0x1c2: {  	v0 =	vld.idx.msk [tilespmem:v1+s10+$0x0], $0xffff  }
0x1c3: {  	v1 =	vld [tilespmem:s15+$0xFFFFFFB0]  }
0x1c4: {  	v3 =	vld [tilespmem:s15+$0xFFFFFFE0]  }
0x1c5: {  	v4 =	vld [tilespmem:s15+$0xFFFFFF80]  }
0x1c6: {  	v5 =	vld [tilespmem:s15+$0xFFFFFFD0]  }
0x1c7: {  	v2 =	vld [tilespmem:s15+$0xFFFFFFF0]  }
0x1c8: {  	v7 =	vld [tilespmem:s15+$0xFFFFFFA0];
	v1 =	vmul.f32 v1, v0  }
0x1c9: {  	s22 =	simm.s32 $0x4;
	v6 =	vld [tilespmem:s15+$0xFFFFFF90];
	v3 =	vmul.f32 v3, v0  }
0x1ca: {  	v8 =	vld [tilespmem:s15+$0xFFFFFFC0];
	v4 =	vmul.f32 v4, v0;
	[tilespmem:s15+$0xFFFFFFB0] =	vst v1;
	v1 =	vmov s22  }
0x1cb: {  	v5 =	vmul.f32 v5, v0;
	[tilespmem:s15+$0xFFFFFFE0] =	vst v3;
	v1 =	vand.u32 $0xFFFFFFFC, v1  }
0x1cc: {  	v2 =	vmul.f32 v2, v0;
	[tilespmem:s15+$0xFFFFFF80] =	vst v4;
	v1 =	vbroadcast v1, $0x0  }
0x1cd: {  	v9 =	vld [tilespmem:s15+$0x40];
	v3 =	vmul.f32 v7, v0;
	[tilespmem:s15+$0xFFFFFFD0] =	vst v5  }
0x1ce: {  	v4 =	vmul.f32 v6, v0;
	[tilespmem:s15+$0xFFFFFFF0] =	vst v2;
	v7 =	vld [tilespmem:s15+$0x0]  }
0x1cf: {  	v2 =	vmul.f32 v8, v0;
	v0 =	vld [tilespmem:s15+$0x70];
	[tilespmem:s15+$0xFFFFFFA0] =	vst v3  }
0x1d0: {  	v6 =	vld [tilespmem:s15+$0x20];
	[tilespmem:s15+$0xFFFFFF90] =	vst v4  }
0x1d1: {  	v5 =	vld [tilespmem:s15+$0x30];
	[tilespmem:s15+$0xFFFFFFC0] =	vst v2  }
0x1d2: {  	v1 =	vld.idx.msk [tilespmem:v1+s10+$0x0], $0xffff  }
0x1d3: {  	v2 =	vld [tilespmem:s15+$0x50]  }
0x1d4: {  	v4 =	vld [tilespmem:s15+$0x10]  }
0x1d5: {  	v3 =	vld [tilespmem:s15+$0x60];
	_ =	sdelay $0x1  }
0x1d6: {  	s17 =	simm.s32 $0x9480;
	s22 =	simm.s32 $0xF;
	v8 =	vmul.f32 v7, v1;
	v7 =	vmul.f32 v9, v1  }
.LBB2_5:
0x1d7: {  	p4 =	sne.s32 s22, $0x4F;
	v6 =	vmul.f32 v6, v1;
	v5 =	vmul.f32 v5, v1;
	s14 =	sadd.s32 $0xFFFFFFFE, s23;
	s15 =	sadd.s32 $0x400, s15  }
0x1d8: {  	v2 =	vmul.f32 v2, v1;
	[tilespmem:s17+$0x0] =	vst v8;
	v4 =	vmul.f32 v4, v1;
	v8 =	vmov s14;
	s14 =	smov.u32 s22;
	s22 =	sadd.s32 $0x8, s22  }
0x1d9: {  	v0 =	vmul.f32 v0, v1;
	[tilespmem:s17+$0x40] =	vst v7;
	v3 =	vmul.f32 v3, v1;
	v1 =	vand.u32 $0xFFFFFFFD, v8  }
0x1da: {  	[tilespmem:s17+$0x20] =	vst v6;
	v1 =	vbroadcast v1, $0x0  }
0x1db: {  	[tilespmem:s17+$0x50] =	vst v2  }
0x1dc: {  	[tilespmem:s17+$0x70] =	vst v0;
	v0 =	vld [tilespmem:s17+$0xA0]  }
0x1dd: {  	[tilespmem:s17+$0x30] =	vst v5;
	v2 =	vld [tilespmem:s17+$0x80]  }
0x1de: {  	[tilespmem:s17+$0x60] =	vst v3;
	v3 =	vld [tilespmem:s17+$0xD0]  }
0x1df: {  	[tilespmem:s17+$0x10] =	vst v4;
	v4 =	vld [tilespmem:s17+$0xF0]  }
0x1e0: {  	v1 =	vld.idx.msk [tilespmem:v1+s10+$0x0], $0xffff  }
0x1e1: {  	v5 =	vld [tilespmem:s17+$0xC0]  }
0x1e2: {  	v6 =	vld [tilespmem:s17+$0xB0]  }
0x1e3: {  	v7 =	vld [tilespmem:s17+$0x90]  }
0x1e4: {  	v8 =	vld [tilespmem:s17+$0xE0];
	_ =	sdelay $0x1  }
0x1e5: {  	v2 =	vmul.f32 v2, v1;
	v5 =	vmul.f32 v5, v1  }
0x1e6: {  	s16 =	sadd.s32 $0xFFFFFFFF, s23;
	v0 =	vmul.f32 v0, v1;
	v6 =	vmul.f32 v6, v1  }
0x1e7: {  	v3 =	vmul.f32 v3, v1;
	[tilespmem:s17+$0x80] =	vst v2;
	v2 =	vmul.f32 v7, v1;
	v7 =	vmov s16  }
0x1e8: {  	[tilespmem:s17+$0xA0] =	vst v0;
	v0 =	vmul.f32 v8, v1;
	v1 =	vmul.f32 v4, v1;
	v4 =	vand.u32 $0xFFFFFFFE, v7  }
0x1e9: {  	[tilespmem:s17+$0xD0] =	vst v3;
	v3 =	vbroadcast v4, $0x0  }
0x1ea: {  	[tilespmem:s17+$0xC0] =	vst v5  }
0x1eb: {  	[tilespmem:s17+$0xF0] =	vst v1;
	v1 =	vld [tilespmem:s17+$0x120]  }
0x1ec: {  	[tilespmem:s17+$0xB0] =	vst v6;
	v4 =	vld [tilespmem:s17+$0x100]  }
0x1ed: {  	[tilespmem:s17+$0x90] =	vst v2;
	v2 =	vld [tilespmem:s17+$0x140]  }
0x1ee: {  	[tilespmem:s17+$0xE0] =	vst v0;
	v0 =	vld [tilespmem:s17+$0x130]  }
0x1ef: {  	v3 =	vld.idx.msk [tilespmem:v3+s10+$0x0], $0xffff  }
0x1f0: {  	v5 =	vld [tilespmem:s17+$0x110]  }
0x1f1: {  	v6 =	vld [tilespmem:s17+$0x160]  }
0x1f2: {  	v7 =	vld [tilespmem:s17+$0x150]  }
0x1f3: {  	v8 =	vld [tilespmem:s17+$0x170];
	_ =	sdelay $0x1  }
0x1f4: {  	v4 =	vmul.f32 v4, v3;
	v5 =	vmul.f32 v5, v3  }
0x1f5: {  	v1 =	vmul.f32 v1, v3;
	v0 =	vmul.f32 v0, v3  }
0x1f6: {  	v2 =	vmul.f32 v2, v3;
	[tilespmem:s17+$0x100] =	vst v4;
	v4 =	vmul.f32 v7, v3  }
0x1f7: {  	[tilespmem:s17+$0x120] =	vst v1;
	v1 =	vmul.f32 v6, v3;
	v3 =	vmul.f32 v8, v3  }
0x1f8: {  	[tilespmem:s17+$0x130] =	vst v0  }
0x1f9: {  	v0 =	vmov s23;
	s23 =	smov.u32 s14;
	[tilespmem:s17+$0x140] =	vst v2  }
0x1fa: {  	[tilespmem:s17+$0x160] =	vst v1;
	v1 =	vld [tilespmem:s17+$0x180]  }
0x1fb: {  	[tilespmem:s17+$0x110] =	vst v5;
	v2 =	vld [tilespmem:s17+$0x1A0]  }
0x1fc: {  	[tilespmem:s17+$0x150] =	vst v4;
	v4 =	vld [tilespmem:s17+$0x1F0]  }
0x1fd: {  	[tilespmem:s17+$0x170] =	vst v3;
	v3 =	vld [tilespmem:s17+$0x1D0]  }
0x1fe: {  	v0 =	vld.idx.msk [tilespmem:v0+s10+$0x0], $0xffff  }
0x1ff: {  	v5 =	vld [tilespmem:s17+$0x190]  }
0x200: {  	v6 =	vld [tilespmem:s17+$0x1B0]  }
0x201: {  	v7 =	vld [tilespmem:s17+$0x1C0]  }
0x202: {  	v8 =	vld [tilespmem:s17+$0x1E0];
	_ =	sdelay $0x1  }
0x203: {  	v1 =	vmul.f32 v1, v0;
	v5 =	vmul.f32 v5, v0  }
0x204: {  	s14 =	sadd.s32 $0xFFFFFFF9, s23;
	v2 =	vmul.f32 v2, v0;
	v6 =	vmul.f32 v6, v0  }
0x205: {  	v9 =	vmov s14;
	v3 =	vmul.f32 v3, v0;
	[tilespmem:s17+$0x180] =	vst v1;
	v1 =	vmul.f32 v7, v0  }
0x206: {  	v7 =	vand.u32 $0xFFFFFFF8, v9;
	[tilespmem:s17+$0x190] =	vst v5;
	v5 =	vmul.f32 v8, v0;
	v0 =	vmul.f32 v4, v0  }
0x207: {  	v4 =	vbroadcast v7, $0x0;
	[tilespmem:s17+$0x1A0] =	vst v2  }
0x208: {  	[tilespmem:s17+$0x1F0] =	vst v0  }
0x209: {  	v0 =	vld [tilespmem:s15+$0xFFFFFE50];
	[tilespmem:s17+$0x1D0] =	vst v3  }
0x20a: {  	v2 =	vld [tilespmem:s15+$0xFFFFFE30];
	[tilespmem:s17+$0x1B0] =	vst v6  }
0x20b: {  	v3 =	vld [tilespmem:s15+$0xFFFFFE60];
	[tilespmem:s17+$0x1E0] =	vst v5  }
0x20c: {  	v5 =	vld [tilespmem:s15+$0xFFFFFE70];
	[tilespmem:s17+$0x1C0] =	vst v1;
	s17 =	smov.u32 s15  }
0x20d: {  	v1 =	vld.idx.msk [tilespmem:v4+s10+$0x0], $0xffff  }
0x20e: {  	v4 =	vld [tilespmem:s15+$0xFFFFFE00]  }
0x20f: {  	v6 =	vld [tilespmem:s15+$0xFFFFFE20]  }
0x210: {  	v7 =	vld [tilespmem:s15+$0xFFFFFE10]  }
0x211: {  	v8 =	vld [tilespmem:s15+$0xFFFFFE40];
	_ =	sdelay $0x1  }
0x212: {  	v5 =	vmul.f32 v5, v1;
	v4 =	vmul.f32 v4, v1  }
0x213: {  	s14 =	sadd.s32 $0xFFFFFFFA, s23;
	v3 =	vmul.f32 v3, v1;
	v6 =	vmul.f32 v6, v1  }
0x214: {  	v2 =	vmul.f32 v2, v1;
	v7 =	vmul.f32 v7, v1;
	[tilespmem:s15+$0xFFFFFE70] =	vst v5;
	v5 =	vmov s14  }
0x215: {  	v0 =	vmul.f32 v0, v1;
	[tilespmem:s15+$0xFFFFFE00] =	vst v4;
	v4 =	vmul.f32 v8, v1;
	v1 =	vand.u32 $0xFFFFFFF9, v5  }
0x216: {  	[tilespmem:s15+$0xFFFFFE20] =	vst v6;
	v1 =	vbroadcast v1, $0x0  }
0x217: {  	[tilespmem:s15+$0xFFFFFE30] =	vst v2  }
0x218: {  	[tilespmem:s15+$0xFFFFFE50] =	vst v0;
	v0 =	vld [tilespmem:s15+$0xFFFFFEF0]  }
0x219: {  	[tilespmem:s15+$0xFFFFFE10] =	vst v7;
	v2 =	vld [tilespmem:s15+$0xFFFFFED0]  }
0x21a: {  	[tilespmem:s15+$0xFFFFFE60] =	vst v3;
	v3 =	vld [tilespmem:s15+$0xFFFFFEB0]  }
0x21b: {  	[tilespmem:s15+$0xFFFFFE40] =	vst v4;
	v4 =	vld [tilespmem:s15+$0xFFFFFEC0]  }
0x21c: {  	v1 =	vld.idx.msk [tilespmem:v1+s10+$0x0], $0xffff  }
0x21d: {  	v5 =	vld [tilespmem:s15+$0xFFFFFE90]  }
0x21e: {  	v6 =	vld [tilespmem:s15+$0xFFFFFE80]  }
0x21f: {  	v7 =	vld [tilespmem:s15+$0xFFFFFEA0]  }
0x220: {  	v8 =	vld [tilespmem:s15+$0xFFFFFEE0];
	_ =	sdelay $0x1  }
0x221: {  	v4 =	vmul.f32 v4, v1;
	v5 =	vmul.f32 v5, v1  }
0x222: {  	s14 =	sadd.s32 $0xFFFFFFFB, s23;
	v3 =	vmul.f32 v3, v1;
	v6 =	vmul.f32 v6, v1  }
0x223: {  	v2 =	vmul.f32 v2, v1;
	[tilespmem:s15+$0xFFFFFE90] =	vst v5;
	v5 =	vmul.f32 v7, v1;
	v7 =	vmov s14  }
0x224: {  	v0 =	vmul.f32 v0, v1;
	[tilespmem:s15+$0xFFFFFEC0] =	vst v4;
	v4 =	vmul.f32 v8, v1;
	v1 =	vand.u32 $0xFFFFFFFA, v7  }
0x225: {  	[tilespmem:s15+$0xFFFFFE80] =	vst v6;
	v1 =	vbroadcast v1, $0x0  }
0x226: {  	[tilespmem:s15+$0xFFFFFED0] =	vst v2  }
0x227: {  	[tilespmem:s15+$0xFFFFFEE0] =	vst v4;
	v2 =	vld [tilespmem:s15+$0xFFFFFF70]  }
0x228: {  	[tilespmem:s15+$0xFFFFFEB0] =	vst v3;
	v3 =	vld [tilespmem:s15+$0xFFFFFF50]  }
0x229: {  	[tilespmem:s15+$0xFFFFFEF0] =	vst v0;
	v0 =	vld [tilespmem:s15+$0xFFFFFF20]  }
0x22a: {  	[tilespmem:s15+$0xFFFFFEA0] =	vst v5;
	v4 =	vld [tilespmem:s15+$0xFFFFFF60]  }
0x22b: {  	v1 =	vld.idx.msk [tilespmem:v1+s10+$0x0], $0xffff  }
0x22c: {  	v5 =	vld [tilespmem:s15+$0xFFFFFF00]  }
0x22d: {  	v6 =	vld [tilespmem:s15+$0xFFFFFF10]  }
0x22e: {  	v7 =	vld [tilespmem:s15+$0xFFFFFF40]  }
0x22f: {  	v8 =	vld [tilespmem:s15+$0xFFFFFF30];
	_ =	sdelay $0x1  }
0x230: {  	v4 =	vmul.f32 v4, v1;
	v5 =	vmul.f32 v5, v1  }
0x231: {  	s14 =	sadd.s32 $0xFFFFFFFC, s23;
	v0 =	vmul.f32 v0, v1;
	v6 =	vmul.f32 v6, v1  }
0x232: {  	v3 =	vmul.f32 v3, v1;
	[tilespmem:s15+$0xFFFFFF00] =	vst v5;
	v5 =	vmul.f32 v7, v1;
	v7 =	vmov s14  }
0x233: {  	v8 =	vmul.f32 v8, v1;
	[tilespmem:s15+$0xFFFFFF60] =	vst v4;
	v1 =	vmul.f32 v2, v1;
	v2 =	vand.u32 $0xFFFFFFFB, v7  }
0x234: {  	[tilespmem:s15+$0xFFFFFF10] =	vst v6;
	v2 =	vbroadcast v2, $0x0  }
0x235: {  	[tilespmem:s15+$0xFFFFFF50] =	vst v3  }
0x236: {  	[tilespmem:s15+$0xFFFFFF70] =	vst v1;
	v1 =	vld [tilespmem:s15+$0xFFFFFFF0]  }
0x237: {  	[tilespmem:s15+$0xFFFFFF20] =	vst v0;
	v0 =	vld [tilespmem:s15+$0xFFFFFFD0]  }
0x238: {  	[tilespmem:s15+$0xFFFFFF30] =	vst v8;
	v3 =	vld [tilespmem:s15+$0xFFFFFF90]  }
0x239: {  	[tilespmem:s15+$0xFFFFFF40] =	vst v5;
	v4 =	vld [tilespmem:s15+$0xFFFFFFE0]  }
0x23a: {  	v2 =	vld.idx.msk [tilespmem:v2+s10+$0x0], $0xffff  }
0x23b: {  	v5 =	vld [tilespmem:s15+$0xFFFFFFB0]  }
0x23c: {  	v6 =	vld [tilespmem:s15+$0xFFFFFF80]  }
0x23d: {  	v7 =	vld [tilespmem:s15+$0xFFFFFFC0]  }
0x23e: {  	v8 =	vld [tilespmem:s15+$0xFFFFFFA0];
	_ =	sdelay $0x1  }
0x23f: {  	v4 =	vmul.f32 v4, v2;
	v5 =	vmul.f32 v5, v2  }
0x240: {  	s14 =	sadd.s32 $0xFFFFFFFD, s23;
	v3 =	vmul.f32 v3, v2;
	v6 =	vmul.f32 v6, v2  }
0x241: {  	v0 =	vmul.f32 v0, v2;
	[tilespmem:s15+$0xFFFFFFB0] =	vst v5;
	v5 =	vmul.f32 v7, v2;
	v7 =	vmov s14  }
0x242: {  	v1 =	vmul.f32 v1, v2;
	v8 =	vmul.f32 v8, v2;
	[tilespmem:s15+$0xFFFFFFE0] =	vst v4;
	v2 =	vand.u32 $0xFFFFFFFC, v7  }
0x243: {  	[tilespmem:s15+$0xFFFFFF80] =	vst v6;
	v4 =	vbroadcast v2, $0x0  }
0x244: {  	[tilespmem:s15+$0xFFFFFFD0] =	vst v0  }
0x245: {  	[tilespmem:s15+$0xFFFFFFF0] =	vst v1;
	v7 =	vld [tilespmem:s15+$0x0]  }
0x246: {  	[tilespmem:s15+$0xFFFFFFA0] =	vst v8;
	v0 =	vld [tilespmem:s15+$0x70]  }
0x247: {  	[tilespmem:s15+$0xFFFFFF90] =	vst v3;
	v2 =	vld [tilespmem:s15+$0x50]  }
0x248: {  	[tilespmem:s15+$0xFFFFFFC0] =	vst v5;
	v6 =	vld [tilespmem:s15+$0x20]  }
0x249: {  	v1 =	vld.idx.msk [tilespmem:v4+s10+$0x0], $0xffff  }
0x24a: {  	v9 =	vld [tilespmem:s15+$0x40]  }
.Ltmp1:
0x24b: {  	v5 =	vld [tilespmem:s15+$0x30];
	(pc) =	sbr.rel @p4 .LBB2_5-.Ltmp1, $3  }
0x24c: {  	v4 =	vld [tilespmem:s15+$0x10]  }
0x24d: {  	v3 =	vld [tilespmem:s15+$0x60];
	_ =	sdelay $0x1  }
0x24e: {  	v8 =	vmul.f32 v7, v1;
	v7 =	vmul.f32 v9, v1  }
0x24f: {  	s14 =	sadd.s32 $0xFFFFFFFE, s23  }
0x250: {  	v6 =	vmul.f32 v6, v1;
	[tilespmem:s17+$0x0] =	vst v8;
	v8 =	vmov s14  }
0x251: {  	v2 =	vmul.f32 v2, v1;
	[tilespmem:s17+$0x40] =	vst v7;
	v7 =	vand.u32 $0xFFFFFFFD, v8  }
0x252: {  	v0 =	vmul.f32 v0, v1;
	[tilespmem:s17+$0x20] =	vst v6;
	v6 =	vbroadcast v7, $0x0  }
0x253: {  	v5 =	vmul.f32 v5, v1;
	[tilespmem:s17+$0x50] =	vst v2  }
0x254: {  	v2 =	vmul.f32 v3, v1;
	[tilespmem:s17+$0x70] =	vst v0  }
0x255: {  	v0 =	vmul.f32 v4, v1;
	[tilespmem:s17+$0x30] =	vst v5  }
0x256: {  	[tilespmem:s17+$0x60] =	vst v2  }
0x257: {  	v1 =	vld [tilespmem:s17+$0x80];
	[tilespmem:s17+$0x10] =	vst v0  }
0x258: {  	v0 =	vld.idx.msk [tilespmem:v6+s10+$0x0], $0xffff  }
0x259: {  	v2 =	vld [tilespmem:s17+$0xA0]  }
0x25a: {  	v4 =	vld [tilespmem:s17+$0xC0]  }
0x25b: {  	v3 =	vld [tilespmem:s17+$0xD0];
	_ =	sdelay $0x1  }
0x25c: {  	v7 =	vld [tilespmem:s17+$0x90];
	v1 =	vmul.f32 v1, v0  }
0x25d: {  	v5 =	vld [tilespmem:s17+$0xF0];
	v2 =	vmul.f32 v2, v0  }
0x25e: {  	s22 =	sadd.s32 $0xFFFFFFFF, s23;
	v6 =	vld [tilespmem:s17+$0xB0];
	v4 =	vmul.f32 v4, v0;
	[tilespmem:s17+$0x80] =	vst v1  }
0x25f: {  	v8 =	vld [tilespmem:s17+$0xE0];
	v1 =	vmul.f32 v3, v0;
	v3 =	vmov s22;
	[tilespmem:s17+$0xA0] =	vst v2  }
0x260: {  	[tilespmem:s17+$0xC0] =	vst v4;
	v2 =	vand.u32 $0xFFFFFFFE, v3  }
0x261: {  	v4 =	vmul.f32 v7, v0;
	[tilespmem:s17+$0xD0] =	vst v1;
	v1 =	vbroadcast v2, $0x0  }
0x262: {  	v3 =	vmul.f32 v5, v0  }
0x263: {  	v2 =	vmul.f32 v6, v0;
	[tilespmem:s17+$0x90] =	vst v4  }
0x264: {  	v0 =	vmul.f32 v8, v0;
	[tilespmem:s17+$0xF0] =	vst v3  }
0x265: {  	[tilespmem:s17+$0xB0] =	vst v2  }
0x266: {  	v2 =	vld [tilespmem:s17+$0x100];
	[tilespmem:s17+$0xE0] =	vst v0  }
0x267: {  	v0 =	vld.idx.msk [tilespmem:v1+s10+$0x0], $0xffff  }
0x268: {  	v1 =	vld [tilespmem:s17+$0x120]  }
0x269: {  	v3 =	vld [tilespmem:s17+$0x130]  }
0x26a: {  	v4 =	vld [tilespmem:s17+$0x140]  }
0x26b: {  	v5 =	vld [tilespmem:s17+$0x160]  }
0x26c: {  	v6 =	vld [tilespmem:s17+$0x110];
	v2 =	vmul.f32 v2, v0  }
0x26d: {  	v7 =	vld [tilespmem:s17+$0x150];
	v1 =	vmul.f32 v1, v0  }
0x26e: {  	v8 =	vld [tilespmem:s17+$0x170];
	v3 =	vmul.f32 v3, v0;
	[tilespmem:s17+$0x100] =	vst v2  }
0x26f: {  	v2 =	vmul.f32 v4, v0;
	[tilespmem:s17+$0x120] =	vst v1  }
0x270: {  	v1 =	vmul.f32 v5, v0;
	[tilespmem:s17+$0x130] =	vst v3  }
0x271: {  	v3 =	vmul.f32 v6, v0;
	[tilespmem:s17+$0x140] =	vst v2;
	v2 =	vmov s23  }
0x272: {  	v4 =	vmul.f32 v7, v0;
	[tilespmem:s17+$0x160] =	vst v1  }
0x273: {  	v0 =	vmul.f32 v8, v0;
	[tilespmem:s17+$0x110] =	vst v3  }
0x274: {  	[tilespmem:s17+$0x150] =	vst v4  }
0x275: {  	v1 =	vld [tilespmem:s17+$0x180];
	[tilespmem:s17+$0x170] =	vst v0  }
0x276: {  	v0 =	vld.idx.msk [tilespmem:v2+s10+$0x0], $0xffff  }
0x277: {  	v2 =	vld [tilespmem:s17+$0x190]  }
0x278: {  	v3 =	vld [tilespmem:s17+$0x1A0]  }
0x279: {  	v4 =	vld [tilespmem:s17+$0x1F0]  }
0x27a: {  	v5 =	vld [tilespmem:s17+$0x1D0]  }
0x27b: {  	v6 =	vld [tilespmem:s17+$0x1B0];
	v1 =	vmul.f32 v1, v0  }
0x27c: {  	v7 =	vld [tilespmem:s17+$0x1E0];
	v2 =	vmul.f32 v2, v0  }
0x27d: {  	v8 =	vld [tilespmem:s17+$0x1C0];
	v3 =	vmul.f32 v3, v0;
	[tilespmem:s17+$0x180] =	vst v1  }
0x27e: {  	[tilespmem:s17+$0x190] =	vst v2;
	v1 =	vmul.f32 v4, v0  }
0x27f: {  	v2 =	vmul.f32 v5, v0;
	[tilespmem:s17+$0x1A0] =	vst v3  }
0x280: {  	v3 =	vmul.f32 v6, v0;
	[tilespmem:s17+$0x1F0] =	vst v1  }
0x281: {  	v1 =	vmul.f32 v7, v0;
	[tilespmem:s17+$0x1D0] =	vst v2  }
0x282: {  	s15 =	sshll.u32 s18, $0x8;
	v0 =	vmul.f32 v8, v0;
	[tilespmem:s17+$0x1B0] =	vst v3  }
0x283: {  	s14 =	sand.u32 $0x3FFFFF00, s15;
	[tilespmem:s17+$0x1E0] =	vst v1  }
0x284: {  	s15 =	sadd.s32 $0x3, s5;
	s14 =	sadd.s32 $0x2800, s14;
	[tilespmem:s17+$0x1C0] =	vst v0  }
0x285: {  	[spmem:s3] =	stream.indirect.scatter.add.f32 [tilespmem:s31], [sflag:$0x6], $0x80, s14, s24, $0xb8;
	[tilespmem:$0x1F578] =	vst v63  }
0x286: {  	s5 =	smul.u32 $0x140, s15;
	s16 =	sshll.u32 s15, $0x7  }
0x287: {  	[spmem:s4] =	stream.indirect.scatter.add.f32 [tilespmem:s10], [sflag:$0x8], $0x1, s14, s24, $0xb8;
	[tilespmem:$0x1F578] =	vst v63  }
0x288: {  	s5 =	sshra.s32 s5, $0x2;
	s14 =	sand.u32 $0x3FFFFF80, s16  }
0x289: {  	[tilespmem:s2], [sflag:$0x4] =	stream.indirect.gather [hbm4b:s6+s24], $0x1, s5, s24, $0xb8;
	[tilespmem:$0x1F578] =	vst v63  }
0x28a: {  	s14 =	sadd.s32 $0x2780, s14  }
0x28b: {  	[tilespmem:s21], [sflag:$0x4] =	stream.indirect.gather [hbm4b:s7+s24], $0x1, s14, s24, $0xb8;
	[tilespmem:$0x1F578] =	vst v63  }
0x28c: {  	_ =	swait.ge [sflag:s29], $0x50  }
0x28d: {  	[sflag:s29] =	ssyncset.done $0x0  }
0x28e: {  	[sflag:s29] =	ssyncadd.s32 $0xFFFFFFB0  }
0x28f: {  	_ =	swait.ge [sflag:s29], $0x50  }
0x290: {  	[sflag:s29] =	ssyncset.done $0x0  }
0x291: {  	[sflag:s29] =	ssyncadd.s32 $0xFFFFFFB0  }
0x292: {  	v0 =	vld [tilespmem:$0x6780]  }
0x293: {  	v1 =	vld [tilespmem:$0x6880]  }
0x294: {  	v2 =	vld [tilespmem:$0x6790]  }
0x295: {  	v3 =	vld [tilespmem:$0x6890]  }
0x296: {  	v4 =	vld [tilespmem:$0x67A0]  }
0x297: {  	v5 =	vld [tilespmem:$0x68A0]  }
0x298: {  	v6 =	vld [tilespmem:$0x68B0];
	v0 =	vadd.f32 v1, v0  }
0x299: {  	v8 =	vld [tilespmem:$0x67C0]  }
0x29a: {  	v1 =	vld [tilespmem:$0x67B0];
	v7 =	vmul.f32 $9.999999770e-03, v0  }
0x29b: {  	v9 =	vld [tilespmem:$0x68C0];
	vm0 =	vgt.f32 v0, $0.0e+00  }
0x29c: {  	v2 =	vadd.f32 v3, v2;
	v0 =	vsel vm0, v0, v7  }
0x29d: {  	v0 =	vmul.f32 $1.442695020e+00, v0  }
0x29e: {  	v4 =	vadd.f32 v5, v4;
	v3 =	vmul.f32 $9.999999770e-03, v2  }
0x29f: {  	vm12 =	vgt.f32 v2, $0.0e+00;
	(erf) = vpow2.f32 v0;
	v0 =	vadd.f32 v6, v1  }
0x2a0: {  	v1 =	vsel vm12, v2, v3;
	v2 =	vmul.f32 $9.999999770e-03, v4;
	v3 =	vadd.f32 v9, v8  }
0x2a1: {  	vm13 =	vgt.f32 v4, $0.0e+00;
	v1 =	vmul.f32 $1.442695020e+00, v1;
	v5 =	vmul.f32 $9.999999770e-03, v0  }
0x2a2: {  	v2 =	vsel vm13, v4, v2;
	vm14 =	vgt.f32 v0, $0.0e+00;
	v4 =	vmul.f32 $9.999999770e-03, v3  }
0x2a3: {  	vm15 =	vgt.f32 v3, $0.0e+00;
	v2 =	vmul.f32 $1.442695020e+00, v2;
	v0 =	vsel vm14, v0, v5  }
0x2a4: {  	(erf) = vpow2.f32 v1;
	v1 =	vsel vm15, v3, v4;
	v0 =	vmul.f32 $1.442695020e+00, v0  }
0x2a5: {  	(erf) = vpow2.f32 v2;
	v1 =	vmul.f32 $1.442695020e+00, v1  }
0x2a6: {  	(erf) = vpow2.f32 v0  }
0x2a7: {  	(erf) = vpow2.f32 v1;
	_ =	sdelay $0x4  }
0x2a8: {  	p4 =	slt.u32 s13, $0x2710;
	s17 =	sor.u32 $0x10, s13;
	v0 =	vpop (erf)  }
0x2a9: {  	s22 =	sadd.s32 $0x20, s13;
	p2 =	slt.u32 s17, $0x2710;
	v0 =	vpsel !p4, $0x0, v0;
	v1 =	vpop (erf)  }
0x2aa: {  	s23 =	sadd.s32 $0x30, s13;
	[tilespmem:$0x6980] =	vst v0;
	v0 =	vpsel !p2, $0x0, v1;
	p2 =	slt.u32 s22, $0x2710;
	v2 =	vpop (erf)  }
0x2ab: {  	s14 =	sadd.s32 $0x40, s13;
	[tilespmem:$0x6990] =	vst v0;
	v0 =	vpsel !p2, $0x0, v2;
	p2 =	slt.u32 s23, $0x2710;
	v1 =	vpop (erf)  }
0x2ac: {  	[tilespmem:$0x69A0] =	vst v0;
	v0 =	vpsel !p2, $0x0, v1;
	v1 =	vpop (erf);
	p2 =	slt.u32 s14, $0x2710  }
0x2ad: {  	[tilespmem:$0x69B0] =	vst v0;
	v0 =	vpsel !p2, $0x0, v1  }
0x2ae: {  	[tilespmem:$0x69C0] =	vst v0  }
0x2af: {  	_ =	swait.ge [sflag:s30], $0x2800  }
0x2b0: {  	[sflag:s30] =	ssyncset.done $0x0  }
0x2b1: {  	[sflag:s30] =	ssyncadd.s32 $0xFFFFD800  }
0x2b2: {  	s15 =	simm.s32 $0x0;
	_ =	swait.ge [sflag:s11], $0x2800  }
0x2b3: {  	v0 =	vmov s15;
	[sflag:s11] =	ssyncset.done $0x0  }
0x2b4: {  	v0 =	vand.u32 $0xFFFFFFF8, v0;
	[sflag:s11] =	ssyncadd.s32 $0xFFFFD800  }
0x2b5: {  	v0 =	vbroadcast v0, $0x0;
	_ =	swait.ge [sflag:s12], $0x50  }
0x2b6: {  	[sflag:s12] =	ssyncset.done $0x0  }
0x2b7: {  	[sflag:s12] =	ssyncadd.s32 $0xFFFFFFB0  }
0x2b8: {  	[tilespmem:s31], [sflag:$0x2] =	stream.indirect.gather [hbm4b:s1+s24], $0x80, s5, s24, $0xb8;
	[tilespmem:$0x1F578] =	vst v63  }
0x2b9: {  	s5 =	simm.s32 $0x6C80  }
0x2ba: {  	v2 =	vld [tilespmem:s5+$0xFFFFFE70]  }
0x2bb: {  	v0 =	vld.idx.msk [tilespmem:v0+s20+$0x0], $0xffff  }
0x2bc: {  	v3 =	vld [tilespmem:s5+$0xFFFFFE00]  }
0x2bd: {  	v4 =	vld [tilespmem:s5+$0xFFFFFE20]  }
0x2be: {  	v5 =	vld [tilespmem:s5+$0xFFFFFE30]  }
0x2bf: {  	v1 =	vld [tilespmem:s5+$0xFFFFFE50]  }
0x2c0: {  	v7 =	vld [tilespmem:s5+$0xFFFFFE10];
	v2 =	vmul.f32 v2, v0  }
0x2c1: {  	s16 =	simm.s32 $0x1;
	v6 =	vld [tilespmem:s5+$0xFFFFFE60];
	v3 =	vmul.f32 v3, v0  }
0x2c2: {  	v8 =	vld [tilespmem:s5+$0xFFFFFE40];
	v4 =	vmul.f32 v4, v0;
	[tilespmem:s5+$0xFFFFFE70] =	vst v2;
	v2 =	vmov s16  }
0x2c3: {  	v5 =	vmul.f32 v5, v0;
	[tilespmem:s5+$0xFFFFFE00] =	vst v3;
	v2 =	vand.u32 $0xFFFFFFF9, v2  }
0x2c4: {  	v1 =	vmul.f32 v1, v0;
	[tilespmem:s5+$0xFFFFFE20] =	vst v4;
	v2 =	vbroadcast v2, $0x0  }
0x2c5: {  	v3 =	vmul.f32 v7, v0;
	[tilespmem:s5+$0xFFFFFE30] =	vst v5  }
0x2c6: {  	v4 =	vmul.f32 v6, v0;
	[tilespmem:s5+$0xFFFFFE50] =	vst v1  }
0x2c7: {  	v0 =	vmul.f32 v8, v0;
	[tilespmem:s5+$0xFFFFFE10] =	vst v3  }
0x2c8: {  	[tilespmem:s5+$0xFFFFFE60] =	vst v4  }
0x2c9: {  	[tilespmem:s5+$0xFFFFFE40] =	vst v0  }
0x2ca: {  	v0 =	vld.idx.msk [tilespmem:v2+s20+$0x0], $0xffff  }
0x2cb: {  	v2 =	vld [tilespmem:s5+$0xFFFFFE90]  }
0x2cc: {  	v3 =	vld [tilespmem:s5+$0xFFFFFEC0]  }
0x2cd: {  	v4 =	vld [tilespmem:s5+$0xFFFFFE80]  }
0x2ce: {  	v5 =	vld [tilespmem:s5+$0xFFFFFED0]  }
0x2cf: {  	v1 =	vld [tilespmem:s5+$0xFFFFFEF0]  }
0x2d0: {  	v6 =	vld [tilespmem:s5+$0xFFFFFEE0];
	v2 =	vmul.f32 v2, v0  }
0x2d1: {  	s17 =	simm.s32 $0x2;
	v7 =	vld [tilespmem:s5+$0xFFFFFEB0];
	v3 =	vmul.f32 v3, v0  }
0x2d2: {  	v8 =	vld [tilespmem:s5+$0xFFFFFEA0];
	v4 =	vmul.f32 v4, v0;
	[tilespmem:s5+$0xFFFFFE90] =	vst v2;
	v2 =	vmov s17  }
0x2d3: {  	v5 =	vmul.f32 v5, v0;
	[tilespmem:s5+$0xFFFFFEC0] =	vst v3;
	v2 =	vand.u32 $0xFFFFFFFA, v2  }
0x2d4: {  	v1 =	vmul.f32 v1, v0;
	[tilespmem:s5+$0xFFFFFE80] =	vst v4;
	v2 =	vbroadcast v2, $0x0  }
0x2d5: {  	v3 =	vmul.f32 v6, v0;
	[tilespmem:s5+$0xFFFFFED0] =	vst v5  }
0x2d6: {  	v4 =	vmul.f32 v7, v0;
	[tilespmem:s5+$0xFFFFFEF0] =	vst v1  }
0x2d7: {  	v0 =	vmul.f32 v8, v0;
	[tilespmem:s5+$0xFFFFFEE0] =	vst v3  }
0x2d8: {  	[tilespmem:s5+$0xFFFFFEB0] =	vst v4  }
0x2d9: {  	v1 =	vld [tilespmem:s5+$0xFFFFFF00];
	[tilespmem:s5+$0xFFFFFEA0] =	vst v0  }
0x2da: {  	v0 =	vld.idx.msk [tilespmem:v2+s20+$0x0], $0xffff  }
0x2db: {  	v2 =	vld [tilespmem:s5+$0xFFFFFF60]  }
0x2dc: {  	v3 =	vld [tilespmem:s5+$0xFFFFFF10]  }
0x2dd: {  	v4 =	vld [tilespmem:s5+$0xFFFFFF50]  }
0x2de: {  	v5 =	vld [tilespmem:s5+$0xFFFFFF70]  }
0x2df: {  	v6 =	vld [tilespmem:s5+$0xFFFFFF20];
	v1 =	vmul.f32 v1, v0  }
0x2e0: {  	s22 =	simm.s32 $0x3;
	v7 =	vld [tilespmem:s5+$0xFFFFFF30];
	v2 =	vmul.f32 v2, v0  }
0x2e1: {  	v8 =	vld [tilespmem:s5+$0xFFFFFF40];
	v3 =	vmul.f32 v3, v0;
	[tilespmem:s5+$0xFFFFFF00] =	vst v1;
	v1 =	vmov s22  }
0x2e2: {  	v4 =	vmul.f32 v4, v0;
	[tilespmem:s5+$0xFFFFFF60] =	vst v2;
	v1 =	vand.u32 $0xFFFFFFFB, v1  }
0x2e3: {  	v2 =	vmul.f32 v5, v0;
	[tilespmem:s5+$0xFFFFFF10] =	vst v3;
	v1 =	vbroadcast v1, $0x0  }
0x2e4: {  	v3 =	vmul.f32 v6, v0;
	[tilespmem:s5+$0xFFFFFF50] =	vst v4  }
0x2e5: {  	v4 =	vmul.f32 v7, v0;
	[tilespmem:s5+$0xFFFFFF70] =	vst v2  }
0x2e6: {  	v0 =	vmul.f32 v8, v0;
	[tilespmem:s5+$0xFFFFFF20] =	vst v3  }
0x2e7: {  	[tilespmem:s5+$0xFFFFFF30] =	vst v4  }
0x2e8: {  	[tilespmem:s5+$0xFFFFFF40] =	vst v0  }
0x2e9: {  	v0 =	vld.idx.msk [tilespmem:v1+s20+$0x0], $0xffff  }
0x2ea: {  	v1 =	vld [tilespmem:s5+$0xFFFFFFB0]  }
0x2eb: {  	v3 =	vld [tilespmem:s5+$0xFFFFFFE0]  }
0x2ec: {  	v4 =	vld [tilespmem:s5+$0xFFFFFF80]  }
0x2ed: {  	v5 =	vld [tilespmem:s5+$0xFFFFFFD0]  }
0x2ee: {  	v2 =	vld [tilespmem:s5+$0xFFFFFFF0]  }
0x2ef: {  	v7 =	vld [tilespmem:s5+$0xFFFFFFA0];
	v1 =	vmul.f32 v1, v0  }
0x2f0: {  	s23 =	simm.s32 $0x4;
	v6 =	vld [tilespmem:s5+$0xFFFFFF90];
	v3 =	vmul.f32 v3, v0  }
0x2f1: {  	v8 =	vld [tilespmem:s5+$0xFFFFFFC0];
	v4 =	vmul.f32 v4, v0;
	[tilespmem:s5+$0xFFFFFFB0] =	vst v1;
	v1 =	vmov s23  }
0x2f2: {  	v5 =	vmul.f32 v5, v0;
	[tilespmem:s5+$0xFFFFFFE0] =	vst v3;
	v1 =	vand.u32 $0xFFFFFFFC, v1  }
0x2f3: {  	v2 =	vmul.f32 v2, v0;
	[tilespmem:s5+$0xFFFFFF80] =	vst v4;
	v1 =	vbroadcast v1, $0x0  }
0x2f4: {  	v9 =	vld [tilespmem:s5+$0x40];
	v3 =	vmul.f32 v7, v0;
	[tilespmem:s5+$0xFFFFFFD0] =	vst v5  }
0x2f5: {  	v4 =	vmul.f32 v6, v0;
	[tilespmem:s5+$0xFFFFFFF0] =	vst v2;
	v7 =	vld [tilespmem:s5+$0x0]  }
0x2f6: {  	v2 =	vmul.f32 v8, v0;
	v0 =	vld [tilespmem:s5+$0x70];
	[tilespmem:s5+$0xFFFFFFA0] =	vst v3  }
0x2f7: {  	v6 =	vld [tilespmem:s5+$0x20];
	[tilespmem:s5+$0xFFFFFF90] =	vst v4  }
0x2f8: {  	v5 =	vld [tilespmem:s5+$0x30];
	[tilespmem:s5+$0xFFFFFFC0] =	vst v2  }
0x2f9: {  	v1 =	vld.idx.msk [tilespmem:v1+s20+$0x0], $0xffff  }
0x2fa: {  	v2 =	vld [tilespmem:s5+$0x50]  }
0x2fb: {  	v3 =	vld [tilespmem:s5+$0x10]  }
0x2fc: {  	v4 =	vld [tilespmem:s5+$0x60];
	_ =	sdelay $0x1  }
0x2fd: {  	s13 =	simm.s32 $0x6C80;
	s15 =	simm.s32 $0x7;
	s17 =	simm.s32 $0xF;
	v8 =	vmul.f32 v7, v1;
	v7 =	vmul.f32 v9, v1  }
.LBB2_7:
0x2fe: {  	p4 =	sne.s32 s17, $0x4F;
	v6 =	vmul.f32 v6, v1;
	v5 =	vmul.f32 v5, v1;
	s14 =	sadd.s32 $0xFFFFFFFE, s15;
	s5 =	sadd.s32 $0x400, s5  }
0x2ff: {  	v2 =	vmul.f32 v2, v1;
	[tilespmem:s13+$0x0] =	vst v8;
	v3 =	vmul.f32 v3, v1;
	v8 =	vmov s14;
	s14 =	smov.u32 s17;
	s17 =	sadd.s32 $0x8, s17  }
0x300: {  	v0 =	vmul.f32 v0, v1;
	[tilespmem:s13+$0x40] =	vst v7;
	v4 =	vmul.f32 v4, v1;
	v1 =	vand.u32 $0xFFFFFFFD, v8  }
0x301: {  	[tilespmem:s13+$0x20] =	vst v6;
	v1 =	vbroadcast v1, $0x0  }
0x302: {  	[tilespmem:s13+$0x50] =	vst v2  }
0x303: {  	[tilespmem:s13+$0x70] =	vst v0;
	v0 =	vld [tilespmem:s13+$0xA0]  }
0x304: {  	[tilespmem:s13+$0x30] =	vst v5;
	v2 =	vld [tilespmem:s13+$0x80]  }
0x305: {  	[tilespmem:s13+$0x60] =	vst v4;
	v4 =	vld [tilespmem:s13+$0xD0]  }
0x306: {  	[tilespmem:s13+$0x10] =	vst v3;
	v3 =	vld [tilespmem:s13+$0xF0]  }
0x307: {  	v1 =	vld.idx.msk [tilespmem:v1+s20+$0x0], $0xffff  }
0x308: {  	v5 =	vld [tilespmem:s13+$0xC0]  }
0x309: {  	v6 =	vld [tilespmem:s13+$0xB0]  }
0x30a: {  	v7 =	vld [tilespmem:s13+$0x90]  }
0x30b: {  	v8 =	vld [tilespmem:s13+$0xE0];
	_ =	sdelay $0x1  }
0x30c: {  	v2 =	vmul.f32 v2, v1;
	v5 =	vmul.f32 v5, v1  }
0x30d: {  	s16 =	sadd.s32 $0xFFFFFFFF, s15;
	v0 =	vmul.f32 v0, v1;
	v6 =	vmul.f32 v6, v1  }
0x30e: {  	v4 =	vmul.f32 v4, v1;
	[tilespmem:s13+$0x80] =	vst v2;
	v2 =	vmul.f32 v7, v1;
	v7 =	vmov s16  }
0x30f: {  	[tilespmem:s13+$0xA0] =	vst v0;
	v0 =	vmul.f32 v8, v1;
	v1 =	vmul.f32 v3, v1;
	v3 =	vand.u32 $0xFFFFFFFE, v7  }
0x310: {  	[tilespmem:s13+$0xD0] =	vst v4;
	v3 =	vbroadcast v3, $0x0  }
0x311: {  	[tilespmem:s13+$0xC0] =	vst v5  }
0x312: {  	[tilespmem:s13+$0xF0] =	vst v1;
	v1 =	vld [tilespmem:s13+$0x120]  }
0x313: {  	[tilespmem:s13+$0xB0] =	vst v6;
	v4 =	vld [tilespmem:s13+$0x100]  }
0x314: {  	[tilespmem:s13+$0x90] =	vst v2;
	v2 =	vld [tilespmem:s13+$0x140]  }
0x315: {  	[tilespmem:s13+$0xE0] =	vst v0;
	v0 =	vld [tilespmem:s13+$0x130]  }
0x316: {  	v3 =	vld.idx.msk [tilespmem:v3+s20+$0x0], $0xffff  }
0x317: {  	v5 =	vld [tilespmem:s13+$0x110]  }
0x318: {  	v6 =	vld [tilespmem:s13+$0x160]  }
0x319: {  	v7 =	vld [tilespmem:s13+$0x150]  }
0x31a: {  	v8 =	vld [tilespmem:s13+$0x170];
	_ =	sdelay $0x1  }
0x31b: {  	v4 =	vmul.f32 v4, v3;
	v5 =	vmul.f32 v5, v3  }
0x31c: {  	v1 =	vmul.f32 v1, v3;
	v0 =	vmul.f32 v0, v3  }
0x31d: {  	v2 =	vmul.f32 v2, v3;
	[tilespmem:s13+$0x100] =	vst v4;
	v4 =	vmul.f32 v7, v3  }
0x31e: {  	[tilespmem:s13+$0x120] =	vst v1;
	v1 =	vmul.f32 v6, v3;
	v3 =	vmul.f32 v8, v3  }
0x31f: {  	[tilespmem:s13+$0x130] =	vst v0  }
0x320: {  	v0 =	vmov s15;
	s15 =	smov.u32 s14;
	[tilespmem:s13+$0x140] =	vst v2  }
0x321: {  	[tilespmem:s13+$0x160] =	vst v1;
	v1 =	vld [tilespmem:s13+$0x180]  }
0x322: {  	[tilespmem:s13+$0x110] =	vst v5;
	v2 =	vld [tilespmem:s13+$0x1A0]  }
0x323: {  	[tilespmem:s13+$0x150] =	vst v4;
	v4 =	vld [tilespmem:s13+$0x1F0]  }
0x324: {  	[tilespmem:s13+$0x170] =	vst v3;
	v3 =	vld [tilespmem:s13+$0x1D0]  }
0x325: {  	v0 =	vld.idx.msk [tilespmem:v0+s20+$0x0], $0xffff  }
0x326: {  	v5 =	vld [tilespmem:s13+$0x190]  }
0x327: {  	v6 =	vld [tilespmem:s13+$0x1B0]  }
0x328: {  	v7 =	vld [tilespmem:s13+$0x1C0]  }
0x329: {  	v8 =	vld [tilespmem:s13+$0x1E0];
	_ =	sdelay $0x1  }
0x32a: {  	v1 =	vmul.f32 v1, v0;
	v5 =	vmul.f32 v5, v0  }
0x32b: {  	s14 =	sadd.s32 $0xFFFFFFF9, s15;
	v2 =	vmul.f32 v2, v0;
	v6 =	vmul.f32 v6, v0  }
0x32c: {  	v9 =	vmov s14;
	v3 =	vmul.f32 v3, v0;
	[tilespmem:s13+$0x180] =	vst v1;
	v1 =	vmul.f32 v7, v0  }
0x32d: {  	v7 =	vand.u32 $0xFFFFFFF8, v9;
	[tilespmem:s13+$0x190] =	vst v5;
	v5 =	vmul.f32 v8, v0;
	v0 =	vmul.f32 v4, v0  }
0x32e: {  	v4 =	vbroadcast v7, $0x0;
	[tilespmem:s13+$0x1A0] =	vst v2  }
0x32f: {  	[tilespmem:s13+$0x1F0] =	vst v0  }
0x330: {  	v0 =	vld [tilespmem:s5+$0xFFFFFE50];
	[tilespmem:s13+$0x1D0] =	vst v3  }
0x331: {  	v2 =	vld [tilespmem:s5+$0xFFFFFE30];
	[tilespmem:s13+$0x1B0] =	vst v6  }
0x332: {  	v3 =	vld [tilespmem:s5+$0xFFFFFE60];
	[tilespmem:s13+$0x1E0] =	vst v5  }
0x333: {  	v5 =	vld [tilespmem:s5+$0xFFFFFE70];
	[tilespmem:s13+$0x1C0] =	vst v1;
	s13 =	smov.u32 s5  }
0x334: {  	v1 =	vld.idx.msk [tilespmem:v4+s20+$0x0], $0xffff  }
0x335: {  	v4 =	vld [tilespmem:s5+$0xFFFFFE00]  }
0x336: {  	v6 =	vld [tilespmem:s5+$0xFFFFFE20]  }
0x337: {  	v7 =	vld [tilespmem:s5+$0xFFFFFE10]  }
0x338: {  	v8 =	vld [tilespmem:s5+$0xFFFFFE40];
	_ =	sdelay $0x1  }
0x339: {  	v5 =	vmul.f32 v5, v1;
	v4 =	vmul.f32 v4, v1  }
0x33a: {  	s14 =	sadd.s32 $0xFFFFFFFA, s15;
	v3 =	vmul.f32 v3, v1;
	v6 =	vmul.f32 v6, v1  }
0x33b: {  	v2 =	vmul.f32 v2, v1;
	v7 =	vmul.f32 v7, v1;
	[tilespmem:s5+$0xFFFFFE70] =	vst v5;
	v5 =	vmov s14  }
0x33c: {  	v0 =	vmul.f32 v0, v1;
	[tilespmem:s5+$0xFFFFFE00] =	vst v4;
	v4 =	vmul.f32 v8, v1;
	v1 =	vand.u32 $0xFFFFFFF9, v5  }
0x33d: {  	[tilespmem:s5+$0xFFFFFE20] =	vst v6;
	v1 =	vbroadcast v1, $0x0  }
0x33e: {  	[tilespmem:s5+$0xFFFFFE30] =	vst v2  }
0x33f: {  	[tilespmem:s5+$0xFFFFFE50] =	vst v0;
	v0 =	vld [tilespmem:s5+$0xFFFFFEF0]  }
0x340: {  	[tilespmem:s5+$0xFFFFFE10] =	vst v7;
	v2 =	vld [tilespmem:s5+$0xFFFFFED0]  }
0x341: {  	[tilespmem:s5+$0xFFFFFE60] =	vst v3;
	v3 =	vld [tilespmem:s5+$0xFFFFFEB0]  }
0x342: {  	[tilespmem:s5+$0xFFFFFE40] =	vst v4;
	v4 =	vld [tilespmem:s5+$0xFFFFFEC0]  }
0x343: {  	v1 =	vld.idx.msk [tilespmem:v1+s20+$0x0], $0xffff  }
0x344: {  	v5 =	vld [tilespmem:s5+$0xFFFFFE90]  }
0x345: {  	v6 =	vld [tilespmem:s5+$0xFFFFFE80]  }
0x346: {  	v7 =	vld [tilespmem:s5+$0xFFFFFEA0]  }
0x347: {  	v8 =	vld [tilespmem:s5+$0xFFFFFEE0];
	_ =	sdelay $0x1  }
0x348: {  	v4 =	vmul.f32 v4, v1;
	v5 =	vmul.f32 v5, v1  }
0x349: {  	s14 =	sadd.s32 $0xFFFFFFFB, s15;
	v3 =	vmul.f32 v3, v1;
	v6 =	vmul.f32 v6, v1  }
0x34a: {  	v2 =	vmul.f32 v2, v1;
	[tilespmem:s5+$0xFFFFFE90] =	vst v5;
	v5 =	vmul.f32 v7, v1;
	v7 =	vmov s14  }
0x34b: {  	v0 =	vmul.f32 v0, v1;
	[tilespmem:s5+$0xFFFFFEC0] =	vst v4;
	v4 =	vmul.f32 v8, v1;
	v1 =	vand.u32 $0xFFFFFFFA, v7  }
0x34c: {  	[tilespmem:s5+$0xFFFFFE80] =	vst v6;
	v1 =	vbroadcast v1, $0x0  }
0x34d: {  	[tilespmem:s5+$0xFFFFFED0] =	vst v2  }
0x34e: {  	[tilespmem:s5+$0xFFFFFEE0] =	vst v4;
	v2 =	vld [tilespmem:s5+$0xFFFFFF70]  }
0x34f: {  	[tilespmem:s5+$0xFFFFFEB0] =	vst v3;
	v3 =	vld [tilespmem:s5+$0xFFFFFF50]  }
0x350: {  	[tilespmem:s5+$0xFFFFFEF0] =	vst v0;
	v0 =	vld [tilespmem:s5+$0xFFFFFF20]  }
0x351: {  	[tilespmem:s5+$0xFFFFFEA0] =	vst v5;
	v4 =	vld [tilespmem:s5+$0xFFFFFF60]  }
0x352: {  	v1 =	vld.idx.msk [tilespmem:v1+s20+$0x0], $0xffff  }
0x353: {  	v5 =	vld [tilespmem:s5+$0xFFFFFF00]  }
0x354: {  	v6 =	vld [tilespmem:s5+$0xFFFFFF10]  }
0x355: {  	v7 =	vld [tilespmem:s5+$0xFFFFFF40]  }
0x356: {  	v8 =	vld [tilespmem:s5+$0xFFFFFF30];
	_ =	sdelay $0x1  }
0x357: {  	v4 =	vmul.f32 v4, v1;
	v5 =	vmul.f32 v5, v1  }
0x358: {  	s14 =	sadd.s32 $0xFFFFFFFC, s15;
	v0 =	vmul.f32 v0, v1;
	v6 =	vmul.f32 v6, v1  }
0x359: {  	v3 =	vmul.f32 v3, v1;
	[tilespmem:s5+$0xFFFFFF00] =	vst v5;
	v5 =	vmul.f32 v7, v1;
	v7 =	vmov s14  }
0x35a: {  	v8 =	vmul.f32 v8, v1;
	[tilespmem:s5+$0xFFFFFF60] =	vst v4;
	v1 =	vmul.f32 v2, v1;
	v2 =	vand.u32 $0xFFFFFFFB, v7  }
0x35b: {  	[tilespmem:s5+$0xFFFFFF10] =	vst v6;
	v2 =	vbroadcast v2, $0x0  }
0x35c: {  	[tilespmem:s5+$0xFFFFFF50] =	vst v3  }
0x35d: {  	[tilespmem:s5+$0xFFFFFF70] =	vst v1;
	v1 =	vld [tilespmem:s5+$0xFFFFFFF0]  }
0x35e: {  	[tilespmem:s5+$0xFFFFFF20] =	vst v0;
	v0 =	vld [tilespmem:s5+$0xFFFFFFD0]  }
0x35f: {  	[tilespmem:s5+$0xFFFFFF30] =	vst v8;
	v3 =	vld [tilespmem:s5+$0xFFFFFF90]  }
0x360: {  	[tilespmem:s5+$0xFFFFFF40] =	vst v5;
	v4 =	vld [tilespmem:s5+$0xFFFFFFE0]  }
0x361: {  	v2 =	vld.idx.msk [tilespmem:v2+s20+$0x0], $0xffff  }
0x362: {  	v5 =	vld [tilespmem:s5+$0xFFFFFFB0]  }
0x363: {  	v6 =	vld [tilespmem:s5+$0xFFFFFF80]  }
0x364: {  	v7 =	vld [tilespmem:s5+$0xFFFFFFC0]  }
0x365: {  	v8 =	vld [tilespmem:s5+$0xFFFFFFA0];
	_ =	sdelay $0x1  }
0x366: {  	v4 =	vmul.f32 v4, v2;
	v5 =	vmul.f32 v5, v2  }
0x367: {  	s14 =	sadd.s32 $0xFFFFFFFD, s15;
	v3 =	vmul.f32 v3, v2;
	v6 =	vmul.f32 v6, v2  }
0x368: {  	v0 =	vmul.f32 v0, v2;
	[tilespmem:s5+$0xFFFFFFB0] =	vst v5;
	v5 =	vmul.f32 v7, v2;
	v7 =	vmov s14  }
0x369: {  	v1 =	vmul.f32 v1, v2;
	v8 =	vmul.f32 v8, v2;
	[tilespmem:s5+$0xFFFFFFE0] =	vst v4;
	v2 =	vand.u32 $0xFFFFFFFC, v7  }
0x36a: {  	[tilespmem:s5+$0xFFFFFF80] =	vst v6;
	v4 =	vbroadcast v2, $0x0  }
0x36b: {  	[tilespmem:s5+$0xFFFFFFD0] =	vst v0  }
0x36c: {  	[tilespmem:s5+$0xFFFFFFF0] =	vst v1;
	v7 =	vld [tilespmem:s5+$0x0]  }
0x36d: {  	[tilespmem:s5+$0xFFFFFFA0] =	vst v8;
	v0 =	vld [tilespmem:s5+$0x70]  }
0x36e: {  	[tilespmem:s5+$0xFFFFFF90] =	vst v3;
	v2 =	vld [tilespmem:s5+$0x50]  }
0x36f: {  	[tilespmem:s5+$0xFFFFFFC0] =	vst v5;
	v6 =	vld [tilespmem:s5+$0x20]  }
0x370: {  	v1 =	vld.idx.msk [tilespmem:v4+s20+$0x0], $0xffff  }
0x371: {  	v9 =	vld [tilespmem:s5+$0x40]  }
.Ltmp2:
0x372: {  	v5 =	vld [tilespmem:s5+$0x30];
	(pc) =	sbr.rel @p4 .LBB2_7-.Ltmp2, $3  }
0x373: {  	v3 =	vld [tilespmem:s5+$0x10]  }
0x374: {  	v4 =	vld [tilespmem:s5+$0x60];
	_ =	sdelay $0x1  }
0x375: {  	v8 =	vmul.f32 v7, v1;
	v7 =	vmul.f32 v9, v1  }
0x376: {  	s5 =	sadd.s32 $0xFFFFFFFE, s15  }
0x377: {  	v6 =	vmul.f32 v6, v1;
	[tilespmem:s13+$0x0] =	vst v8;
	v19 =	vmov s5  }
0x378: {  	v2 =	vmul.f32 v2, v1;
	[tilespmem:s13+$0x40] =	vst v7;
	v20 =	vand.u32 $0xFFFFFFFD, v19  }
0x379: {  	v0 =	vmul.f32 v0, v1;
	[tilespmem:s13+$0x20] =	vst v6;
	v21 =	vbroadcast v20, $0x0  }
0x37a: {  	v5 =	vmul.f32 v5, v1;
	[tilespmem:s13+$0x50] =	vst v2  }
0x37b: {  	v23 =	vmul.f32 v3, v1;
	[tilespmem:s13+$0x70] =	vst v0  }
0x37c: {  	v22 =	vmul.f32 v4, v1;
	[tilespmem:s13+$0x30] =	vst v5  }
0x37d: {  	[tilespmem:s13+$0x10] =	vst v23  }
0x37e: {  	v24 =	vld [tilespmem:s13+$0x80];
	[tilespmem:s13+$0x60] =	vst v22  }
0x37f: {  	v0 =	vld.idx.msk [tilespmem:v21+s20+$0x0], $0xffff  }
0x380: {  	v25 =	vld [tilespmem:s13+$0xA0]  }
0x381: {  	v26 =	vld [tilespmem:s13+$0xD0]  }
0x382: {  	v27 =	vld [tilespmem:s13+$0xC0]  }
0x383: {  	v28 =	vld [tilespmem:s13+$0xF0]  }
0x384: {  	v29 =	vld [tilespmem:s13+$0xB0];
	v1 =	vmul.f32 v24, v0  }
0x385: {  	v30 =	vld [tilespmem:s13+$0x90];
	s23 =	sadd.s32 $0xFFFFFFFF, s15;
	v2 =	vmul.f32 v25, v0  }
0x386: {  	v31 =	vld [tilespmem:s13+$0xE0];
	v33 =	vmov s23;
	v32 =	vmul.f32 v26, v0;
	[tilespmem:s13+$0x80] =	vst v1  }
0x387: {  	v34 =	vand.u32 $0xFFFFFFFE, v33;
	v4 =	vmul.f32 v27, v0;
	[tilespmem:s13+$0xA0] =	vst v2  }
0x388: {  	v36 =	vbroadcast v34, $0x0;
	v35 =	vmul.f32 v28, v0;
	[tilespmem:s13+$0xD0] =	vst v32  }
0x389: {  	v37 =	vmul.f32 v29, v0;
	[tilespmem:s13+$0xC0] =	vst v4  }
0x38a: {  	v38 =	vmul.f32 v30, v0;
	[tilespmem:s13+$0xF0] =	vst v35  }
0x38b: {  	v0 =	vmul.f32 v31, v0;
	[tilespmem:s13+$0xB0] =	vst v37  }
0x38c: {  	[tilespmem:s13+$0x90] =	vst v38  }
0x38d: {  	v39 =	vld [tilespmem:s13+$0x100];
	[tilespmem:s13+$0xE0] =	vst v0  }
0x38e: {  	v0 =	vld.idx.msk [tilespmem:v36+s20+$0x0], $0xffff  }
0x38f: {  	v40 =	vld [tilespmem:s13+$0x120]  }
0x390: {  	v41 =	vld [tilespmem:s13+$0x130]  }
0x391: {  	v42 =	vld [tilespmem:s13+$0x140]  }
0x392: {  	v43 =	vld [tilespmem:s13+$0x160]  }
0x393: {  	v44 =	vld [tilespmem:s13+$0x110];
	v2 =	vmul.f32 v39, v0  }
0x394: {  	v45 =	vld [tilespmem:s13+$0x150];
	v1 =	vmul.f32 v40, v0  }
0x395: {  	v46 =	vld [tilespmem:s13+$0x170];
	v3 =	vmul.f32 v41, v0;
	[tilespmem:s13+$0x100] =	vst v2  }
0x396: {  	v47 =	vmul.f32 v42, v0;
	[tilespmem:s13+$0x120] =	vst v1  }
0x397: {  	v48 =	vmul.f32 v43, v0;
	[tilespmem:s13+$0x130] =	vst v3  }
0x398: {  	v50 =	vmov s15;
	v49 =	vmul.f32 v44, v0;
	[tilespmem:s13+$0x140] =	vst v47  }
0x399: {  	v51 =	vmul.f32 v45, v0;
	[tilespmem:s13+$0x160] =	vst v48  }
0x39a: {  	v0 =	vmul.f32 v46, v0;
	[tilespmem:s13+$0x110] =	vst v49  }
0x39b: {  	[tilespmem:s13+$0x150] =	vst v51  }
0x39c: {  	v52 =	vld [tilespmem:s13+$0x180];
	[tilespmem:s13+$0x170] =	vst v0  }
0x39d: {  	v0 =	vld.idx.msk [tilespmem:v50+s20+$0x0], $0xffff  }
0x39e: {  	v54 =	vld [tilespmem:s13+$0x190]  }
0x39f: {  	v53 =	vld [tilespmem:s13+$0x1A0]  }
0x3a0: {  	v55 =	vld [tilespmem:s13+$0x1F0]  }
0x3a1: {  	v56 =	vld [tilespmem:s13+$0x1D0]  }
0x3a2: {  	v57 =	vld [tilespmem:s13+$0x1B0];
	v1 =	vmul.f32 v52, v0  }
0x3a3: {  	v58 =	vld [tilespmem:s13+$0x1E0];
	v2 =	vmul.f32 v54, v0  }
0x3a4: {  	v59 =	vld [tilespmem:s13+$0x1C0];
	v3 =	vmul.f32 v53, v0;
	[tilespmem:s13+$0x180] =	vst v1  }
0x3a5: {  	v60 =	vmul.f32 v55, v0;
	[tilespmem:s13+$0x190] =	vst v2  }
0x3a6: {  	v61 =	vmul.f32 v56, v0;
	[tilespmem:s13+$0x1A0] =	vst v3  }
0x3a7: {  	v62 =	vmul.f32 v57, v0;
	[tilespmem:s13+$0x1F0] =	vst v60  }
0x3a8: {  	s18 =	sadd.s32 $0x1, s18;
	v63 =	vmul.f32 v58, v0;
	[tilespmem:s13+$0x1D0] =	vst v61  }
0x3a9: {  	p4 =	sne.s32 s18, $0x3E;
	v0 =	vmul.f32 v59, v0;
	[tilespmem:s13+$0x1B0] =	vst v62  }
.Ltmp3:
0x3aa: {  	[tilespmem:s13+$0x1E0] =	vst v63;
	(pc) =	sbr.rel @p4 .LBB2_4-.Ltmp3, $4  }
0x3ab: {  	[tilespmem:s13+$0x1C0] =	vst v0  }
0x3ac: {  	[spmem:s3] =	stream.indirect.scatter.add.f32 [tilespmem:s25], [sflag:$0x5], $0x80, s19, s24, $0xb8;
	[tilespmem:$0x1F578] =	vst v63  }
0x3ad: {  	_ = 	snop  }
0x3ae: {  	[spmem:s4] =	stream.indirect.scatter.add.f32 [tilespmem:s20], [sflag:$0x7], $0x1, s19, s24, $0xb8;
	[tilespmem:$0x1F578] =	vst v63  }
0x3af: {  	_ =	swait.ge [sflag:s9], $0x2800  }
0x3b0: {  	[sflag:s9] =	ssyncset.done $0x0  }
0x3b1: {  	s5 =	simm.s32 $0x7;
	[sflag:s9] =	ssyncadd.s32 $0xFFFFD800  }
0x3b2: {  	_ =	swait.ge [sflag:s5], $0x50  }
0x3b3: {  	[sflag:s5] =	ssyncset.done $0x0  }
0x3b4: {  	[sflag:s5] =	ssyncadd.s32 $0xFFFFFFB0  }
0x3b5: {  	_ =	swait.ge [sflag:s0], $0x50  }
0x3b6: {  	[sflag:s0] =	ssyncset.done $0x0  }
0x3b7: {  	[sflag:s0] =	ssyncadd.s32 $0xFFFFFFB0  }
0x3b8: {  	_ =	swait.ge [sflag:s0], $0x50  }
0x3b9: {  	[sflag:s0] =	ssyncset.done $0x0  }
0x3ba: {  	[sflag:s0] =	ssyncadd.s32 $0xFFFFFFB0  }
0x3bb: {  	_ =	swait.ge [sflag:s8], $0x2800  }
0x3bc: {  	[sflag:s8] =	ssyncset.done $0x0  }
0x3bd: {  	[sflag:s8] =	ssyncadd.s32 $0xFFFFD800  }
0x3be: {  	[bflag:$0x0] =	sbarrier.arrive $0xFFFF  }
0x3bf: {  	s19 =	rddreg [dreg:$0xe]  }
0x3c0: {  	s14 =	rddreg [dreg:$0x12]  }
0x3c1: {  	s17 =	simm.s32 $0x9;
	s13 =	rddreg [dreg:$0x13]  }
0x3c2: {  	[hbm:s19], [sflag:s14] =	dma.local [spmem:s13], $0x2700  }
0x3c3: {  	_ =	swait.ge [sflag:s17], $0x2700  }
0x3c4: {  	[sflag:s17] =	ssyncset.done $0x0;
	s16 =	rddreg [dreg:$0xc]  }
0x3c5: {  	s13 =	rddreg [dreg:$0xf];
	[sflag:s17] =	ssyncadd.s32 $0xFFFFD900;
	s5 =	sshrl.u32 @!p6 s16, $0x3  }
0x3c6: {  	[hbm:s13], [sflag:s14] =	dma.local @!p6 [spmem:s5], $0x100  }
0x3c7: {  	s5 =	simm.s32 @!p6 $0x9  }
0x3c8: {  	_ =	swait.ge @!p6 [sflag:s5], $0x100  }
0x3c9: {  	[sflag:s5] =	ssyncset.done @!p6 $0x0  }
0x3ca: {  	s13 =	rddreg [dreg:$0x6];
	[sflag:s5] =	ssyncadd.s32 @!p6 $0xFFFFFF00;
	s5 =	sshrl.u32 @!p5 s4, $0x3  }
0x3cb: {  	[hbm:s13], [sflag:s14] =	dma.local @!p5 [spmem:s5], $0x4F0  }
0x3cc: {  	s5 =	simm.s32 @!p5 $0x9  }
0x3cd: {  	_ =	swait.ge @!p5 [sflag:s5], $0x4F0  }
0x3ce: {  	[sflag:s5] =	ssyncset.done @!p5 $0x0  }
0x3cf: {  	s13 =	rddreg [dreg:$0x7];
	[sflag:s5] =	ssyncadd.s32 @!p5 $0xFFFFFB10;
	s5 =	sshrl.u32 @p0 s4, $0x3  }
0x3d0: {  	[hbm:s13], [sflag:s14] =	dma.local @p0 [spmem:s5], $0x4F0  }
0x3d1: {  	s5 =	simm.s32 @p0 $0x9  }
0x3d2: {  	_ =	swait.ge @p0 [sflag:s5], $0x4F0  }
0x3d3: {  	s22 =	rddreg [dreg:$0x11]  }
0x3d4: {  	s23 =	rddreg [dreg:$0x10];
	s14 =	sadd.s32 $0x1, s22  }
0x3d5: {  	p4 =	sne.s32 s14, s23  }
.Ltmp4:
0x3d6: {  	_ = 	snop;
	(pc) =	sbr.rel @p4 .LBB2_1-.Ltmp4, $3  }
0x3d7: {  	_ =	sdelay $0x1  }
0x3d8: {  	[sflag:s5] =	ssyncset.done @p0 $0x0  }
0x3d9: {  	s19 =	simm.s32 $0x2780;
	[sflag:s5] =	ssyncadd.s32 @p0 $0xFFFFFB10  }
0x3da: {  	_ =	sfence.sel $0x180000  }
0x3db: {  	[bflag:$0x0] =	sbarrier.arrive $0xFFFF  }
0x3dc: {  	_ =	strace $0x90000047  }
0x3dd: {  	s0 =	stileid.u32;
	[bflag:$0x2] =	sbarrier.arrive $0xFFFF  }
0x3de: {  	p0 =	sne.s32 s0, $0x0;
	s0 =	rddreg [dreg:$0x4]  }
0x3df: {  	s0 =	sadd.s32 @!p0 $0x100000, s0  }
0x3e0: {  	[sflag:s0] =	ssyncadd.tile.s32 @!p0 $0x1;
	_ =	shalt  }
.Lfunc_end2:
_tile_overlayer_lowered:
.L_overlay_start_2:
0x3e1: {  	(tag) =	ssettag $0x2  }
0x3e2: {  	s0 =	rddreg [dreg:$0x0];
	s2 =	stileid.u32  }
0x3e3: {  	s1 =	rddreg [dreg:$0x1];
	p0 =	sne.s32 s2, $0x0  }
0x3e4: {  	s3 =	rddreg [dreg:$0x2];
	[bflag:$0x3] =	sbarrier.arrive $0xFFFF;
	s2 =	simm.s32 @!p0 $0x1C09  }
0x3e5: {  	[timem:s3], [sflag:s2] =	dma.local @!p0 [hbm:s0], s1  }
0x3e6: {  	s0 =	simm.s32 @!p0 $0x9  }
0x3e7: {  	_ =	swait.ge @!p0 [sflag:s0], s1  }
0x3e8: {  	s1 =	ssub.s32 @!p0 $0x0, s1;
	[sflag:s0] =	ssyncset.done @!p0 $0x0  }
0x3e9: {  	[sflag:s0] =	ssyncadd.s32 @!p0 s1  }
0x3ea: {  	[bflag:$0x3] =	sbarrier.arrive $0xFFFF  }
0x3eb: {  	_ =	shalt  }

</sc_bundles>
